<compile_context>
chip_gen: v7x
topology: tpu7x:2x2x1
jax: 0.10.2.dev20260603
libtpu: 0.0.44.dev20260713+nightly
codegen_flags: <defaults>
</compile_context>

<pallas_src>
import functools

import jax
import jax.numpy as jnp
from jax import lax
from jax.experimental import pallas as pl
from jax.experimental.pallas import tpu as pltpu
from jax.experimental.pallas import tpu_sc as plsc

N = 100000
E = 1600000
F_IN = 38
H1, H2, H3 = 64, 32, 16
G = 64

NP = 100352
EP = 1605632
ER = EP // 128
BLK = 1024
NBLK = NP // BLK



def _make_segsum(*, wh, edge_split, n_pad, er, rb, zr, dtype=jnp.float32):
    n_workers = 32 if edge_split else 16
    rows_w = er // n_workers
    iters = rows_w // rb
    n_chunks = er // rb
    assert iters % 2 == 0 and rows_w % rb == 0
    sub_rows = n_pad // 16
    zfull = sub_rows // zr
    zrem = sub_rows % zr
    mesh = plsc.VectorSubcoreMesh(core_axis_name="c", subcore_axis_name="s")

    @functools.partial(
        pl.kernel,
        out_type=(jax.ShapeDtypeStruct((n_pad, wh), dtype),
                  jax.ShapeDtypeStruct((n_pad, wh), dtype)),
        mesh=mesh,
        scratch_types=[
            pltpu.VMEM((2, 2, rb * 128), jnp.int32),
            pltpu.VMEM((2, rb * 128, wh), dtype),
            pltpu.VMEM((zr, wh), dtype),
            pltpu.VMEM_SHARED((n_pad, wh), dtype),
            pltpu.SemaphoreType.DMA,
            pltpu.SemaphoreType.DMA,
            pltpu.SemaphoreType.DMA,
        ],
        compiler_params=pltpu.CompilerParams(use_tc_tiling_on_sc=False),
    )
    def segsum(ta, tb, packed, z, out_a, out_b,
               idx_v, rows_v, zbuf, acc, isem, gsem, ssem):
        cid = lax.axis_index("c")
        sid = lax.axis_index("s")

        pltpu.sync_copy(z, zbuf)
        for k in range(zfull):
            pltpu.sync_copy(zbuf,
                            acc.at[pl.ds(sid * sub_rows + k * zr, zr)])
        if zrem:
            pltpu.sync_copy(zbuf.at[pl.ds(0, zrem)],
                            acc.at[pl.ds(sid * sub_rows + zfull * zr, zrem)])
        plsc.subcore_barrier()

        if edge_split:
            cbase = (cid * 16 + sid) * iters
        else:
            cbase = sid * iters

        def run(table):
            def drain_idx(p):
                pltpu.make_async_copy(packed.at[0], idx_v.at[p], isem).wait()

            def drain_rows(sem, p):
                pltpu.make_async_copy(z, rows_v.at[p], sem).wait()

            def fire_idx(p, it):
                pltpu.async_copy(packed.at[cbase + it], idx_v.at[p], isem)

            def half(i2, p):
                it = i2 * 2 + p
                drain_idx(p)
                pltpu.async_copy(table.at[idx_v.at[p, 0]],
                                 rows_v.at[p], gsem)
                drain_rows(gsem, p)

                @pl.when(it >= 1)
                def _():
                    drain_rows(ssem, 1 - p)

                @pl.when(it + 1 < iters)
                def _():
                    fire_idx(1 - p, it + 1)
                pltpu.async_copy(rows_v.at[p], acc.at[idx_v.at[p, 1]],
                                 ssem, add=True)

            def body(i2, carry):
                half(i2, 0)
                half(i2, 1)
                return carry

            fire_idx(0, 0)
            lax.fori_loop(0, iters // 2, body, 0)
            drain_rows(ssem, 1)

        @pl.when(cid == 0)
        def _():
            run(ta)

        @pl.when(cid == 1)
        def _():
            run(tb)

        plsc.subcore_barrier()

        @pl.when(cid == 0)
        def _():
            pltpu.sync_copy(acc.at[pl.ds(sid * sub_rows, sub_rows)],
                            out_a.at[pl.ds(sid * sub_rows, sub_rows)])

        @pl.when(cid == 1)
        def _():
            pltpu.sync_copy(acc.at[pl.ds(sid * sub_rows, sub_rows)],
                            out_b.at[pl.ds(sid * sub_rows, sub_rows)])

    return segsum



def _dotT(a, b):
    return lax.dot_general(a, b, (((0,), (0,)), ((), ())),
                           preferred_element_type=jnp.float32)


def _dot(a, b):
    return jnp.dot(a, b, preferred_element_type=jnp.float32)


def _pack_body(ei_ref, out_ref):
    gid = pl.program_id(0)
    ei = ei_ref[...]
    i0 = lax.broadcasted_iota(jnp.int32, (32, 512), 0)
    i1 = lax.broadcasted_iota(jnp.int32, (32, 512), 1)
    flat = gid * 16384 + i0 * 512 + i1
    valid = flat < E
    padv = N + lax.rem(flat, 256)
    src = jnp.where(valid, ei[0].reshape(32, 512), padv)
    dst = jnp.where(valid, ei[1].reshape(32, 512), padv)
    out_ref[...] = jnp.concatenate([src[:, None], dst[:, None]], axis=1)


def _tc1_body(agg1a, agg1b, agg8a, agg8b, x,
              w1rel, w1root, b1, w2rel, h1_ref, p2_ref):
    wr = w1rel[...]
    agg1 = (agg1a[...].astype(jnp.float32)
            + agg1b[...].astype(jnp.float32))
    a = (_dot(agg1, wr[:32]) + _dot(agg8a[...] + agg8b[...], wr[32:])
         + _dot(x[...], w1root[...]) + b1[...])
    h1 = jnp.tanh(a)
    h1_ref[...] = h1
    p2_ref[...] = _dot(h1, w2rel[...]).astype(jnp.bfloat16)


def _tc2_body(agg2a, agg2b, h1, w2root, b2, w3rel, h2_ref, p3_ref):
    a = agg2a[...].astype(jnp.float32) + agg2b[...].astype(jnp.float32)
    h2 = jnp.tanh(a + _dot(h1[...], w2root[...]) + b2[...])
    h2_ref[...] = h2
    p3_ref[...] = _dot(h2, w3rel[...])


def _tc3_body(agg_a, agg_b, h2, w3root, b3, batch, out_ref, sums, cnts):
    i = pl.program_id(0)

    @pl.when(i == 0)
    def _():
        sums[...] = jnp.zeros_like(sums)
        cnts[...] = jnp.zeros_like(cnts)

    h3 = agg_a[...] + agg_b[...] + _dot(h2[...], w3root[...]) + b3[...]
    h3 = jnp.where(batch[...] < G, h3, 0.0)
    oh = (batch[...] == lax.broadcasted_iota(jnp.int32, (BLK, G), 1))
    oh = oh.astype(jnp.float32)
    sums[...] += _dotT(oh, h3)
    cnts[...] += _dotT(oh, jnp.ones((BLK, H3), jnp.float32))

    @pl.when(i == NBLK - 1)
    def _():
        out_ref[...] = jnp.tanh(sums[...] / jnp.maximum(cnts[...], 1.0))


def _row_spec(w):
    return pl.BlockSpec((BLK, w), lambda i: (i, 0))


def _full_spec(r, c):
    return pl.BlockSpec((r, c), lambda i: (0, 0))



def kernel(x, edge_index, batch, W1_rel, b1, W1_root,
           W2_rel, b2, W2_root, W3_rel, b3, W3_root):
    f32 = jnp.float32

    packed = pl.pallas_call(
        _pack_body,
        grid=(NBLK,),
        in_specs=[pl.BlockSpec((2, 16384), lambda i: (0, i))],
        out_specs=pl.BlockSpec((32, 2, 512), lambda i: (i, 0, 0)),
        out_shape=jax.ShapeDtypeStruct((ER // 4, 2, 512), jnp.int32),
    )(edge_index)

    bf16 = jnp.bfloat16
    xbf = jnp.zeros((NP, 32), bf16).at[:N].set(x[:, :32].astype(bf16))
    x8 = jnp.zeros((NP, 8), f32).at[:N, :6].set(x[:, 32:])
    w1rel = jnp.zeros((40, H1), f32).at[:F_IN].set(W1_rel)
    z16 = jnp.zeros((512, 16), f32)
    z8 = jnp.zeros((512, 8), f32)
    zb32 = jnp.zeros((512, 32), bf16)
    batchp = jnp.concatenate(
        [batch, jnp.full((NP - N,), G, jnp.int32)]).reshape(NP, 1)

    seg32b = _make_segsum(wh=32, edge_split=True, n_pad=NP, er=ER, rb=4,
                          zr=512, dtype=bf16)
    seg8e = _make_segsum(wh=8, edge_split=True, n_pad=NP, er=ER, rb=4,
                         zr=512)
    seg16e = _make_segsum(wh=16, edge_split=True, n_pad=NP, er=ER, rb=4,
                          zr=512)

    agg1a, agg1b = seg32b(xbf, xbf, packed, zb32)
    agg8a, agg8b = seg8e(x8, x8, packed, z8)

    h1, p2 = pl.pallas_call(
        _tc1_body,
        grid=(NBLK,),
        in_specs=[_row_spec(32), _row_spec(32), _row_spec(8), _row_spec(8),
                  pl.BlockSpec((BLK, F_IN), lambda i: (i, 0)),
                  _full_spec(40, H1), _full_spec(F_IN, H1), _full_spec(1, H1),
                  _full_spec(H1, H2)],
        out_specs=[_row_spec(H1), _row_spec(H2)],
        out_shape=[jax.ShapeDtypeStruct((NP, H1), f32),
                   jax.ShapeDtypeStruct((NP, H2), jnp.bfloat16)],
    )(agg1a, agg1b, agg8a, agg8b, x, w1rel, W1_root,
      b1.reshape(1, H1), W2_rel)

    agg2a, agg2b = seg32b(p2, p2, packed, zb32)

    h2, p3 = pl.pallas_call(
        _tc2_body,
        grid=(NBLK,),
        in_specs=[_row_spec(H2), _row_spec(H2), _row_spec(H1),
                  _full_spec(H1, H2), _full_spec(1, H2), _full_spec(H2, H3)],
        out_specs=[_row_spec(H2), _row_spec(H3)],
        out_shape=[jax.ShapeDtypeStruct((NP, H2), f32),
                   jax.ShapeDtypeStruct((NP, H3), f32)],
    )(agg2a, agg2b, h1, W2_root, b2.reshape(1, H2), W3_rel)

    agg3_a, agg3_b = seg16e(p3, p3, packed, z16)

    out = pl.pallas_call(
        _tc3_body,
        grid=(NBLK,),
        in_specs=[_row_spec(H3), _row_spec(H3), _row_spec(H2),
                  _full_spec(H2, H3), _full_spec(1, H3),
                  pl.BlockSpec((BLK, 1), lambda i: (i, 0))],
        out_specs=pl.BlockSpec((G, H3), lambda i: (0, 0)),
        out_shape=jax.ShapeDtypeStruct((G, H3), f32),
        scratch_shapes=[pltpu.VMEM((G, H3), f32), pltpu.VMEM((G, H3), f32)],
    )(agg3_a, agg3_b, h2, W3_root, b3.reshape(1, H3), batchp)

    return out

# --- scband reference (transcript-rebuilt; emitter-appended) ---
"""Pipeline reference for scband-gnn-18665927868956 (READ-ONLY COPY).

The authoritative reference and input builder live on the scoring server;
editing this copy changes nothing except your own understanding.
"""

import jax, jax.numpy as jnp
import numpy as np

N = 100000
E = 1600000
F_IN = 38
H1, H2, H3 = 64, 32, 16
G = 64


def setup_inputs(seed: int = 0) -> dict:
    key = jax.random.key(seed)
    ks = jax.random.split(key, 12)
    x = jax.random.normal(ks[0], (N, F_IN), dtype=jnp.float32)
    edge_index = jax.random.randint(ks[1], (2, E), 0, N, dtype=jnp.int32)
    batch = jnp.sort(jax.random.randint(ks[2], (N,), 0, G, dtype=jnp.int32))
    def winit(k, fan_in, fan_out):
        s = 1.0 / jnp.sqrt(jnp.float32(fan_in))
        return jax.random.uniform(k, (fan_in, fan_out), dtype=jnp.float32, minval=-s, maxval=s)
    W1_rel = winit(ks[3], F_IN, H1)
    b1 = jnp.zeros((H1,), dtype=jnp.float32)
    W1_root = winit(ks[4], F_IN, H1)
    W2_rel = winit(ks[5], H1, H2)
    b2 = jnp.zeros((H2,), dtype=jnp.float32)
    W2_root = winit(ks[6], H1, H2)
    W3_rel = winit(ks[7], H2, H3)
    b3 = jnp.zeros((H3,), dtype=jnp.float32)
    W3_root = winit(ks[8], H2, H3)
    return {"x": x, "edge_index": edge_index, "batch": batch,
            "W1_rel": W1_rel, "b1": b1, "W1_root": W1_root,
            "W2_rel": W2_rel, "b2": b2, "W2_root": W2_root,
            "W3_rel": W3_rel, "b3": b3, "W3_root": W3_root}


def _graph_conv(x, edge_index, W_rel, b, W_root):
    # PyG GraphConv (aggr='add'): out = lin_rel(sum_{j in N(i)} x_j) + lin_root(x_i)
    src = edge_index[0]
    dst = edge_index[1]
    msgs = jnp.take(x, src, axis=0)
    agg = jax.ops.segment_sum(msgs, dst, num_segments=x.shape[0])
    return agg @ W_rel + b + x @ W_root


def reference(x, edge_index, batch, W1_rel, b1, W1_root, W2_rel, b2, W2_root, W3_rel, b3, W3_root):
    h = jnp.tanh(_graph_conv(x, edge_index, W1_rel, b1, W1_root))
    h = jnp.tanh(_graph_conv(h, edge_index, W2_rel, b2, W2_root))
    h = _graph_conv(h, edge_index, W3_rel, b3, W3_root)
    # global_mean_pool over batch ids
    sums = jax.ops.segment_sum(h, batch, num_segments=G)
    cnts = jax.ops.segment_sum(jnp.ones((h.shape[0], 1), dtype=h.dtype), batch, num_segments=G)
    pooled = sums / jnp.maximum(cnts, 1.0)
    return jnp.tanh(pooled)

if __name__ == "__main__":
    import jax
    _d = setup_inputs()
    print(jax.jit(kernel)(*tuple(_d.values())))

</pallas_src>

<mosaic_0001>
#map = affine_map<(d0, d1) -> (0, 0)>
#map1 = affine_map<(d0, d1) -> (0, 0, 0)>
module attributes {stable_mosaic.version = 14 : i64} {
  func.func @segsum(%arg0: i32, %arg1: i32, %arg2: memref<100352x32xbf16, #tpu.memory_space<hbm>>, %arg3: memref<100352x32xbf16, #tpu.memory_space<hbm>>, %arg4: memref<3136x2x512xi32, #tpu.memory_space<hbm>>, %arg5: memref<512x32xbf16, #tpu.memory_space<hbm>>, %arg6: memref<100352x32xbf16, #tpu.memory_space<hbm>>, %arg7: memref<100352x32xbf16, #tpu.memory_space<hbm>>, %arg8: memref<2x2x512xi32, #tpu.memory_space<vmem>>, %arg9: memref<2x512x32xbf16, #tpu.memory_space<vmem>>, %arg10: memref<512x32xbf16, #tpu.memory_space<vmem>>, %arg11: memref<100352x32xbf16, #tpu.memory_space<vmem_shared>>, %arg12: memref<!tpu.dma_semaphore, #tpu.memory_space<semaphore_mem>>, %arg13: memref<!tpu.dma_semaphore, #tpu.memory_space<semaphore_mem>>, %arg14: memref<!tpu.dma_semaphore, #tpu.memory_space<semaphore_mem>>) attributes {dimension_semantics = [#tpu.dimension_semantics<core_parallel>, #tpu.dimension_semantics<subcore_parallel>], iteration_bounds = array<i64: 2, 16>, scalar_prefetch = 0 : i64, scratch_operands = 7 : i64, tpu.core_type = #tpu.core_type<sc_vector_subcore>, window_params = [{transform_indices = #map}, {transform_indices = #map}, {transform_indices = #map1}, {transform_indices = #map}, {transform_indices = #map}, {transform_indices = #map}]} {
    "tpu.region"() ({
      %run_scoped3A = tpu.sem_alloc : memref<!tpu.dma_semaphore, #tpu.memory_space<semaphore_mem>>
      tpu.enqueue_dma source(%arg5 : memref<512x32xbf16, #tpu.memory_space<hbm>>) target(%arg10 : memref<512x32xbf16, #tpu.memory_space<vmem>>) target_semaphore(%run_scoped3A : memref<!tpu.dma_semaphore, #tpu.memory_space<semaphore_mem>>)
      tpu.wait_dma2 semaphore(%run_scoped3A : memref<!tpu.dma_semaphore, #tpu.memory_space<semaphore_mem>>) src(%arg5 : memref<512x32xbf16, #tpu.memory_space<hbm>>) dst(%arg10 : memref<512x32xbf16, #tpu.memory_space<vmem>>)
      tpu.yield
    }) : () -> ()
    %mul3A = arith.constant 6272 : i32
    %mul3A_0 = arith.muli %arg1, %mul3A : i32
    %add3A = arith.constant 0 : i32
    %add3A_1 = arith.addi %mul3A_0, %add3A : i32
    "tpu.region"() ({
      %run_scoped3A = tpu.sem_alloc : memref<!tpu.dma_semaphore, #tpu.memory_space<semaphore_mem>>
      %dma_start3A = arith.constant 0 : i32
      %dma_start3A_73 = tpu.memref_slice %arg11[%add3A_1, %dma_start3A] : memref<100352x32xbf16, #tpu.memory_space<vmem_shared>> -> memref<512x32xbf16, #tpu.memory_space<vmem_shared>>
      %dma_start3A_74 = arith.constant 0 : i32
      %dma_start3A_75 = tpu.memref_slice %arg11[%add3A_1, %dma_start3A_74] : memref<100352x32xbf16, #tpu.memory_space<vmem_shared>> -> memref<512x32xbf16, #tpu.memory_space<vmem_shared>>
      tpu.enqueue_dma source(%arg10 : memref<512x32xbf16, #tpu.memory_space<vmem>>) target(%dma_start3A_75 : memref<512x32xbf16, #tpu.memory_space<vmem_shared>>) target_semaphore(%run_scoped3A : memref<!tpu.dma_semaphore, #tpu.memory_space<semaphore_mem>>)
      %dma_wait3A = arith.constant 0 : i32
      %dma_wait3A_76 = tpu.memref_slice %arg11[%add3A_1, %dma_wait3A] : memref<100352x32xbf16, #tpu.memory_space<vmem_shared>> -> memref<512x32xbf16, #tpu.memory_space<vmem_shared>>
      %dma_wait3A_77 = arith.constant 0 : i32
      %dma_wait3A_78 = tpu.memref_slice %arg11[%add3A_1, %dma_wait3A_77] : memref<100352x32xbf16, #tpu.memory_space<vmem_shared>> -> memref<512x32xbf16, #tpu.memory_space<vmem_shared>>
      tpu.wait_dma2 semaphore(%run_scoped3A : memref<!tpu.dma_semaphore, #tpu.memory_space<semaphore_mem>>) src(%arg10 : memref<512x32xbf16, #tpu.memory_space<vmem>>) dst(%dma_wait3A_78 : memref<512x32xbf16, #tpu.memory_space<vmem_shared>>)
      tpu.yield
    }) : () -> ()
    %mul3A_2 = arith.constant 6272 : i32
    %mul3A_3 = arith.muli %arg1, %mul3A_2 : i32
    %add3A_4 = arith.constant 512 : i32
    %add3A_5 = arith.addi %mul3A_3, %add3A_4 : i32
    "tpu.region"() ({
      %run_scoped3A = tpu.sem_alloc : memref<!tpu.dma_semaphore, #tpu.memory_space<semaphore_mem>>
      %dma_start3A = arith.constant 0 : i32
      %dma_start3A_73 = tpu.memref_slice %arg11[%add3A_5, %dma_start3A] : memref<100352x32xbf16, #tpu.memory_space<vmem_shared>> -> memref<512x32xbf16, #tpu.memory_space<vmem_shared>>
      %dma_start3A_74 = arith.constant 0 : i32
      %dma_start3A_75 = tpu.memref_slice %arg11[%add3A_5, %dma_start3A_74] : memref<100352x32xbf16, #tpu.memory_space<vmem_shared>> -> memref<512x32xbf16, #tpu.memory_space<vmem_shared>>
      tpu.enqueue_dma source(%arg10 : memref<512x32xbf16, #tpu.memory_space<vmem>>) target(%dma_start3A_75 : memref<512x32xbf16, #tpu.memory_space<vmem_shared>>) target_semaphore(%run_scoped3A : memref<!tpu.dma_semaphore, #tpu.memory_space<semaphore_mem>>)
      %dma_wait3A = arith.constant 0 : i32
      %dma_wait3A_76 = tpu.memref_slice %arg11[%add3A_5, %dma_wait3A] : memref<100352x32xbf16, #tpu.memory_space<vmem_shared>> -> memref<512x32xbf16, #tpu.memory_space<vmem_shared>>
      %dma_wait3A_77 = arith.constant 0 : i32
      %dma_wait3A_78 = tpu.memref_slice %arg11[%add3A_5, %dma_wait3A_77] : memref<100352x32xbf16, #tpu.memory_space<vmem_shared>> -> memref<512x32xbf16, #tpu.memory_space<vmem_shared>>
      tpu.wait_dma2 semaphore(%run_scoped3A : memref<!tpu.dma_semaphore, #tpu.memory_space<semaphore_mem>>) src(%arg10 : memref<512x32xbf16, #tpu.memory_space<vmem>>) dst(%dma_wait3A_78 : memref<512x32xbf16, #tpu.memory_space<vmem_shared>>)
      tpu.yield
    }) : () -> ()
    %mul3A_6 = arith.constant 6272 : i32
    %mul3A_7 = arith.muli %arg1, %mul3A_6 : i32
    %add3A_8 = arith.constant 1024 : i32
    %add3A_9 = arith.addi %mul3A_7, %add3A_8 : i32
    "tpu.region"() ({
      %run_scoped3A = tpu.sem_alloc : memref<!tpu.dma_semaphore, #tpu.memory_space<semaphore_mem>>
      %dma_start3A = arith.constant 0 : i32
      %dma_start3A_73 = tpu.memref_slice %arg11[%add3A_9, %dma_start3A] : memref<100352x32xbf16, #tpu.memory_space<vmem_shared>> -> memref<512x32xbf16, #tpu.memory_space<vmem_shared>>
      %dma_start3A_74 = arith.constant 0 : i32
      %dma_start3A_75 = tpu.memref_slice %arg11[%add3A_9, %dma_start3A_74] : memref<100352x32xbf16, #tpu.memory_space<vmem_shared>> -> memref<512x32xbf16, #tpu.memory_space<vmem_shared>>
      tpu.enqueue_dma source(%arg10 : memref<512x32xbf16, #tpu.memory_space<vmem>>) target(%dma_start3A_75 : memref<512x32xbf16, #tpu.memory_space<vmem_shared>>) target_semaphore(%run_scoped3A : memref<!tpu.dma_semaphore, #tpu.memory_space<semaphore_mem>>)
      %dma_wait3A = arith.constant 0 : i32
      %dma_wait3A_76 = tpu.memref_slice %arg11[%add3A_9, %dma_wait3A] : memref<100352x32xbf16, #tpu.memory_space<vmem_shared>> -> memref<512x32xbf16, #tpu.memory_space<vmem_shared>>
      %dma_wait3A_77 = arith.constant 0 : i32
      %dma_wait3A_78 = tpu.memref_slice %arg11[%add3A_9, %dma_wait3A_77] : memref<100352x32xbf16, #tpu.memory_space<vmem_shared>> -> memref<512x32xbf16, #tpu.memory_space<vmem_shared>>
      tpu.wait_dma2 semaphore(%run_scoped3A : memref<!tpu.dma_semaphore, #tpu.memory_space<semaphore_mem>>) src(%arg10 : memref<512x32xbf16, #tpu.memory_space<vmem>>) dst(%dma_wait3A_78 : memref<512x32xbf16, #tpu.memory_space<vmem_shared>>)
      tpu.yield
    }) : () -> ()
    %mul3A_10 = arith.constant 6272 : i32
    %mul3A_11 = arith.muli %arg1, %mul3A_10 : i32
    %add3A_12 = arith.constant 1536 : i32
    %add3A_13 = arith.addi %mul3A_11, %add3A_12 : i32
    "tpu.region"() ({
      %run_scoped3A = tpu.sem_alloc : memref<!tpu.dma_semaphore, #tpu.memory_space<semaphore_mem>>
      %dma_start3A = arith.constant 0 : i32
      %dma_start3A_73 = tpu.memref_slice %arg11[%add3A_13, %dma_start3A] : memref<100352x32xbf16, #tpu.memory_space<vmem_shared>> -> memref<512x32xbf16, #tpu.memory_space<vmem_shared>>
      %dma_start3A_74 = arith.constant 0 : i32
      %dma_start3A_75 = tpu.memref_slice %arg11[%add3A_13, %dma_start3A_74] : memref<100352x32xbf16, #tpu.memory_space<vmem_shared>> -> memref<512x32xbf16, #tpu.memory_space<vmem_shared>>
      tpu.enqueue_dma source(%arg10 : memref<512x32xbf16, #tpu.memory_space<vmem>>) target(%dma_start3A_75 : memref<512x32xbf16, #tpu.memory_space<vmem_shared>>) target_semaphore(%run_scoped3A : memref<!tpu.dma_semaphore, #tpu.memory_space<semaphore_mem>>)
      %dma_wait3A = arith.constant 0 : i32
      %dma_wait3A_76 = tpu.memref_slice %arg11[%add3A_13, %dma_wait3A] : memref<100352x32xbf16, #tpu.memory_space<vmem_shared>> -> memref<512x32xbf16, #tpu.memory_space<vmem_shared>>
      %dma_wait3A_77 = arith.constant 0 : i32
      %dma_wait3A_78 = tpu.memref_slice %arg11[%add3A_13, %dma_wait3A_77] : memref<100352x32xbf16, #tpu.memory_space<vmem_shared>> -> memref<512x32xbf16, #tpu.memory_space<vmem_shared>>
      tpu.wait_dma2 semaphore(%run_scoped3A : memref<!tpu.dma_semaphore, #tpu.memory_space<semaphore_mem>>) src(%arg10 : memref<512x32xbf16, #tpu.memory_space<vmem>>) dst(%dma_wait3A_78 : memref<512x32xbf16, #tpu.memory_space<vmem_shared>>)
      tpu.yield
    }) : () -> ()
    %mul3A_14 = arith.constant 6272 : i32
    %mul3A_15 = arith.muli %arg1, %mul3A_14 : i32
    %add3A_16 = arith.constant 2048 : i32
    %add3A_17 = arith.addi %mul3A_15, %add3A_16 : i32
    "tpu.region"() ({
      %run_scoped3A = tpu.sem_alloc : memref<!tpu.dma_semaphore, #tpu.memory_space<semaphore_mem>>
      %dma_start3A = arith.constant 0 : i32
      %dma_start3A_73 = tpu.memref_slice %arg11[%add3A_17, %dma_start3A] : memref<100352x32xbf16, #tpu.memory_space<vmem_shared>> -> memref<512x32xbf16, #tpu.memory_space<vmem_shared>>
      %dma_start3A_74 = arith.constant 0 : i32
      %dma_start3A_75 = tpu.memref_slice %arg11[%add3A_17, %dma_start3A_74] : memref<100352x32xbf16, #tpu.memory_space<vmem_shared>> -> memref<512x32xbf16, #tpu.memory_space<vmem_shared>>
      tpu.enqueue_dma source(%arg10 : memref<512x32xbf16, #tpu.memory_space<vmem>>) target(%dma_start3A_75 : memref<512x32xbf16, #tpu.memory_space<vmem_shared>>) target_semaphore(%run_scoped3A : memref<!tpu.dma_semaphore, #tpu.memory_space<semaphore_mem>>)
      %dma_wait3A = arith.constant 0 : i32
      %dma_wait3A_76 = tpu.memref_slice %arg11[%add3A_17, %dma_wait3A] : memref<100352x32xbf16, #tpu.memory_space<vmem_shared>> -> memref<512x32xbf16, #tpu.memory_space<vmem_shared>>
      %dma_wait3A_77 = arith.constant 0 : i32
      %dma_wait3A_78 = tpu.memref_slice %arg11[%add3A_17, %dma_wait3A_77] : memref<100352x32xbf16, #tpu.memory_space<vmem_shared>> -> memref<512x32xbf16, #tpu.memory_space<vmem_shared>>
      tpu.wait_dma2 semaphore(%run_scoped3A : memref<!tpu.dma_semaphore, #tpu.memory_space<semaphore_mem>>) src(%arg10 : memref<512x32xbf16, #tpu.memory_space<vmem>>) dst(%dma_wait3A_78 : memref<512x32xbf16, #tpu.memory_space<vmem_shared>>)
      tpu.yield
    }) : () -> ()
    %mul3A_18 = arith.constant 6272 : i32
    %mul3A_19 = arith.muli %arg1, %mul3A_18 : i32
    %add3A_20 = arith.constant 2560 : i32
    %add3A_21 = arith.addi %mul3A_19, %add3A_20 : i32
    "tpu.region"() ({
      %run_scoped3A = tpu.sem_alloc : memref<!tpu.dma_semaphore, #tpu.memory_space<semaphore_mem>>
      %dma_start3A = arith.constant 0 : i32
      %dma_start3A_73 = tpu.memref_slice %arg11[%add3A_21, %dma_start3A] : memref<100352x32xbf16, #tpu.memory_space<vmem_shared>> -> memref<512x32xbf16, #tpu.memory_space<vmem_shared>>
      %dma_start3A_74 = arith.constant 0 : i32
      %dma_start3A_75 = tpu.memref_slice %arg11[%add3A_21, %dma_start3A_74] : memref<100352x32xbf16, #tpu.memory_space<vmem_shared>> -> memref<512x32xbf16, #tpu.memory_space<vmem_shared>>
      tpu.enqueue_dma source(%arg10 : memref<512x32xbf16, #tpu.memory_space<vmem>>) target(%dma_start3A_75 : memref<512x32xbf16, #tpu.memory_space<vmem_shared>>) target_semaphore(%run_scoped3A : memref<!tpu.dma_semaphore, #tpu.memory_space<semaphore_mem>>)
      %dma_wait3A = arith.constant 0 : i32
      %dma_wait3A_76 = tpu.memref_slice %arg11[%add3A_21, %dma_wait3A] : memref<100352x32xbf16, #tpu.memory_space<vmem_shared>> -> memref<512x32xbf16, #tpu.memory_space<vmem_shared>>
      %dma_wait3A_77 = arith.constant 0 : i32
      %dma_wait3A_78 = tpu.memref_slice %arg11[%add3A_21, %dma_wait3A_77] : memref<100352x32xbf16, #tpu.memory_space<vmem_shared>> -> memref<512x32xbf16, #tpu.memory_space<vmem_shared>>
      tpu.wait_dma2 semaphore(%run_scoped3A : memref<!tpu.dma_semaphore, #tpu.memory_space<semaphore_mem>>) src(%arg10 : memref<512x32xbf16, #tpu.memory_space<vmem>>) dst(%dma_wait3A_78 : memref<512x32xbf16, #tpu.memory_space<vmem_shared>>)
      tpu.yield
    }) : () -> ()
    %mul3A_22 = arith.constant 6272 : i32
    %mul3A_23 = arith.muli %arg1, %mul3A_22 : i32
    %add3A_24 = arith.constant 3072 : i32
    %add3A_25 = arith.addi %mul3A_23, %add3A_24 : i32
    "tpu.region"() ({
      %run_scoped3A = tpu.sem_alloc : memref<!tpu.dma_semaphore, #tpu.memory_space<semaphore_mem>>
      %dma_start3A = arith.constant 0 : i32
      %dma_start3A_73 = tpu.memref_slice %arg11[%add3A_25, %dma_start3A] : memref<100352x32xbf16, #tpu.memory_space<vmem_shared>> -> memref<512x32xbf16, #tpu.memory_space<vmem_shared>>
      %dma_start3A_74 = arith.constant 0 : i32
      %dma_start3A_75 = tpu.memref_slice %arg11[%add3A_25, %dma_start3A_74] : memref<100352x32xbf16, #tpu.memory_space<vmem_shared>> -> memref<512x32xbf16, #tpu.memory_space<vmem_shared>>
      tpu.enqueue_dma source(%arg10 : memref<512x32xbf16, #tpu.memory_space<vmem>>) target(%dma_start3A_75 : memref<512x32xbf16, #tpu.memory_space<vmem_shared>>) target_semaphore(%run_scoped3A : memref<!tpu.dma_semaphore, #tpu.memory_space<semaphore_mem>>)
      %dma_wait3A = arith.constant 0 : i32
      %dma_wait3A_76 = tpu.memref_slice %arg11[%add3A_25, %dma_wait3A] : memref<100352x32xbf16, #tpu.memory_space<vmem_shared>> -> memref<512x32xbf16, #tpu.memory_space<vmem_shared>>
      %dma_wait3A_77 = arith.constant 0 : i32
      %dma_wait3A_78 = tpu.memref_slice %arg11[%add3A_25, %dma_wait3A_77] : memref<100352x32xbf16, #tpu.memory_space<vmem_shared>> -> memref<512x32xbf16, #tpu.memory_space<vmem_shared>>
      tpu.wait_dma2 semaphore(%run_scoped3A : memref<!tpu.dma_semaphore, #tpu.memory_space<semaphore_mem>>) src(%arg10 : memref<512x32xbf16, #tpu.memory_space<vmem>>) dst(%dma_wait3A_78 : memref<512x32xbf16, #tpu.memory_space<vmem_shared>>)
      tpu.yield
    }) : () -> ()
    %mul3A_26 = arith.constant 6272 : i32
    %mul3A_27 = arith.muli %arg1, %mul3A_26 : i32
    %add3A_28 = arith.constant 3584 : i32
    %add3A_29 = arith.addi %mul3A_27, %add3A_28 : i32
    "tpu.region"() ({
      %run_scoped3A = tpu.sem_alloc : memref<!tpu.dma_semaphore, #tpu.memory_space<semaphore_mem>>
      %dma_start3A = arith.constant 0 : i32
      %dma_start3A_73 = tpu.memref_slice %arg11[%add3A_29, %dma_start3A] : memref<100352x32xbf16, #tpu.memory_space<vmem_shared>> -> memref<512x32xbf16, #tpu.memory_space<vmem_shared>>
      %dma_start3A_74 = arith.constant 0 : i32
      %dma_start3A_75 = tpu.memref_slice %arg11[%add3A_29, %dma_start3A_74] : memref<100352x32xbf16, #tpu.memory_space<vmem_shared>> -> memref<512x32xbf16, #tpu.memory_space<vmem_shared>>
      tpu.enqueue_dma source(%arg10 : memref<512x32xbf16, #tpu.memory_space<vmem>>) target(%dma_start3A_75 : memref<512x32xbf16, #tpu.memory_space<vmem_shared>>) target_semaphore(%run_scoped3A : memref<!tpu.dma_semaphore, #tpu.memory_space<semaphore_mem>>)
      %dma_wait3A = arith.constant 0 : i32
      %dma_wait3A_76 = tpu.memref_slice %arg11[%add3A_29, %dma_wait3A] : memref<100352x32xbf16, #tpu.memory_space<vmem_shared>> -> memref<512x32xbf16, #tpu.memory_space<vmem_shared>>
      %dma_wait3A_77 = arith.constant 0 : i32
      %dma_wait3A_78 = tpu.memref_slice %arg11[%add3A_29, %dma_wait3A_77] : memref<100352x32xbf16, #tpu.memory_space<vmem_shared>> -> memref<512x32xbf16, #tpu.memory_space<vmem_shared>>
      tpu.wait_dma2 semaphore(%run_scoped3A : memref<!tpu.dma_semaphore, #tpu.memory_space<semaphore_mem>>) src(%arg10 : memref<512x32xbf16, #tpu.memory_space<vmem>>) dst(%dma_wait3A_78 : memref<512x32xbf16, #tpu.memory_space<vmem_shared>>)
      tpu.yield
    }) : () -> ()
    %mul3A_30 = arith.constant 6272 : i32
    %mul3A_31 = arith.muli %arg1, %mul3A_30 : i32
    %add3A_32 = arith.constant 4096 : i32
    %add3A_33 = arith.addi %mul3A_31, %add3A_32 : i32
    "tpu.region"() ({
      %run_scoped3A = tpu.sem_alloc : memref<!tpu.dma_semaphore, #tpu.memory_space<semaphore_mem>>
      %dma_start3A = arith.constant 0 : i32
      %dma_start3A_73 = tpu.memref_slice %arg11[%add3A_33, %dma_start3A] : memref<100352x32xbf16, #tpu.memory_space<vmem_shared>> -> memref<512x32xbf16, #tpu.memory_space<vmem_shared>>
      %dma_start3A_74 = arith.constant 0 : i32
      %dma_start3A_75 = tpu.memref_slice %arg11[%add3A_33, %dma_start3A_74] : memref<100352x32xbf16, #tpu.memory_space<vmem_shared>> -> memref<512x32xbf16, #tpu.memory_space<vmem_shared>>
      tpu.enqueue_dma source(%arg10 : memref<512x32xbf16, #tpu.memory_space<vmem>>) target(%dma_start3A_75 : memref<512x32xbf16, #tpu.memory_space<vmem_shared>>) target_semaphore(%run_scoped3A : memref<!tpu.dma_semaphore, #tpu.memory_space<semaphore_mem>>)
      %dma_wait3A = arith.constant 0 : i32
      %dma_wait3A_76 = tpu.memref_slice %arg11[%add3A_33, %dma_wait3A] : memref<100352x32xbf16, #tpu.memory_space<vmem_shared>> -> memref<512x32xbf16, #tpu.memory_space<vmem_shared>>
      %dma_wait3A_77 = arith.constant 0 : i32
      %dma_wait3A_78 = tpu.memref_slice %arg11[%add3A_33, %dma_wait3A_77] : memref<100352x32xbf16, #tpu.memory_space<vmem_shared>> -> memref<512x32xbf16, #tpu.memory_space<vmem_shared>>
      tpu.wait_dma2 semaphore(%run_scoped3A : memref<!tpu.dma_semaphore, #tpu.memory_space<semaphore_mem>>) src(%arg10 : memref<512x32xbf16, #tpu.memory_space<vmem>>) dst(%dma_wait3A_78 : memref<512x32xbf16, #tpu.memory_space<vmem_shared>>)
      tpu.yield
    }) : () -> ()
    %mul3A_34 = arith.constant 6272 : i32
    %mul3A_35 = arith.muli %arg1, %mul3A_34 : i32
    %add3A_36 = arith.constant 4608 : i32
    %add3A_37 = arith.addi %mul3A_35, %add3A_36 : i32
    "tpu.region"() ({
      %run_scoped3A = tpu.sem_alloc : memref<!tpu.dma_semaphore, #tpu.memory_space<semaphore_mem>>
      %dma_start3A = arith.constant 0 : i32
      %dma_start3A_73 = tpu.memref_slice %arg11[%add3A_37, %dma_start3A] : memref<100352x32xbf16, #tpu.memory_space<vmem_shared>> -> memref<512x32xbf16, #tpu.memory_space<vmem_shared>>
      %dma_start3A_74 = arith.constant 0 : i32
      %dma_start3A_75 = tpu.memref_slice %arg11[%add3A_37, %dma_start3A_74] : memref<100352x32xbf16, #tpu.memory_space<vmem_shared>> -> memref<512x32xbf16, #tpu.memory_space<vmem_shared>>
      tpu.enqueue_dma source(%arg10 : memref<512x32xbf16, #tpu.memory_space<vmem>>) target(%dma_start3A_75 : memref<512x32xbf16, #tpu.memory_space<vmem_shared>>) target_semaphore(%run_scoped3A : memref<!tpu.dma_semaphore, #tpu.memory_space<semaphore_mem>>)
      %dma_wait3A = arith.constant 0 : i32
      %dma_wait3A_76 = tpu.memref_slice %arg11[%add3A_37, %dma_wait3A] : memref<100352x32xbf16, #tpu.memory_space<vmem_shared>> -> memref<512x32xbf16, #tpu.memory_space<vmem_shared>>
      %dma_wait3A_77 = arith.constant 0 : i32
      %dma_wait3A_78 = tpu.memref_slice %arg11[%add3A_37, %dma_wait3A_77] : memref<100352x32xbf16, #tpu.memory_space<vmem_shared>> -> memref<512x32xbf16, #tpu.memory_space<vmem_shared>>
      tpu.wait_dma2 semaphore(%run_scoped3A : memref<!tpu.dma_semaphore, #tpu.memory_space<semaphore_mem>>) src(%arg10 : memref<512x32xbf16, #tpu.memory_space<vmem>>) dst(%dma_wait3A_78 : memref<512x32xbf16, #tpu.memory_space<vmem_shared>>)
      tpu.yield
    }) : () -> ()
    %mul3A_38 = arith.constant 6272 : i32
    %mul3A_39 = arith.muli %arg1, %mul3A_38 : i32
    %add3A_40 = arith.constant 5120 : i32
    %add3A_41 = arith.addi %mul3A_39, %add3A_40 : i32
    "tpu.region"() ({
      %run_scoped3A = tpu.sem_alloc : memref<!tpu.dma_semaphore, #tpu.memory_space<semaphore_mem>>
      %dma_start3A = arith.constant 0 : i32
      %dma_start3A_73 = tpu.memref_slice %arg11[%add3A_41, %dma_start3A] : memref<100352x32xbf16, #tpu.memory_space<vmem_shared>> -> memref<512x32xbf16, #tpu.memory_space<vmem_shared>>
      %dma_start3A_74 = arith.constant 0 : i32
      %dma_start3A_75 = tpu.memref_slice %arg11[%add3A_41, %dma_start3A_74] : memref<100352x32xbf16, #tpu.memory_space<vmem_shared>> -> memref<512x32xbf16, #tpu.memory_space<vmem_shared>>
      tpu.enqueue_dma source(%arg10 : memref<512x32xbf16, #tpu.memory_space<vmem>>) target(%dma_start3A_75 : memref<512x32xbf16, #tpu.memory_space<vmem_shared>>) target_semaphore(%run_scoped3A : memref<!tpu.dma_semaphore, #tpu.memory_space<semaphore_mem>>)
      %dma_wait3A = arith.constant 0 : i32
      %dma_wait3A_76 = tpu.memref_slice %arg11[%add3A_41, %dma_wait3A] : memref<100352x32xbf16, #tpu.memory_space<vmem_shared>> -> memref<512x32xbf16, #tpu.memory_space<vmem_shared>>
      %dma_wait3A_77 = arith.constant 0 : i32
      %dma_wait3A_78 = tpu.memref_slice %arg11[%add3A_41, %dma_wait3A_77] : memref<100352x32xbf16, #tpu.memory_space<vmem_shared>> -> memref<512x32xbf16, #tpu.memory_space<vmem_shared>>
      tpu.wait_dma2 semaphore(%run_scoped3A : memref<!tpu.dma_semaphore, #tpu.memory_space<semaphore_mem>>) src(%arg10 : memref<512x32xbf16, #tpu.memory_space<vmem>>) dst(%dma_wait3A_78 : memref<512x32xbf16, #tpu.memory_space<vmem_shared>>)
      tpu.yield
    }) : () -> ()
    %mul3A_42 = arith.constant 6272 : i32
    %mul3A_43 = arith.muli %arg1, %mul3A_42 : i32
    %add3A_44 = arith.constant 5632 : i32
    %add3A_45 = arith.addi %mul3A_43, %add3A_44 : i32
    "tpu.region"() ({
      %run_scoped3A = tpu.sem_alloc : memref<!tpu.dma_semaphore, #tpu.memory_space<semaphore_mem>>
      %dma_start3A = arith.constant 0 : i32
      %dma_start3A_73 = tpu.memref_slice %arg11[%add3A_45, %dma_start3A] : memref<100352x32xbf16, #tpu.memory_space<vmem_shared>> -> memref<512x32xbf16, #tpu.memory_space<vmem_shared>>
      %dma_start3A_74 = arith.constant 0 : i32
      %dma_start3A_75 = tpu.memref_slice %arg11[%add3A_45, %dma_start3A_74] : memref<100352x32xbf16, #tpu.memory_space<vmem_shared>> -> memref<512x32xbf16, #tpu.memory_space<vmem_shared>>
      tpu.enqueue_dma source(%arg10 : memref<512x32xbf16, #tpu.memory_space<vmem>>) target(%dma_start3A_75 : memref<512x32xbf16, #tpu.memory_space<vmem_shared>>) target_semaphore(%run_scoped3A : memref<!tpu.dma_semaphore, #tpu.memory_space<semaphore_mem>>)
      %dma_wait3A = arith.constant 0 : i32
      %dma_wait3A_76 = tpu.memref_slice %arg11[%add3A_45, %dma_wait3A] : memref<100352x32xbf16, #tpu.memory_space<vmem_shared>> -> memref<512x32xbf16, #tpu.memory_space<vmem_shared>>
      %dma_wait3A_77 = arith.constant 0 : i32
      %dma_wait3A_78 = tpu.memref_slice %arg11[%add3A_45, %dma_wait3A_77] : memref<100352x32xbf16, #tpu.memory_space<vmem_shared>> -> memref<512x32xbf16, #tpu.memory_space<vmem_shared>>
      tpu.wait_dma2 semaphore(%run_scoped3A : memref<!tpu.dma_semaphore, #tpu.memory_space<semaphore_mem>>) src(%arg10 : memref<512x32xbf16, #tpu.memory_space<vmem>>) dst(%dma_wait3A_78 : memref<512x32xbf16, #tpu.memory_space<vmem_shared>>)
      tpu.yield
    }) : () -> ()
    %mul3A_46 = arith.constant 6272 : i32
    %mul3A_47 = arith.muli %arg1, %mul3A_46 : i32
    %add3A_48 = arith.constant 6144 : i32
    %add3A_49 = arith.addi %mul3A_47, %add3A_48 : i32
    "tpu.region"() ({
      %run_scoped3A = tpu.sem_alloc : memref<!tpu.dma_semaphore, #tpu.memory_space<semaphore_mem>>
      %dma_start3A = arith.constant 0 : i32
      %dma_start3A_73 = arith.constant 0 : i32
      %dma_start3A_74 = tpu.memref_slice %arg10[%dma_start3A, %dma_start3A_73] : memref<512x32xbf16, #tpu.memory_space<vmem>> -> memref<128x32xbf16, #tpu.memory_space<vmem>>
      %dma_start3A_75 = arith.constant 0 : i32
      %dma_start3A_76 = tpu.memref_slice %arg11[%add3A_49, %dma_start3A_75] : memref<100352x32xbf16, #tpu.memory_space<vmem_shared>> -> memref<128x32xbf16, #tpu.memory_space<vmem_shared>>
      %dma_start3A_77 = arith.constant 0 : i32
      %dma_start3A_78 = tpu.memref_slice %arg11[%add3A_49, %dma_start3A_77] : memref<100352x32xbf16, #tpu.memory_space<vmem_shared>> -> memref<128x32xbf16, #tpu.memory_space<vmem_shared>>
      %dma_start3A_79 = arith.constant 0 : i32
      %dma_start3A_80 = arith.constant 0 : i32
      %dma_start3A_81 = tpu.memref_slice %arg10[%dma_start3A_79, %dma_start3A_80] : memref<512x32xbf16, #tpu.memory_space<vmem>> -> memref<128x32xbf16, #tpu.memory_space<vmem>>
      tpu.enqueue_dma source(%dma_start3A_81 : memref<128x32xbf16, #tpu.memory_space<vmem>>) target(%dma_start3A_78 : memref<128x32xbf16, #tpu.memory_space<vmem_shared>>) target_semaphore(%run_scoped3A : memref<!tpu.dma_semaphore, #tpu.memory_space<semaphore_mem>>)
      %dma_wait3A = arith.constant 0 : i32
      %dma_wait3A_82 = arith.constant 0 : i32
      %dma_wait3A_83 = tpu.memref_slice %arg10[%dma_wait3A, %dma_wait3A_82] : memref<512x32xbf16, #tpu.memory_space<vmem>> -> memref<128x32xbf16, #tpu.memory_space<vmem>>
      %dma_wait3A_84 = arith.constant 0 : i32
      %dma_wait3A_85 = tpu.memref_slice %arg11[%add3A_49, %dma_wait3A_84] : memref<100352x32xbf16, #tpu.memory_space<vmem_shared>> -> memref<128x32xbf16, #tpu.memory_space<vmem_shared>>
      %dma_wait3A_86 = arith.constant 0 : i32
      %dma_wait3A_87 = tpu.memref_slice %arg11[%add3A_49, %dma_wait3A_86] : memref<100352x32xbf16, #tpu.memory_space<vmem_shared>> -> memref<128x32xbf16, #tpu.memory_space<vmem_shared>>
      %dma_wait3A_88 = arith.constant 0 : i32
      %dma_wait3A_89 = arith.constant 0 : i32
      %dma_wait3A_90 = tpu.memref_slice %arg10[%dma_wait3A_88, %dma_wait3A_89] : memref<512x32xbf16, #tpu.memory_space<vmem>> -> memref<128x32xbf16, #tpu.memory_space<vmem>>
      tpu.wait_dma2 semaphore(%run_scoped3A : memref<!tpu.dma_semaphore, #tpu.memory_space<semaphore_mem>>) src(%dma_wait3A_90 : memref<128x32xbf16, #tpu.memory_space<vmem>>) dst(%dma_wait3A_87 : memref<128x32xbf16, #tpu.memory_space<vmem_shared>>)
      tpu.yield
    }) : () -> ()
    %barrier3A = arith.constant 0 : index
    tpu.barrier barrier_id(%barrier3A)
    %mul3A_50 = arith.constant 16 : i32
    %mul3A_51 = arith.muli %arg0, %mul3A_50 : i32
    %add3A_52 = arith.addi %mul3A_51, %arg1 : i32
    %mul3A_53 = arith.constant 98 : i32
    %mul3A_54 = arith.muli %add3A_52, %mul3A_53 : i32
    %eq3A = arith.constant 0 : i32
    %eq3A_55 = arith.cmpi eq, %arg0, %eq3A : i32
    %convert_element_type3A = arith.extui %eq3A_55 : i1 to i32
    %cond3A = arith.constant 0 : i32
    %cond3A_56 = arith.cmpi ne, %convert_element_type3A, %cond3A : i32
    scf.if %cond3A_56 {
      %add3A_73 = arith.constant 0 : i32
      %add3A_74 = arith.addi %mul3A_54, %add3A_73 : i32
      %dma_start3A = arith.constant 0 : i32
      %dma_start3A_75 = arith.constant 0 : i32
      %dma_start3A_76 = arith.constant 0 : i32
      %dma_start3A_77 = tpu.memref_slice %arg8[%dma_start3A, %dma_start3A_75, %dma_start3A_76] : memref<2x2x512xi32, #tpu.memory_space<vmem>> -> memref<1x2x512xi32, #tpu.memory_space<vmem>>
      %dma_start3A_78 = tpu.memref_squeeze %dma_start3A_77 : memref<1x2x512xi32, #tpu.memory_space<vmem>> -> memref<2x512xi32, #tpu.memory_space<vmem>>
      %dma_start3A_79 = arith.constant 0 : i32
      %dma_start3A_80 = arith.constant 0 : i32
      %dma_start3A_81 = tpu.memref_slice %arg4[%add3A_74, %dma_start3A_79, %dma_start3A_80] : memref<3136x2x512xi32, #tpu.memory_space<hbm>> -> memref<1x2x512xi32, #tpu.memory_space<hbm>>
      %dma_start3A_82 = tpu.memref_squeeze %dma_start3A_81 : memref<1x2x512xi32, #tpu.memory_space<hbm>> -> memref<2x512xi32, #tpu.memory_space<hbm>>
      %dma_start3A_83 = arith.constant 0 : i32
      %dma_start3A_84 = arith.constant 0 : i32
      %dma_start3A_85 = tpu.memref_slice %arg8[%dma_start3A, %dma_start3A_83, %dma_start3A_84] : memref<2x2x512xi32, #tpu.memory_space<vmem>> -> memref<1x2x512xi32, #tpu.memory_space<vmem>>
      %dma_start3A_86 = tpu.memref_squeeze %dma_start3A_85 : memref<1x2x512xi32, #tpu.memory_space<vmem>> -> memref<2x512xi32, #tpu.memory_space<vmem>>
      %dma_start3A_87 = arith.constant 0 : i32
      %dma_start3A_88 = arith.constant 0 : i32
      %dma_start3A_89 = tpu.memref_slice %arg4[%add3A_74, %dma_start3A_87, %dma_start3A_88] : memref<3136x2x512xi32, #tpu.memory_space<hbm>> -> memref<1x2x512xi32, #tpu.memory_space<hbm>>
      %dma_start3A_90 = tpu.memref_squeeze %dma_start3A_89 : memref<1x2x512xi32, #tpu.memory_space<hbm>> -> memref<2x512xi32, #tpu.memory_space<hbm>>
      tpu.enqueue_dma source(%dma_start3A_90 : memref<2x512xi32, #tpu.memory_space<hbm>>) target(%dma_start3A_86 : memref<2x512xi32, #tpu.memory_space<vmem>>) target_semaphore(%arg12 : memref<!tpu.dma_semaphore, #tpu.memory_space<semaphore_mem>>)
      %scan3A = arith.constant 0 : i32
      %scan3A_91 = arith.constant 0 : i32
      %scan3A_92 = arith.constant 49 : i32
      %scan3A_93 = arith.addi %scan3A_91, %scan3A_92 : i32
      %scan3A_94 = arith.constant 1 : i32
      scf.for %scan3A_104 = %scan3A_91 to %scan3A_93 step %scan3A_94  : i32 {
        %mul3A_105 = arith.constant 2 : i32
        %mul3A_106 = arith.muli %scan3A_104, %mul3A_105 : i32
        %add3A_107 = arith.constant 0 : i32
        %add3A_108 = arith.addi %mul3A_106, %add3A_107 : i32
        %dma_wait3A_109 = arith.constant 0 : i32
        %dma_wait3A_110 = arith.constant 0 : i32
        %dma_wait3A_111 = arith.constant 0 : i32
        %dma_wait3A_112 = arith.constant 0 : i32
        %dma_wait3A_113 = tpu.memref_slice %arg8[%dma_wait3A_110, %dma_wait3A_111, %dma_wait3A_112] : memref<2x2x512xi32, #tpu.memory_space<vmem>> -> memref<1x2x512xi32, #tpu.memory_space<vmem>>
        %dma_wait3A_114 = tpu.memref_squeeze %dma_wait3A_113 : memref<1x2x512xi32, #tpu.memory_space<vmem>> -> memref<2x512xi32, #tpu.memory_space<vmem>>
        %dma_wait3A_115 = arith.constant 0 : i32
        %dma_wait3A_116 = arith.constant 0 : i32
        %dma_wait3A_117 = tpu.memref_slice %arg4[%dma_wait3A_109, %dma_wait3A_115, %dma_wait3A_116] : memref<3136x2x512xi32, #tpu.memory_space<hbm>> -> memref<1x2x512xi32, #tpu.memory_space<hbm>>
        %dma_wait3A_118 = tpu.memref_squeeze %dma_wait3A_117 : memref<1x2x512xi32, #tpu.memory_space<hbm>> -> memref<2x512xi32, #tpu.memory_space<hbm>>
        %dma_wait3A_119 = arith.constant 0 : i32
        %dma_wait3A_120 = arith.constant 0 : i32
        %dma_wait3A_121 = tpu.memref_slice %arg8[%dma_wait3A_110, %dma_wait3A_119, %dma_wait3A_120] : memref<2x2x512xi32, #tpu.memory_space<vmem>> -> memref<1x2x512xi32, #tpu.memory_space<vmem>>
        %dma_wait3A_122 = tpu.memref_squeeze %dma_wait3A_121 : memref<1x2x512xi32, #tpu.memory_space<vmem>> -> memref<2x512xi32, #tpu.memory_space<vmem>>
        %dma_wait3A_123 = arith.constant 0 : i32
        %dma_wait3A_124 = arith.constant 0 : i32
        %dma_wait3A_125 = tpu.memref_slice %arg4[%dma_wait3A_109, %dma_wait3A_123, %dma_wait3A_124] : memref<3136x2x512xi32, #tpu.memory_space<hbm>> -> memref<1x2x512xi32, #tpu.memory_space<hbm>>
        %dma_wait3A_126 = tpu.memref_squeeze %dma_wait3A_125 : memref<1x2x512xi32, #tpu.memory_space<hbm>> -> memref<2x512xi32, #tpu.memory_space<hbm>>
        tpu.wait_dma2 semaphore(%arg12 : memref<!tpu.dma_semaphore, #tpu.memory_space<semaphore_mem>>) src(%dma_wait3A_126 : memref<2x512xi32, #tpu.memory_space<hbm>>) dst(%dma_wait3A_122 : memref<2x512xi32, #tpu.memory_space<vmem>>)
        %dma_start3A_127 = arith.constant 0 : i32
        %dma_start3A_128 = arith.constant 0 : i32
        %dma_start3A_129 = arith.constant 0 : i32
        %dma_start3A_130 = arith.constant 0 : i32
        %dma_start3A_131 = arith.constant 0 : i32
        %dma_start3A_132 = tpu.memref_slice %arg9[%dma_start3A_129, %dma_start3A_130, %dma_start3A_131] : memref<2x512x32xbf16, #tpu.memory_space<vmem>> -> memref<1x512x32xbf16, #tpu.memory_space<vmem>>
        %dma_start3A_133 = tpu.memref_squeeze %dma_start3A_132 : memref<1x512x32xbf16, #tpu.memory_space<vmem>> -> memref<512x32xbf16, #tpu.memory_space<vmem>>
        %dma_start3A_134 = arith.constant 0 : i32
        %dma_start3A_135 = tpu.memref_slice %arg8[%dma_start3A_127, %dma_start3A_128, %dma_start3A_134] : memref<2x2x512xi32, #tpu.memory_space<vmem>> -> memref<1x1x512xi32, #tpu.memory_space<vmem>>
        %dma_start3A_136 = tpu.memref_squeeze %dma_start3A_135 : memref<1x1x512xi32, #tpu.memory_space<vmem>> -> memref<512xi32, #tpu.memory_space<vmem>>
        %dma_start3A_137 = arith.constant 0 : i32
        %dma_start3A_138 = arith.constant 0 : i32
        %dma_start3A_139 = tpu.memref_slice %arg2[%dma_start3A_137, %dma_start3A_138] : memref<100352x32xbf16, #tpu.memory_space<hbm>> -> memref<100352x32xbf16, #tpu.memory_space<hbm>>
        tpu.enqueue_indirect_dma source(%dma_start3A_139 : memref<100352x32xbf16, #tpu.memory_space<hbm>>) target(%dma_start3A_133 : memref<512x32xbf16, #tpu.memory_space<vmem>>) offsets(%dma_start3A_136 : memref<512xi32, #tpu.memory_space<vmem>>) semaphore(%arg13 : memref<!tpu.dma_semaphore, #tpu.memory_space<semaphore_mem>>)
        %dma_wait3A_140 = arith.constant 0 : i32
        %dma_wait3A_141 = arith.constant 0 : i32
        %dma_wait3A_142 = arith.constant 0 : i32
        %dma_wait3A_143 = tpu.memref_slice %arg9[%dma_wait3A_140, %dma_wait3A_141, %dma_wait3A_142] : memref<2x512x32xbf16, #tpu.memory_space<vmem>> -> memref<1x512x32xbf16, #tpu.memory_space<vmem>>
        %dma_wait3A_144 = tpu.memref_squeeze %dma_wait3A_143 : memref<1x512x32xbf16, #tpu.memory_space<vmem>> -> memref<512x32xbf16, #tpu.memory_space<vmem>>
        %dma_wait3A_145 = arith.constant 0 : i32
        %dma_wait3A_146 = arith.constant 0 : i32
        %dma_wait3A_147 = tpu.memref_slice %arg9[%dma_wait3A_140, %dma_wait3A_145, %dma_wait3A_146] : memref<2x512x32xbf16, #tpu.memory_space<vmem>> -> memref<1x512x32xbf16, #tpu.memory_space<vmem>>
        %dma_wait3A_148 = tpu.memref_squeeze %dma_wait3A_147 : memref<1x512x32xbf16, #tpu.memory_space<vmem>> -> memref<512x32xbf16, #tpu.memory_space<vmem>>
        tpu.wait_dma2 semaphore(%arg13 : memref<!tpu.dma_semaphore, #tpu.memory_space<semaphore_mem>>) src(%arg5 : memref<512x32xbf16, #tpu.memory_space<hbm>>) dst(%dma_wait3A_148 : memref<512x32xbf16, #tpu.memory_space<vmem>>)
        %ge3A = arith.constant 1 : i32
        %ge3A_149 = arith.cmpi sge, %add3A_108, %ge3A : i32
        %convert_element_type3A_150 = arith.extui %ge3A_149 : i1 to i32
        %cond3A_151 = arith.constant 0 : i32
        %cond3A_152 = arith.cmpi ne, %convert_element_type3A_150, %cond3A_151 : i32
        scf.if %cond3A_152 {
          %dma_wait3A_241 = arith.constant 1 : i32
          %dma_wait3A_242 = arith.constant 0 : i32
          %dma_wait3A_243 = arith.constant 0 : i32
          %dma_wait3A_244 = tpu.memref_slice %arg9[%dma_wait3A_241, %dma_wait3A_242, %dma_wait3A_243] : memref<2x512x32xbf16, #tpu.memory_space<vmem>> -> memref<1x512x32xbf16, #tpu.memory_space<vmem>>
          %dma_wait3A_245 = tpu.memref_squeeze %dma_wait3A_244 : memref<1x512x32xbf16, #tpu.memory_space<vmem>> -> memref<512x32xbf16, #tpu.memory_space<vmem>>
          %dma_wait3A_246 = arith.constant 0 : i32
          %dma_wait3A_247 = arith.constant 0 : i32
          %dma_wait3A_248 = tpu.memref_slice %arg9[%dma_wait3A_241, %dma_wait3A_246, %dma_wait3A_247] : memref<2x512x32xbf16, #tpu.memory_space<vmem>> -> memref<1x512x32xbf16, #tpu.memory_space<vmem>>
          %dma_wait3A_249 = tpu.memref_squeeze %dma_wait3A_248 : memref<1x512x32xbf16, #tpu.memory_space<vmem>> -> memref<512x32xbf16, #tpu.memory_space<vmem>>
          tpu.wait_dma2 semaphore(%arg14 : memref<!tpu.dma_semaphore, #tpu.memory_space<semaphore_mem>>) src(%arg5 : memref<512x32xbf16, #tpu.memory_space<hbm>>) dst(%dma_wait3A_249 : memref<512x32xbf16, #tpu.memory_space<vmem>>)
        } else {
        }
        %add3A_153 = arith.constant 1 : i32
        %add3A_154 = arith.addi %add3A_108, %add3A_153 : i32
        %lt3A = arith.constant 98 : i32
        %lt3A_155 = arith.cmpi slt, %add3A_154, %lt3A : i32
        %convert_element_type3A_156 = arith.extui %lt3A_155 : i1 to i32
        %cond3A_157 = arith.constant 0 : i32
        %cond3A_158 = arith.cmpi ne, %convert_element_type3A_156, %cond3A_157 : i32
        scf.if %cond3A_158 {
          %add3A_241 = arith.constant 1 : i32
          %add3A_242 = arith.addi %add3A_108, %add3A_241 : i32
          %add3A_243 = arith.addi %mul3A_54, %add3A_242 : i32
          %dma_start3A_244 = arith.constant 1 : i32
          %dma_start3A_245 = arith.constant 0 : i32
          %dma_start3A_246 = arith.constant 0 : i32
          %dma_start3A_247 = tpu.memref_slice %arg8[%dma_start3A_244, %dma_start3A_245, %dma_start3A_246] : memref<2x2x512xi32, #tpu.memory_space<vmem>> -> memref<1x2x512xi32, #tpu.memory_space<vmem>>
          %dma_start3A_248 = tpu.memref_squeeze %dma_start3A_247 : memref<1x2x512xi32, #tpu.memory_space<vmem>> -> memref<2x512xi32, #tpu.memory_space<vmem>>
          %dma_start3A_249 = arith.constant 0 : i32
          %dma_start3A_250 = arith.constant 0 : i32
          %dma_start3A_251 = tpu.memref_slice %arg4[%add3A_243, %dma_start3A_249, %dma_start3A_250] : memref<3136x2x512xi32, #tpu.memory_space<hbm>> -> memref<1x2x512xi32, #tpu.memory_space<hbm>>
          %dma_start3A_252 = tpu.memref_squeeze %dma_start3A_251 : memref<1x2x512xi32, #tpu.memory_space<hbm>> -> memref<2x512xi32, #tpu.memory_space<hbm>>
          %dma_start3A_253 = arith.constant 0 : i32
          %dma_start3A_254 = arith.constant 0 : i32
          %dma_start3A_255 = tpu.memref_slice %arg8[%dma_start3A_244, %dma_start3A_253, %dma_start3A_254] : memref<2x2x512xi32, #tpu.memory_space<vmem>> -> memref<1x2x512xi32, #tpu.memory_space<vmem>>
          %dma_start3A_256 = tpu.memref_squeeze %dma_start3A_255 : memref<1x2x512xi32, #tpu.memory_space<vmem>> -> memref<2x512xi32, #tpu.memory_space<vmem>>
          %dma_start3A_257 = arith.constant 0 : i32
          %dma_start3A_258 = arith.constant 0 : i32
          %dma_start3A_259 = tpu.memref_slice %arg4[%add3A_243, %dma_start3A_257, %dma_start3A_258] : memref<3136x2x512xi32, #tpu.memory_space<hbm>> -> memref<1x2x512xi32, #tpu.memory_space<hbm>>
          %dma_start3A_260 = tpu.memref_squeeze %dma_start3A_259 : memref<1x2x512xi32, #tpu.memory_space<hbm>> -> memref<2x512xi32, #tpu.memory_space<hbm>>
          tpu.enqueue_dma source(%dma_start3A_260 : memref<2x512xi32, #tpu.memory_space<hbm>>) target(%dma_start3A_256 : memref<2x512xi32, #tpu.memory_space<vmem>>) target_semaphore(%arg12 : memref<!tpu.dma_semaphore, #tpu.memory_space<semaphore_mem>>)
        } else {
        }
        %dma_start3A_159 = arith.constant 0 : i32
        %dma_start3A_160 = arith.constant 0 : i32
        %dma_start3A_161 = arith.constant 1 : i32
        %dma_start3A_162 = arith.constant 0 : i32
        %dma_start3A_163 = arith.constant 0 : i32
        %dma_start3A_164 = tpu.memref_slice %arg9[%dma_start3A_159, %dma_start3A_162, %dma_start3A_163] : memref<2x512x32xbf16, #tpu.memory_space<vmem>> -> memref<1x512x32xbf16, #tpu.memory_space<vmem>>
        %dma_start3A_165 = tpu.memref_squeeze %dma_start3A_164 : memref<1x512x32xbf16, #tpu.memory_space<vmem>> -> memref<512x32xbf16, #tpu.memory_space<vmem>>
        %dma_start3A_166 = arith.constant 0 : i32
        %dma_start3A_167 = tpu.memref_slice %arg8[%dma_start3A_160, %dma_start3A_161, %dma_start3A_166] : memref<2x2x512xi32, #tpu.memory_space<vmem>> -> memref<1x1x512xi32, #tpu.memory_space<vmem>>
        %dma_start3A_168 = tpu.memref_squeeze %dma_start3A_167 : memref<1x1x512xi32, #tpu.memory_space<vmem>> -> memref<512xi32, #tpu.memory_space<vmem>>
        %dma_start3A_169 = arith.constant 0 : i32
        %dma_start3A_170 = arith.constant 0 : i32
        %dma_start3A_171 = tpu.memref_slice %arg11[%dma_start3A_169, %dma_start3A_170] : memref<100352x32xbf16, #tpu.memory_space<vmem_shared>> -> memref<100352x32xbf16, #tpu.memory_space<vmem_shared>>
        tpu.enqueue_indirect_dma source(%dma_start3A_165 : memref<512x32xbf16, #tpu.memory_space<vmem>>) target(%dma_start3A_171 : memref<100352x32xbf16, #tpu.memory_space<vmem_shared>>) offsets(%dma_start3A_168 : memref<512xi32, #tpu.memory_space<vmem>>) semaphore(%arg14 : memref<!tpu.dma_semaphore, #tpu.memory_space<semaphore_mem>>) {add = true}
        %mul3A_172 = arith.constant 2 : i32
        %mul3A_173 = arith.muli %scan3A_104, %mul3A_172 : i32
        %add3A_174 = arith.constant 1 : i32
        %add3A_175 = arith.addi %mul3A_173, %add3A_174 : i32
        %dma_wait3A_176 = arith.constant 0 : i32
        %dma_wait3A_177 = arith.constant 1 : i32
        %dma_wait3A_178 = arith.constant 0 : i32
        %dma_wait3A_179 = arith.constant 0 : i32
        %dma_wait3A_180 = tpu.memref_slice %arg8[%dma_wait3A_177, %dma_wait3A_178, %dma_wait3A_179] : memref<2x2x512xi32, #tpu.memory_space<vmem>> -> memref<1x2x512xi32, #tpu.memory_space<vmem>>
        %dma_wait3A_181 = tpu.memref_squeeze %dma_wait3A_180 : memref<1x2x512xi32, #tpu.memory_space<vmem>> -> memref<2x512xi32, #tpu.memory_space<vmem>>
        %dma_wait3A_182 = arith.constant 0 : i32
        %dma_wait3A_183 = arith.constant 0 : i32
        %dma_wait3A_184 = tpu.memref_slice %arg4[%dma_wait3A_176, %dma_wait3A_182, %dma_wait3A_183] : memref<3136x2x512xi32, #tpu.memory_space<hbm>> -> memref<1x2x512xi32, #tpu.memory_space<hbm>>
        %dma_wait3A_185 = tpu.memref_squeeze %dma_wait3A_184 : memref<1x2x512xi32, #tpu.memory_space<hbm>> -> memref<2x512xi32, #tpu.memory_space<hbm>>
        %dma_wait3A_186 = arith.constant 0 : i32
        %dma_wait3A_187 = arith.constant 0 : i32
        %dma_wait3A_188 = tpu.memref_slice %arg8[%dma_wait3A_177, %dma_wait3A_186, %dma_wait3A_187] : memref<2x2x512xi32, #tpu.memory_space<vmem>> -> memref<1x2x512xi32, #tpu.memory_space<vmem>>
        %dma_wait3A_189 = tpu.memref_squeeze %dma_wait3A_188 : memref<1x2x512xi32, #tpu.memory_space<vmem>> -> memref<2x512xi32, #tpu.memory_space<vmem>>
        %dma_wait3A_190 = arith.constant 0 : i32
        %dma_wait3A_191 = arith.constant 0 : i32
        %dma_wait3A_192 = tpu.memref_slice %arg4[%dma_wait3A_176, %dma_wait3A_190, %dma_wait3A_191] : memref<3136x2x512xi32, #tpu.memory_space<hbm>> -> memref<1x2x512xi32, #tpu.memory_space<hbm>>
        %dma_wait3A_193 = tpu.memref_squeeze %dma_wait3A_192 : memref<1x2x512xi32, #tpu.memory_space<hbm>> -> memref<2x512xi32, #tpu.memory_space<hbm>>
        tpu.wait_dma2 semaphore(%arg12 : memref<!tpu.dma_semaphore, #tpu.memory_space<semaphore_mem>>) src(%dma_wait3A_193 : memref<2x512xi32, #tpu.memory_space<hbm>>) dst(%dma_wait3A_189 : memref<2x512xi32, #tpu.memory_space<vmem>>)
        %dma_start3A_194 = arith.constant 1 : i32
        %dma_start3A_195 = arith.constant 0 : i32
        %dma_start3A_196 = arith.constant 1 : i32
        %dma_start3A_197 = arith.constant 0 : i32
        %dma_start3A_198 = arith.constant 0 : i32
        %dma_start3A_199 = tpu.memref_slice %arg9[%dma_start3A_196, %dma_start3A_197, %dma_start3A_198] : memref<2x512x32xbf16, #tpu.memory_space<vmem>> -> memref<1x512x32xbf16, #tpu.memory_space<vmem>>
        %dma_start3A_200 = tpu.memref_squeeze %dma_start3A_199 : memref<1x512x32xbf16, #tpu.memory_space<vmem>> -> memref<512x32xbf16, #tpu.memory_space<vmem>>
        %dma_start3A_201 = arith.constant 0 : i32
        %dma_start3A_202 = tpu.memref_slice %arg8[%dma_start3A_194, %dma_start3A_195, %dma_start3A_201] : memref<2x2x512xi32, #tpu.memory_space<vmem>> -> memref<1x1x512xi32, #tpu.memory_space<vmem>>
        %dma_start3A_203 = tpu.memref_squeeze %dma_start3A_202 : memref<1x1x512xi32, #tpu.memory_space<vmem>> -> memref<512xi32, #tpu.memory_space<vmem>>
        %dma_start3A_204 = arith.constant 0 : i32
        %dma_start3A_205 = arith.constant 0 : i32
        %dma_start3A_206 = tpu.memref_slice %arg2[%dma_start3A_204, %dma_start3A_205] : memref<100352x32xbf16, #tpu.memory_space<hbm>> -> memref<100352x32xbf16, #tpu.memory_space<hbm>>
        tpu.enqueue_indirect_dma source(%dma_start3A_206 : memref<100352x32xbf16, #tpu.memory_space<hbm>>) target(%dma_start3A_200 : memref<512x32xbf16, #tpu.memory_space<vmem>>) offsets(%dma_start3A_203 : memref<512xi32, #tpu.memory_space<vmem>>) semaphore(%arg13 : memref<!tpu.dma_semaphore, #tpu.memory_space<semaphore_mem>>)
        %dma_wait3A_207 = arith.constant 1 : i32
        %dma_wait3A_208 = arith.constant 0 : i32
        %dma_wait3A_209 = arith.constant 0 : i32
        %dma_wait3A_210 = tpu.memref_slice %arg9[%dma_wait3A_207, %dma_wait3A_208, %dma_wait3A_209] : memref<2x512x32xbf16, #tpu.memory_space<vmem>> -> memref<1x512x32xbf16, #tpu.memory_space<vmem>>
        %dma_wait3A_211 = tpu.memref_squeeze %dma_wait3A_210 : memref<1x512x32xbf16, #tpu.memory_space<vmem>> -> memref<512x32xbf16, #tpu.memory_space<vmem>>
        %dma_wait3A_212 = arith.constant 0 : i32
        %dma_wait3A_213 = arith.constant 0 : i32
        %dma_wait3A_214 = tpu.memref_slice %arg9[%dma_wait3A_207, %dma_wait3A_212, %dma_wait3A_213] : memref<2x512x32xbf16, #tpu.memory_space<vmem>> -> memref<1x512x32xbf16, #tpu.memory_space<vmem>>
        %dma_wait3A_215 = tpu.memref_squeeze %dma_wait3A_214 : memref<1x512x32xbf16, #tpu.memory_space<vmem>> -> memref<512x32xbf16, #tpu.memory_space<vmem>>
        tpu.wait_dma2 semaphore(%arg13 : memref<!tpu.dma_semaphore, #tpu.memory_space<semaphore_mem>>) src(%arg5 : memref<512x32xbf16, #tpu.memory_space<hbm>>) dst(%dma_wait3A_215 : memref<512x32xbf16, #tpu.memory_space<vmem>>)
        %ge3A_216 = arith.constant 1 : i32
        %ge3A_217 = arith.cmpi sge, %add3A_175, %ge3A_216 : i32
        %convert_element_type3A_218 = arith.extui %ge3A_217 : i1 to i32
        %cond3A_219 = arith.constant 0 : i32
        %cond3A_220 = arith.cmpi ne, %convert_element_type3A_218, %cond3A_219 : i32
        scf.if %cond3A_220 {
          %dma_wait3A_241 = arith.constant 0 : i32
          %dma_wait3A_242 = arith.constant 0 : i32
          %dma_wait3A_243 = arith.constant 0 : i32
          %dma_wait3A_244 = tpu.memref_slice %arg9[%dma_wait3A_241, %dma_wait3A_242, %dma_wait3A_243] : memref<2x512x32xbf16, #tpu.memory_space<vmem>> -> memref<1x512x32xbf16, #tpu.memory_space<vmem>>
          %dma_wait3A_245 = tpu.memref_squeeze %dma_wait3A_244 : memref<1x512x32xbf16, #tpu.memory_space<vmem>> -> memref<512x32xbf16, #tpu.memory_space<vmem>>
          %dma_wait3A_246 = arith.constant 0 : i32
          %dma_wait3A_247 = arith.constant 0 : i32
          %dma_wait3A_248 = tpu.memref_slice %arg9[%dma_wait3A_241, %dma_wait3A_246, %dma_wait3A_247] : memref<2x512x32xbf16, #tpu.memory_space<vmem>> -> memref<1x512x32xbf16, #tpu.memory_space<vmem>>
          %dma_wait3A_249 = tpu.memref_squeeze %dma_wait3A_248 : memref<1x512x32xbf16, #tpu.memory_space<vmem>> -> memref<512x32xbf16, #tpu.memory_space<vmem>>
          tpu.wait_dma2 semaphore(%arg14 : memref<!tpu.dma_semaphore, #tpu.memory_space<semaphore_mem>>) src(%arg5 : memref<512x32xbf16, #tpu.memory_space<hbm>>) dst(%dma_wait3A_249 : memref<512x32xbf16, #tpu.memory_space<vmem>>)
        } else {
        }
        %add3A_221 = arith.constant 1 : i32
        %add3A_222 = arith.addi %add3A_175, %add3A_221 : i32
        %lt3A_223 = arith.constant 98 : i32
        %lt3A_224 = arith.cmpi slt, %add3A_222, %lt3A_223 : i32
        %convert_element_type3A_225 = arith.extui %lt3A_224 : i1 to i32
        %cond3A_226 = arith.constant 0 : i32
        %cond3A_227 = arith.cmpi ne, %convert_element_type3A_225, %cond3A_226 : i32
        scf.if %cond3A_227 {
          %add3A_241 = arith.constant 1 : i32
          %add3A_242 = arith.addi %add3A_175, %add3A_241 : i32
          %add3A_243 = arith.addi %mul3A_54, %add3A_242 : i32
          %dma_start3A_244 = arith.constant 0 : i32
          %dma_start3A_245 = arith.constant 0 : i32
          %dma_start3A_246 = arith.constant 0 : i32
          %dma_start3A_247 = tpu.memref_slice %arg8[%dma_start3A_244, %dma_start3A_245, %dma_start3A_246] : memref<2x2x512xi32, #tpu.memory_space<vmem>> -> memref<1x2x512xi32, #tpu.memory_space<vmem>>
          %dma_start3A_248 = tpu.memref_squeeze %dma_start3A_247 : memref<1x2x512xi32, #tpu.memory_space<vmem>> -> memref<2x512xi32, #tpu.memory_space<vmem>>
          %dma_start3A_249 = arith.constant 0 : i32
          %dma_start3A_250 = arith.constant 0 : i32
          %dma_start3A_251 = tpu.memref_slice %arg4[%add3A_243, %dma_start3A_249, %dma_start3A_250] : memref<3136x2x512xi32, #tpu.memory_space<hbm>> -> memref<1x2x512xi32, #tpu.memory_space<hbm>>
          %dma_start3A_252 = tpu.memref_squeeze %dma_start3A_251 : memref<1x2x512xi32, #tpu.memory_space<hbm>> -> memref<2x512xi32, #tpu.memory_space<hbm>>
          %dma_start3A_253 = arith.constant 0 : i32
          %dma_start3A_254 = arith.constant 0 : i32
          %dma_start3A_255 = tpu.memref_slice %arg8[%dma_start3A_244, %dma_start3A_253, %dma_start3A_254] : memref<2x2x512xi32, #tpu.memory_space<vmem>> -> memref<1x2x512xi32, #tpu.memory_space<vmem>>
          %dma_start3A_256 = tpu.memref_squeeze %dma_start3A_255 : memref<1x2x512xi32, #tpu.memory_space<vmem>> -> memref<2x512xi32, #tpu.memory_space<vmem>>
          %dma_start3A_257 = arith.constant 0 : i32
          %dma_start3A_258 = arith.constant 0 : i32
          %dma_start3A_259 = tpu.memref_slice %arg4[%add3A_243, %dma_start3A_257, %dma_start3A_258] : memref<3136x2x512xi32, #tpu.memory_space<hbm>> -> memref<1x2x512xi32, #tpu.memory_space<hbm>>
          %dma_start3A_260 = tpu.memref_squeeze %dma_start3A_259 : memref<1x2x512xi32, #tpu.memory_space<hbm>> -> memref<2x512xi32, #tpu.memory_space<hbm>>
          tpu.enqueue_dma source(%dma_start3A_260 : memref<2x512xi32, #tpu.memory_space<hbm>>) target(%dma_start3A_256 : memref<2x512xi32, #tpu.memory_space<vmem>>) target_semaphore(%arg12 : memref<!tpu.dma_semaphore, #tpu.memory_space<semaphore_mem>>)
        } else {
        }
        %dma_start3A_228 = arith.constant 1 : i32
        %dma_start3A_229 = arith.constant 1 : i32
        %dma_start3A_230 = arith.constant 1 : i32
        %dma_start3A_231 = arith.constant 0 : i32
        %dma_start3A_232 = arith.constant 0 : i32
        %dma_start3A_233 = tpu.memref_slice %arg9[%dma_start3A_228, %dma_start3A_231, %dma_start3A_232] : memref<2x512x32xbf16, #tpu.memory_space<vmem>> -> memref<1x512x32xbf16, #tpu.memory_space<vmem>>
        %dma_start3A_234 = tpu.memref_squeeze %dma_start3A_233 : memref<1x512x32xbf16, #tpu.memory_space<vmem>> -> memref<512x32xbf16, #tpu.memory_space<vmem>>
        %dma_start3A_235 = arith.constant 0 : i32
        %dma_start3A_236 = tpu.memref_slice %arg8[%dma_start3A_229, %dma_start3A_230, %dma_start3A_235] : memref<2x2x512xi32, #tpu.memory_space<vmem>> -> memref<1x1x512xi32, #tpu.memory_space<vmem>>
        %dma_start3A_237 = tpu.memref_squeeze %dma_start3A_236 : memref<1x1x512xi32, #tpu.memory_space<vmem>> -> memref<512xi32, #tpu.memory_space<vmem>>
        %dma_start3A_238 = arith.constant 0 : i32
        %dma_start3A_239 = arith.constant 0 : i32
        %dma_start3A_240 = tpu.memref_slice %arg11[%dma_start3A_238, %dma_start3A_239] : memref<100352x32xbf16, #tpu.memory_space<vmem_shared>> -> memref<100352x32xbf16, #tpu.memory_space<vmem_shared>>
        tpu.enqueue_indirect_dma source(%dma_start3A_234 : memref<512x32xbf16, #tpu.memory_space<vmem>>) target(%dma_start3A_240 : memref<100352x32xbf16, #tpu.memory_space<vmem_shared>>) offsets(%dma_start3A_237 : memref<512xi32, #tpu.memory_space<vmem>>) semaphore(%arg14 : memref<!tpu.dma_semaphore, #tpu.memory_space<semaphore_mem>>) {add = true}
      }
      %scan3A_95 = arith.constant 49 : i32
      %dma_wait3A = arith.constant 1 : i32
      %dma_wait3A_96 = arith.constant 0 : i32
      %dma_wait3A_97 = arith.constant 0 : i32
      %dma_wait3A_98 = tpu.memref_slice %arg9[%dma_wait3A, %dma_wait3A_96, %dma_wait3A_97] : memref<2x512x32xbf16, #tpu.memory_space<vmem>> -> memref<1x512x32xbf16, #tpu.memory_space<vmem>>
      %dma_wait3A_99 = tpu.memref_squeeze %dma_wait3A_98 : memref<1x512x32xbf16, #tpu.memory_space<vmem>> -> memref<512x32xbf16, #tpu.memory_space<vmem>>
      %dma_wait3A_100 = arith.constant 0 : i32
      %dma_wait3A_101 = arith.constant 0 : i32
      %dma_wait3A_102 = tpu.memref_slice %arg9[%dma_wait3A, %dma_wait3A_100, %dma_wait3A_101] : memref<2x512x32xbf16, #tpu.memory_space<vmem>> -> memref<1x512x32xbf16, #tpu.memory_space<vmem>>
      %dma_wait3A_103 = tpu.memref_squeeze %dma_wait3A_102 : memref<1x512x32xbf16, #tpu.memory_space<vmem>> -> memref<512x32xbf16, #tpu.memory_space<vmem>>
      tpu.wait_dma2 semaphore(%arg14 : memref<!tpu.dma_semaphore, #tpu.memory_space<semaphore_mem>>) src(%arg5 : memref<512x32xbf16, #tpu.memory_space<hbm>>) dst(%dma_wait3A_103 : memref<512x32xbf16, #tpu.memory_space<vmem>>)
    } else {
    }
    %eq3A_57 = arith.constant 1 : i32
    %eq3A_58 = arith.cmpi eq, %arg0, %eq3A_57 : i32
    %convert_element_type3A_59 = arith.extui %eq3A_58 : i1 to i32
    %cond3A_60 = arith.constant 0 : i32
    %cond3A_61 = arith.cmpi ne, %convert_element_type3A_59, %cond3A_60 : i32
    scf.if %cond3A_61 {
      %add3A_73 = arith.constant 0 : i32
      %add3A_74 = arith.addi %mul3A_54, %add3A_73 : i32
      %dma_start3A = arith.constant 0 : i32
      %dma_start3A_75 = arith.constant 0 : i32
      %dma_start3A_76 = arith.constant 0 : i32
      %dma_start3A_77 = tpu.memref_slice %arg8[%dma_start3A, %dma_start3A_75, %dma_start3A_76] : memref<2x2x512xi32, #tpu.memory_space<vmem>> -> memref<1x2x512xi32, #tpu.memory_space<vmem>>
      %dma_start3A_78 = tpu.memref_squeeze %dma_start3A_77 : memref<1x2x512xi32, #tpu.memory_space<vmem>> -> memref<2x512xi32, #tpu.memory_space<vmem>>
      %dma_start3A_79 = arith.constant 0 : i32
      %dma_start3A_80 = arith.constant 0 : i32
      %dma_start3A_81 = tpu.memref_slice %arg4[%add3A_74, %dma_start3A_79, %dma_start3A_80] : memref<3136x2x512xi32, #tpu.memory_space<hbm>> -> memref<1x2x512xi32, #tpu.memory_space<hbm>>
      %dma_start3A_82 = tpu.memref_squeeze %dma_start3A_81 : memref<1x2x512xi32, #tpu.memory_space<hbm>> -> memref<2x512xi32, #tpu.memory_space<hbm>>
      %dma_start3A_83 = arith.constant 0 : i32
      %dma_start3A_84 = arith.constant 0 : i32
      %dma_start3A_85 = tpu.memref_slice %arg8[%dma_start3A, %dma_start3A_83, %dma_start3A_84] : memref<2x2x512xi32, #tpu.memory_space<vmem>> -> memref<1x2x512xi32, #tpu.memory_space<vmem>>
      %dma_start3A_86 = tpu.memref_squeeze %dma_start3A_85 : memref<1x2x512xi32, #tpu.memory_space<vmem>> -> memref<2x512xi32, #tpu.memory_space<vmem>>
      %dma_start3A_87 = arith.constant 0 : i32
      %dma_start3A_88 = arith.constant 0 : i32
      %dma_start3A_89 = tpu.memref_slice %arg4[%add3A_74, %dma_start3A_87, %dma_start3A_88] : memref<3136x2x512xi32, #tpu.memory_space<hbm>> -> memref<1x2x512xi32, #tpu.memory_space<hbm>>
      %dma_start3A_90 = tpu.memref_squeeze %dma_start3A_89 : memref<1x2x512xi32, #tpu.memory_space<hbm>> -> memref<2x512xi32, #tpu.memory_space<hbm>>
      tpu.enqueue_dma source(%dma_start3A_90 : memref<2x512xi32, #tpu.memory_space<hbm>>) target(%dma_start3A_86 : memref<2x512xi32, #tpu.memory_space<vmem>>) target_semaphore(%arg12 : memref<!tpu.dma_semaphore, #tpu.memory_space<semaphore_mem>>)
      %scan3A = arith.constant 0 : i32
      %scan3A_91 = arith.constant 0 : i32
      %scan3A_92 = arith.constant 49 : i32
      %scan3A_93 = arith.addi %scan3A_91, %scan3A_92 : i32
      %scan3A_94 = arith.constant 1 : i32
      scf.for %scan3A_104 = %scan3A_91 to %scan3A_93 step %scan3A_94  : i32 {
        %mul3A_105 = arith.constant 2 : i32
        %mul3A_106 = arith.muli %scan3A_104, %mul3A_105 : i32
        %add3A_107 = arith.constant 0 : i32
        %add3A_108 = arith.addi %mul3A_106, %add3A_107 : i32
        %dma_wait3A_109 = arith.constant 0 : i32
        %dma_wait3A_110 = arith.constant 0 : i32
        %dma_wait3A_111 = arith.constant 0 : i32
        %dma_wait3A_112 = arith.constant 0 : i32
        %dma_wait3A_113 = tpu.memref_slice %arg8[%dma_wait3A_110, %dma_wait3A_111, %dma_wait3A_112] : memref<2x2x512xi32, #tpu.memory_space<vmem>> -> memref<1x2x512xi32, #tpu.memory_space<vmem>>
        %dma_wait3A_114 = tpu.memref_squeeze %dma_wait3A_113 : memref<1x2x512xi32, #tpu.memory_space<vmem>> -> memref<2x512xi32, #tpu.memory_space<vmem>>
        %dma_wait3A_115 = arith.constant 0 : i32
        %dma_wait3A_116 = arith.constant 0 : i32
        %dma_wait3A_117 = tpu.memref_slice %arg4[%dma_wait3A_109, %dma_wait3A_115, %dma_wait3A_116] : memref<3136x2x512xi32, #tpu.memory_space<hbm>> -> memref<1x2x512xi32, #tpu.memory_space<hbm>>
        %dma_wait3A_118 = tpu.memref_squeeze %dma_wait3A_117 : memref<1x2x512xi32, #tpu.memory_space<hbm>> -> memref<2x512xi32, #tpu.memory_space<hbm>>
        %dma_wait3A_119 = arith.constant 0 : i32
        %dma_wait3A_120 = arith.constant 0 : i32
        %dma_wait3A_121 = tpu.memref_slice %arg8[%dma_wait3A_110, %dma_wait3A_119, %dma_wait3A_120] : memref<2x2x512xi32, #tpu.memory_space<vmem>> -> memref<1x2x512xi32, #tpu.memory_space<vmem>>
        %dma_wait3A_122 = tpu.memref_squeeze %dma_wait3A_121 : memref<1x2x512xi32, #tpu.memory_space<vmem>> -> memref<2x512xi32, #tpu.memory_space<vmem>>
        %dma_wait3A_123 = arith.constant 0 : i32
        %dma_wait3A_124 = arith.constant 0 : i32
        %dma_wait3A_125 = tpu.memref_slice %arg4[%dma_wait3A_109, %dma_wait3A_123, %dma_wait3A_124] : memref<3136x2x512xi32, #tpu.memory_space<hbm>> -> memref<1x2x512xi32, #tpu.memory_space<hbm>>
        %dma_wait3A_126 = tpu.memref_squeeze %dma_wait3A_125 : memref<1x2x512xi32, #tpu.memory_space<hbm>> -> memref<2x512xi32, #tpu.memory_space<hbm>>
        tpu.wait_dma2 semaphore(%arg12 : memref<!tpu.dma_semaphore, #tpu.memory_space<semaphore_mem>>) src(%dma_wait3A_126 : memref<2x512xi32, #tpu.memory_space<hbm>>) dst(%dma_wait3A_122 : memref<2x512xi32, #tpu.memory_space<vmem>>)
        %dma_start3A_127 = arith.constant 0 : i32
        %dma_start3A_128 = arith.constant 0 : i32
        %dma_start3A_129 = arith.constant 0 : i32
        %dma_start3A_130 = arith.constant 0 : i32
        %dma_start3A_131 = arith.constant 0 : i32
        %dma_start3A_132 = tpu.memref_slice %arg9[%dma_start3A_129, %dma_start3A_130, %dma_start3A_131] : memref<2x512x32xbf16, #tpu.memory_space<vmem>> -> memref<1x512x32xbf16, #tpu.memory_space<vmem>>
        %dma_start3A_133 = tpu.memref_squeeze %dma_start3A_132 : memref<1x512x32xbf16, #tpu.memory_space<vmem>> -> memref<512x32xbf16, #tpu.memory_space<vmem>>
        %dma_start3A_134 = arith.constant 0 : i32
        %dma_start3A_135 = tpu.memref_slice %arg8[%dma_start3A_127, %dma_start3A_128, %dma_start3A_134] : memref<2x2x512xi32, #tpu.memory_space<vmem>> -> memref<1x1x512xi32, #tpu.memory_space<vmem>>
        %dma_start3A_136 = tpu.memref_squeeze %dma_start3A_135 : memref<1x1x512xi32, #tpu.memory_space<vmem>> -> memref<512xi32, #tpu.memory_space<vmem>>
        %dma_start3A_137 = arith.constant 0 : i32
        %dma_start3A_138 = arith.constant 0 : i32
        %dma_start3A_139 = tpu.memref_slice %arg3[%dma_start3A_137, %dma_start3A_138] : memref<100352x32xbf16, #tpu.memory_space<hbm>> -> memref<100352x32xbf16, #tpu.memory_space<hbm>>
        tpu.enqueue_indirect_dma source(%dma_start3A_139 : memref<100352x32xbf16, #tpu.memory_space<hbm>>) target(%dma_start3A_133 : memref<512x32xbf16, #tpu.memory_space<vmem>>) offsets(%dma_start3A_136 : memref<512xi32, #tpu.memory_space<vmem>>) semaphore(%arg13 : memref<!tpu.dma_semaphore, #tpu.memory_space<semaphore_mem>>)
        %dma_wait3A_140 = arith.constant 0 : i32
        %dma_wait3A_141 = arith.constant 0 : i32
        %dma_wait3A_142 = arith.constant 0 : i32
        %dma_wait3A_143 = tpu.memref_slice %arg9[%dma_wait3A_140, %dma_wait3A_141, %dma_wait3A_142] : memref<2x512x32xbf16, #tpu.memory_space<vmem>> -> memref<1x512x32xbf16, #tpu.memory_space<vmem>>
        %dma_wait3A_144 = tpu.memref_squeeze %dma_wait3A_143 : memref<1x512x32xbf16, #tpu.memory_space<vmem>> -> memref<512x32xbf16, #tpu.memory_space<vmem>>
        %dma_wait3A_145 = arith.constant 0 : i32
        %dma_wait3A_146 = arith.constant 0 : i32
        %dma_wait3A_147 = tpu.memref_slice %arg9[%dma_wait3A_140, %dma_wait3A_145, %dma_wait3A_146] : memref<2x512x32xbf16, #tpu.memory_space<vmem>> -> memref<1x512x32xbf16, #tpu.memory_space<vmem>>
        %dma_wait3A_148 = tpu.memref_squeeze %dma_wait3A_147 : memref<1x512x32xbf16, #tpu.memory_space<vmem>> -> memref<512x32xbf16, #tpu.memory_space<vmem>>
        tpu.wait_dma2 semaphore(%arg13 : memref<!tpu.dma_semaphore, #tpu.memory_space<semaphore_mem>>) src(%arg5 : memref<512x32xbf16, #tpu.memory_space<hbm>>) dst(%dma_wait3A_148 : memref<512x32xbf16, #tpu.memory_space<vmem>>)
        %ge3A = arith.constant 1 : i32
        %ge3A_149 = arith.cmpi sge, %add3A_108, %ge3A : i32
        %convert_element_type3A_150 = arith.extui %ge3A_149 : i1 to i32
        %cond3A_151 = arith.constant 0 : i32
        %cond3A_152 = arith.cmpi ne, %convert_element_type3A_150, %cond3A_151 : i32
        scf.if %cond3A_152 {
          %dma_wait3A_241 = arith.constant 1 : i32
          %dma_wait3A_242 = arith.constant 0 : i32
          %dma_wait3A_243 = arith.constant 0 : i32
          %dma_wait3A_244 = tpu.memref_slice %arg9[%dma_wait3A_241, %dma_wait3A_242, %dma_wait3A_243] : memref<2x512x32xbf16, #tpu.memory_space<vmem>> -> memref<1x512x32xbf16, #tpu.memory_space<vmem>>
          %dma_wait3A_245 = tpu.memref_squeeze %dma_wait3A_244 : memref<1x512x32xbf16, #tpu.memory_space<vmem>> -> memref<512x32xbf16, #tpu.memory_space<vmem>>
          %dma_wait3A_246 = arith.constant 0 : i32
          %dma_wait3A_247 = arith.constant 0 : i32
          %dma_wait3A_248 = tpu.memref_slice %arg9[%dma_wait3A_241, %dma_wait3A_246, %dma_wait3A_247] : memref<2x512x32xbf16, #tpu.memory_space<vmem>> -> memref<1x512x32xbf16, #tpu.memory_space<vmem>>
          %dma_wait3A_249 = tpu.memref_squeeze %dma_wait3A_248 : memref<1x512x32xbf16, #tpu.memory_space<vmem>> -> memref<512x32xbf16, #tpu.memory_space<vmem>>
          tpu.wait_dma2 semaphore(%arg14 : memref<!tpu.dma_semaphore, #tpu.memory_space<semaphore_mem>>) src(%arg5 : memref<512x32xbf16, #tpu.memory_space<hbm>>) dst(%dma_wait3A_249 : memref<512x32xbf16, #tpu.memory_space<vmem>>)
        } else {
        }
        %add3A_153 = arith.constant 1 : i32
        %add3A_154 = arith.addi %add3A_108, %add3A_153 : i32
        %lt3A = arith.constant 98 : i32
        %lt3A_155 = arith.cmpi slt, %add3A_154, %lt3A : i32
        %convert_element_type3A_156 = arith.extui %lt3A_155 : i1 to i32
        %cond3A_157 = arith.constant 0 : i32
        %cond3A_158 = arith.cmpi ne, %convert_element_type3A_156, %cond3A_157 : i32
        scf.if %cond3A_158 {
          %add3A_241 = arith.constant 1 : i32
          %add3A_242 = arith.addi %add3A_108, %add3A_241 : i32
          %add3A_243 = arith.addi %mul3A_54, %add3A_242 : i32
          %dma_start3A_244 = arith.constant 1 : i32
          %dma_start3A_245 = arith.constant 0 : i32
          %dma_start3A_246 = arith.constant 0 : i32
          %dma_start3A_247 = tpu.memref_slice %arg8[%dma_start3A_244, %dma_start3A_245, %dma_start3A_246] : memref<2x2x512xi32, #tpu.memory_space<vmem>> -> memref<1x2x512xi32, #tpu.memory_space<vmem>>
          %dma_start3A_248 = tpu.memref_squeeze %dma_start3A_247 : memref<1x2x512xi32, #tpu.memory_space<vmem>> -> memref<2x512xi32, #tpu.memory_space<vmem>>
          %dma_start3A_249 = arith.constant 0 : i32
          %dma_start3A_250 = arith.constant 0 : i32
          %dma_start3A_251 = tpu.memref_slice %arg4[%add3A_243, %dma_start3A_249, %dma_start3A_250] : memref<3136x2x512xi32, #tpu.memory_space<hbm>> -> memref<1x2x512xi32, #tpu.memory_space<hbm>>
          %dma_start3A_252 = tpu.memref_squeeze %dma_start3A_251 : memref<1x2x512xi32, #tpu.memory_space<hbm>> -> memref<2x512xi32, #tpu.memory_space<hbm>>
          %dma_start3A_253 = arith.constant 0 : i32
          %dma_start3A_254 = arith.constant 0 : i32
          %dma_start3A_255 = tpu.memref_slice %arg8[%dma_start3A_244, %dma_start3A_253, %dma_start3A_254] : memref<2x2x512xi32, #tpu.memory_space<vmem>> -> memref<1x2x512xi32, #tpu.memory_space<vmem>>
          %dma_start3A_256 = tpu.memref_squeeze %dma_start3A_255 : memref<1x2x512xi32, #tpu.memory_space<vmem>> -> memref<2x512xi32, #tpu.memory_space<vmem>>
          %dma_start3A_257 = arith.constant 0 : i32
          %dma_start3A_258 = arith.constant 0 : i32
          %dma_start3A_259 = tpu.memref_slice %arg4[%add3A_243, %dma_start3A_257, %dma_start3A_258] : memref<3136x2x512xi32, #tpu.memory_space<hbm>> -> memref<1x2x512xi32, #tpu.memory_space<hbm>>
          %dma_start3A_260 = tpu.memref_squeeze %dma_start3A_259 : memref<1x2x512xi32, #tpu.memory_space<hbm>> -> memref<2x512xi32, #tpu.memory_space<hbm>>
          tpu.enqueue_dma source(%dma_start3A_260 : memref<2x512xi32, #tpu.memory_space<hbm>>) target(%dma_start3A_256 : memref<2x512xi32, #tpu.memory_space<vmem>>) target_semaphore(%arg12 : memref<!tpu.dma_semaphore, #tpu.memory_space<semaphore_mem>>)
        } else {
        }
        %dma_start3A_159 = arith.constant 0 : i32
        %dma_start3A_160 = arith.constant 0 : i32
        %dma_start3A_161 = arith.constant 1 : i32
        %dma_start3A_162 = arith.constant 0 : i32
        %dma_start3A_163 = arith.constant 0 : i32
        %dma_start3A_164 = tpu.memref_slice %arg9[%dma_start3A_159, %dma_start3A_162, %dma_start3A_163] : memref<2x512x32xbf16, #tpu.memory_space<vmem>> -> memref<1x512x32xbf16, #tpu.memory_space<vmem>>
        %dma_start3A_165 = tpu.memref_squeeze %dma_start3A_164 : memref<1x512x32xbf16, #tpu.memory_space<vmem>> -> memref<512x32xbf16, #tpu.memory_space<vmem>>
        %dma_start3A_166 = arith.constant 0 : i32
        %dma_start3A_167 = tpu.memref_slice %arg8[%dma_start3A_160, %dma_start3A_161, %dma_start3A_166] : memref<2x2x512xi32, #tpu.memory_space<vmem>> -> memref<1x1x512xi32, #tpu.memory_space<vmem>>
        %dma_start3A_168 = tpu.memref_squeeze %dma_start3A_167 : memref<1x1x512xi32, #tpu.memory_space<vmem>> -> memref<512xi32, #tpu.memory_space<vmem>>
        %dma_start3A_169 = arith.constant 0 : i32
        %dma_start3A_170 = arith.constant 0 : i32
        %dma_start3A_171 = tpu.memref_slice %arg11[%dma_start3A_169, %dma_start3A_170] : memref<100352x32xbf16, #tpu.memory_space<vmem_shared>> -> memref<100352x32xbf16, #tpu.memory_space<vmem_shared>>
        tpu.enqueue_indirect_dma source(%dma_start3A_165 : memref<512x32xbf16, #tpu.memory_space<vmem>>) target(%dma_start3A_171 : memref<100352x32xbf16, #tpu.memory_space<vmem_shared>>) offsets(%dma_start3A_168 : memref<512xi32, #tpu.memory_space<vmem>>) semaphore(%arg14 : memref<!tpu.dma_semaphore, #tpu.memory_space<semaphore_mem>>) {add = true}
        %mul3A_172 = arith.constant 2 : i32
        %mul3A_173 = arith.muli %scan3A_104, %mul3A_172 : i32
        %add3A_174 = arith.constant 1 : i32
        %add3A_175 = arith.addi %mul3A_173, %add3A_174 : i32
        %dma_wait3A_176 = arith.constant 0 : i32
        %dma_wait3A_177 = arith.constant 1 : i32
        %dma_wait3A_178 = arith.constant 0 : i32
        %dma_wait3A_179 = arith.constant 0 : i32
        %dma_wait3A_180 = tpu.memref_slice %arg8[%dma_wait3A_177, %dma_wait3A_178, %dma_wait3A_179] : memref<2x2x512xi32, #tpu.memory_space<vmem>> -> memref<1x2x512xi32, #tpu.memory_space<vmem>>
        %dma_wait3A_181 = tpu.memref_squeeze %dma_wait3A_180 : memref<1x2x512xi32, #tpu.memory_space<vmem>> -> memref<2x512xi32, #tpu.memory_space<vmem>>
        %dma_wait3A_182 = arith.constant 0 : i32
        %dma_wait3A_183 = arith.constant 0 : i32
        %dma_wait3A_184 = tpu.memref_slice %arg4[%dma_wait3A_176, %dma_wait3A_182, %dma_wait3A_183] : memref<3136x2x512xi32, #tpu.memory_space<hbm>> -> memref<1x2x512xi32, #tpu.memory_space<hbm>>
        %dma_wait3A_185 = tpu.memref_squeeze %dma_wait3A_184 : memref<1x2x512xi32, #tpu.memory_space<hbm>> -> memref<2x512xi32, #tpu.memory_space<hbm>>
        %dma_wait3A_186 = arith.constant 0 : i32
        %dma_wait3A_187 = arith.constant 0 : i32
        %dma_wait3A_188 = tpu.memref_slice %arg8[%dma_wait3A_177, %dma_wait3A_186, %dma_wait3A_187] : memref<2x2x512xi32, #tpu.memory_space<vmem>> -> memref<1x2x512xi32, #tpu.memory_space<vmem>>
        %dma_wait3A_189 = tpu.memref_squeeze %dma_wait3A_188 : memref<1x2x512xi32, #tpu.memory_space<vmem>> -> memref<2x512xi32, #tpu.memory_space<vmem>>
        %dma_wait3A_190 = arith.constant 0 : i32
        %dma_wait3A_191 = arith.constant 0 : i32
        %dma_wait3A_192 = tpu.memref_slice %arg4[%dma_wait3A_176, %dma_wait3A_190, %dma_wait3A_191] : memref<3136x2x512xi32, #tpu.memory_space<hbm>> -> memref<1x2x512xi32, #tpu.memory_space<hbm>>
        %dma_wait3A_193 = tpu.memref_squeeze %dma_wait3A_192 : memref<1x2x512xi32, #tpu.memory_space<hbm>> -> memref<2x512xi32, #tpu.memory_space<hbm>>
        tpu.wait_dma2 semaphore(%arg12 : memref<!tpu.dma_semaphore, #tpu.memory_space<semaphore_mem>>) src(%dma_wait3A_193 : memref<2x512xi32, #tpu.memory_space<hbm>>) dst(%dma_wait3A_189 : memref<2x512xi32, #tpu.memory_space<vmem>>)
        %dma_start3A_194 = arith.constant 1 : i32
        %dma_start3A_195 = arith.constant 0 : i32
        %dma_start3A_196 = arith.constant 1 : i32
        %dma_start3A_197 = arith.constant 0 : i32
        %dma_start3A_198 = arith.constant 0 : i32
        %dma_start3A_199 = tpu.memref_slice %arg9[%dma_start3A_196, %dma_start3A_197, %dma_start3A_198] : memref<2x512x32xbf16, #tpu.memory_space<vmem>> -> memref<1x512x32xbf16, #tpu.memory_space<vmem>>
        %dma_start3A_200 = tpu.memref_squeeze %dma_start3A_199 : memref<1x512x32xbf16, #tpu.memory_space<vmem>> -> memref<512x32xbf16, #tpu.memory_space<vmem>>
        %dma_start3A_201 = arith.constant 0 : i32
        %dma_start3A_202 = tpu.memref_slice %arg8[%dma_start3A_194, %dma_start3A_195, %dma_start3A_201] : memref<2x2x512xi32, #tpu.memory_space<vmem>> -> memref<1x1x512xi32, #tpu.memory_space<vmem>>
        %dma_start3A_203 = tpu.memref_squeeze %dma_start3A_202 : memref<1x1x512xi32, #tpu.memory_space<vmem>> -> memref<512xi32, #tpu.memory_space<vmem>>
        %dma_start3A_204 = arith.constant 0 : i32
        %dma_start3A_205 = arith.constant 0 : i32
        %dma_start3A_206 = tpu.memref_slice %arg3[%dma_start3A_204, %dma_start3A_205] : memref<100352x32xbf16, #tpu.memory_space<hbm>> -> memref<100352x32xbf16, #tpu.memory_space<hbm>>
        tpu.enqueue_indirect_dma source(%dma_start3A_206 : memref<100352x32xbf16, #tpu.memory_space<hbm>>) target(%dma_start3A_200 : memref<512x32xbf16, #tpu.memory_space<vmem>>) offsets(%dma_start3A_203 : memref<512xi32, #tpu.memory_space<vmem>>) semaphore(%arg13 : memref<!tpu.dma_semaphore, #tpu.memory_space<semaphore_mem>>)
        %dma_wait3A_207 = arith.constant 1 : i32
        %dma_wait3A_208 = arith.constant 0 : i32
        %dma_wait3A_209 = arith.constant 0 : i32
        %dma_wait3A_210 = tpu.memref_slice %arg9[%dma_wait3A_207, %dma_wait3A_208, %dma_wait3A_209] : memref<2x512x32xbf16, #tpu.memory_space<vmem>> -> memref<1x512x32xbf16, #tpu.memory_space<vmem>>
        %dma_wait3A_211 = tpu.memref_squeeze %dma_wait3A_210 : memref<1x512x32xbf16, #tpu.memory_space<vmem>> -> memref<512x32xbf16, #tpu.memory_space<vmem>>
        %dma_wait3A_212 = arith.constant 0 : i32
        %dma_wait3A_213 = arith.constant 0 : i32
        %dma_wait3A_214 = tpu.memref_slice %arg9[%dma_wait3A_207, %dma_wait3A_212, %dma_wait3A_213] : memref<2x512x32xbf16, #tpu.memory_space<vmem>> -> memref<1x512x32xbf16, #tpu.memory_space<vmem>>
        %dma_wait3A_215 = tpu.memref_squeeze %dma_wait3A_214 : memref<1x512x32xbf16, #tpu.memory_space<vmem>> -> memref<512x32xbf16, #tpu.memory_space<vmem>>
        tpu.wait_dma2 semaphore(%arg13 : memref<!tpu.dma_semaphore, #tpu.memory_space<semaphore_mem>>) src(%arg5 : memref<512x32xbf16, #tpu.memory_space<hbm>>) dst(%dma_wait3A_215 : memref<512x32xbf16, #tpu.memory_space<vmem>>)
        %ge3A_216 = arith.constant 1 : i32
        %ge3A_217 = arith.cmpi sge, %add3A_175, %ge3A_216 : i32
        %convert_element_type3A_218 = arith.extui %ge3A_217 : i1 to i32
        %cond3A_219 = arith.constant 0 : i32
        %cond3A_220 = arith.cmpi ne, %convert_element_type3A_218, %cond3A_219 : i32
        scf.if %cond3A_220 {
          %dma_wait3A_241 = arith.constant 0 : i32
          %dma_wait3A_242 = arith.constant 0 : i32
          %dma_wait3A_243 = arith.constant 0 : i32
          %dma_wait3A_244 = tpu.memref_slice %arg9[%dma_wait3A_241, %dma_wait3A_242, %dma_wait3A_243] : memref<2x512x32xbf16, #tpu.memory_space<vmem>> -> memref<1x512x32xbf16, #tpu.memory_space<vmem>>
          %dma_wait3A_245 = tpu.memref_squeeze %dma_wait3A_244 : memref<1x512x32xbf16, #tpu.memory_space<vmem>> -> memref<512x32xbf16, #tpu.memory_space<vmem>>
          %dma_wait3A_246 = arith.constant 0 : i32
          %dma_wait3A_247 = arith.constant 0 : i32
          %dma_wait3A_248 = tpu.memref_slice %arg9[%dma_wait3A_241, %dma_wait3A_246, %dma_wait3A_247] : memref<2x512x32xbf16, #tpu.memory_space<vmem>> -> memref<1x512x32xbf16, #tpu.memory_space<vmem>>
          %dma_wait3A_249 = tpu.memref_squeeze %dma_wait3A_248 : memref<1x512x32xbf16, #tpu.memory_space<vmem>> -> memref<512x32xbf16, #tpu.memory_space<vmem>>
          tpu.wait_dma2 semaphore(%arg14 : memref<!tpu.dma_semaphore, #tpu.memory_space<semaphore_mem>>) src(%arg5 : memref<512x32xbf16, #tpu.memory_space<hbm>>) dst(%dma_wait3A_249 : memref<512x32xbf16, #tpu.memory_space<vmem>>)
        } else {
        }
        %add3A_221 = arith.constant 1 : i32
        %add3A_222 = arith.addi %add3A_175, %add3A_221 : i32
        %lt3A_223 = arith.constant 98 : i32
        %lt3A_224 = arith.cmpi slt, %add3A_222, %lt3A_223 : i32
        %convert_element_type3A_225 = arith.extui %lt3A_224 : i1 to i32
        %cond3A_226 = arith.constant 0 : i32
        %cond3A_227 = arith.cmpi ne, %convert_element_type3A_225, %cond3A_226 : i32
        scf.if %cond3A_227 {
          %add3A_241 = arith.constant 1 : i32
          %add3A_242 = arith.addi %add3A_175, %add3A_241 : i32
          %add3A_243 = arith.addi %mul3A_54, %add3A_242 : i32
          %dma_start3A_244 = arith.constant 0 : i32
          %dma_start3A_245 = arith.constant 0 : i32
          %dma_start3A_246 = arith.constant 0 : i32
          %dma_start3A_247 = tpu.memref_slice %arg8[%dma_start3A_244, %dma_start3A_245, %dma_start3A_246] : memref<2x2x512xi32, #tpu.memory_space<vmem>> -> memref<1x2x512xi32, #tpu.memory_space<vmem>>
          %dma_start3A_248 = tpu.memref_squeeze %dma_start3A_247 : memref<1x2x512xi32, #tpu.memory_space<vmem>> -> memref<2x512xi32, #tpu.memory_space<vmem>>
          %dma_start3A_249 = arith.constant 0 : i32
          %dma_start3A_250 = arith.constant 0 : i32
          %dma_start3A_251 = tpu.memref_slice %arg4[%add3A_243, %dma_start3A_249, %dma_start3A_250] : memref<3136x2x512xi32, #tpu.memory_space<hbm>> -> memref<1x2x512xi32, #tpu.memory_space<hbm>>
          %dma_start3A_252 = tpu.memref_squeeze %dma_start3A_251 : memref<1x2x512xi32, #tpu.memory_space<hbm>> -> memref<2x512xi32, #tpu.memory_space<hbm>>
          %dma_start3A_253 = arith.constant 0 : i32
          %dma_start3A_254 = arith.constant 0 : i32
          %dma_start3A_255 = tpu.memref_slice %arg8[%dma_start3A_244, %dma_start3A_253, %dma_start3A_254] : memref<2x2x512xi32, #tpu.memory_space<vmem>> -> memref<1x2x512xi32, #tpu.memory_space<vmem>>
          %dma_start3A_256 = tpu.memref_squeeze %dma_start3A_255 : memref<1x2x512xi32, #tpu.memory_space<vmem>> -> memref<2x512xi32, #tpu.memory_space<vmem>>
          %dma_start3A_257 = arith.constant 0 : i32
          %dma_start3A_258 = arith.constant 0 : i32
          %dma_start3A_259 = tpu.memref_slice %arg4[%add3A_243, %dma_start3A_257, %dma_start3A_258] : memref<3136x2x512xi32, #tpu.memory_space<hbm>> -> memref<1x2x512xi32, #tpu.memory_space<hbm>>
          %dma_start3A_260 = tpu.memref_squeeze %dma_start3A_259 : memref<1x2x512xi32, #tpu.memory_space<hbm>> -> memref<2x512xi32, #tpu.memory_space<hbm>>
          tpu.enqueue_dma source(%dma_start3A_260 : memref<2x512xi32, #tpu.memory_space<hbm>>) target(%dma_start3A_256 : memref<2x512xi32, #tpu.memory_space<vmem>>) target_semaphore(%arg12 : memref<!tpu.dma_semaphore, #tpu.memory_space<semaphore_mem>>)
        } else {
        }
        %dma_start3A_228 = arith.constant 1 : i32
        %dma_start3A_229 = arith.constant 1 : i32
        %dma_start3A_230 = arith.constant 1 : i32
        %dma_start3A_231 = arith.constant 0 : i32
        %dma_start3A_232 = arith.constant 0 : i32
        %dma_start3A_233 = tpu.memref_slice %arg9[%dma_start3A_228, %dma_start3A_231, %dma_start3A_232] : memref<2x512x32xbf16, #tpu.memory_space<vmem>> -> memref<1x512x32xbf16, #tpu.memory_space<vmem>>
        %dma_start3A_234 = tpu.memref_squeeze %dma_start3A_233 : memref<1x512x32xbf16, #tpu.memory_space<vmem>> -> memref<512x32xbf16, #tpu.memory_space<vmem>>
        %dma_start3A_235 = arith.constant 0 : i32
        %dma_start3A_236 = tpu.memref_slice %arg8[%dma_start3A_229, %dma_start3A_230, %dma_start3A_235] : memref<2x2x512xi32, #tpu.memory_space<vmem>> -> memref<1x1x512xi32, #tpu.memory_space<vmem>>
        %dma_start3A_237 = tpu.memref_squeeze %dma_start3A_236 : memref<1x1x512xi32, #tpu.memory_space<vmem>> -> memref<512xi32, #tpu.memory_space<vmem>>
        %dma_start3A_238 = arith.constant 0 : i32
        %dma_start3A_239 = arith.constant 0 : i32
        %dma_start3A_240 = tpu.memref_slice %arg11[%dma_start3A_238, %dma_start3A_239] : memref<100352x32xbf16, #tpu.memory_space<vmem_shared>> -> memref<100352x32xbf16, #tpu.memory_space<vmem_shared>>
        tpu.enqueue_indirect_dma source(%dma_start3A_234 : memref<512x32xbf16, #tpu.memory_space<vmem>>) target(%dma_start3A_240 : memref<100352x32xbf16, #tpu.memory_space<vmem_shared>>) offsets(%dma_start3A_237 : memref<512xi32, #tpu.memory_space<vmem>>) semaphore(%arg14 : memref<!tpu.dma_semaphore, #tpu.memory_space<semaphore_mem>>) {add = true}
      }
      %scan3A_95 = arith.constant 49 : i32
      %dma_wait3A = arith.constant 1 : i32
      %dma_wait3A_96 = arith.constant 0 : i32
      %dma_wait3A_97 = arith.constant 0 : i32
      %dma_wait3A_98 = tpu.memref_slice %arg9[%dma_wait3A, %dma_wait3A_96, %dma_wait3A_97] : memref<2x512x32xbf16, #tpu.memory_space<vmem>> -> memref<1x512x32xbf16, #tpu.memory_space<vmem>>
      %dma_wait3A_99 = tpu.memref_squeeze %dma_wait3A_98 : memref<1x512x32xbf16, #tpu.memory_space<vmem>> -> memref<512x32xbf16, #tpu.memory_space<vmem>>
      %dma_wait3A_100 = arith.constant 0 : i32
      %dma_wait3A_101 = arith.constant 0 : i32
      %dma_wait3A_102 = tpu.memref_slice %arg9[%dma_wait3A, %dma_wait3A_100, %dma_wait3A_101] : memref<2x512x32xbf16, #tpu.memory_space<vmem>> -> memref<1x512x32xbf16, #tpu.memory_space<vmem>>
      %dma_wait3A_103 = tpu.memref_squeeze %dma_wait3A_102 : memref<1x512x32xbf16, #tpu.memory_space<vmem>> -> memref<512x32xbf16, #tpu.memory_space<vmem>>
      tpu.wait_dma2 semaphore(%arg14 : memref<!tpu.dma_semaphore, #tpu.memory_space<semaphore_mem>>) src(%arg5 : memref<512x32xbf16, #tpu.memory_space<hbm>>) dst(%dma_wait3A_103 : memref<512x32xbf16, #tpu.memory_space<vmem>>)
    } else {
    }
    %barrier3A_62 = arith.constant 0 : index
    tpu.barrier barrier_id(%barrier3A_62)
    %eq3A_63 = arith.constant 0 : i32
    %eq3A_64 = arith.cmpi eq, %arg0, %eq3A_63 : i32
    %convert_element_type3A_65 = arith.extui %eq3A_64 : i1 to i32
    %cond3A_66 = arith.constant 0 : i32
    %cond3A_67 = arith.cmpi ne, %convert_element_type3A_65, %cond3A_66 : i32
    scf.if %cond3A_67 {
      %mul3A_73 = arith.constant 6272 : i32
      %mul3A_74 = arith.muli %arg1, %mul3A_73 : i32
      %mul3A_75 = arith.constant 6272 : i32
      %mul3A_76 = arith.muli %arg1, %mul3A_75 : i32
      "tpu.region"() ({
        %run_scoped3A = tpu.sem_alloc : memref<!tpu.dma_semaphore, #tpu.memory_space<semaphore_mem>>
        %dma_start3A = arith.constant 0 : i32
        %dma_start3A_77 = tpu.memref_slice %arg6[%mul3A_76, %dma_start3A] : memref<100352x32xbf16, #tpu.memory_space<hbm>> -> memref<6272x32xbf16, #tpu.memory_space<hbm>>
        %dma_start3A_78 = arith.constant 0 : i32
        %dma_start3A_79 = tpu.memref_slice %arg11[%mul3A_74, %dma_start3A_78] : memref<100352x32xbf16, #tpu.memory_space<vmem_shared>> -> memref<6272x32xbf16, #tpu.memory_space<vmem_shared>>
        tpu.enqueue_dma source(%dma_start3A_79 : memref<6272x32xbf16, #tpu.memory_space<vmem_shared>>) target(%dma_start3A_77 : memref<6272x32xbf16, #tpu.memory_space<hbm>>) target_semaphore(%run_scoped3A : memref<!tpu.dma_semaphore, #tpu.memory_space<semaphore_mem>>)
        %dma_wait3A = arith.constant 0 : i32
        %dma_wait3A_80 = tpu.memref_slice %arg6[%mul3A_76, %dma_wait3A] : memref<100352x32xbf16, #tpu.memory_space<hbm>> -> memref<6272x32xbf16, #tpu.memory_space<hbm>>
        %dma_wait3A_81 = arith.constant 0 : i32
        %dma_wait3A_82 = tpu.memref_slice %arg11[%mul3A_74, %dma_wait3A_81] : memref<100352x32xbf16, #tpu.memory_space<vmem_shared>> -> memref<6272x32xbf16, #tpu.memory_space<vmem_shared>>
        tpu.wait_dma2 semaphore(%run_scoped3A : memref<!tpu.dma_semaphore, #tpu.memory_space<semaphore_mem>>) src(%dma_wait3A_82 : memref<6272x32xbf16, #tpu.memory_space<vmem_shared>>) dst(%dma_wait3A_80 : memref<6272x32xbf16, #tpu.memory_space<hbm>>)
        tpu.yield
      }) : () -> ()
    } else {
    }
    %eq3A_68 = arith.constant 1 : i32
    %eq3A_69 = arith.cmpi eq, %arg0, %eq3A_68 : i32
    %convert_element_type3A_70 = arith.extui %eq3A_69 : i1 to i32
    %cond3A_71 = arith.constant 0 : i32
    %cond3A_72 = arith.cmpi ne, %convert_element_type3A_70, %cond3A_71 : i32
    scf.if %cond3A_72 {
      %mul3A_73 = arith.constant 6272 : i32
      %mul3A_74 = arith.muli %arg1, %mul3A_73 : i32
      %mul3A_75 = arith.constant 6272 : i32
      %mul3A_76 = arith.muli %arg1, %mul3A_75 : i32
      "tpu.region"() ({
        %run_scoped3A = tpu.sem_alloc : memref<!tpu.dma_semaphore, #tpu.memory_space<semaphore_mem>>
        %dma_start3A = arith.constant 0 : i32
        %dma_start3A_77 = tpu.memref_slice %arg7[%mul3A_76, %dma_start3A] : memref<100352x32xbf16, #tpu.memory_space<hbm>> -> memref<6272x32xbf16, #tpu.memory_space<hbm>>
        %dma_start3A_78 = arith.constant 0 : i32
        %dma_start3A_79 = tpu.memref_slice %arg11[%mul3A_74, %dma_start3A_78] : memref<100352x32xbf16, #tpu.memory_space<vmem_shared>> -> memref<6272x32xbf16, #tpu.memory_space<vmem_shared>>
        tpu.enqueue_dma source(%dma_start3A_79 : memref<6272x32xbf16, #tpu.memory_space<vmem_shared>>) target(%dma_start3A_77 : memref<6272x32xbf16, #tpu.memory_space<hbm>>) target_semaphore(%run_scoped3A : memref<!tpu.dma_semaphore, #tpu.memory_space<semaphore_mem>>)
        %dma_wait3A = arith.constant 0 : i32
        %dma_wait3A_80 = tpu.memref_slice %arg7[%mul3A_76, %dma_wait3A] : memref<100352x32xbf16, #tpu.memory_space<hbm>> -> memref<6272x32xbf16, #tpu.memory_space<hbm>>
        %dma_wait3A_81 = arith.constant 0 : i32
        %dma_wait3A_82 = tpu.memref_slice %arg11[%mul3A_74, %dma_wait3A_81] : memref<100352x32xbf16, #tpu.memory_space<vmem_shared>> -> memref<6272x32xbf16, #tpu.memory_space<vmem_shared>>
        tpu.wait_dma2 semaphore(%run_scoped3A : memref<!tpu.dma_semaphore, #tpu.memory_space<semaphore_mem>>) src(%dma_wait3A_82 : memref<6272x32xbf16, #tpu.memory_space<vmem_shared>>) dst(%dma_wait3A_80 : memref<6272x32xbf16, #tpu.memory_space<hbm>>)
        tpu.yield
      }) : () -> ()
    } else {
    }
    return
  }
}

#map = affine_map<(d0, d1) -> (0, 0)>
#map1 = affine_map<(d0, d1) -> (0, 0, 0)>
module attributes {stable_mosaic.version = 14 : i64} {
  func.func @segsum(%arg0: i32, %arg1: i32, %arg2: memref<100352x8xf32, #tpu.memory_space<hbm>>, %arg3: memref<100352x8xf32, #tpu.memory_space<hbm>>, %arg4: memref<3136x2x512xi32, #tpu.memory_space<hbm>>, %arg5: memref<512x8xf32, #tpu.memory_space<hbm>>, %arg6: memref<100352x8xf32, #tpu.memory_space<hbm>>, %arg7: memref<100352x8xf32, #tpu.memory_space<hbm>>, %arg8: memref<2x2x512xi32, #tpu.memory_space<vmem>>, %arg9: memref<2x512x8xf32, #tpu.memory_space<vmem>>, %arg10: memref<512x8xf32, #tpu.memory_space<vmem>>, %arg11: memref<100352x8xf32, #tpu.memory_space<vmem_shared>>, %arg12: memref<!tpu.dma_semaphore, #tpu.memory_space<semaphore_mem>>, %arg13: memref<!tpu.dma_semaphore, #tpu.memory_space<semaphore_mem>>, %arg14: memref<!tpu.dma_semaphore, #tpu.memory_space<semaphore_mem>>) attributes {dimension_semantics = [#tpu.dimension_semantics<core_parallel>, #tpu.dimension_semantics<subcore_parallel>], iteration_bounds = array<i64: 2, 16>, scalar_prefetch = 0 : i64, scratch_operands = 7 : i64, tpu.core_type = #tpu.core_type<sc_vector_subcore>, window_params = [{transform_indices = #map}, {transform_indices = #map}, {transform_indices = #map1}, {transform_indices = #map}, {transform_indices = #map}, {transform_indices = #map}]} {
    "tpu.region"() ({
      %run_scoped3A = tpu.sem_alloc : memref<!tpu.dma_semaphore, #tpu.memory_space<semaphore_mem>>
      tpu.enqueue_dma source(%arg5 : memref<512x8xf32, #tpu.memory_space<hbm>>) target(%arg10 : memref<512x8xf32, #tpu.memory_space<vmem>>) target_semaphore(%run_scoped3A : memref<!tpu.dma_semaphore, #tpu.memory_space<semaphore_mem>>)
      tpu.wait_dma2 semaphore(%run_scoped3A : memref<!tpu.dma_semaphore, #tpu.memory_space<semaphore_mem>>) src(%arg5 : memref<512x8xf32, #tpu.memory_space<hbm>>) dst(%arg10 : memref<512x8xf32, #tpu.memory_space<vmem>>)
      tpu.yield
    }) : () -> ()
    %mul3A = arith.constant 6272 : i32
    %mul3A_0 = arith.muli %arg1, %mul3A : i32
    %add3A = arith.constant 0 : i32
    %add3A_1 = arith.addi %mul3A_0, %add3A : i32
    "tpu.region"() ({
      %run_scoped3A = tpu.sem_alloc : memref<!tpu.dma_semaphore, #tpu.memory_space<semaphore_mem>>
      %dma_start3A = arith.constant 0 : i32
      %dma_start3A_73 = tpu.memref_slice %arg11[%add3A_1, %dma_start3A] : memref<100352x8xf32, #tpu.memory_space<vmem_shared>> -> memref<512x8xf32, #tpu.memory_space<vmem_shared>>
      %dma_start3A_74 = arith.constant 0 : i32
      %dma_start3A_75 = tpu.memref_slice %arg11[%add3A_1, %dma_start3A_74] : memref<100352x8xf32, #tpu.memory_space<vmem_shared>> -> memref<512x8xf32, #tpu.memory_space<vmem_shared>>
      tpu.enqueue_dma source(%arg10 : memref<512x8xf32, #tpu.memory_space<vmem>>) target(%dma_start3A_75 : memref<512x8xf32, #tpu.memory_space<vmem_shared>>) target_semaphore(%run_scoped3A : memref<!tpu.dma_semaphore, #tpu.memory_space<semaphore_mem>>)
      %dma_wait3A = arith.constant 0 : i32
      %dma_wait3A_76 = tpu.memref_slice %arg11[%add3A_1, %dma_wait3A] : memref<100352x8xf32, #tpu.memory_space<vmem_shared>> -> memref<512x8xf32, #tpu.memory_space<vmem_shared>>
      %dma_wait3A_77 = arith.constant 0 : i32
      %dma_wait3A_78 = tpu.memref_slice %arg11[%add3A_1, %dma_wait3A_77] : memref<100352x8xf32, #tpu.memory_space<vmem_shared>> -> memref<512x8xf32, #tpu.memory_space<vmem_shared>>
      tpu.wait_dma2 semaphore(%run_scoped3A : memref<!tpu.dma_semaphore, #tpu.memory_space<semaphore_mem>>) src(%arg10 : memref<512x8xf32, #tpu.memory_space<vmem>>) dst(%dma_wait3A_78 : memref<512x8xf32, #tpu.memory_space<vmem_shared>>)
      tpu.yield
    }) : () -> ()
    %mul3A_2 = arith.constant 6272 : i32
    %mul3A_3 = arith.muli %arg1, %mul3A_2 : i32
    %add3A_4 = arith.constant 512 : i32
    %add3A_5 = arith.addi %mul3A_3, %add3A_4 : i32
    "tpu.region"() ({
      %run_scoped3A = tpu.sem_alloc : memref<!tpu.dma_semaphore, #tpu.memory_space<semaphore_mem>>
      %dma_start3A = arith.constant 0 : i32
      %dma_start3A_73 = tpu.memref_slice %arg11[%add3A_5, %dma_start3A] : memref<100352x8xf32, #tpu.memory_space<vmem_shared>> -> memref<512x8xf32, #tpu.memory_space<vmem_shared>>
      %dma_start3A_74 = arith.constant 0 : i32
      %dma_start3A_75 = tpu.memref_slice %arg11[%add3A_5, %dma_start3A_74] : memref<100352x8xf32, #tpu.memory_space<vmem_shared>> -> memref<512x8xf32, #tpu.memory_space<vmem_shared>>
      tpu.enqueue_dma source(%arg10 : memref<512x8xf32, #tpu.memory_space<vmem>>) target(%dma_start3A_75 : memref<512x8xf32, #tpu.memory_space<vmem_shared>>) target_semaphore(%run_scoped3A : memref<!tpu.dma_semaphore, #tpu.memory_space<semaphore_mem>>)
      %dma_wait3A = arith.constant 0 : i32
      %dma_wait3A_76 = tpu.memref_slice %arg11[%add3A_5, %dma_wait3A] : memref<100352x8xf32, #tpu.memory_space<vmem_shared>> -> memref<512x8xf32, #tpu.memory_space<vmem_shared>>
      %dma_wait3A_77 = arith.constant 0 : i32
      %dma_wait3A_78 = tpu.memref_slice %arg11[%add3A_5, %dma_wait3A_77] : memref<100352x8xf32, #tpu.memory_space<vmem_shared>> -> memref<512x8xf32, #tpu.memory_space<vmem_shared>>
      tpu.wait_dma2 semaphore(%run_scoped3A : memref<!tpu.dma_semaphore, #tpu.memory_space<semaphore_mem>>) src(%arg10 : memref<512x8xf32, #tpu.memory_space<vmem>>) dst(%dma_wait3A_78 : memref<512x8xf32, #tpu.memory_space<vmem_shared>>)
      tpu.yield
    }) : () -> ()
    %mul3A_6 = arith.constant 6272 : i32
    %mul3A_7 = arith.muli %arg1, %mul3A_6 : i32
    %add3A_8 = arith.constant 1024 : i32
    %add3A_9 = arith.addi %mul3A_7, %add3A_8 : i32
    "tpu.region"() ({
      %run_scoped3A = tpu.sem_alloc : memref<!tpu.dma_semaphore, #tpu.memory_space<semaphore_mem>>
      %dma_start3A = arith.constant 0 : i32
      %dma_start3A_73 = tpu.memref_slice %arg11[%add3A_9, %dma_start3A] : memref<100352x8xf32, #tpu.memory_space<vmem_shared>> -> memref<512x8xf32, #tpu.memory_space<vmem_shared>>
      %dma_start3A_74 = arith.constant 0 : i32
      %dma_start3A_75 = tpu.memref_slice %arg11[%add3A_9, %dma_start3A_74] : memref<100352x8xf32, #tpu.memory_space<vmem_shared>> -> memref<512x8xf32, #tpu.memory_space<vmem_shared>>
      tpu.enqueue_dma source(%arg10 : memref<512x8xf32, #tpu.memory_space<vmem>>) target(%dma_start3A_75 : memref<512x8xf32, #tpu.memory_space<vmem_shared>>) target_semaphore(%run_scoped3A : memref<!tpu.dma_semaphore, #tpu.memory_space<semaphore_mem>>)
      %dma_wait3A = arith.constant 0 : i32
      %dma_wait3A_76 = tpu.memref_slice %arg11[%add3A_9, %dma_wait3A] : memref<100352x8xf32, #tpu.memory_space<vmem_shared>> -> memref<512x8xf32, #tpu.memory_space<vmem_shared>>
      %dma_wait3A_77 = arith.constant 0 : i32
      %dma_wait3A_78 = tpu.memref_slice %arg11[%add3A_9, %dma_wait3A_77] : memref<100352x8xf32, #tpu.memory_space<vmem_shared>> -> memref<512x8xf32, #tpu.memory_space<vmem_shared>>
      tpu.wait_dma2 semaphore(%run_scoped3A : memref<!tpu.dma_semaphore, #tpu.memory_space<semaphore_mem>>) src(%arg10 : memref<512x8xf32, #tpu.memory_space<vmem>>) dst(%dma_wait3A_78 : memref<512x8xf32, #tpu.memory_space<vmem_shared>>)
      tpu.yield
    }) : () -> ()
    %mul3A_10 = arith.constant 6272 : i32
    %mul3A_11 = arith.muli %arg1, %mul3A_10 : i32
    %add3A_12 = arith.constant 1536 : i32
    %add3A_13 = arith.addi %mul3A_11, %add3A_12 : i32
    "tpu.region"() ({
      %run_scoped3A = tpu.sem_alloc : memref<!tpu.dma_semaphore, #tpu.memory_space<semaphore_mem>>
      %dma_start3A = arith.constant 0 : i32
      %dma_start3A_73 = tpu.memref_slice %arg11[%add3A_13, %dma_start3A] : memref<100352x8xf32, #tpu.memory_space<vmem_shared>> -> memref<512x8xf32, #tpu.memory_space<vmem_shared>>
      %dma_start3A_74 = arith.constant 0 : i32
      %dma_start3A_75 = tpu.memref_slice %arg11[%add3A_13, %dma_start3A_74] : memref<100352x8xf32, #tpu.memory_space<vmem_shared>> -> memref<512x8xf32, #tpu.memory_space<vmem_shared>>
      tpu.enqueue_dma source(%arg10 : memref<512x8xf32, #tpu.memory_space<vmem>>) target(%dma_start3A_75 : memref<512x8xf32, #tpu.memory_space<vmem_shared>>) target_semaphore(%run_scoped3A : memref<!tpu.dma_semaphore, #tpu.memory_space<semaphore_mem>>)
      %dma_wait3A = arith.constant 0 : i32
      %dma_wait3A_76 = tpu.memref_slice %arg11[%add3A_13, %dma_wait3A] : memref<100352x8xf32, #tpu.memory_space<vmem_shared>> -> memref<512x8xf32, #tpu.memory_space<vmem_shared>>
      %dma_wait3A_77 = arith.constant 0 : i32
      %dma_wait3A_78 = tpu.memref_slice %arg11[%add3A_13, %dma_wait3A_77] : memref<100352x8xf32, #tpu.memory_space<vmem_shared>> -> memref<512x8xf32, #tpu.memory_space<vmem_shared>>
      tpu.wait_dma2 semaphore(%run_scoped3A : memref<!tpu.dma_semaphore, #tpu.memory_space<semaphore_mem>>) src(%arg10 : memref<512x8xf32, #tpu.memory_space<vmem>>) dst(%dma_wait3A_78 : memref<512x8xf32, #tpu.memory_space<vmem_shared>>)
      tpu.yield
    }) : () -> ()
    %mul3A_14 = arith.constant 6272 : i32
    %mul3A_15 = arith.muli %arg1, %mul3A_14 : i32
    %add3A_16 = arith.constant 2048 : i32
    %add3A_17 = arith.addi %mul3A_15, %add3A_16 : i32
    "tpu.region"() ({
      %run_scoped3A = tpu.sem_alloc : memref<!tpu.dma_semaphore, #tpu.memory_space<semaphore_mem>>
      %dma_start3A = arith.constant 0 : i32
      %dma_start3A_73 = tpu.memref_slice %arg11[%add3A_17, %dma_start3A] : memref<100352x8xf32, #tpu.memory_space<vmem_shared>> -> memref<512x8xf32, #tpu.memory_space<vmem_shared>>
      %dma_start3A_74 = arith.constant 0 : i32
      %dma_start3A_75 = tpu.memref_slice %arg11[%add3A_17, %dma_start3A_74] : memref<100352x8xf32, #tpu.memory_space<vmem_shared>> -> memref<512x8xf32, #tpu.memory_space<vmem_shared>>
      tpu.enqueue_dma source(%arg10 : memref<512x8xf32, #tpu.memory_space<vmem>>) target(%dma_start3A_75 : memref<512x8xf32, #tpu.memory_space<vmem_shared>>) target_semaphore(%run_scoped3A : memref<!tpu.dma_semaphore, #tpu.memory_space<semaphore_mem>>)
      %dma_wait3A = arith.constant 0 : i32
      %dma_wait3A_76 = tpu.memref_slice %arg11[%add3A_17, %dma_wait3A] : memref<100352x8xf32, #tpu.memory_space<vmem_shared>> -> memref<512x8xf32, #tpu.memory_space<vmem_shared>>
      %dma_wait3A_77 = arith.constant 0 : i32
      %dma_wait3A_78 = tpu.memref_slice %arg11[%add3A_17, %dma_wait3A_77] : memref<100352x8xf32, #tpu.memory_space<vmem_shared>> -> memref<512x8xf32, #tpu.memory_space<vmem_shared>>
      tpu.wait_dma2 semaphore(%run_scoped3A : memref<!tpu.dma_semaphore, #tpu.memory_space<semaphore_mem>>) src(%arg10 : memref<512x8xf32, #tpu.memory_space<vmem>>) dst(%dma_wait3A_78 : memref<512x8xf32, #tpu.memory_space<vmem_shared>>)
      tpu.yield
    }) : () -> ()
    %mul3A_18 = arith.constant 6272 : i32
    %mul3A_19 = arith.muli %arg1, %mul3A_18 : i32
    %add3A_20 = arith.constant 2560 : i32
    %add3A_21 = arith.addi %mul3A_19, %add3A_20 : i32
    "tpu.region"() ({
      %run_scoped3A = tpu.sem_alloc : memref<!tpu.dma_semaphore, #tpu.memory_space<semaphore_mem>>
      %dma_start3A = arith.constant 0 : i32
      %dma_start3A_73 = tpu.memref_slice %arg11[%add3A_21, %dma_start3A] : memref<100352x8xf32, #tpu.memory_space<vmem_shared>> -> memref<512x8xf32, #tpu.memory_space<vmem_shared>>
      %dma_start3A_74 = arith.constant 0 : i32
      %dma_start3A_75 = tpu.memref_slice %arg11[%add3A_21, %dma_start3A_74] : memref<100352x8xf32, #tpu.memory_space<vmem_shared>> -> memref<512x8xf32, #tpu.memory_space<vmem_shared>>
      tpu.enqueue_dma source(%arg10 : memref<512x8xf32, #tpu.memory_space<vmem>>) target(%dma_start3A_75 : memref<512x8xf32, #tpu.memory_space<vmem_shared>>) target_semaphore(%run_scoped3A : memref<!tpu.dma_semaphore, #tpu.memory_space<semaphore_mem>>)
      %dma_wait3A = arith.constant 0 : i32
      %dma_wait3A_76 = tpu.memref_slice %arg11[%add3A_21, %dma_wait3A] : memref<100352x8xf32, #tpu.memory_space<vmem_shared>> -> memref<512x8xf32, #tpu.memory_space<vmem_shared>>
      %dma_wait3A_77 = arith.constant 0 : i32
      %dma_wait3A_78 = tpu.memref_slice %arg11[%add3A_21, %dma_wait3A_77] : memref<100352x8xf32, #tpu.memory_space<vmem_shared>> -> memref<512x8xf32, #tpu.memory_space<vmem_shared>>
      tpu.wait_dma2 semaphore(%run_scoped3A : memref<!tpu.dma_semaphore, #tpu.memory_space<semaphore_mem>>) src(%arg10 : memref<512x8xf32, #tpu.memory_space<vmem>>) dst(%dma_wait3A_78 : memref<512x8xf32, #tpu.memory_space<vmem_shared>>)
      tpu.yield
    }) : () -> ()
    %mul3A_22 = arith.constant 6272 : i32
    %mul3A_23 = arith.muli %arg1, %mul3A_22 : i32
    %add3A_24 = arith.constant 3072 : i32
    %add3A_25 = arith.addi %mul3A_23, %add3A_24 : i32
    "tpu.region"() ({
      %run_scoped3A = tpu.sem_alloc : memref<!tpu.dma_semaphore, #tpu.memory_space<semaphore_mem>>
      %dma_start3A = arith.constant 0 : i32
      %dma_start3A_73 = tpu.memref_slice %arg11[%add3A_25, %dma_start3A] : memref<100352x8xf32, #tpu.memory_space<vmem_shared>> -> memref<512x8xf32, #tpu.memory_space<vmem_shared>>
      %dma_start3A_74 = arith.constant 0 : i32
      %dma_start3A_75 = tpu.memref_slice %arg11[%add3A_25, %dma_start3A_74] : memref<100352x8xf32, #tpu.memory_space<vmem_shared>> -> memref<512x8xf32, #tpu.memory_space<vmem_shared>>
      tpu.enqueue_dma source(%arg10 : memref<512x8xf32, #tpu.memory_space<vmem>>) target(%dma_start3A_75 : memref<512x8xf32, #tpu.memory_space<vmem_shared>>) target_semaphore(%run_scoped3A : memref<!tpu.dma_semaphore, #tpu.memory_space<semaphore_mem>>)
      %dma_wait3A = arith.constant 0 : i32
      %dma_wait3A_76 = tpu.memref_slice %arg11[%add3A_25, %dma_wait3A] : memref<100352x8xf32, #tpu.memory_space<vmem_shared>> -> memref<512x8xf32, #tpu.memory_space<vmem_shared>>
      %dma_wait3A_77 = arith.constant 0 : i32
      %dma_wait3A_78 = tpu.memref_slice %arg11[%add3A_25, %dma_wait3A_77] : memref<100352x8xf32, #tpu.memory_space<vmem_shared>> -> memref<512x8xf32, #tpu.memory_space<vmem_shared>>
      tpu.wait_dma2 semaphore(%run_scoped3A : memref<!tpu.dma_semaphore, #tpu.memory_space<semaphore_mem>>) src(%arg10 : memref<512x8xf32, #tpu.memory_space<vmem>>) dst(%dma_wait3A_78 : memref<512x8xf32, #tpu.memory_space<vmem_shared>>)
      tpu.yield
    }) : () -> ()
    %mul3A_26 = arith.constant 6272 : i32
    %mul3A_27 = arith.muli %arg1, %mul3A_26 : i32
    %add3A_28 = arith.constant 3584 : i32
    %add3A_29 = arith.addi %mul3A_27, %add3A_28 : i32
    "tpu.region"() ({
      %run_scoped3A = tpu.sem_alloc : memref<!tpu.dma_semaphore, #tpu.memory_space<semaphore_mem>>
      %dma_start3A = arith.constant 0 : i32
      %dma_start3A_73 = tpu.memref_slice %arg11[%add3A_29, %dma_start3A] : memref<100352x8xf32, #tpu.memory_space<vmem_shared>> -> memref<512x8xf32, #tpu.memory_space<vmem_shared>>
      %dma_start3A_74 = arith.constant 0 : i32
      %dma_start3A_75 = tpu.memref_slice %arg11[%add3A_29, %dma_start3A_74] : memref<100352x8xf32, #tpu.memory_space<vmem_shared>> -> memref<512x8xf32, #tpu.memory_space<vmem_shared>>
      tpu.enqueue_dma source(%arg10 : memref<512x8xf32, #tpu.memory_space<vmem>>) target(%dma_start3A_75 : memref<512x8xf32, #tpu.memory_space<vmem_shared>>) target_semaphore(%run_scoped3A : memref<!tpu.dma_semaphore, #tpu.memory_space<semaphore_mem>>)
      %dma_wait3A = arith.constant 0 : i32
      %dma_wait3A_76 = tpu.memref_slice %arg11[%add3A_29, %dma_wait3A] : memref<100352x8xf32, #tpu.memory_space<vmem_shared>> -> memref<512x8xf32, #tpu.memory_space<vmem_shared>>
      %dma_wait3A_77 = arith.constant 0 : i32
      %dma_wait3A_78 = tpu.memref_slice %arg11[%add3A_29, %dma_wait3A_77] : memref<100352x8xf32, #tpu.memory_space<vmem_shared>> -> memref<512x8xf32, #tpu.memory_space<vmem_shared>>
      tpu.wait_dma2 semaphore(%run_scoped3A : memref<!tpu.dma_semaphore, #tpu.memory_space<semaphore_mem>>) src(%arg10 : memref<512x8xf32, #tpu.memory_space<vmem>>) dst(%dma_wait3A_78 : memref<512x8xf32, #tpu.memory_space<vmem_shared>>)
      tpu.yield
    }) : () -> ()
    %mul3A_30 = arith.constant 6272 : i32
    %mul3A_31 = arith.muli %arg1, %mul3A_30 : i32
    %add3A_32 = arith.constant 4096 : i32
    %add3A_33 = arith.addi %mul3A_31, %add3A_32 : i32
    "tpu.region"() ({
      %run_scoped3A = tpu.sem_alloc : memref<!tpu.dma_semaphore, #tpu.memory_space<semaphore_mem>>
      %dma_start3A = arith.constant 0 : i32
      %dma_start3A_73 = tpu.memref_slice %arg11[%add3A_33, %dma_start3A] : memref<100352x8xf32, #tpu.memory_space<vmem_shared>> -> memref<512x8xf32, #tpu.memory_space<vmem_shared>>
      %dma_start3A_74 = arith.constant 0 : i32
      %dma_start3A_75 = tpu.memref_slice %arg11[%add3A_33, %dma_start3A_74] : memref<100352x8xf32, #tpu.memory_space<vmem_shared>> -> memref<512x8xf32, #tpu.memory_space<vmem_shared>>
      tpu.enqueue_dma source(%arg10 : memref<512x8xf32, #tpu.memory_space<vmem>>) target(%dma_start3A_75 : memref<512x8xf32, #tpu.memory_space<vmem_shared>>) target_semaphore(%run_scoped3A : memref<!tpu.dma_semaphore, #tpu.memory_space<semaphore_mem>>)
      %dma_wait3A = arith.constant 0 : i32
      %dma_wait3A_76 = tpu.memref_slice %arg11[%add3A_33, %dma_wait3A] : memref<100352x8xf32, #tpu.memory_space<vmem_shared>> -> memref<512x8xf32, #tpu.memory_space<vmem_shared>>
      %dma_wait3A_77 = arith.constant 0 : i32
      %dma_wait3A_78 = tpu.memref_slice %arg11[%add3A_33, %dma_wait3A_77] : memref<100352x8xf32, #tpu.memory_space<vmem_shared>> -> memref<512x8xf32, #tpu.memory_space<vmem_shared>>
      tpu.wait_dma2 semaphore(%run_scoped3A : memref<!tpu.dma_semaphore, #tpu.memory_space<semaphore_mem>>) src(%arg10 : memref<512x8xf32, #tpu.memory_space<vmem>>) dst(%dma_wait3A_78 : memref<512x8xf32, #tpu.memory_space<vmem_shared>>)
      tpu.yield
    }) : () -> ()
    %mul3A_34 = arith.constant 6272 : i32
    %mul3A_35 = arith.muli %arg1, %mul3A_34 : i32
    %add3A_36 = arith.constant 4608 : i32
    %add3A_37 = arith.addi %mul3A_35, %add3A_36 : i32
    "tpu.region"() ({
      %run_scoped3A = tpu.sem_alloc : memref<!tpu.dma_semaphore, #tpu.memory_space<semaphore_mem>>
      %dma_start3A = arith.constant 0 : i32
      %dma_start3A_73 = tpu.memref_slice %arg11[%add3A_37, %dma_start3A] : memref<100352x8xf32, #tpu.memory_space<vmem_shared>> -> memref<512x8xf32, #tpu.memory_space<vmem_shared>>
      %dma_start3A_74 = arith.constant 0 : i32
      %dma_start3A_75 = tpu.memref_slice %arg11[%add3A_37, %dma_start3A_74] : memref<100352x8xf32, #tpu.memory_space<vmem_shared>> -> memref<512x8xf32, #tpu.memory_space<vmem_shared>>
      tpu.enqueue_dma source(%arg10 : memref<512x8xf32, #tpu.memory_space<vmem>>) target(%dma_start3A_75 : memref<512x8xf32, #tpu.memory_space<vmem_shared>>) target_semaphore(%run_scoped3A : memref<!tpu.dma_semaphore, #tpu.memory_space<semaphore_mem>>)
      %dma_wait3A = arith.constant 0 : i32
      %dma_wait3A_76 = tpu.memref_slice %arg11[%add3A_37, %dma_wait3A] : memref<100352x8xf32, #tpu.memory_space<vmem_shared>> -> memref<512x8xf32, #tpu.memory_space<vmem_shared>>
      %dma_wait3A_77 = arith.constant 0 : i32
      %dma_wait3A_78 = tpu.memref_slice %arg11[%add3A_37, %dma_wait3A_77] : memref<100352x8xf32, #tpu.memory_space<vmem_shared>> -> memref<512x8xf32, #tpu.memory_space<vmem_shared>>
      tpu.wait_dma2 semaphore(%run_scoped3A : memref<!tpu.dma_semaphore, #tpu.memory_space<semaphore_mem>>) src(%arg10 : memref<512x8xf32, #tpu.memory_space<vmem>>) dst(%dma_wait3A_78 : memref<512x8xf32, #tpu.memory_space<vmem_shared>>)
      tpu.yield
    }) : () -> ()
    %mul3A_38 = arith.constant 6272 : i32
    %mul3A_39 = arith.muli %arg1, %mul3A_38 : i32
    %add3A_40 = arith.constant 5120 : i32
    %add3A_41 = arith.addi %mul3A_39, %add3A_40 : i32
    "tpu.region"() ({
      %run_scoped3A = tpu.sem_alloc : memref<!tpu.dma_semaphore, #tpu.memory_space<semaphore_mem>>
      %dma_start3A = arith.constant 0 : i32
      %dma_start3A_73 = tpu.memref_slice %arg11[%add3A_41, %dma_start3A] : memref<100352x8xf32, #tpu.memory_space<vmem_shared>> -> memref<512x8xf32, #tpu.memory_space<vmem_shared>>
      %dma_start3A_74 = arith.constant 0 : i32
      %dma_start3A_75 = tpu.memref_slice %arg11[%add3A_41, %dma_start3A_74] : memref<100352x8xf32, #tpu.memory_space<vmem_shared>> -> memref<512x8xf32, #tpu.memory_space<vmem_shared>>
      tpu.enqueue_dma source(%arg10 : memref<512x8xf32, #tpu.memory_space<vmem>>) target(%dma_start3A_75 : memref<512x8xf32, #tpu.memory_space<vmem_shared>>) target_semaphore(%run_scoped3A : memref<!tpu.dma_semaphore, #tpu.memory_space<semaphore_mem>>)
      %dma_wait3A = arith.constant 0 : i32
      %dma_wait3A_76 = tpu.memref_slice %arg11[%add3A_41, %dma_wait3A] : memref<100352x8xf32, #tpu.memory_space<vmem_shared>> -> memref<512x8xf32, #tpu.memory_space<vmem_shared>>
      %dma_wait3A_77 = arith.constant 0 : i32
      %dma_wait3A_78 = tpu.memref_slice %arg11[%add3A_41, %dma_wait3A_77] : memref<100352x8xf32, #tpu.memory_space<vmem_shared>> -> memref<512x8xf32, #tpu.memory_space<vmem_shared>>
      tpu.wait_dma2 semaphore(%run_scoped3A : memref<!tpu.dma_semaphore, #tpu.memory_space<semaphore_mem>>) src(%arg10 : memref<512x8xf32, #tpu.memory_space<vmem>>) dst(%dma_wait3A_78 : memref<512x8xf32, #tpu.memory_space<vmem_shared>>)
      tpu.yield
    }) : () -> ()
    %mul3A_42 = arith.constant 6272 : i32
    %mul3A_43 = arith.muli %arg1, %mul3A_42 : i32
    %add3A_44 = arith.constant 5632 : i32
    %add3A_45 = arith.addi %mul3A_43, %add3A_44 : i32
    "tpu.region"() ({
      %run_scoped3A = tpu.sem_alloc : memref<!tpu.dma_semaphore, #tpu.memory_space<semaphore_mem>>
      %dma_start3A = arith.constant 0 : i32
      %dma_start3A_73 = tpu.memref_slice %arg11[%add3A_45, %dma_start3A] : memref<100352x8xf32, #tpu.memory_space<vmem_shared>> -> memref<512x8xf32, #tpu.memory_space<vmem_shared>>
      %dma_start3A_74 = arith.constant 0 : i32
      %dma_start3A_75 = tpu.memref_slice %arg11[%add3A_45, %dma_start3A_74] : memref<100352x8xf32, #tpu.memory_space<vmem_shared>> -> memref<512x8xf32, #tpu.memory_space<vmem_shared>>
      tpu.enqueue_dma source(%arg10 : memref<512x8xf32, #tpu.memory_space<vmem>>) target(%dma_start3A_75 : memref<512x8xf32, #tpu.memory_space<vmem_shared>>) target_semaphore(%run_scoped3A : memref<!tpu.dma_semaphore, #tpu.memory_space<semaphore_mem>>)
      %dma_wait3A = arith.constant 0 : i32
      %dma_wait3A_76 = tpu.memref_slice %arg11[%add3A_45, %dma_wait3A] : memref<100352x8xf32, #tpu.memory_space<vmem_shared>> -> memref<512x8xf32, #tpu.memory_space<vmem_shared>>
      %dma_wait3A_77 = arith.constant 0 : i32
      %dma_wait3A_78 = tpu.memref_slice %arg11[%add3A_45, %dma_wait3A_77] : memref<100352x8xf32, #tpu.memory_space<vmem_shared>> -> memref<512x8xf32, #tpu.memory_space<vmem_shared>>
      tpu.wait_dma2 semaphore(%run_scoped3A : memref<!tpu.dma_semaphore, #tpu.memory_space<semaphore_mem>>) src(%arg10 : memref<512x8xf32, #tpu.memory_space<vmem>>) dst(%dma_wait3A_78 : memref<512x8xf32, #tpu.memory_space<vmem_shared>>)
      tpu.yield
    }) : () -> ()
    %mul3A_46 = arith.constant 6272 : i32
    %mul3A_47 = arith.muli %arg1, %mul3A_46 : i32
    %add3A_48 = arith.constant 6144 : i32
    %add3A_49 = arith.addi %mul3A_47, %add3A_48 : i32
    "tpu.region"() ({
      %run_scoped3A = tpu.sem_alloc : memref<!tpu.dma_semaphore, #tpu.memory_space<semaphore_mem>>
      %dma_start3A = arith.constant 0 : i32
      %dma_start3A_73 = arith.constant 0 : i32
      %dma_start3A_74 = tpu.memref_slice %arg10[%dma_start3A, %dma_start3A_73] : memref<512x8xf32, #tpu.memory_space<vmem>> -> memref<128x8xf32, #tpu.memory_space<vmem>>
      %dma_start3A_75 = arith.constant 0 : i32
      %dma_start3A_76 = tpu.memref_slice %arg11[%add3A_49, %dma_start3A_75] : memref<100352x8xf32, #tpu.memory_space<vmem_shared>> -> memref<128x8xf32, #tpu.memory_space<vmem_shared>>
      %dma_start3A_77 = arith.constant 0 : i32
      %dma_start3A_78 = tpu.memref_slice %arg11[%add3A_49, %dma_start3A_77] : memref<100352x8xf32, #tpu.memory_space<vmem_shared>> -> memref<128x8xf32, #tpu.memory_space<vmem_shared>>
      %dma_start3A_79 = arith.constant 0 : i32
      %dma_start3A_80 = arith.constant 0 : i32
      %dma_start3A_81 = tpu.memref_slice %arg10[%dma_start3A_79, %dma_start3A_80] : memref<512x8xf32, #tpu.memory_space<vmem>> -> memref<128x8xf32, #tpu.memory_space<vmem>>
      tpu.enqueue_dma source(%dma_start3A_81 : memref<128x8xf32, #tpu.memory_space<vmem>>) target(%dma_start3A_78 : memref<128x8xf32, #tpu.memory_space<vmem_shared>>) target_semaphore(%run_scoped3A : memref<!tpu.dma_semaphore, #tpu.memory_space<semaphore_mem>>)
      %dma_wait3A = arith.constant 0 : i32
      %dma_wait3A_82 = arith.constant 0 : i32
      %dma_wait3A_83 = tpu.memref_slice %arg10[%dma_wait3A, %dma_wait3A_82] : memref<512x8xf32, #tpu.memory_space<vmem>> -> memref<128x8xf32, #tpu.memory_space<vmem>>
      %dma_wait3A_84 = arith.constant 0 : i32
      %dma_wait3A_85 = tpu.memref_slice %arg11[%add3A_49, %dma_wait3A_84] : memref<100352x8xf32, #tpu.memory_space<vmem_shared>> -> memref<128x8xf32, #tpu.memory_space<vmem_shared>>
      %dma_wait3A_86 = arith.constant 0 : i32
      %dma_wait3A_87 = tpu.memref_slice %arg11[%add3A_49, %dma_wait3A_86] : memref<100352x8xf32, #tpu.memory_space<vmem_shared>> -> memref<128x8xf32, #tpu.memory_space<vmem_shared>>
      %dma_wait3A_88 = arith.constant 0 : i32
      %dma_wait3A_89 = arith.constant 0 : i32
      %dma_wait3A_90 = tpu.memref_slice %arg10[%dma_wait3A_88, %dma_wait3A_89] : memref<512x8xf32, #tpu.memory_space<vmem>> -> memref<128x8xf32, #tpu.memory_space<vmem>>
      tpu.wait_dma2 semaphore(%run_scoped3A : memref<!tpu.dma_semaphore, #tpu.memory_space<semaphore_mem>>) src(%dma_wait3A_90 : memref<128x8xf32, #tpu.memory_space<vmem>>) dst(%dma_wait3A_87 : memref<128x8xf32, #tpu.memory_space<vmem_shared>>)
      tpu.yield
    }) : () -> ()
    %barrier3A = arith.constant 0 : index
    tpu.barrier barrier_id(%barrier3A)
    %mul3A_50 = arith.constant 16 : i32
    %mul3A_51 = arith.muli %arg0, %mul3A_50 : i32
    %add3A_52 = arith.addi %mul3A_51, %arg1 : i32
    %mul3A_53 = arith.constant 98 : i32
    %mul3A_54 = arith.muli %add3A_52, %mul3A_53 : i32
    %eq3A = arith.constant 0 : i32
    %eq3A_55 = arith.cmpi eq, %arg0, %eq3A : i32
    %convert_element_type3A = arith.extui %eq3A_55 : i1 to i32
    %cond3A = arith.constant 0 : i32
    %cond3A_56 = arith.cmpi ne, %convert_element_type3A, %cond3A : i32
    scf.if %cond3A_56 {
      %add3A_73 = arith.constant 0 : i32
      %add3A_74 = arith.addi %mul3A_54, %add3A_73 : i32
      %dma_start3A = arith.constant 0 : i32
      %dma_start3A_75 = arith.constant 0 : i32
      %dma_start3A_76 = arith.constant 0 : i32
      %dma_start3A_77 = tpu.memref_slice %arg8[%dma_start3A, %dma_start3A_75, %dma_start3A_76] : memref<2x2x512xi32, #tpu.memory_space<vmem>> -> memref<1x2x512xi32, #tpu.memory_space<vmem>>
      %dma_start3A_78 = tpu.memref_squeeze %dma_start3A_77 : memref<1x2x512xi32, #tpu.memory_space<vmem>> -> memref<2x512xi32, #tpu.memory_space<vmem>>
      %dma_start3A_79 = arith.constant 0 : i32
      %dma_start3A_80 = arith.constant 0 : i32
      %dma_start3A_81 = tpu.memref_slice %arg4[%add3A_74, %dma_start3A_79, %dma_start3A_80] : memref<3136x2x512xi32, #tpu.memory_space<hbm>> -> memref<1x2x512xi32, #tpu.memory_space<hbm>>
      %dma_start3A_82 = tpu.memref_squeeze %dma_start3A_81 : memref<1x2x512xi32, #tpu.memory_space<hbm>> -> memref<2x512xi32, #tpu.memory_space<hbm>>
      %dma_start3A_83 = arith.constant 0 : i32
      %dma_start3A_84 = arith.constant 0 : i32
      %dma_start3A_85 = tpu.memref_slice %arg8[%dma_start3A, %dma_start3A_83, %dma_start3A_84] : memref<2x2x512xi32, #tpu.memory_space<vmem>> -> memref<1x2x512xi32, #tpu.memory_space<vmem>>
      %dma_start3A_86 = tpu.memref_squeeze %dma_start3A_85 : memref<1x2x512xi32, #tpu.memory_space<vmem>> -> memref<2x512xi32, #tpu.memory_space<vmem>>
      %dma_start3A_87 = arith.constant 0 : i32
      %dma_start3A_88 = arith.constant 0 : i32
      %dma_start3A_89 = tpu.memref_slice %arg4[%add3A_74, %dma_start3A_87, %dma_start3A_88] : memref<3136x2x512xi32, #tpu.memory_space<hbm>> -> memref<1x2x512xi32, #tpu.memory_space<hbm>>
      %dma_start3A_90 = tpu.memref_squeeze %dma_start3A_89 : memref<1x2x512xi32, #tpu.memory_space<hbm>> -> memref<2x512xi32, #tpu.memory_space<hbm>>
      tpu.enqueue_dma source(%dma_start3A_90 : memref<2x512xi32, #tpu.memory_space<hbm>>) target(%dma_start3A_86 : memref<2x512xi32, #tpu.memory_space<vmem>>) target_semaphore(%arg12 : memref<!tpu.dma_semaphore, #tpu.memory_space<semaphore_mem>>)
      %scan3A = arith.constant 0 : i32
      %scan3A_91 = arith.constant 0 : i32
      %scan3A_92 = arith.constant 49 : i32
      %scan3A_93 = arith.addi %scan3A_91, %scan3A_92 : i32
      %scan3A_94 = arith.constant 1 : i32
      scf.for %scan3A_104 = %scan3A_91 to %scan3A_93 step %scan3A_94  : i32 {
        %mul3A_105 = arith.constant 2 : i32
        %mul3A_106 = arith.muli %scan3A_104, %mul3A_105 : i32
        %add3A_107 = arith.constant 0 : i32
        %add3A_108 = arith.addi %mul3A_106, %add3A_107 : i32
        %dma_wait3A_109 = arith.constant 0 : i32
        %dma_wait3A_110 = arith.constant 0 : i32
        %dma_wait3A_111 = arith.constant 0 : i32
        %dma_wait3A_112 = arith.constant 0 : i32
        %dma_wait3A_113 = tpu.memref_slice %arg8[%dma_wait3A_110, %dma_wait3A_111, %dma_wait3A_112] : memref<2x2x512xi32, #tpu.memory_space<vmem>> -> memref<1x2x512xi32, #tpu.memory_space<vmem>>
        %dma_wait3A_114 = tpu.memref_squeeze %dma_wait3A_113 : memref<1x2x512xi32, #tpu.memory_space<vmem>> -> memref<2x512xi32, #tpu.memory_space<vmem>>
        %dma_wait3A_115 = arith.constant 0 : i32
        %dma_wait3A_116 = arith.constant 0 : i32
        %dma_wait3A_117 = tpu.memref_slice %arg4[%dma_wait3A_109, %dma_wait3A_115, %dma_wait3A_116] : memref<3136x2x512xi32, #tpu.memory_space<hbm>> -> memref<1x2x512xi32, #tpu.memory_space<hbm>>
        %dma_wait3A_118 = tpu.memref_squeeze %dma_wait3A_117 : memref<1x2x512xi32, #tpu.memory_space<hbm>> -> memref<2x512xi32, #tpu.memory_space<hbm>>
        %dma_wait3A_119 = arith.constant 0 : i32
        %dma_wait3A_120 = arith.constant 0 : i32
        %dma_wait3A_121 = tpu.memref_slice %arg8[%dma_wait3A_110, %dma_wait3A_119, %dma_wait3A_120] : memref<2x2x512xi32, #tpu.memory_space<vmem>> -> memref<1x2x512xi32, #tpu.memory_space<vmem>>
        %dma_wait3A_122 = tpu.memref_squeeze %dma_wait3A_121 : memref<1x2x512xi32, #tpu.memory_space<vmem>> -> memref<2x512xi32, #tpu.memory_space<vmem>>
        %dma_wait3A_123 = arith.constant 0 : i32
        %dma_wait3A_124 = arith.constant 0 : i32
        %dma_wait3A_125 = tpu.memref_slice %arg4[%dma_wait3A_109, %dma_wait3A_123, %dma_wait3A_124] : memref<3136x2x512xi32, #tpu.memory_space<hbm>> -> memref<1x2x512xi32, #tpu.memory_space<hbm>>
        %dma_wait3A_126 = tpu.memref_squeeze %dma_wait3A_125 : memref<1x2x512xi32, #tpu.memory_space<hbm>> -> memref<2x512xi32, #tpu.memory_space<hbm>>
        tpu.wait_dma2 semaphore(%arg12 : memref<!tpu.dma_semaphore, #tpu.memory_space<semaphore_mem>>) src(%dma_wait3A_126 : memref<2x512xi32, #tpu.memory_space<hbm>>) dst(%dma_wait3A_122 : memref<2x512xi32, #tpu.memory_space<vmem>>)
        %dma_start3A_127 = arith.constant 0 : i32
        %dma_start3A_128 = arith.constant 0 : i32
        %dma_start3A_129 = arith.constant 0 : i32
        %dma_start3A_130 = arith.constant 0 : i32
        %dma_start3A_131 = arith.constant 0 : i32
        %dma_start3A_132 = tpu.memref_slice %arg9[%dma_start3A_129, %dma_start3A_130, %dma_start3A_131] : memref<2x512x8xf32, #tpu.memory_space<vmem>> -> memref<1x512x8xf32, #tpu.memory_space<vmem>>
        %dma_start3A_133 = tpu.memref_squeeze %dma_start3A_132 : memref<1x512x8xf32, #tpu.memory_space<vmem>> -> memref<512x8xf32, #tpu.memory_space<vmem>>
        %dma_start3A_134 = arith.constant 0 : i32
        %dma_start3A_135 = tpu.memref_slice %arg8[%dma_start3A_127, %dma_start3A_128, %dma_start3A_134] : memref<2x2x512xi32, #tpu.memory_space<vmem>> -> memref<1x1x512xi32, #tpu.memory_space<vmem>>
        %dma_start3A_136 = tpu.memref_squeeze %dma_start3A_135 : memref<1x1x512xi32, #tpu.memory_space<vmem>> -> memref<512xi32, #tpu.memory_space<vmem>>
        %dma_start3A_137 = arith.constant 0 : i32
        %dma_start3A_138 = arith.constant 0 : i32
        %dma_start3A_139 = tpu.memref_slice %arg2[%dma_start3A_137, %dma_start3A_138] : memref<100352x8xf32, #tpu.memory_space<hbm>> -> memref<100352x8xf32, #tpu.memory_space<hbm>>
        tpu.enqueue_indirect_dma source(%dma_start3A_139 : memref<100352x8xf32, #tpu.memory_space<hbm>>) target(%dma_start3A_133 : memref<512x8xf32, #tpu.memory_space<vmem>>) offsets(%dma_start3A_136 : memref<512xi32, #tpu.memory_space<vmem>>) semaphore(%arg13 : memref<!tpu.dma_semaphore, #tpu.memory_space<semaphore_mem>>)
        %dma_wait3A_140 = arith.constant 0 : i32
        %dma_wait3A_141 = arith.constant 0 : i32
        %dma_wait3A_142 = arith.constant 0 : i32
        %dma_wait3A_143 = tpu.memref_slice %arg9[%dma_wait3A_140, %dma_wait3A_141, %dma_wait3A_142] : memref<2x512x8xf32, #tpu.memory_space<vmem>> -> memref<1x512x8xf32, #tpu.memory_space<vmem>>
        %dma_wait3A_144 = tpu.memref_squeeze %dma_wait3A_143 : memref<1x512x8xf32, #tpu.memory_space<vmem>> -> memref<512x8xf32, #tpu.memory_space<vmem>>
        %dma_wait3A_145 = arith.constant 0 : i32
        %dma_wait3A_146 = arith.constant 0 : i32
        %dma_wait3A_147 = tpu.memref_slice %arg9[%dma_wait3A_140, %dma_wait3A_145, %dma_wait3A_146] : memref<2x512x8xf32, #tpu.memory_space<vmem>> -> memref<1x512x8xf32, #tpu.memory_space<vmem>>
        %dma_wait3A_148 = tpu.memref_squeeze %dma_wait3A_147 : memref<1x512x8xf32, #tpu.memory_space<vmem>> -> memref<512x8xf32, #tpu.memory_space<vmem>>
        tpu.wait_dma2 semaphore(%arg13 : memref<!tpu.dma_semaphore, #tpu.memory_space<semaphore_mem>>) src(%arg5 : memref<512x8xf32, #tpu.memory_space<hbm>>) dst(%dma_wait3A_148 : memref<512x8xf32, #tpu.memory_space<vmem>>)
        %ge3A = arith.constant 1 : i32
        %ge3A_149 = arith.cmpi sge, %add3A_108, %ge3A : i32
        %convert_element_type3A_150 = arith.extui %ge3A_149 : i1 to i32
        %cond3A_151 = arith.constant 0 : i32
        %cond3A_152 = arith.cmpi ne, %convert_element_type3A_150, %cond3A_151 : i32
        scf.if %cond3A_152 {
          %dma_wait3A_241 = arith.constant 1 : i32
          %dma_wait3A_242 = arith.constant 0 : i32
          %dma_wait3A_243 = arith.constant 0 : i32
          %dma_wait3A_244 = tpu.memref_slice %arg9[%dma_wait3A_241, %dma_wait3A_242, %dma_wait3A_243] : memref<2x512x8xf32, #tpu.memory_space<vmem>> -> memref<1x512x8xf32, #tpu.memory_space<vmem>>
          %dma_wait3A_245 = tpu.memref_squeeze %dma_wait3A_244 : memref<1x512x8xf32, #tpu.memory_space<vmem>> -> memref<512x8xf32, #tpu.memory_space<vmem>>
          %dma_wait3A_246 = arith.constant 0 : i32
          %dma_wait3A_247 = arith.constant 0 : i32
          %dma_wait3A_248 = tpu.memref_slice %arg9[%dma_wait3A_241, %dma_wait3A_246, %dma_wait3A_247] : memref<2x512x8xf32, #tpu.memory_space<vmem>> -> memref<1x512x8xf32, #tpu.memory_space<vmem>>
          %dma_wait3A_249 = tpu.memref_squeeze %dma_wait3A_248 : memref<1x512x8xf32, #tpu.memory_space<vmem>> -> memref<512x8xf32, #tpu.memory_space<vmem>>
          tpu.wait_dma2 semaphore(%arg14 : memref<!tpu.dma_semaphore, #tpu.memory_space<semaphore_mem>>) src(%arg5 : memref<512x8xf32, #tpu.memory_space<hbm>>) dst(%dma_wait3A_249 : memref<512x8xf32, #tpu.memory_space<vmem>>)
        } else {
        }
        %add3A_153 = arith.constant 1 : i32
        %add3A_154 = arith.addi %add3A_108, %add3A_153 : i32
        %lt3A = arith.constant 98 : i32
        %lt3A_155 = arith.cmpi slt, %add3A_154, %lt3A : i32
        %convert_element_type3A_156 = arith.extui %lt3A_155 : i1 to i32
        %cond3A_157 = arith.constant 0 : i32
        %cond3A_158 = arith.cmpi ne, %convert_element_type3A_156, %cond3A_157 : i32
        scf.if %cond3A_158 {
          %add3A_241 = arith.constant 1 : i32
          %add3A_242 = arith.addi %add3A_108, %add3A_241 : i32
          %add3A_243 = arith.addi %mul3A_54, %add3A_242 : i32
          %dma_start3A_244 = arith.constant 1 : i32
          %dma_start3A_245 = arith.constant 0 : i32
          %dma_start3A_246 = arith.constant 0 : i32
          %dma_start3A_247 = tpu.memref_slice %arg8[%dma_start3A_244, %dma_start3A_245, %dma_start3A_246] : memref<2x2x512xi32, #tpu.memory_space<vmem>> -> memref<1x2x512xi32, #tpu.memory_space<vmem>>
          %dma_start3A_248 = tpu.memref_squeeze %dma_start3A_247 : memref<1x2x512xi32, #tpu.memory_space<vmem>> -> memref<2x512xi32, #tpu.memory_space<vmem>>
          %dma_start3A_249 = arith.constant 0 : i32
          %dma_start3A_250 = arith.constant 0 : i32
          %dma_start3A_251 = tpu.memref_slice %arg4[%add3A_243, %dma_start3A_249, %dma_start3A_250] : memref<3136x2x512xi32, #tpu.memory_space<hbm>> -> memref<1x2x512xi32, #tpu.memory_space<hbm>>
          %dma_start3A_252 = tpu.memref_squeeze %dma_start3A_251 : memref<1x2x512xi32, #tpu.memory_space<hbm>> -> memref<2x512xi32, #tpu.memory_space<hbm>>
          %dma_start3A_253 = arith.constant 0 : i32
          %dma_start3A_254 = arith.constant 0 : i32
          %dma_start3A_255 = tpu.memref_slice %arg8[%dma_start3A_244, %dma_start3A_253, %dma_start3A_254] : memref<2x2x512xi32, #tpu.memory_space<vmem>> -> memref<1x2x512xi32, #tpu.memory_space<vmem>>
          %dma_start3A_256 = tpu.memref_squeeze %dma_start3A_255 : memref<1x2x512xi32, #tpu.memory_space<vmem>> -> memref<2x512xi32, #tpu.memory_space<vmem>>
          %dma_start3A_257 = arith.constant 0 : i32
          %dma_start3A_258 = arith.constant 0 : i32
          %dma_start3A_259 = tpu.memref_slice %arg4[%add3A_243, %dma_start3A_257, %dma_start3A_258] : memref<3136x2x512xi32, #tpu.memory_space<hbm>> -> memref<1x2x512xi32, #tpu.memory_space<hbm>>
          %dma_start3A_260 = tpu.memref_squeeze %dma_start3A_259 : memref<1x2x512xi32, #tpu.memory_space<hbm>> -> memref<2x512xi32, #tpu.memory_space<hbm>>
          tpu.enqueue_dma source(%dma_start3A_260 : memref<2x512xi32, #tpu.memory_space<hbm>>) target(%dma_start3A_256 : memref<2x512xi32, #tpu.memory_space<vmem>>) target_semaphore(%arg12 : memref<!tpu.dma_semaphore, #tpu.memory_space<semaphore_mem>>)
        } else {
        }
        %dma_start3A_159 = arith.constant 0 : i32
        %dma_start3A_160 = arith.constant 0 : i32
        %dma_start3A_161 = arith.constant 1 : i32
        %dma_start3A_162 = arith.constant 0 : i32
        %dma_start3A_163 = arith.constant 0 : i32
        %dma_start3A_164 = tpu.memref_slice %arg9[%dma_start3A_159, %dma_start3A_162, %dma_start3A_163] : memref<2x512x8xf32, #tpu.memory_space<vmem>> -> memref<1x512x8xf32, #tpu.memory_space<vmem>>
        %dma_start3A_165 = tpu.memref_squeeze %dma_start3A_164 : memref<1x512x8xf32, #tpu.memory_space<vmem>> -> memref<512x8xf32, #tpu.memory_space<vmem>>
        %dma_start3A_166 = arith.constant 0 : i32
        %dma_start3A_167 = tpu.memref_slice %arg8[%dma_start3A_160, %dma_start3A_161, %dma_start3A_166] : memref<2x2x512xi32, #tpu.memory_space<vmem>> -> memref<1x1x512xi32, #tpu.memory_space<vmem>>
        %dma_start3A_168 = tpu.memref_squeeze %dma_start3A_167 : memref<1x1x512xi32, #tpu.memory_space<vmem>> -> memref<512xi32, #tpu.memory_space<vmem>>
        %dma_start3A_169 = arith.constant 0 : i32
        %dma_start3A_170 = arith.constant 0 : i32
        %dma_start3A_171 = tpu.memref_slice %arg11[%dma_start3A_169, %dma_start3A_170] : memref<100352x8xf32, #tpu.memory_space<vmem_shared>> -> memref<100352x8xf32, #tpu.memory_space<vmem_shared>>
        tpu.enqueue_indirect_dma source(%dma_start3A_165 : memref<512x8xf32, #tpu.memory_space<vmem>>) target(%dma_start3A_171 : memref<100352x8xf32, #tpu.memory_space<vmem_shared>>) offsets(%dma_start3A_168 : memref<512xi32, #tpu.memory_space<vmem>>) semaphore(%arg14 : memref<!tpu.dma_semaphore, #tpu.memory_space<semaphore_mem>>) {add = true}
        %mul3A_172 = arith.constant 2 : i32
        %mul3A_173 = arith.muli %scan3A_104, %mul3A_172 : i32
        %add3A_174 = arith.constant 1 : i32
        %add3A_175 = arith.addi %mul3A_173, %add3A_174 : i32
        %dma_wait3A_176 = arith.constant 0 : i32
        %dma_wait3A_177 = arith.constant 1 : i32
        %dma_wait3A_178 = arith.constant 0 : i32
        %dma_wait3A_179 = arith.constant 0 : i32
        %dma_wait3A_180 = tpu.memref_slice %arg8[%dma_wait3A_177, %dma_wait3A_178, %dma_wait3A_179] : memref<2x2x512xi32, #tpu.memory_space<vmem>> -> memref<1x2x512xi32, #tpu.memory_space<vmem>>
        %dma_wait3A_181 = tpu.memref_squeeze %dma_wait3A_180 : memref<1x2x512xi32, #tpu.memory_space<vmem>> -> memref<2x512xi32, #tpu.memory_space<vmem>>
        %dma_wait3A_182 = arith.constant 0 : i32
        %dma_wait3A_183 = arith.constant 0 : i32
        %dma_wait3A_184 = tpu.memref_slice %arg4[%dma_wait3A_176, %dma_wait3A_182, %dma_wait3A_183] : memref<3136x2x512xi32, #tpu.memory_space<hbm>> -> memref<1x2x512xi32, #tpu.memory_space<hbm>>
        %dma_wait3A_185 = tpu.memref_squeeze %dma_wait3A_184 : memref<1x2x512xi32, #tpu.memory_space<hbm>> -> memref<2x512xi32, #tpu.memory_space<hbm>>
        %dma_wait3A_186 = arith.constant 0 : i32
        %dma_wait3A_187 = arith.constant 0 : i32
        %dma_wait3A_188 = tpu.memref_slice %arg8[%dma_wait3A_177, %dma_wait3A_186, %dma_wait3A_187] : memref<2x2x512xi32, #tpu.memory_space<vmem>> -> memref<1x2x512xi32, #tpu.memory_space<vmem>>
        %dma_wait3A_189 = tpu.memref_squeeze %dma_wait3A_188 : memref<1x2x512xi32, #tpu.memory_space<vmem>> -> memref<2x512xi32, #tpu.memory_space<vmem>>
        %dma_wait3A_190 = arith.constant 0 : i32
        %dma_wait3A_191 = arith.constant 0 : i32
        %dma_wait3A_192 = tpu.memref_slice %arg4[%dma_wait3A_176, %dma_wait3A_190, %dma_wait3A_191] : memref<3136x2x512xi32, #tpu.memory_space<hbm>> -> memref<1x2x512xi32, #tpu.memory_space<hbm>>
        %dma_wait3A_193 = tpu.memref_squeeze %dma_wait3A_192 : memref<1x2x512xi32, #tpu.memory_space<hbm>> -> memref<2x512xi32, #tpu.memory_space<hbm>>
        tpu.wait_dma2 semaphore(%arg12 : memref<!tpu.dma_semaphore, #tpu.memory_space<semaphore_mem>>) src(%dma_wait3A_193 : memref<2x512xi32, #tpu.memory_space<hbm>>) dst(%dma_wait3A_189 : memref<2x512xi32, #tpu.memory_space<vmem>>)
        %dma_start3A_194 = arith.constant 1 : i32
        %dma_start3A_195 = arith.constant 0 : i32
        %dma_start3A_196 = arith.constant 1 : i32
        %dma_start3A_197 = arith.constant 0 : i32
        %dma_start3A_198 = arith.constant 0 : i32
        %dma_start3A_199 = tpu.memref_slice %arg9[%dma_start3A_196, %dma_start3A_197, %dma_start3A_198] : memref<2x512x8xf32, #tpu.memory_space<vmem>> -> memref<1x512x8xf32, #tpu.memory_space<vmem>>
        %dma_start3A_200 = tpu.memref_squeeze %dma_start3A_199 : memref<1x512x8xf32, #tpu.memory_space<vmem>> -> memref<512x8xf32, #tpu.memory_space<vmem>>
        %dma_start3A_201 = arith.constant 0 : i32
        %dma_start3A_202 = tpu.memref_slice %arg8[%dma_start3A_194, %dma_start3A_195, %dma_start3A_201] : memref<2x2x512xi32, #tpu.memory_space<vmem>> -> memref<1x1x512xi32, #tpu.memory_space<vmem>>
        %dma_start3A_203 = tpu.memref_squeeze %dma_start3A_202 : memref<1x1x512xi32, #tpu.memory_space<vmem>> -> memref<512xi32, #tpu.memory_space<vmem>>
        %dma_start3A_204 = arith.constant 0 : i32
        %dma_start3A_205 = arith.constant 0 : i32
        %dma_start3A_206 = tpu.memref_slice %arg2[%dma_start3A_204, %dma_start3A_205] : memref<100352x8xf32, #tpu.memory_space<hbm>> -> memref<100352x8xf32, #tpu.memory_space<hbm>>
        tpu.enqueue_indirect_dma source(%dma_start3A_206 : memref<100352x8xf32, #tpu.memory_space<hbm>>) target(%dma_start3A_200 : memref<512x8xf32, #tpu.memory_space<vmem>>) offsets(%dma_start3A_203 : memref<512xi32, #tpu.memory_space<vmem>>) semaphore(%arg13 : memref<!tpu.dma_semaphore, #tpu.memory_space<semaphore_mem>>)
        %dma_wait3A_207 = arith.constant 1 : i32
        %dma_wait3A_208 = arith.constant 0 : i32
        %dma_wait3A_209 = arith.constant 0 : i32
        %dma_wait3A_210 = tpu.memref_slice %arg9[%dma_wait3A_207, %dma_wait3A_208, %dma_wait3A_209] : memref<2x512x8xf32, #tpu.memory_space<vmem>> -> memref<1x512x8xf32, #tpu.memory_space<vmem>>
        %dma_wait3A_211 = tpu.memref_squeeze %dma_wait3A_210 : memref<1x512x8xf32, #tpu.memory_space<vmem>> -> memref<512x8xf32, #tpu.memory_space<vmem>>
        %dma_wait3A_212 = arith.constant 0 : i32
        %dma_wait3A_213 = arith.constant 0 : i32
        %dma_wait3A_214 = tpu.memref_slice %arg9[%dma_wait3A_207, %dma_wait3A_212, %dma_wait3A_213] : memref<2x512x8xf32, #tpu.memory_space<vmem>> -> memref<1x512x8xf32, #tpu.memory_space<vmem>>
        %dma_wait3A_215 = tpu.memref_squeeze %dma_wait3A_214 : memref<1x512x8xf32, #tpu.memory_space<vmem>> -> memref<512x8xf32, #tpu.memory_space<vmem>>
        tpu.wait_dma2 semaphore(%arg13 : memref<!tpu.dma_semaphore, #tpu.memory_space<semaphore_mem>>) src(%arg5 : memref<512x8xf32, #tpu.memory_space<hbm>>) dst(%dma_wait3A_215 : memref<512x8xf32, #tpu.memory_space<vmem>>)
        %ge3A_216 = arith.constant 1 : i32
        %ge3A_217 = arith.cmpi sge, %add3A_175, %ge3A_216 : i32
        %convert_element_type3A_218 = arith.extui %ge3A_217 : i1 to i32
        %cond3A_219 = arith.constant 0 : i32
        %cond3A_220 = arith.cmpi ne, %convert_element_type3A_218, %cond3A_219 : i32
        scf.if %cond3A_220 {
          %dma_wait3A_241 = arith.constant 0 : i32
          %dma_wait3A_242 = arith.constant 0 : i32
          %dma_wait3A_243 = arith.constant 0 : i32
          %dma_wait3A_244 = tpu.memref_slice %arg9[%dma_wait3A_241, %dma_wait3A_242, %dma_wait3A_243] : memref<2x512x8xf32, #tpu.memory_space<vmem>> -> memref<1x512x8xf32, #tpu.memory_space<vmem>>
          %dma_wait3A_245 = tpu.memref_squeeze %dma_wait3A_244 : memref<1x512x8xf32, #tpu.memory_space<vmem>> -> memref<512x8xf32, #tpu.memory_space<vmem>>
          %dma_wait3A_246 = arith.constant 0 : i32
          %dma_wait3A_247 = arith.constant 0 : i32
          %dma_wait3A_248 = tpu.memref_slice %arg9[%dma_wait3A_241, %dma_wait3A_246, %dma_wait3A_247] : memref<2x512x8xf32, #tpu.memory_space<vmem>> -> memref<1x512x8xf32, #tpu.memory_space<vmem>>
          %dma_wait3A_249 = tpu.memref_squeeze %dma_wait3A_248 : memref<1x512x8xf32, #tpu.memory_space<vmem>> -> memref<512x8xf32, #tpu.memory_space<vmem>>
          tpu.wait_dma2 semaphore(%arg14 : memref<!tpu.dma_semaphore, #tpu.memory_space<semaphore_mem>>) src(%arg5 : memref<512x8xf32, #tpu.memory_space<hbm>>) dst(%dma_wait3A_249 : memref<512x8xf32, #tpu.memory_space<vmem>>)
        } else {
        }
        %add3A_221 = arith.constant 1 : i32
        %add3A_222 = arith.addi %add3A_175, %add3A_221 : i32
        %lt3A_223 = arith.constant 98 : i32
        %lt3A_224 = arith.cmpi slt, %add3A_222, %lt3A_223 : i32
        %convert_element_type3A_225 = arith.extui %lt3A_224 : i1 to i32
        %cond3A_226 = arith.constant 0 : i32
        %cond3A_227 = arith.cmpi ne, %convert_element_type3A_225, %cond3A_226 : i32
        scf.if %cond3A_227 {
          %add3A_241 = arith.constant 1 : i32
          %add3A_242 = arith.addi %add3A_175, %add3A_241 : i32
          %add3A_243 = arith.addi %mul3A_54, %add3A_242 : i32
          %dma_start3A_244 = arith.constant 0 : i32
          %dma_start3A_245 = arith.constant 0 : i32
          %dma_start3A_246 = arith.constant 0 : i32
          %dma_start3A_247 = tpu.memref_slice %arg8[%dma_start3A_244, %dma_start3A_245, %dma_start3A_246] : memref<2x2x512xi32, #tpu.memory_space<vmem>> -> memref<1x2x512xi32, #tpu.memory_space<vmem>>
          %dma_start3A_248 = tpu.memref_squeeze %dma_start3A_247 : memref<1x2x512xi32, #tpu.memory_space<vmem>> -> memref<2x512xi32, #tpu.memory_space<vmem>>
          %dma_start3A_249 = arith.constant 0 : i32
          %dma_start3A_250 = arith.constant 0 : i32
          %dma_start3A_251 = tpu.memref_slice %arg4[%add3A_243, %dma_start3A_249, %dma_start3A_250] : memref<3136x2x512xi32, #tpu.memory_space<hbm>> -> memref<1x2x512xi32, #tpu.memory_space<hbm>>
          %dma_start3A_252 = tpu.memref_squeeze %dma_start3A_251 : memref<1x2x512xi32, #tpu.memory_space<hbm>> -> memref<2x512xi32, #tpu.memory_space<hbm>>
          %dma_start3A_253 = arith.constant 0 : i32
          %dma_start3A_254 = arith.constant 0 : i32
          %dma_start3A_255 = tpu.memref_slice %arg8[%dma_start3A_244, %dma_start3A_253, %dma_start3A_254] : memref<2x2x512xi32, #tpu.memory_space<vmem>> -> memref<1x2x512xi32, #tpu.memory_space<vmem>>
          %dma_start3A_256 = tpu.memref_squeeze %dma_start3A_255 : memref<1x2x512xi32, #tpu.memory_space<vmem>> -> memref<2x512xi32, #tpu.memory_space<vmem>>
          %dma_start3A_257 = arith.constant 0 : i32
          %dma_start3A_258 = arith.constant 0 : i32
          %dma_start3A_259 = tpu.memref_slice %arg4[%add3A_243, %dma_start3A_257, %dma_start3A_258] : memref<3136x2x512xi32, #tpu.memory_space<hbm>> -> memref<1x2x512xi32, #tpu.memory_space<hbm>>
          %dma_start3A_260 = tpu.memref_squeeze %dma_start3A_259 : memref<1x2x512xi32, #tpu.memory_space<hbm>> -> memref<2x512xi32, #tpu.memory_space<hbm>>
          tpu.enqueue_dma source(%dma_start3A_260 : memref<2x512xi32, #tpu.memory_space<hbm>>) target(%dma_start3A_256 : memref<2x512xi32, #tpu.memory_space<vmem>>) target_semaphore(%arg12 : memref<!tpu.dma_semaphore, #tpu.memory_space<semaphore_mem>>)
        } else {
        }
        %dma_start3A_228 = arith.constant 1 : i32
        %dma_start3A_229 = arith.constant 1 : i32
        %dma_start3A_230 = arith.constant 1 : i32
        %dma_start3A_231 = arith.constant 0 : i32
        %dma_start3A_232 = arith.constant 0 : i32
        %dma_start3A_233 = tpu.memref_slice %arg9[%dma_start3A_228, %dma_start3A_231, %dma_start3A_232] : memref<2x512x8xf32, #tpu.memory_space<vmem>> -> memref<1x512x8xf32, #tpu.memory_space<vmem>>
        %dma_start3A_234 = tpu.memref_squeeze %dma_start3A_233 : memref<1x512x8xf32, #tpu.memory_space<vmem>> -> memref<512x8xf32, #tpu.memory_space<vmem>>
        %dma_start3A_235 = arith.constant 0 : i32
        %dma_start3A_236 = tpu.memref_slice %arg8[%dma_start3A_229, %dma_start3A_230, %dma_start3A_235] : memref<2x2x512xi32, #tpu.memory_space<vmem>> -> memref<1x1x512xi32, #tpu.memory_space<vmem>>
        %dma_start3A_237 = tpu.memref_squeeze %dma_start3A_236 : memref<1x1x512xi32, #tpu.memory_space<vmem>> -> memref<512xi32, #tpu.memory_space<vmem>>
        %dma_start3A_238 = arith.constant 0 : i32
        %dma_start3A_239 = arith.constant 0 : i32
        %dma_start3A_240 = tpu.memref_slice %arg11[%dma_start3A_238, %dma_start3A_239] : memref<100352x8xf32, #tpu.memory_space<vmem_shared>> -> memref<100352x8xf32, #tpu.memory_space<vmem_shared>>
        tpu.enqueue_indirect_dma source(%dma_start3A_234 : memref<512x8xf32, #tpu.memory_space<vmem>>) target(%dma_start3A_240 : memref<100352x8xf32, #tpu.memory_space<vmem_shared>>) offsets(%dma_start3A_237 : memref<512xi32, #tpu.memory_space<vmem>>) semaphore(%arg14 : memref<!tpu.dma_semaphore, #tpu.memory_space<semaphore_mem>>) {add = true}
      }
      %scan3A_95 = arith.constant 49 : i32
      %dma_wait3A = arith.constant 1 : i32
      %dma_wait3A_96 = arith.constant 0 : i32
      %dma_wait3A_97 = arith.constant 0 : i32
      %dma_wait3A_98 = tpu.memref_slice %arg9[%dma_wait3A, %dma_wait3A_96, %dma_wait3A_97] : memref<2x512x8xf32, #tpu.memory_space<vmem>> -> memref<1x512x8xf32, #tpu.memory_space<vmem>>
      %dma_wait3A_99 = tpu.memref_squeeze %dma_wait3A_98 : memref<1x512x8xf32, #tpu.memory_space<vmem>> -> memref<512x8xf32, #tpu.memory_space<vmem>>
      %dma_wait3A_100 = arith.constant 0 : i32
      %dma_wait3A_101 = arith.constant 0 : i32
      %dma_wait3A_102 = tpu.memref_slice %arg9[%dma_wait3A, %dma_wait3A_100, %dma_wait3A_101] : memref<2x512x8xf32, #tpu.memory_space<vmem>> -> memref<1x512x8xf32, #tpu.memory_space<vmem>>
      %dma_wait3A_103 = tpu.memref_squeeze %dma_wait3A_102 : memref<1x512x8xf32, #tpu.memory_space<vmem>> -> memref<512x8xf32, #tpu.memory_space<vmem>>
      tpu.wait_dma2 semaphore(%arg14 : memref<!tpu.dma_semaphore, #tpu.memory_space<semaphore_mem>>) src(%arg5 : memref<512x8xf32, #tpu.memory_space<hbm>>) dst(%dma_wait3A_103 : memref<512x8xf32, #tpu.memory_space<vmem>>)
    } else {
    }
    %eq3A_57 = arith.constant 1 : i32
    %eq3A_58 = arith.cmpi eq, %arg0, %eq3A_57 : i32
    %convert_element_type3A_59 = arith.extui %eq3A_58 : i1 to i32
    %cond3A_60 = arith.constant 0 : i32
    %cond3A_61 = arith.cmpi ne, %convert_element_type3A_59, %cond3A_60 : i32
    scf.if %cond3A_61 {
      %add3A_73 = arith.constant 0 : i32
      %add3A_74 = arith.addi %mul3A_54, %add3A_73 : i32
      %dma_start3A = arith.constant 0 : i32
      %dma_start3A_75 = arith.constant 0 : i32
      %dma_start3A_76 = arith.constant 0 : i32
      %dma_start3A_77 = tpu.memref_slice %arg8[%dma_start3A, %dma_start3A_75, %dma_start3A_76] : memref<2x2x512xi32, #tpu.memory_space<vmem>> -> memref<1x2x512xi32, #tpu.memory_space<vmem>>
      %dma_start3A_78 = tpu.memref_squeeze %dma_start3A_77 : memref<1x2x512xi32, #tpu.memory_space<vmem>> -> memref<2x512xi32, #tpu.memory_space<vmem>>
      %dma_start3A_79 = arith.constant 0 : i32
      %dma_start3A_80 = arith.constant 0 : i32
      %dma_start3A_81 = tpu.memref_slice %arg4[%add3A_74, %dma_start3A_79, %dma_start3A_80] : memref<3136x2x512xi32, #tpu.memory_space<hbm>> -> memref<1x2x512xi32, #tpu.memory_space<hbm>>
      %dma_start3A_82 = tpu.memref_squeeze %dma_start3A_81 : memref<1x2x512xi32, #tpu.memory_space<hbm>> -> memref<2x512xi32, #tpu.memory_space<hbm>>
      %dma_start3A_83 = arith.constant 0 : i32
      %dma_start3A_84 = arith.constant 0 : i32
      %dma_start3A_85 = tpu.memref_slice %arg8[%dma_start3A, %dma_start3A_83, %dma_start3A_84] : memref<2x2x512xi32, #tpu.memory_space<vmem>> -> memref<1x2x512xi32, #tpu.memory_space<vmem>>
      %dma_start3A_86 = tpu.memref_squeeze %dma_start3A_85 : memref<1x2x512xi32, #tpu.memory_space<vmem>> -> memref<2x512xi32, #tpu.memory_space<vmem>>
      %dma_start3A_87 = arith.constant 0 : i32
      %dma_start3A_88 = arith.constant 0 : i32
      %dma_start3A_89 = tpu.memref_slice %arg4[%add3A_74, %dma_start3A_87, %dma_start3A_88] : memref<3136x2x512xi32, #tpu.memory_space<hbm>> -> memref<1x2x512xi32, #tpu.memory_space<hbm>>
      %dma_start3A_90 = tpu.memref_squeeze %dma_start3A_89 : memref<1x2x512xi32, #tpu.memory_space<hbm>> -> memref<2x512xi32, #tpu.memory_space<hbm>>
      tpu.enqueue_dma source(%dma_start3A_90 : memref<2x512xi32, #tpu.memory_space<hbm>>) target(%dma_start3A_86 : memref<2x512xi32, #tpu.memory_space<vmem>>) target_semaphore(%arg12 : memref<!tpu.dma_semaphore, #tpu.memory_space<semaphore_mem>>)
      %scan3A = arith.constant 0 : i32
      %scan3A_91 = arith.constant 0 : i32
      %scan3A_92 = arith.constant 49 : i32
      %scan3A_93 = arith.addi %scan3A_91, %scan3A_92 : i32
      %scan3A_94 = arith.constant 1 : i32
      scf.for %scan3A_104 = %scan3A_91 to %scan3A_93 step %scan3A_94  : i32 {
        %mul3A_105 = arith.constant 2 : i32
        %mul3A_106 = arith.muli %scan3A_104, %mul3A_105 : i32
        %add3A_107 = arith.constant 0 : i32
        %add3A_108 = arith.addi %mul3A_106, %add3A_107 : i32
        %dma_wait3A_109 = arith.constant 0 : i32
        %dma_wait3A_110 = arith.constant 0 : i32
        %dma_wait3A_111 = arith.constant 0 : i32
        %dma_wait3A_112 = arith.constant 0 : i32
        %dma_wait3A_113 = tpu.memref_slice %arg8[%dma_wait3A_110, %dma_wait3A_111, %dma_wait3A_112] : memref<2x2x512xi32, #tpu.memory_space<vmem>> -> memref<1x2x512xi32, #tpu.memory_space<vmem>>
        %dma_wait3A_114 = tpu.memref_squeeze %dma_wait3A_113 : memref<1x2x512xi32, #tpu.memory_space<vmem>> -> memref<2x512xi32, #tpu.memory_space<vmem>>
        %dma_wait3A_115 = arith.constant 0 : i32
        %dma_wait3A_116 = arith.constant 0 : i32
        %dma_wait3A_117 = tpu.memref_slice %arg4[%dma_wait3A_109, %dma_wait3A_115, %dma_wait3A_116] : memref<3136x2x512xi32, #tpu.memory_space<hbm>> -> memref<1x2x512xi32, #tpu.memory_space<hbm>>
        %dma_wait3A_118 = tpu.memref_squeeze %dma_wait3A_117 : memref<1x2x512xi32, #tpu.memory_space<hbm>> -> memref<2x512xi32, #tpu.memory_space<hbm>>
        %dma_wait3A_119 = arith.constant 0 : i32
        %dma_wait3A_120 = arith.constant 0 : i32
        %dma_wait3A_121 = tpu.memref_slice %arg8[%dma_wait3A_110, %dma_wait3A_119, %dma_wait3A_120] : memref<2x2x512xi32, #tpu.memory_space<vmem>> -> memref<1x2x512xi32, #tpu.memory_space<vmem>>
        %dma_wait3A_122 = tpu.memref_squeeze %dma_wait3A_121 : memref<1x2x512xi32, #tpu.memory_space<vmem>> -> memref<2x512xi32, #tpu.memory_space<vmem>>
        %dma_wait3A_123 = arith.constant 0 : i32
        %dma_wait3A_124 = arith.constant 0 : i32
        %dma_wait3A_125 = tpu.memref_slice %arg4[%dma_wait3A_109, %dma_wait3A_123, %dma_wait3A_124] : memref<3136x2x512xi32, #tpu.memory_space<hbm>> -> memref<1x2x512xi32, #tpu.memory_space<hbm>>
        %dma_wait3A_126 = tpu.memref_squeeze %dma_wait3A_125 : memref<1x2x512xi32, #tpu.memory_space<hbm>> -> memref<2x512xi32, #tpu.memory_space<hbm>>
        tpu.wait_dma2 semaphore(%arg12 : memref<!tpu.dma_semaphore, #tpu.memory_space<semaphore_mem>>) src(%dma_wait3A_126 : memref<2x512xi32, #tpu.memory_space<hbm>>) dst(%dma_wait3A_122 : memref<2x512xi32, #tpu.memory_space<vmem>>)
        %dma_start3A_127 = arith.constant 0 : i32
        %dma_start3A_128 = arith.constant 0 : i32
        %dma_start3A_129 = arith.constant 0 : i32
        %dma_start3A_130 = arith.constant 0 : i32
        %dma_start3A_131 = arith.constant 0 : i32
        %dma_start3A_132 = tpu.memref_slice %arg9[%dma_start3A_129, %dma_start3A_130, %dma_start3A_131] : memref<2x512x8xf32, #tpu.memory_space<vmem>> -> memref<1x512x8xf32, #tpu.memory_space<vmem>>
        %dma_start3A_133 = tpu.memref_squeeze %dma_start3A_132 : memref<1x512x8xf32, #tpu.memory_space<vmem>> -> memref<512x8xf32, #tpu.memory_space<vmem>>
        %dma_start3A_134 = arith.constant 0 : i32
        %dma_start3A_135 = tpu.memref_slice %arg8[%dma_start3A_127, %dma_start3A_128, %dma_start3A_134] : memref<2x2x512xi32, #tpu.memory_space<vmem>> -> memref<1x1x512xi32, #tpu.memory_space<vmem>>
        %dma_start3A_136 = tpu.memref_squeeze %dma_start3A_135 : memref<1x1x512xi32, #tpu.memory_space<vmem>> -> memref<512xi32, #tpu.memory_space<vmem>>
        %dma_start3A_137 = arith.constant 0 : i32
        %dma_start3A_138 = arith.constant 0 : i32
        %dma_start3A_139 = tpu.memref_slice %arg3[%dma_start3A_137, %dma_start3A_138] : memref<100352x8xf32, #tpu.memory_space<hbm>> -> memref<100352x8xf32, #tpu.memory_space<hbm>>
        tpu.enqueue_indirect_dma source(%dma_start3A_139 : memref<100352x8xf32, #tpu.memory_space<hbm>>) target(%dma_start3A_133 : memref<512x8xf32, #tpu.memory_space<vmem>>) offsets(%dma_start3A_136 : memref<512xi32, #tpu.memory_space<vmem>>) semaphore(%arg13 : memref<!tpu.dma_semaphore, #tpu.memory_space<semaphore_mem>>)
        %dma_wait3A_140 = arith.constant 0 : i32
        %dma_wait3A_141 = arith.constant 0 : i32
        %dma_wait3A_142 = arith.constant 0 : i32
        %dma_wait3A_143 = tpu.memref_slice %arg9[%dma_wait3A_140, %dma_wait3A_141, %dma_wait3A_142] : memref<2x512x8xf32, #tpu.memory_space<vmem>> -> memref<1x512x8xf32, #tpu.memory_space<vmem>>
        %dma_wait3A_144 = tpu.memref_squeeze %dma_wait3A_143 : memref<1x512x8xf32, #tpu.memory_space<vmem>> -> memref<512x8xf32, #tpu.memory_space<vmem>>
        %dma_wait3A_145 = arith.constant 0 : i32
        %dma_wait3A_146 = arith.constant 0 : i32
        %dma_wait3A_147 = tpu.memref_slice %arg9[%dma_wait3A_140, %dma_wait3A_145, %dma_wait3A_146] : memref<2x512x8xf32, #tpu.memory_space<vmem>> -> memref<1x512x8xf32, #tpu.memory_space<vmem>>
        %dma_wait3A_148 = tpu.memref_squeeze %dma_wait3A_147 : memref<1x512x8xf32, #tpu.memory_space<vmem>> -> memref<512x8xf32, #tpu.memory_space<vmem>>
        tpu.wait_dma2 semaphore(%arg13 : memref<!tpu.dma_semaphore, #tpu.memory_space<semaphore_mem>>) src(%arg5 : memref<512x8xf32, #tpu.memory_space<hbm>>) dst(%dma_wait3A_148 : memref<512x8xf32, #tpu.memory_space<vmem>>)
        %ge3A = arith.constant 1 : i32
        %ge3A_149 = arith.cmpi sge, %add3A_108, %ge3A : i32
        %convert_element_type3A_150 = arith.extui %ge3A_149 : i1 to i32
        %cond3A_151 = arith.constant 0 : i32
        %cond3A_152 = arith.cmpi ne, %convert_element_type3A_150, %cond3A_151 : i32
        scf.if %cond3A_152 {
          %dma_wait3A_241 = arith.constant 1 : i32
          %dma_wait3A_242 = arith.constant 0 : i32
          %dma_wait3A_243 = arith.constant 0 : i32
          %dma_wait3A_244 = tpu.memref_slice %arg9[%dma_wait3A_241, %dma_wait3A_242, %dma_wait3A_243] : memref<2x512x8xf32, #tpu.memory_space<vmem>> -> memref<1x512x8xf32, #tpu.memory_space<vmem>>
          %dma_wait3A_245 = tpu.memref_squeeze %dma_wait3A_244 : memref<1x512x8xf32, #tpu.memory_space<vmem>> -> memref<512x8xf32, #tpu.memory_space<vmem>>
          %dma_wait3A_246 = arith.constant 0 : i32
          %dma_wait3A_247 = arith.constant 0 : i32
          %dma_wait3A_248 = tpu.memref_slice %arg9[%dma_wait3A_241, %dma_wait3A_246, %dma_wait3A_247] : memref<2x512x8xf32, #tpu.memory_space<vmem>> -> memref<1x512x8xf32, #tpu.memory_space<vmem>>
          %dma_wait3A_249 = tpu.memref_squeeze %dma_wait3A_248 : memref<1x512x8xf32, #tpu.memory_space<vmem>> -> memref<512x8xf32, #tpu.memory_space<vmem>>
          tpu.wait_dma2 semaphore(%arg14 : memref<!tpu.dma_semaphore, #tpu.memory_space<semaphore_mem>>) src(%arg5 : memref<512x8xf32, #tpu.memory_space<hbm>>) dst(%dma_wait3A_249 : memref<512x8xf32, #tpu.memory_space<vmem>>)
        } else {
        }
        %add3A_153 = arith.constant 1 : i32
        %add3A_154 = arith.addi %add3A_108, %add3A_153 : i32
        %lt3A = arith.constant 98 : i32
        %lt3A_155 = arith.cmpi slt, %add3A_154, %lt3A : i32
        %convert_element_type3A_156 = arith.extui %lt3A_155 : i1 to i32
        %cond3A_157 = arith.constant 0 : i32
        %cond3A_158 = arith.cmpi ne, %convert_element_type3A_156, %cond3A_157 : i32
        scf.if %cond3A_158 {
          %add3A_241 = arith.constant 1 : i32
          %add3A_242 = arith.addi %add3A_108, %add3A_241 : i32
          %add3A_243 = arith.addi %mul3A_54, %add3A_242 : i32
          %dma_start3A_244 = arith.constant 1 : i32
          %dma_start3A_245 = arith.constant 0 : i32
          %dma_start3A_246 = arith.constant 0 : i32
          %dma_start3A_247 = tpu.memref_slice %arg8[%dma_start3A_244, %dma_start3A_245, %dma_start3A_246] : memref<2x2x512xi32, #tpu.memory_space<vmem>> -> memref<1x2x512xi32, #tpu.memory_space<vmem>>
          %dma_start3A_248 = tpu.memref_squeeze %dma_start3A_247 : memref<1x2x512xi32, #tpu.memory_space<vmem>> -> memref<2x512xi32, #tpu.memory_space<vmem>>
          %dma_start3A_249 = arith.constant 0 : i32
          %dma_start3A_250 = arith.constant 0 : i32
          %dma_start3A_251 = tpu.memref_slice %arg4[%add3A_243, %dma_start3A_249, %dma_start3A_250] : memref<3136x2x512xi32, #tpu.memory_space<hbm>> -> memref<1x2x512xi32, #tpu.memory_space<hbm>>
          %dma_start3A_252 = tpu.memref_squeeze %dma_start3A_251 : memref<1x2x512xi32, #tpu.memory_space<hbm>> -> memref<2x512xi32, #tpu.memory_space<hbm>>
          %dma_start3A_253 = arith.constant 0 : i32
          %dma_start3A_254 = arith.constant 0 : i32
          %dma_start3A_255 = tpu.memref_slice %arg8[%dma_start3A_244, %dma_start3A_253, %dma_start3A_254] : memref<2x2x512xi32, #tpu.memory_space<vmem>> -> memref<1x2x512xi32, #tpu.memory_space<vmem>>
          %dma_start3A_256 = tpu.memref_squeeze %dma_start3A_255 : memref<1x2x512xi32, #tpu.memory_space<vmem>> -> memref<2x512xi32, #tpu.memory_space<vmem>>
          %dma_start3A_257 = arith.constant 0 : i32
          %dma_start3A_258 = arith.constant 0 : i32
          %dma_start3A_259 = tpu.memref_slice %arg4[%add3A_243, %dma_start3A_257, %dma_start3A_258] : memref<3136x2x512xi32, #tpu.memory_space<hbm>> -> memref<1x2x512xi32, #tpu.memory_space<hbm>>
          %dma_start3A_260 = tpu.memref_squeeze %dma_start3A_259 : memref<1x2x512xi32, #tpu.memory_space<hbm>> -> memref<2x512xi32, #tpu.memory_space<hbm>>
          tpu.enqueue_dma source(%dma_start3A_260 : memref<2x512xi32, #tpu.memory_space<hbm>>) target(%dma_start3A_256 : memref<2x512xi32, #tpu.memory_space<vmem>>) target_semaphore(%arg12 : memref<!tpu.dma_semaphore, #tpu.memory_space<semaphore_mem>>)
        } else {
        }
        %dma_start3A_159 = arith.constant 0 : i32
        %dma_start3A_160 = arith.constant 0 : i32
        %dma_start3A_161 = arith.constant 1 : i32
        %dma_start3A_162 = arith.constant 0 : i32
        %dma_start3A_163 = arith.constant 0 : i32
        %dma_start3A_164 = tpu.memref_slice %arg9[%dma_start3A_159, %dma_start3A_162, %dma_start3A_163] : memref<2x512x8xf32, #tpu.memory_space<vmem>> -> memref<1x512x8xf32, #tpu.memory_space<vmem>>
        %dma_start3A_165 = tpu.memref_squeeze %dma_start3A_164 : memref<1x512x8xf32, #tpu.memory_space<vmem>> -> memref<512x8xf32, #tpu.memory_space<vmem>>
        %dma_start3A_166 = arith.constant 0 : i32
        %dma_start3A_167 = tpu.memref_slice %arg8[%dma_start3A_160, %dma_start3A_161, %dma_start3A_166] : memref<2x2x512xi32, #tpu.memory_space<vmem>> -> memref<1x1x512xi32, #tpu.memory_space<vmem>>
        %dma_start3A_168 = tpu.memref_squeeze %dma_start3A_167 : memref<1x1x512xi32, #tpu.memory_space<vmem>> -> memref<512xi32, #tpu.memory_space<vmem>>
        %dma_start3A_169 = arith.constant 0 : i32
        %dma_start3A_170 = arith.constant 0 : i32
        %dma_start3A_171 = tpu.memref_slice %arg11[%dma_start3A_169, %dma_start3A_170] : memref<100352x8xf32, #tpu.memory_space<vmem_shared>> -> memref<100352x8xf32, #tpu.memory_space<vmem_shared>>
        tpu.enqueue_indirect_dma source(%dma_start3A_165 : memref<512x8xf32, #tpu.memory_space<vmem>>) target(%dma_start3A_171 : memref<100352x8xf32, #tpu.memory_space<vmem_shared>>) offsets(%dma_start3A_168 : memref<512xi32, #tpu.memory_space<vmem>>) semaphore(%arg14 : memref<!tpu.dma_semaphore, #tpu.memory_space<semaphore_mem>>) {add = true}
        %mul3A_172 = arith.constant 2 : i32
        %mul3A_173 = arith.muli %scan3A_104, %mul3A_172 : i32
        %add3A_174 = arith.constant 1 : i32
        %add3A_175 = arith.addi %mul3A_173, %add3A_174 : i32
        %dma_wait3A_176 = arith.constant 0 : i32
        %dma_wait3A_177 = arith.constant 1 : i32
        %dma_wait3A_178 = arith.constant 0 : i32
        %dma_wait3A_179 = arith.constant 0 : i32
        %dma_wait3A_180 = tpu.memref_slice %arg8[%dma_wait3A_177, %dma_wait3A_178, %dma_wait3A_179] : memref<2x2x512xi32, #tpu.memory_space<vmem>> -> memref<1x2x512xi32, #tpu.memory_space<vmem>>
        %dma_wait3A_181 = tpu.memref_squeeze %dma_wait3A_180 : memref<1x2x512xi32, #tpu.memory_space<vmem>> -> memref<2x512xi32, #tpu.memory_space<vmem>>
        %dma_wait3A_182 = arith.constant 0 : i32
        %dma_wait3A_183 = arith.constant 0 : i32
        %dma_wait3A_184 = tpu.memref_slice %arg4[%dma_wait3A_176, %dma_wait3A_182, %dma_wait3A_183] : memref<3136x2x512xi32, #tpu.memory_space<hbm>> -> memref<1x2x512xi32, #tpu.memory_space<hbm>>
        %dma_wait3A_185 = tpu.memref_squeeze %dma_wait3A_184 : memref<1x2x512xi32, #tpu.memory_space<hbm>> -> memref<2x512xi32, #tpu.memory_space<hbm>>
        %dma_wait3A_186 = arith.constant 0 : i32
        %dma_wait3A_187 = arith.constant 0 : i32
        %dma_wait3A_188 = tpu.memref_slice %arg8[%dma_wait3A_177, %dma_wait3A_186, %dma_wait3A_187] : memref<2x2x512xi32, #tpu.memory_space<vmem>> -> memref<1x2x512xi32, #tpu.memory_space<vmem>>
        %dma_wait3A_189 = tpu.memref_squeeze %dma_wait3A_188 : memref<1x2x512xi32, #tpu.memory_space<vmem>> -> memref<2x512xi32, #tpu.memory_space<vmem>>
        %dma_wait3A_190 = arith.constant 0 : i32
        %dma_wait3A_191 = arith.constant 0 : i32
        %dma_wait3A_192 = tpu.memref_slice %arg4[%dma_wait3A_176, %dma_wait3A_190, %dma_wait3A_191] : memref<3136x2x512xi32, #tpu.memory_space<hbm>> -> memref<1x2x512xi32, #tpu.memory_space<hbm>>
        %dma_wait3A_193 = tpu.memref_squeeze %dma_wait3A_192 : memref<1x2x512xi32, #tpu.memory_space<hbm>> -> memref<2x512xi32, #tpu.memory_space<hbm>>
        tpu.wait_dma2 semaphore(%arg12 : memref<!tpu.dma_semaphore, #tpu.memory_space<semaphore_mem>>) src(%dma_wait3A_193 : memref<2x512xi32, #tpu.memory_space<hbm>>) dst(%dma_wait3A_189 : memref<2x512xi32, #tpu.memory_space<vmem>>)
        %dma_start3A_194 = arith.constant 1 : i32
        %dma_start3A_195 = arith.constant 0 : i32
        %dma_start3A_196 = arith.constant 1 : i32
        %dma_start3A_197 = arith.constant 0 : i32
        %dma_start3A_198 = arith.constant 0 : i32
        %dma_start3A_199 = tpu.memref_slice %arg9[%dma_start3A_196, %dma_start3A_197, %dma_start3A_198] : memref<2x512x8xf32, #tpu.memory_space<vmem>> -> memref<1x512x8xf32, #tpu.memory_space<vmem>>
        %dma_start3A_200 = tpu.memref_squeeze %dma_start3A_199 : memref<1x512x8xf32, #tpu.memory_space<vmem>> -> memref<512x8xf32, #tpu.memory_space<vmem>>
        %dma_start3A_201 = arith.constant 0 : i32
        %dma_start3A_202 = tpu.memref_slice %arg8[%dma_start3A_194, %dma_start3A_195, %dma_start3A_201] : memref<2x2x512xi32, #tpu.memory_space<vmem>> -> memref<1x1x512xi32, #tpu.memory_space<vmem>>
        %dma_start3A_203 = tpu.memref_squeeze %dma_start3A_202 : memref<1x1x512xi32, #tpu.memory_space<vmem>> -> memref<512xi32, #tpu.memory_space<vmem>>
        %dma_start3A_204 = arith.constant 0 : i32
        %dma_start3A_205 = arith.constant 0 : i32
        %dma_start3A_206 = tpu.memref_slice %arg3[%dma_start3A_204, %dma_start3A_205] : memref<100352x8xf32, #tpu.memory_space<hbm>> -> memref<100352x8xf32, #tpu.memory_space<hbm>>
        tpu.enqueue_indirect_dma source(%dma_start3A_206 : memref<100352x8xf32, #tpu.memory_space<hbm>>) target(%dma_start3A_200 : memref<512x8xf32, #tpu.memory_space<vmem>>) offsets(%dma_start3A_203 : memref<512xi32, #tpu.memory_space<vmem>>) semaphore(%arg13 : memref<!tpu.dma_semaphore, #tpu.memory_space<semaphore_mem>>)
        %dma_wait3A_207 = arith.constant 1 : i32
        %dma_wait3A_208 = arith.constant 0 : i32
        %dma_wait3A_209 = arith.constant 0 : i32
        %dma_wait3A_210 = tpu.memref_slice %arg9[%dma_wait3A_207, %dma_wait3A_208, %dma_wait3A_209] : memref<2x512x8xf32, #tpu.memory_space<vmem>> -> memref<1x512x8xf32, #tpu.memory_space<vmem>>
        %dma_wait3A_211 = tpu.memref_squeeze %dma_wait3A_210 : memref<1x512x8xf32, #tpu.memory_space<vmem>> -> memref<512x8xf32, #tpu.memory_space<vmem>>
        %dma_wait3A_212 = arith.constant 0 : i32
        %dma_wait3A_213 = arith.constant 0 : i32
        %dma_wait3A_214 = tpu.memref_slice %arg9[%dma_wait3A_207, %dma_wait3A_212, %dma_wait3A_213] : memref<2x512x8xf32, #tpu.memory_space<vmem>> -> memref<1x512x8xf32, #tpu.memory_space<vmem>>
        %dma_wait3A_215 = tpu.memref_squeeze %dma_wait3A_214 : memref<1x512x8xf32, #tpu.memory_space<vmem>> -> memref<512x8xf32, #tpu.memory_space<vmem>>
        tpu.wait_dma2 semaphore(%arg13 : memref<!tpu.dma_semaphore, #tpu.memory_space<semaphore_mem>>) src(%arg5 : memref<512x8xf32, #tpu.memory_space<hbm>>) dst(%dma_wait3A_215 : memref<512x8xf32, #tpu.memory_space<vmem>>)
        %ge3A_216 = arith.constant 1 : i32
        %ge3A_217 = arith.cmpi sge, %add3A_175, %ge3A_216 : i32
        %convert_element_type3A_218 = arith.extui %ge3A_217 : i1 to i32
        %cond3A_219 = arith.constant 0 : i32
        %cond3A_220 = arith.cmpi ne, %convert_element_type3A_218, %cond3A_219 : i32
        scf.if %cond3A_220 {
          %dma_wait3A_241 = arith.constant 0 : i32
          %dma_wait3A_242 = arith.constant 0 : i32
          %dma_wait3A_243 = arith.constant 0 : i32
          %dma_wait3A_244 = tpu.memref_slice %arg9[%dma_wait3A_241, %dma_wait3A_242, %dma_wait3A_243] : memref<2x512x8xf32, #tpu.memory_space<vmem>> -> memref<1x512x8xf32, #tpu.memory_space<vmem>>
          %dma_wait3A_245 = tpu.memref_squeeze %dma_wait3A_244 : memref<1x512x8xf32, #tpu.memory_space<vmem>> -> memref<512x8xf32, #tpu.memory_space<vmem>>
          %dma_wait3A_246 = arith.constant 0 : i32
          %dma_wait3A_247 = arith.constant 0 : i32
          %dma_wait3A_248 = tpu.memref_slice %arg9[%dma_wait3A_241, %dma_wait3A_246, %dma_wait3A_247] : memref<2x512x8xf32, #tpu.memory_space<vmem>> -> memref<1x512x8xf32, #tpu.memory_space<vmem>>
          %dma_wait3A_249 = tpu.memref_squeeze %dma_wait3A_248 : memref<1x512x8xf32, #tpu.memory_space<vmem>> -> memref<512x8xf32, #tpu.memory_space<vmem>>
          tpu.wait_dma2 semaphore(%arg14 : memref<!tpu.dma_semaphore, #tpu.memory_space<semaphore_mem>>) src(%arg5 : memref<512x8xf32, #tpu.memory_space<hbm>>) dst(%dma_wait3A_249 : memref<512x8xf32, #tpu.memory_space<vmem>>)
        } else {
        }
        %add3A_221 = arith.constant 1 : i32
        %add3A_222 = arith.addi %add3A_175, %add3A_221 : i32
        %lt3A_223 = arith.constant 98 : i32
        %lt3A_224 = arith.cmpi slt, %add3A_222, %lt3A_223 : i32
        %convert_element_type3A_225 = arith.extui %lt3A_224 : i1 to i32
        %cond3A_226 = arith.constant 0 : i32
        %cond3A_227 = arith.cmpi ne, %convert_element_type3A_225, %cond3A_226 : i32
        scf.if %cond3A_227 {
          %add3A_241 = arith.constant 1 : i32
          %add3A_242 = arith.addi %add3A_175, %add3A_241 : i32
          %add3A_243 = arith.addi %mul3A_54, %add3A_242 : i32
          %dma_start3A_244 = arith.constant 0 : i32
          %dma_start3A_245 = arith.constant 0 : i32
          %dma_start3A_246 = arith.constant 0 : i32
          %dma_start3A_247 = tpu.memref_slice %arg8[%dma_start3A_244, %dma_start3A_245, %dma_start3A_246] : memref<2x2x512xi32, #tpu.memory_space<vmem>> -> memref<1x2x512xi32, #tpu.memory_space<vmem>>
          %dma_start3A_248 = tpu.memref_squeeze %dma_start3A_247 : memref<1x2x512xi32, #tpu.memory_space<vmem>> -> memref<2x512xi32, #tpu.memory_space<vmem>>
          %dma_start3A_249 = arith.constant 0 : i32
          %dma_start3A_250 = arith.constant 0 : i32
          %dma_start3A_251 = tpu.memref_slice %arg4[%add3A_243, %dma_start3A_249, %dma_start3A_250] : memref<3136x2x512xi32, #tpu.memory_space<hbm>> -> memref<1x2x512xi32, #tpu.memory_space<hbm>>
          %dma_start3A_252 = tpu.memref_squeeze %dma_start3A_251 : memref<1x2x512xi32, #tpu.memory_space<hbm>> -> memref<2x512xi32, #tpu.memory_space<hbm>>
          %dma_start3A_253 = arith.constant 0 : i32
          %dma_start3A_254 = arith.constant 0 : i32
          %dma_start3A_255 = tpu.memref_slice %arg8[%dma_start3A_244, %dma_start3A_253, %dma_start3A_254] : memref<2x2x512xi32, #tpu.memory_space<vmem>> -> memref<1x2x512xi32, #tpu.memory_space<vmem>>
          %dma_start3A_256 = tpu.memref_squeeze %dma_start3A_255 : memref<1x2x512xi32, #tpu.memory_space<vmem>> -> memref<2x512xi32, #tpu.memory_space<vmem>>
          %dma_start3A_257 = arith.constant 0 : i32
          %dma_start3A_258 = arith.constant 0 : i32
          %dma_start3A_259 = tpu.memref_slice %arg4[%add3A_243, %dma_start3A_257, %dma_start3A_258] : memref<3136x2x512xi32, #tpu.memory_space<hbm>> -> memref<1x2x512xi32, #tpu.memory_space<hbm>>
          %dma_start3A_260 = tpu.memref_squeeze %dma_start3A_259 : memref<1x2x512xi32, #tpu.memory_space<hbm>> -> memref<2x512xi32, #tpu.memory_space<hbm>>
          tpu.enqueue_dma source(%dma_start3A_260 : memref<2x512xi32, #tpu.memory_space<hbm>>) target(%dma_start3A_256 : memref<2x512xi32, #tpu.memory_space<vmem>>) target_semaphore(%arg12 : memref<!tpu.dma_semaphore, #tpu.memory_space<semaphore_mem>>)
        } else {
        }
        %dma_start3A_228 = arith.constant 1 : i32
        %dma_start3A_229 = arith.constant 1 : i32
        %dma_start3A_230 = arith.constant 1 : i32
        %dma_start3A_231 = arith.constant 0 : i32
        %dma_start3A_232 = arith.constant 0 : i32
        %dma_start3A_233 = tpu.memref_slice %arg9[%dma_start3A_228, %dma_start3A_231, %dma_start3A_232] : memref<2x512x8xf32, #tpu.memory_space<vmem>> -> memref<1x512x8xf32, #tpu.memory_space<vmem>>
        %dma_start3A_234 = tpu.memref_squeeze %dma_start3A_233 : memref<1x512x8xf32, #tpu.memory_space<vmem>> -> memref<512x8xf32, #tpu.memory_space<vmem>>
        %dma_start3A_235 = arith.constant 0 : i32
        %dma_start3A_236 = tpu.memref_slice %arg8[%dma_start3A_229, %dma_start3A_230, %dma_start3A_235] : memref<2x2x512xi32, #tpu.memory_space<vmem>> -> memref<1x1x512xi32, #tpu.memory_space<vmem>>
        %dma_start3A_237 = tpu.memref_squeeze %dma_start3A_236 : memref<1x1x512xi32, #tpu.memory_space<vmem>> -> memref<512xi32, #tpu.memory_space<vmem>>
        %dma_start3A_238 = arith.constant 0 : i32
        %dma_start3A_239 = arith.constant 0 : i32
        %dma_start3A_240 = tpu.memref_slice %arg11[%dma_start3A_238, %dma_start3A_239] : memref<100352x8xf32, #tpu.memory_space<vmem_shared>> -> memref<100352x8xf32, #tpu.memory_space<vmem_shared>>
        tpu.enqueue_indirect_dma source(%dma_start3A_234 : memref<512x8xf32, #tpu.memory_space<vmem>>) target(%dma_start3A_240 : memref<100352x8xf32, #tpu.memory_space<vmem_shared>>) offsets(%dma_start3A_237 : memref<512xi32, #tpu.memory_space<vmem>>) semaphore(%arg14 : memref<!tpu.dma_semaphore, #tpu.memory_space<semaphore_mem>>) {add = true}
      }
      %scan3A_95 = arith.constant 49 : i32
      %dma_wait3A = arith.constant 1 : i32
      %dma_wait3A_96 = arith.constant 0 : i32
      %dma_wait3A_97 = arith.constant 0 : i32
      %dma_wait3A_98 = tpu.memref_slice %arg9[%dma_wait3A, %dma_wait3A_96, %dma_wait3A_97] : memref<2x512x8xf32, #tpu.memory_space<vmem>> -> memref<1x512x8xf32, #tpu.memory_space<vmem>>
      %dma_wait3A_99 = tpu.memref_squeeze %dma_wait3A_98 : memref<1x512x8xf32, #tpu.memory_space<vmem>> -> memref<512x8xf32, #tpu.memory_space<vmem>>
      %dma_wait3A_100 = arith.constant 0 : i32
      %dma_wait3A_101 = arith.constant 0 : i32
      %dma_wait3A_102 = tpu.memref_slice %arg9[%dma_wait3A, %dma_wait3A_100, %dma_wait3A_101] : memref<2x512x8xf32, #tpu.memory_space<vmem>> -> memref<1x512x8xf32, #tpu.memory_space<vmem>>
      %dma_wait3A_103 = tpu.memref_squeeze %dma_wait3A_102 : memref<1x512x8xf32, #tpu.memory_space<vmem>> -> memref<512x8xf32, #tpu.memory_space<vmem>>
      tpu.wait_dma2 semaphore(%arg14 : memref<!tpu.dma_semaphore, #tpu.memory_space<semaphore_mem>>) src(%arg5 : memref<512x8xf32, #tpu.memory_space<hbm>>) dst(%dma_wait3A_103 : memref<512x8xf32, #tpu.memory_space<vmem>>)
    } else {
    }
    %barrier3A_62 = arith.constant 0 : index
    tpu.barrier barrier_id(%barrier3A_62)
    %eq3A_63 = arith.constant 0 : i32
    %eq3A_64 = arith.cmpi eq, %arg0, %eq3A_63 : i32
    %convert_element_type3A_65 = arith.extui %eq3A_64 : i1 to i32
    %cond3A_66 = arith.constant 0 : i32
    %cond3A_67 = arith.cmpi ne, %convert_element_type3A_65, %cond3A_66 : i32
    scf.if %cond3A_67 {
      %mul3A_73 = arith.constant 6272 : i32
      %mul3A_74 = arith.muli %arg1, %mul3A_73 : i32
      %mul3A_75 = arith.constant 6272 : i32
      %mul3A_76 = arith.muli %arg1, %mul3A_75 : i32
      "tpu.region"() ({
        %run_scoped3A = tpu.sem_alloc : memref<!tpu.dma_semaphore, #tpu.memory_space<semaphore_mem>>
        %dma_start3A = arith.constant 0 : i32
        %dma_start3A_77 = tpu.memref_slice %arg6[%mul3A_76, %dma_start3A] : memref<100352x8xf32, #tpu.memory_space<hbm>> -> memref<6272x8xf32, #tpu.memory_space<hbm>>
        %dma_start3A_78 = arith.constant 0 : i32
        %dma_start3A_79 = tpu.memref_slice %arg11[%mul3A_74, %dma_start3A_78] : memref<100352x8xf32, #tpu.memory_space<vmem_shared>> -> memref<6272x8xf32, #tpu.memory_space<vmem_shared>>
        tpu.enqueue_dma source(%dma_start3A_79 : memref<6272x8xf32, #tpu.memory_space<vmem_shared>>) target(%dma_start3A_77 : memref<6272x8xf32, #tpu.memory_space<hbm>>) target_semaphore(%run_scoped3A : memref<!tpu.dma_semaphore, #tpu.memory_space<semaphore_mem>>)
        %dma_wait3A = arith.constant 0 : i32
        %dma_wait3A_80 = tpu.memref_slice %arg6[%mul3A_76, %dma_wait3A] : memref<100352x8xf32, #tpu.memory_space<hbm>> -> memref<6272x8xf32, #tpu.memory_space<hbm>>
        %dma_wait3A_81 = arith.constant 0 : i32
        %dma_wait3A_82 = tpu.memref_slice %arg11[%mul3A_74, %dma_wait3A_81] : memref<100352x8xf32, #tpu.memory_space<vmem_shared>> -> memref<6272x8xf32, #tpu.memory_space<vmem_shared>>
        tpu.wait_dma2 semaphore(%run_scoped3A : memref<!tpu.dma_semaphore, #tpu.memory_space<semaphore_mem>>) src(%dma_wait3A_82 : memref<6272x8xf32, #tpu.memory_space<vmem_shared>>) dst(%dma_wait3A_80 : memref<6272x8xf32, #tpu.memory_space<hbm>>)
        tpu.yield
      }) : () -> ()
    } else {
    }
    %eq3A_68 = arith.constant 1 : i32
    %eq3A_69 = arith.cmpi eq, %arg0, %eq3A_68 : i32
    %convert_element_type3A_70 = arith.extui %eq3A_69 : i1 to i32
    %cond3A_71 = arith.constant 0 : i32
    %cond3A_72 = arith.cmpi ne, %convert_element_type3A_70, %cond3A_71 : i32
    scf.if %cond3A_72 {
      %mul3A_73 = arith.constant 6272 : i32
      %mul3A_74 = arith.muli %arg1, %mul3A_73 : i32
      %mul3A_75 = arith.constant 6272 : i32
      %mul3A_76 = arith.muli %arg1, %mul3A_75 : i32
      "tpu.region"() ({
        %run_scoped3A = tpu.sem_alloc : memref<!tpu.dma_semaphore, #tpu.memory_space<semaphore_mem>>
        %dma_start3A = arith.constant 0 : i32
        %dma_start3A_77 = tpu.memref_slice %arg7[%mul3A_76, %dma_start3A] : memref<100352x8xf32, #tpu.memory_space<hbm>> -> memref<6272x8xf32, #tpu.memory_space<hbm>>
        %dma_start3A_78 = arith.constant 0 : i32
        %dma_start3A_79 = tpu.memref_slice %arg11[%mul3A_74, %dma_start3A_78] : memref<100352x8xf32, #tpu.memory_space<vmem_shared>> -> memref<6272x8xf32, #tpu.memory_space<vmem_shared>>
        tpu.enqueue_dma source(%dma_start3A_79 : memref<6272x8xf32, #tpu.memory_space<vmem_shared>>) target(%dma_start3A_77 : memref<6272x8xf32, #tpu.memory_space<hbm>>) target_semaphore(%run_scoped3A : memref<!tpu.dma_semaphore, #tpu.memory_space<semaphore_mem>>)
        %dma_wait3A = arith.constant 0 : i32
        %dma_wait3A_80 = tpu.memref_slice %arg7[%mul3A_76, %dma_wait3A] : memref<100352x8xf32, #tpu.memory_space<hbm>> -> memref<6272x8xf32, #tpu.memory_space<hbm>>
        %dma_wait3A_81 = arith.constant 0 : i32
        %dma_wait3A_82 = tpu.memref_slice %arg11[%mul3A_74, %dma_wait3A_81] : memref<100352x8xf32, #tpu.memory_space<vmem_shared>> -> memref<6272x8xf32, #tpu.memory_space<vmem_shared>>
        tpu.wait_dma2 semaphore(%run_scoped3A : memref<!tpu.dma_semaphore, #tpu.memory_space<semaphore_mem>>) src(%dma_wait3A_82 : memref<6272x8xf32, #tpu.memory_space<vmem_shared>>) dst(%dma_wait3A_80 : memref<6272x8xf32, #tpu.memory_space<hbm>>)
        tpu.yield
      }) : () -> ()
    } else {
    }
    return
  }
}

#map = affine_map<(d0, d1) -> (0, 0)>
#map1 = affine_map<(d0, d1) -> (0, 0, 0)>
module attributes {stable_mosaic.version = 14 : i64} {
  func.func @segsum(%arg0: i32, %arg1: i32, %arg2: memref<100352x32xbf16, #tpu.memory_space<hbm>>, %arg3: memref<100352x32xbf16, #tpu.memory_space<hbm>>, %arg4: memref<3136x2x512xi32, #tpu.memory_space<hbm>>, %arg5: memref<512x32xbf16, #tpu.memory_space<hbm>>, %arg6: memref<100352x32xbf16, #tpu.memory_space<hbm>>, %arg7: memref<100352x32xbf16, #tpu.memory_space<hbm>>, %arg8: memref<2x2x512xi32, #tpu.memory_space<vmem>>, %arg9: memref<2x512x32xbf16, #tpu.memory_space<vmem>>, %arg10: memref<512x32xbf16, #tpu.memory_space<vmem>>, %arg11: memref<100352x32xbf16, #tpu.memory_space<vmem_shared>>, %arg12: memref<!tpu.dma_semaphore, #tpu.memory_space<semaphore_mem>>, %arg13: memref<!tpu.dma_semaphore, #tpu.memory_space<semaphore_mem>>, %arg14: memref<!tpu.dma_semaphore, #tpu.memory_space<semaphore_mem>>) attributes {dimension_semantics = [#tpu.dimension_semantics<core_parallel>, #tpu.dimension_semantics<subcore_parallel>], iteration_bounds = array<i64: 2, 16>, scalar_prefetch = 0 : i64, scratch_operands = 7 : i64, tpu.core_type = #tpu.core_type<sc_vector_subcore>, window_params = [{transform_indices = #map}, {transform_indices = #map}, {transform_indices = #map1}, {transform_indices = #map}, {transform_indices = #map}, {transform_indices = #map}]} {
    "tpu.region"() ({
      %run_scoped3A = tpu.sem_alloc : memref<!tpu.dma_semaphore, #tpu.memory_space<semaphore_mem>>
      tpu.enqueue_dma source(%arg5 : memref<512x32xbf16, #tpu.memory_space<hbm>>) target(%arg10 : memref<512x32xbf16, #tpu.memory_space<vmem>>) target_semaphore(%run_scoped3A : memref<!tpu.dma_semaphore, #tpu.memory_space<semaphore_mem>>)
      tpu.wait_dma2 semaphore(%run_scoped3A : memref<!tpu.dma_semaphore, #tpu.memory_space<semaphore_mem>>) src(%arg5 : memref<512x32xbf16, #tpu.memory_space<hbm>>) dst(%arg10 : memref<512x32xbf16, #tpu.memory_space<vmem>>)
      tpu.yield
    }) : () -> ()
    %mul3A = arith.constant 6272 : i32
    %mul3A_0 = arith.muli %arg1, %mul3A : i32
    %add3A = arith.constant 0 : i32
    %add3A_1 = arith.addi %mul3A_0, %add3A : i32
    "tpu.region"() ({
      %run_scoped3A = tpu.sem_alloc : memref<!tpu.dma_semaphore, #tpu.memory_space<semaphore_mem>>
      %dma_start3A = arith.constant 0 : i32
      %dma_start3A_73 = tpu.memref_slice %arg11[%add3A_1, %dma_start3A] : memref<100352x32xbf16, #tpu.memory_space<vmem_shared>> -> memref<512x32xbf16, #tpu.memory_space<vmem_shared>>
      %dma_start3A_74 = arith.constant 0 : i32
      %dma_start3A_75 = tpu.memref_slice %arg11[%add3A_1, %dma_start3A_74] : memref<100352x32xbf16, #tpu.memory_space<vmem_shared>> -> memref<512x32xbf16, #tpu.memory_space<vmem_shared>>
      tpu.enqueue_dma source(%arg10 : memref<512x32xbf16, #tpu.memory_space<vmem>>) target(%dma_start3A_75 : memref<512x32xbf16, #tpu.memory_space<vmem_shared>>) target_semaphore(%run_scoped3A : memref<!tpu.dma_semaphore, #tpu.memory_space<semaphore_mem>>)
      %dma_wait3A = arith.constant 0 : i32
      %dma_wait3A_76 = tpu.memref_slice %arg11[%add3A_1, %dma_wait3A] : memref<100352x32xbf16, #tpu.memory_space<vmem_shared>> -> memref<512x32xbf16, #tpu.memory_space<vmem_shared>>
      %dma_wait3A_77 = arith.constant 0 : i32
      %dma_wait3A_78 = tpu.memref_slice %arg11[%add3A_1, %dma_wait3A_77] : memref<100352x32xbf16, #tpu.memory_space<vmem_shared>> -> memref<512x32xbf16, #tpu.memory_space<vmem_shared>>
      tpu.wait_dma2 semaphore(%run_scoped3A : memref<!tpu.dma_semaphore, #tpu.memory_space<semaphore_mem>>) src(%arg10 : memref<512x32xbf16, #tpu.memory_space<vmem>>) dst(%dma_wait3A_78 : memref<512x32xbf16, #tpu.memory_space<vmem_shared>>)
      tpu.yield
    }) : () -> ()
    %mul3A_2 = arith.constant 6272 : i32
    %mul3A_3 = arith.muli %arg1, %mul3A_2 : i32
    %add3A_4 = arith.constant 512 : i32
    %add3A_5 = arith.addi %mul3A_3, %add3A_4 : i32
    "tpu.region"() ({
      %run_scoped3A = tpu.sem_alloc : memref<!tpu.dma_semaphore, #tpu.memory_space<semaphore_mem>>
      %dma_start3A = arith.constant 0 : i32
      %dma_start3A_73 = tpu.memref_slice %arg11[%add3A_5, %dma_start3A] : memref<100352x32xbf16, #tpu.memory_space<vmem_shared>> -> memref<512x32xbf16, #tpu.memory_space<vmem_shared>>
      %dma_start3A_74 = arith.constant 0 : i32
      %dma_start3A_75 = tpu.memref_slice %arg11[%add3A_5, %dma_start3A_74] : memref<100352x32xbf16, #tpu.memory_space<vmem_shared>> -> memref<512x32xbf16, #tpu.memory_space<vmem_shared>>
      tpu.enqueue_dma source(%arg10 : memref<512x32xbf16, #tpu.memory_space<vmem>>) target(%dma_start3A_75 : memref<512x32xbf16, #tpu.memory_space<vmem_shared>>) target_semaphore(%run_scoped3A : memref<!tpu.dma_semaphore, #tpu.memory_space<semaphore_mem>>)
      %dma_wait3A = arith.constant 0 : i32
      %dma_wait3A_76 = tpu.memref_slice %arg11[%add3A_5, %dma_wait3A] : memref<100352x32xbf16, #tpu.memory_space<vmem_shared>> -> memref<512x32xbf16, #tpu.memory_space<vmem_shared>>
      %dma_wait3A_77 = arith.constant 0 : i32
      %dma_wait3A_78 = tpu.memref_slice %arg11[%add3A_5, %dma_wait3A_77] : memref<100352x32xbf16, #tpu.memory_space<vmem_shared>> -> memref<512x32xbf16, #tpu.memory_space<vmem_shared>>
      tpu.wait_dma2 semaphore(%run_scoped3A : memref<!tpu.dma_semaphore, #tpu.memory_space<semaphore_mem>>) src(%arg10 : memref<512x32xbf16, #tpu.memory_space<vmem>>) dst(%dma_wait3A_78 : memref<512x32xbf16, #tpu.memory_space<vmem_shared>>)
      tpu.yield
    }) : () -> ()
    %mul3A_6 = arith.constant 6272 : i32
    %mul3A_7 = arith.muli %arg1, %mul3A_6 : i32
    %add3A_8 = arith.constant 1024 : i32
    %add3A_9 = arith.addi %mul3A_7, %add3A_8 : i32
    "tpu.region"() ({
      %run_scoped3A = tpu.sem_alloc : memref<!tpu.dma_semaphore, #tpu.memory_space<semaphore_mem>>
      %dma_start3A = arith.constant 0 : i32
      %dma_start3A_73 = tpu.memref_slice %arg11[%add3A_9, %dma_start3A] : memref<100352x32xbf16, #tpu.memory_space<vmem_shared>> -> memref<512x32xbf16, #tpu.memory_space<vmem_shared>>
      %dma_start3A_74 = arith.constant 0 : i32
      %dma_start3A_75 = tpu.memref_slice %arg11[%add3A_9, %dma_start3A_74] : memref<100352x32xbf16, #tpu.memory_space<vmem_shared>> -> memref<512x32xbf16, #tpu.memory_space<vmem_shared>>
      tpu.enqueue_dma source(%arg10 : memref<512x32xbf16, #tpu.memory_space<vmem>>) target(%dma_start3A_75 : memref<512x32xbf16, #tpu.memory_space<vmem_shared>>) target_semaphore(%run_scoped3A : memref<!tpu.dma_semaphore, #tpu.memory_space<semaphore_mem>>)
      %dma_wait3A = arith.constant 0 : i32
      %dma_wait3A_76 = tpu.memref_slice %arg11[%add3A_9, %dma_wait3A] : memref<100352x32xbf16, #tpu.memory_space<vmem_shared>> -> memref<512x32xbf16, #tpu.memory_space<vmem_shared>>
      %dma_wait3A_77 = arith.constant 0 : i32
      %dma_wait3A_78 = tpu.memref_slice %arg11[%add3A_9, %dma_wait3A_77] : memref<100352x32xbf16, #tpu.memory_space<vmem_shared>> -> memref<512x32xbf16, #tpu.memory_space<vmem_shared>>
      tpu.wait_dma2 semaphore(%run_scoped3A : memref<!tpu.dma_semaphore, #tpu.memory_space<semaphore_mem>>) src(%arg10 : memref<512x32xbf16, #tpu.memory_space<vmem>>) dst(%dma_wait3A_78 : memref<512x32xbf16, #tpu.memory_space<vmem_shared>>)
      tpu.yield
    }) : () -> ()
    %mul3A_10 = arith.constant 6272 : i32
    %mul3A_11 = arith.muli %arg1, %mul3A_10 : i32
    %add3A_12 = arith.constant 1536 : i32
    %add3A_13 = arith.addi %mul3A_11, %add3A_12 : i32
    "tpu.region"() ({
      %run_scoped3A = tpu.sem_alloc : memref<!tpu.dma_semaphore, #tpu.memory_space<semaphore_mem>>
      %dma_start3A = arith.constant 0 : i32
      %dma_start3A_73 = tpu.memref_slice %arg11[%add3A_13, %dma_start3A] : memref<100352x32xbf16, #tpu.memory_space<vmem_shared>> -> memref<512x32xbf16, #tpu.memory_space<vmem_shared>>
      %dma_start3A_74 = arith.constant 0 : i32
      %dma_start3A_75 = tpu.memref_slice %arg11[%add3A_13, %dma_start3A_74] : memref<100352x32xbf16, #tpu.memory_space<vmem_shared>> -> memref<512x32xbf16, #tpu.memory_space<vmem_shared>>
      tpu.enqueue_dma source(%arg10 : memref<512x32xbf16, #tpu.memory_space<vmem>>) target(%dma_start3A_75 : memref<512x32xbf16, #tpu.memory_space<vmem_shared>>) target_semaphore(%run_scoped3A : memref<!tpu.dma_semaphore, #tpu.memory_space<semaphore_mem>>)
      %dma_wait3A = arith.constant 0 : i32
      %dma_wait3A_76 = tpu.memref_slice %arg11[%add3A_13, %dma_wait3A] : memref<100352x32xbf16, #tpu.memory_space<vmem_shared>> -> memref<512x32xbf16, #tpu.memory_space<vmem_shared>>
      %dma_wait3A_77 = arith.constant 0 : i32
      %dma_wait3A_78 = tpu.memref_slice %arg11[%add3A_13, %dma_wait3A_77] : memref<100352x32xbf16, #tpu.memory_space<vmem_shared>> -> memref<512x32xbf16, #tpu.memory_space<vmem_shared>>
      tpu.wait_dma2 semaphore(%run_scoped3A : memref<!tpu.dma_semaphore, #tpu.memory_space<semaphore_mem>>) src(%arg10 : memref<512x32xbf16, #tpu.memory_space<vmem>>) dst(%dma_wait3A_78 : memref<512x32xbf16, #tpu.memory_space<vmem_shared>>)
      tpu.yield
    }) : () -> ()
    %mul3A_14 = arith.constant 6272 : i32
    %mul3A_15 = arith.muli %arg1, %mul3A_14 : i32
    %add3A_16 = arith.constant 2048 : i32
    %add3A_17 = arith.addi %mul3A_15, %add3A_16 : i32
    "tpu.region"() ({
      %run_scoped3A = tpu.sem_alloc : memref<!tpu.dma_semaphore, #tpu.memory_space<semaphore_mem>>
      %dma_start3A = arith.constant 0 : i32
      %dma_start3A_73 = tpu.memref_slice %arg11[%add3A_17, %dma_start3A] : memref<100352x32xbf16, #tpu.memory_space<vmem_shared>> -> memref<512x32xbf16, #tpu.memory_space<vmem_shared>>
      %dma_start3A_74 = arith.constant 0 : i32
      %dma_start3A_75 = tpu.memref_slice %arg11[%add3A_17, %dma_start3A_74] : memref<100352x32xbf16, #tpu.memory_space<vmem_shared>> -> memref<512x32xbf16, #tpu.memory_space<vmem_shared>>
      tpu.enqueue_dma source(%arg10 : memref<512x32xbf16, #tpu.memory_space<vmem>>) target(%dma_start3A_75 : memref<512x32xbf16, #tpu.memory_space<vmem_shared>>) target_semaphore(%run_scoped3A : memref<!tpu.dma_semaphore, #tpu.memory_space<semaphore_mem>>)
      %dma_wait3A = arith.constant 0 : i32
      %dma_wait3A_76 = tpu.memref_slice %arg11[%add3A_17, %dma_wait3A] : memref<100352x32xbf16, #tpu.memory_space<vmem_shared>> -> memref<512x32xbf16, #tpu.memory_space<vmem_shared>>
      %dma_wait3A_77 = arith.constant 0 : i32
      %dma_wait3A_78 = tpu.memref_slice %arg11[%add3A_17, %dma_wait3A_77] : memref<100352x32xbf16, #tpu.memory_space<vmem_shared>> -> memref<512x32xbf16, #tpu.memory_space<vmem_shared>>
      tpu.wait_dma2 semaphore(%run_scoped3A : memref<!tpu.dma_semaphore, #tpu.memory_space<semaphore_mem>>) src(%arg10 : memref<512x32xbf16, #tpu.memory_space<vmem>>) dst(%dma_wait3A_78 : memref<512x32xbf16, #tpu.memory_space<vmem_shared>>)
      tpu.yield
    }) : () -> ()
    %mul3A_18 = arith.constant 6272 : i32
    %mul3A_19 = arith.muli %arg1, %mul3A_18 : i32
    %add3A_20 = arith.constant 2560 : i32
    %add3A_21 = arith.addi %mul3A_19, %add3A_20 : i32
    "tpu.region"() ({
      %run_scoped3A = tpu.sem_alloc : memref<!tpu.dma_semaphore, #tpu.memory_space<semaphore_mem>>
      %dma_start3A = arith.constant 0 : i32
      %dma_start3A_73 = tpu.memref_slice %arg11[%add3A_21, %dma_start3A] : memref<100352x32xbf16, #tpu.memory_space<vmem_shared>> -> memref<512x32xbf16, #tpu.memory_space<vmem_shared>>
      %dma_start3A_74 = arith.constant 0 : i32
      %dma_start3A_75 = tpu.memref_slice %arg11[%add3A_21, %dma_start3A_74] : memref<100352x32xbf16, #tpu.memory_space<vmem_shared>> -> memref<512x32xbf16, #tpu.memory_space<vmem_shared>>
      tpu.enqueue_dma source(%arg10 : memref<512x32xbf16, #tpu.memory_space<vmem>>) target(%dma_start3A_75 : memref<512x32xbf16, #tpu.memory_space<vmem_shared>>) target_semaphore(%run_scoped3A : memref<!tpu.dma_semaphore, #tpu.memory_space<semaphore_mem>>)
      %dma_wait3A = arith.constant 0 : i32
      %dma_wait3A_76 = tpu.memref_slice %arg11[%add3A_21, %dma_wait3A] : memref<100352x32xbf16, #tpu.memory_space<vmem_shared>> -> memref<512x32xbf16, #tpu.memory_space<vmem_shared>>
      %dma_wait3A_77 = arith.constant 0 : i32
      %dma_wait3A_78 = tpu.memref_slice %arg11[%add3A_21, %dma_wait3A_77] : memref<100352x32xbf16, #tpu.memory_space<vmem_shared>> -> memref<512x32xbf16, #tpu.memory_space<vmem_shared>>
      tpu.wait_dma2 semaphore(%run_scoped3A : memref<!tpu.dma_semaphore, #tpu.memory_space<semaphore_mem>>) src(%arg10 : memref<512x32xbf16, #tpu.memory_space<vmem>>) dst(%dma_wait3A_78 : memref<512x32xbf16, #tpu.memory_space<vmem_shared>>)
      tpu.yield
    }) : () -> ()
    %mul3A_22 = arith.constant 6272 : i32
    %mul3A_23 = arith.muli %arg1, %mul3A_22 : i32
    %add3A_24 = arith.constant 3072 : i32
    %add3A_25 = arith.addi %mul3A_23, %add3A_24 : i32
    "tpu.region"() ({
      %run_scoped3A = tpu.sem_alloc : memref<!tpu.dma_semaphore, #tpu.memory_space<semaphore_mem>>
      %dma_start3A = arith.constant 0 : i32
      %dma_start3A_73 = tpu.memref_slice %arg11[%add3A_25, %dma_start3A] : memref<100352x32xbf16, #tpu.memory_space<vmem_shared>> -> memref<512x32xbf16, #tpu.memory_space<vmem_shared>>
      %dma_start3A_74 = arith.constant 0 : i32
      %dma_start3A_75 = tpu.memref_slice %arg11[%add3A_25, %dma_start3A_74] : memref<100352x32xbf16, #tpu.memory_space<vmem_shared>> -> memref<512x32xbf16, #tpu.memory_space<vmem_shared>>
      tpu.enqueue_dma source(%arg10 : memref<512x32xbf16, #tpu.memory_space<vmem>>) target(%dma_start3A_75 : memref<512x32xbf16, #tpu.memory_space<vmem_shared>>) target_semaphore(%run_scoped3A : memref<!tpu.dma_semaphore, #tpu.memory_space<semaphore_mem>>)
      %dma_wait3A = arith.constant 0 : i32
      %dma_wait3A_76 = tpu.memref_slice %arg11[%add3A_25, %dma_wait3A] : memref<100352x32xbf16, #tpu.memory_space<vmem_shared>> -> memref<512x32xbf16, #tpu.memory_space<vmem_shared>>
      %dma_wait3A_77 = arith.constant 0 : i32
      %dma_wait3A_78 = tpu.memref_slice %arg11[%add3A_25, %dma_wait3A_77] : memref<100352x32xbf16, #tpu.memory_space<vmem_shared>> -> memref<512x32xbf16, #tpu.memory_space<vmem_shared>>
      tpu.wait_dma2 semaphore(%run_scoped3A : memref<!tpu.dma_semaphore, #tpu.memory_space<semaphore_mem>>) src(%arg10 : memref<512x32xbf16, #tpu.memory_space<vmem>>) dst(%dma_wait3A_78 : memref<512x32xbf16, #tpu.memory_space<vmem_shared>>)
      tpu.yield
    }) : () -> ()
    %mul3A_26 = arith.constant 6272 : i32
    %mul3A_27 = arith.muli %arg1, %mul3A_26 : i32
    %add3A_28 = arith.constant 3584 : i32
    %add3A_29 = arith.addi %mul3A_27, %add3A_28 : i32
    "tpu.region"() ({
      %run_scoped3A = tpu.sem_alloc : memref<!tpu.dma_semaphore, #tpu.memory_space<semaphore_mem>>
      %dma_start3A = arith.constant 0 : i32
      %dma_start3A_73 = tpu.memref_slice %arg11[%add3A_29, %dma_start3A] : memref<100352x32xbf16, #tpu.memory_space<vmem_shared>> -> memref<512x32xbf16, #tpu.memory_space<vmem_shared>>
      %dma_start3A_74 = arith.constant 0 : i32
      %dma_start3A_75 = tpu.memref_slice %arg11[%add3A_29, %dma_start3A_74] : memref<100352x32xbf16, #tpu.memory_space<vmem_shared>> -> memref<512x32xbf16, #tpu.memory_space<vmem_shared>>
      tpu.enqueue_dma source(%arg10 : memref<512x32xbf16, #tpu.memory_space<vmem>>) target(%dma_start3A_75 : memref<512x32xbf16, #tpu.memory_space<vmem_shared>>) target_semaphore(%run_scoped3A : memref<!tpu.dma_semaphore, #tpu.memory_space<semaphore_mem>>)
      %dma_wait3A = arith.constant 0 : i32
      %dma_wait3A_76 = tpu.memref_slice %arg11[%add3A_29, %dma_wait3A] : memref<100352x32xbf16, #tpu.memory_space<vmem_shared>> -> memref<512x32xbf16, #tpu.memory_space<vmem_shared>>
      %dma_wait3A_77 = arith.constant 0 : i32
      %dma_wait3A_78 = tpu.memref_slice %arg11[%add3A_29, %dma_wait3A_77] : memref<100352x32xbf16, #tpu.memory_space<vmem_shared>> -> memref<512x32xbf16, #tpu.memory_space<vmem_shared>>
      tpu.wait_dma2 semaphore(%run_scoped3A : memref<!tpu.dma_semaphore, #tpu.memory_space<semaphore_mem>>) src(%arg10 : memref<512x32xbf16, #tpu.memory_space<vmem>>) dst(%dma_wait3A_78 : memref<512x32xbf16, #tpu.memory_space<vmem_shared>>)
      tpu.yield
    }) : () -> ()
    %mul3A_30 = arith.constant 6272 : i32
    %mul3A_31 = arith.muli %arg1, %mul3A_30 : i32
    %add3A_32 = arith.constant 4096 : i32
    %add3A_33 = arith.addi %mul3A_31, %add3A_32 : i32
    "tpu.region"() ({
      %run_scoped3A = tpu.sem_alloc : memref<!tpu.dma_semaphore, #tpu.memory_space<semaphore_mem>>
      %dma_start3A = arith.constant 0 : i32
      %dma_start3A_73 = tpu.memref_slice %arg11[%add3A_33, %dma_start3A] : memref<100352x32xbf16, #tpu.memory_space<vmem_shared>> -> memref<512x32xbf16, #tpu.memory_space<vmem_shared>>
      %dma_start3A_74 = arith.constant 0 : i32
      %dma_start3A_75 = tpu.memref_slice %arg11[%add3A_33, %dma_start3A_74] : memref<100352x32xbf16, #tpu.memory_space<vmem_shared>> -> memref<512x32xbf16, #tpu.memory_space<vmem_shared>>
      tpu.enqueue_dma source(%arg10 : memref<512x32xbf16, #tpu.memory_space<vmem>>) target(%dma_start3A_75 : memref<512x32xbf16, #tpu.memory_space<vmem_shared>>) target_semaphore(%run_scoped3A : memref<!tpu.dma_semaphore, #tpu.memory_space<semaphore_mem>>)
      %dma_wait3A = arith.constant 0 : i32
      %dma_wait3A_76 = tpu.memref_slice %arg11[%add3A_33, %dma_wait3A] : memref<100352x32xbf16, #tpu.memory_space<vmem_shared>> -> memref<512x32xbf16, #tpu.memory_space<vmem_shared>>
      %dma_wait3A_77 = arith.constant 0 : i32
      %dma_wait3A_78 = tpu.memref_slice %arg11[%add3A_33, %dma_wait3A_77] : memref<100352x32xbf16, #tpu.memory_space<vmem_shared>> -> memref<512x32xbf16, #tpu.memory_space<vmem_shared>>
      tpu.wait_dma2 semaphore(%run_scoped3A : memref<!tpu.dma_semaphore, #tpu.memory_space<semaphore_mem>>) src(%arg10 : memref<512x32xbf16, #tpu.memory_space<vmem>>) dst(%dma_wait3A_78 : memref<512x32xbf16, #tpu.memory_space<vmem_shared>>)
      tpu.yield
    }) : () -> ()
    %mul3A_34 = arith.constant 6272 : i32
    %mul3A_35 = arith.muli %arg1, %mul3A_34 : i32
    %add3A_36 = arith.constant 4608 : i32
    %add3A_37 = arith.addi %mul3A_35, %add3A_36 : i32
    "tpu.region"() ({
      %run_scoped3A = tpu.sem_alloc : memref<!tpu.dma_semaphore, #tpu.memory_space<semaphore_mem>>
      %dma_start3A = arith.constant 0 : i32
      %dma_start3A_73 = tpu.memref_slice %arg11[%add3A_37, %dma_start3A] : memref<100352x32xbf16, #tpu.memory_space<vmem_shared>> -> memref<512x32xbf16, #tpu.memory_space<vmem_shared>>
      %dma_start3A_74 = arith.constant 0 : i32
      %dma_start3A_75 = tpu.memref_slice %arg11[%add3A_37, %dma_start3A_74] : memref<100352x32xbf16, #tpu.memory_space<vmem_shared>> -> memref<512x32xbf16, #tpu.memory_space<vmem_shared>>
      tpu.enqueue_dma source(%arg10 : memref<512x32xbf16, #tpu.memory_space<vmem>>) target(%dma_start3A_75 : memref<512x32xbf16, #tpu.memory_space<vmem_shared>>) target_semaphore(%run_scoped3A : memref<!tpu.dma_semaphore, #tpu.memory_space<semaphore_mem>>)
      %dma_wait3A = arith.constant 0 : i32
      %dma_wait3A_76 = tpu.memref_slice %arg11[%add3A_37, %dma_wait3A] : memref<100352x32xbf16, #tpu.memory_space<vmem_shared>> -> memref<512x32xbf16, #tpu.memory_space<vmem_shared>>
      %dma_wait3A_77 = arith.constant 0 : i32
      %dma_wait3A_78 = tpu.memref_slice %arg11[%add3A_37, %dma_wait3A_77] : memref<100352x32xbf16, #tpu.memory_space<vmem_shared>> -> memref<512x32xbf16, #tpu.memory_space<vmem_shared>>
      tpu.wait_dma2 semaphore(%run_scoped3A : memref<!tpu.dma_semaphore, #tpu.memory_space<semaphore_mem>>) src(%arg10 : memref<512x32xbf16, #tpu.memory_space<vmem>>) dst(%dma_wait3A_78 : memref<512x32xbf16, #tpu.memory_space<vmem_shared>>)
      tpu.yield
    }) : () -> ()
    %mul3A_38 = arith.constant 6272 : i32
    %mul3A_39 = arith.muli %arg1, %mul3A_38 : i32
    %add3A_40 = arith.constant 5120 : i32
    %add3A_41 = arith.addi %mul3A_39, %add3A_40 : i32
    "tpu.region"() ({
      %run_scoped3A = tpu.sem_alloc : memref<!tpu.dma_semaphore, #tpu.memory_space<semaphore_mem>>
      %dma_start3A = arith.constant 0 : i32
      %dma_start3A_73 = tpu.memref_slice %arg11[%add3A_41, %dma_start3A] : memref<100352x32xbf16, #tpu.memory_space<vmem_shared>> -> memref<512x32xbf16, #tpu.memory_space<vmem_shared>>
      %dma_start3A_74 = arith.constant 0 : i32
      %dma_start3A_75 = tpu.memref_slice %arg11[%add3A_41, %dma_start3A_74] : memref<100352x32xbf16, #tpu.memory_space<vmem_shared>> -> memref<512x32xbf16, #tpu.memory_space<vmem_shared>>
      tpu.enqueue_dma source(%arg10 : memref<512x32xbf16, #tpu.memory_space<vmem>>) target(%dma_start3A_75 : memref<512x32xbf16, #tpu.memory_space<vmem_shared>>) target_semaphore(%run_scoped3A : memref<!tpu.dma_semaphore, #tpu.memory_space<semaphore_mem>>)
      %dma_wait3A = arith.constant 0 : i32
      %dma_wait3A_76 = tpu.memref_slice %arg11[%add3A_41, %dma_wait3A] : memref<100352x32xbf16, #tpu.memory_space<vmem_shared>> -> memref<512x32xbf16, #tpu.memory_space<vmem_shared>>
      %dma_wait3A_77 = arith.constant 0 : i32
      %dma_wait3A_78 = tpu.memref_slice %arg11[%add3A_41, %dma_wait3A_77] : memref<100352x32xbf16, #tpu.memory_space<vmem_shared>> -> memref<512x32xbf16, #tpu.memory_space<vmem_shared>>
      tpu.wait_dma2 semaphore(%run_scoped3A : memref<!tpu.dma_semaphore, #tpu.memory_space<semaphore_mem>>) src(%arg10 : memref<512x32xbf16, #tpu.memory_space<vmem>>) dst(%dma_wait3A_78 : memref<512x32xbf16, #tpu.memory_space<vmem_shared>>)
      tpu.yield
    }) : () -> ()
    %mul3A_42 = arith.constant 6272 : i32
    %mul3A_43 = arith.muli %arg1, %mul3A_42 : i32
    %add3A_44 = arith.constant 5632 : i32
    %add3A_45 = arith.addi %mul3A_43, %add3A_44 : i32
    "tpu.region"() ({
      %run_scoped3A = tpu.sem_alloc : memref<!tpu.dma_semaphore, #tpu.memory_space<semaphore_mem>>
      %dma_start3A = arith.constant 0 : i32
      %dma_start3A_73 = tpu.memref_slice %arg11[%add3A_45, %dma_start3A] : memref<100352x32xbf16, #tpu.memory_space<vmem_shared>> -> memref<512x32xbf16, #tpu.memory_space<vmem_shared>>
      %dma_start3A_74 = arith.constant 0 : i32
      %dma_start3A_75 = tpu.memref_slice %arg11[%add3A_45, %dma_start3A_74] : memref<100352x32xbf16, #tpu.memory_space<vmem_shared>> -> memref<512x32xbf16, #tpu.memory_space<vmem_shared>>
      tpu.enqueue_dma source(%arg10 : memref<512x32xbf16, #tpu.memory_space<vmem>>) target(%dma_start3A_75 : memref<512x32xbf16, #tpu.memory_space<vmem_shared>>) target_semaphore(%run_scoped3A : memref<!tpu.dma_semaphore, #tpu.memory_space<semaphore_mem>>)
      %dma_wait3A = arith.constant 0 : i32
      %dma_wait3A_76 = tpu.memref_slice %arg11[%add3A_45, %dma_wait3A] : memref<100352x32xbf16, #tpu.memory_space<vmem_shared>> -> memref<512x32xbf16, #tpu.memory_space<vmem_shared>>
      %dma_wait3A_77 = arith.constant 0 : i32
      %dma_wait3A_78 = tpu.memref_slice %arg11[%add3A_45, %dma_wait3A_77] : memref<100352x32xbf16, #tpu.memory_space<vmem_shared>> -> memref<512x32xbf16, #tpu.memory_space<vmem_shared>>
      tpu.wait_dma2 semaphore(%run_scoped3A : memref<!tpu.dma_semaphore, #tpu.memory_space<semaphore_mem>>) src(%arg10 : memref<512x32xbf16, #tpu.memory_space<vmem>>) dst(%dma_wait3A_78 : memref<512x32xbf16, #tpu.memory_space<vmem_shared>>)
      tpu.yield
    }) : () -> ()
    %mul3A_46 = arith.constant 6272 : i32
    %mul3A_47 = arith.muli %arg1, %mul3A_46 : i32
    %add3A_48 = arith.constant 6144 : i32
    %add3A_49 = arith.addi %mul3A_47, %add3A_48 : i32
    "tpu.region"() ({
      %run_scoped3A = tpu.sem_alloc : memref<!tpu.dma_semaphore, #tpu.memory_space<semaphore_mem>>
      %dma_start3A = arith.constant 0 : i32
      %dma_start3A_73 = arith.constant 0 : i32
      %dma_start3A_74 = tpu.memref_slice %arg10[%dma_start3A, %dma_start3A_73] : memref<512x32xbf16, #tpu.memory_space<vmem>> -> memref<128x32xbf16, #tpu.memory_space<vmem>>
      %dma_start3A_75 = arith.constant 0 : i32
      %dma_start3A_76 = tpu.memref_slice %arg11[%add3A_49, %dma_start3A_75] : memref<100352x32xbf16, #tpu.memory_space<vmem_shared>> -> memref<128x32xbf16, #tpu.memory_space<vmem_shared>>
      %dma_start3A_77 = arith.constant 0 : i32
      %dma_start3A_78 = tpu.memref_slice %arg11[%add3A_49, %dma_start3A_77] : memref<100352x32xbf16, #tpu.memory_space<vmem_shared>> -> memref<128x32xbf16, #tpu.memory_space<vmem_shared>>
      %dma_start3A_79 = arith.constant 0 : i32
      %dma_start3A_80 = arith.constant 0 : i32
      %dma_start3A_81 = tpu.memref_slice %arg10[%dma_start3A_79, %dma_start3A_80] : memref<512x32xbf16, #tpu.memory_space<vmem>> -> memref<128x32xbf16, #tpu.memory_space<vmem>>
      tpu.enqueue_dma source(%dma_start3A_81 : memref<128x32xbf16, #tpu.memory_space<vmem>>) target(%dma_start3A_78 : memref<128x32xbf16, #tpu.memory_space<vmem_shared>>) target_semaphore(%run_scoped3A : memref<!tpu.dma_semaphore, #tpu.memory_space<semaphore_mem>>)
      %dma_wait3A = arith.constant 0 : i32
      %dma_wait3A_82 = arith.constant 0 : i32
      %dma_wait3A_83 = tpu.memref_slice %arg10[%dma_wait3A, %dma_wait3A_82] : memref<512x32xbf16, #tpu.memory_space<vmem>> -> memref<128x32xbf16, #tpu.memory_space<vmem>>
      %dma_wait3A_84 = arith.constant 0 : i32
      %dma_wait3A_85 = tpu.memref_slice %arg11[%add3A_49, %dma_wait3A_84] : memref<100352x32xbf16, #tpu.memory_space<vmem_shared>> -> memref<128x32xbf16, #tpu.memory_space<vmem_shared>>
      %dma_wait3A_86 = arith.constant 0 : i32
      %dma_wait3A_87 = tpu.memref_slice %arg11[%add3A_49, %dma_wait3A_86] : memref<100352x32xbf16, #tpu.memory_space<vmem_shared>> -> memref<128x32xbf16, #tpu.memory_space<vmem_shared>>
      %dma_wait3A_88 = arith.constant 0 : i32
      %dma_wait3A_89 = arith.constant 0 : i32
      %dma_wait3A_90 = tpu.memref_slice %arg10[%dma_wait3A_88, %dma_wait3A_89] : memref<512x32xbf16, #tpu.memory_space<vmem>> -> memref<128x32xbf16, #tpu.memory_space<vmem>>
      tpu.wait_dma2 semaphore(%run_scoped3A : memref<!tpu.dma_semaphore, #tpu.memory_space<semaphore_mem>>) src(%dma_wait3A_90 : memref<128x32xbf16, #tpu.memory_space<vmem>>) dst(%dma_wait3A_87 : memref<128x32xbf16, #tpu.memory_space<vmem_shared>>)
      tpu.yield
    }) : () -> ()
    %barrier3A = arith.constant 0 : index
    tpu.barrier barrier_id(%barrier3A)
    %mul3A_50 = arith.constant 16 : i32
    %mul3A_51 = arith.muli %arg0, %mul3A_50 : i32
    %add3A_52 = arith.addi %mul3A_51, %arg1 : i32
    %mul3A_53 = arith.constant 98 : i32
    %mul3A_54 = arith.muli %add3A_52, %mul3A_53 : i32
    %eq3A = arith.constant 0 : i32
    %eq3A_55 = arith.cmpi eq, %arg0, %eq3A : i32
    %convert_element_type3A = arith.extui %eq3A_55 : i1 to i32
    %cond3A = arith.constant 0 : i32
    %cond3A_56 = arith.cmpi ne, %convert_element_type3A, %cond3A : i32
    scf.if %cond3A_56 {
      %add3A_73 = arith.constant 0 : i32
      %add3A_74 = arith.addi %mul3A_54, %add3A_73 : i32
      %dma_start3A = arith.constant 0 : i32
      %dma_start3A_75 = arith.constant 0 : i32
      %dma_start3A_76 = arith.constant 0 : i32
      %dma_start3A_77 = tpu.memref_slice %arg8[%dma_start3A, %dma_start3A_75, %dma_start3A_76] : memref<2x2x512xi32, #tpu.memory_space<vmem>> -> memref<1x2x512xi32, #tpu.memory_space<vmem>>
      %dma_start3A_78 = tpu.memref_squeeze %dma_start3A_77 : memref<1x2x512xi32, #tpu.memory_space<vmem>> -> memref<2x512xi32, #tpu.memory_space<vmem>>
      %dma_start3A_79 = arith.constant 0 : i32
      %dma_start3A_80 = arith.constant 0 : i32
      %dma_start3A_81 = tpu.memref_slice %arg4[%add3A_74, %dma_start3A_79, %dma_start3A_80] : memref<3136x2x512xi32, #tpu.memory_space<hbm>> -> memref<1x2x512xi32, #tpu.memory_space<hbm>>
      %dma_start3A_82 = tpu.memref_squeeze %dma_start3A_81 : memref<1x2x512xi32, #tpu.memory_space<hbm>> -> memref<2x512xi32, #tpu.memory_space<hbm>>
      %dma_start3A_83 = arith.constant 0 : i32
      %dma_start3A_84 = arith.constant 0 : i32
      %dma_start3A_85 = tpu.memref_slice %arg8[%dma_start3A, %dma_start3A_83, %dma_start3A_84] : memref<2x2x512xi32, #tpu.memory_space<vmem>> -> memref<1x2x512xi32, #tpu.memory_space<vmem>>
      %dma_start3A_86 = tpu.memref_squeeze %dma_start3A_85 : memref<1x2x512xi32, #tpu.memory_space<vmem>> -> memref<2x512xi32, #tpu.memory_space<vmem>>
      %dma_start3A_87 = arith.constant 0 : i32
      %dma_start3A_88 = arith.constant 0 : i32
      %dma_start3A_89 = tpu.memref_slice %arg4[%add3A_74, %dma_start3A_87, %dma_start3A_88] : memref<3136x2x512xi32, #tpu.memory_space<hbm>> -> memref<1x2x512xi32, #tpu.memory_space<hbm>>
      %dma_start3A_90 = tpu.memref_squeeze %dma_start3A_89 : memref<1x2x512xi32, #tpu.memory_space<hbm>> -> memref<2x512xi32, #tpu.memory_space<hbm>>
      tpu.enqueue_dma source(%dma_start3A_90 : memref<2x512xi32, #tpu.memory_space<hbm>>) target(%dma_start3A_86 : memref<2x512xi32, #tpu.memory_space<vmem>>) target_semaphore(%arg12 : memref<!tpu.dma_semaphore, #tpu.memory_space<semaphore_mem>>)
      %scan3A = arith.constant 0 : i32
      %scan3A_91 = arith.constant 0 : i32
      %scan3A_92 = arith.constant 49 : i32
      %scan3A_93 = arith.addi %scan3A_91, %scan3A_92 : i32
      %scan3A_94 = arith.constant 1 : i32
      scf.for %scan3A_104 = %scan3A_91 to %scan3A_93 step %scan3A_94  : i32 {
        %mul3A_105 = arith.constant 2 : i32
        %mul3A_106 = arith.muli %scan3A_104, %mul3A_105 : i32
        %add3A_107 = arith.constant 0 : i32
        %add3A_108 = arith.addi %mul3A_106, %add3A_107 : i32
        %dma_wait3A_109 = arith.constant 0 : i32
        %dma_wait3A_110 = arith.constant 0 : i32
        %dma_wait3A_111 = arith.constant 0 : i32
        %dma_wait3A_112 = arith.constant 0 : i32
        %dma_wait3A_113 = tpu.memref_slice %arg8[%dma_wait3A_110, %dma_wait3A_111, %dma_wait3A_112] : memref<2x2x512xi32, #tpu.memory_space<vmem>> -> memref<1x2x512xi32, #tpu.memory_space<vmem>>
        %dma_wait3A_114 = tpu.memref_squeeze %dma_wait3A_113 : memref<1x2x512xi32, #tpu.memory_space<vmem>> -> memref<2x512xi32, #tpu.memory_space<vmem>>
        %dma_wait3A_115 = arith.constant 0 : i32
        %dma_wait3A_116 = arith.constant 0 : i32
        %dma_wait3A_117 = tpu.memref_slice %arg4[%dma_wait3A_109, %dma_wait3A_115, %dma_wait3A_116] : memref<3136x2x512xi32, #tpu.memory_space<hbm>> -> memref<1x2x512xi32, #tpu.memory_space<hbm>>
        %dma_wait3A_118 = tpu.memref_squeeze %dma_wait3A_117 : memref<1x2x512xi32, #tpu.memory_space<hbm>> -> memref<2x512xi32, #tpu.memory_space<hbm>>
        %dma_wait3A_119 = arith.constant 0 : i32
        %dma_wait3A_120 = arith.constant 0 : i32
        %dma_wait3A_121 = tpu.memref_slice %arg8[%dma_wait3A_110, %dma_wait3A_119, %dma_wait3A_120] : memref<2x2x512xi32, #tpu.memory_space<vmem>> -> memref<1x2x512xi32, #tpu.memory_space<vmem>>
        %dma_wait3A_122 = tpu.memref_squeeze %dma_wait3A_121 : memref<1x2x512xi32, #tpu.memory_space<vmem>> -> memref<2x512xi32, #tpu.memory_space<vmem>>
        %dma_wait3A_123 = arith.constant 0 : i32
        %dma_wait3A_124 = arith.constant 0 : i32
        %dma_wait3A_125 = tpu.memref_slice %arg4[%dma_wait3A_109, %dma_wait3A_123, %dma_wait3A_124] : memref<3136x2x512xi32, #tpu.memory_space<hbm>> -> memref<1x2x512xi32, #tpu.memory_space<hbm>>
        %dma_wait3A_126 = tpu.memref_squeeze %dma_wait3A_125 : memref<1x2x512xi32, #tpu.memory_space<hbm>> -> memref<2x512xi32, #tpu.memory_space<hbm>>
        tpu.wait_dma2 semaphore(%arg12 : memref<!tpu.dma_semaphore, #tpu.memory_space<semaphore_mem>>) src(%dma_wait3A_126 : memref<2x512xi32, #tpu.memory_space<hbm>>) dst(%dma_wait3A_122 : memref<2x512xi32, #tpu.memory_space<vmem>>)
        %dma_start3A_127 = arith.constant 0 : i32
        %dma_start3A_128 = arith.constant 0 : i32
        %dma_start3A_129 = arith.constant 0 : i32
        %dma_start3A_130 = arith.constant 0 : i32
        %dma_start3A_131 = arith.constant 0 : i32
        %dma_start3A_132 = tpu.memref_slice %arg9[%dma_start3A_129, %dma_start3A_130, %dma_start3A_131] : memref<2x512x32xbf16, #tpu.memory_space<vmem>> -> memref<1x512x32xbf16, #tpu.memory_space<vmem>>
        %dma_start3A_133 = tpu.memref_squeeze %dma_start3A_132 : memref<1x512x32xbf16, #tpu.memory_space<vmem>> -> memref<512x32xbf16, #tpu.memory_space<vmem>>
        %dma_start3A_134 = arith.constant 0 : i32
        %dma_start3A_135 = tpu.memref_slice %arg8[%dma_start3A_127, %dma_start3A_128, %dma_start3A_134] : memref<2x2x512xi32, #tpu.memory_space<vmem>> -> memref<1x1x512xi32, #tpu.memory_space<vmem>>
        %dma_start3A_136 = tpu.memref_squeeze %dma_start3A_135 : memref<1x1x512xi32, #tpu.memory_space<vmem>> -> memref<512xi32, #tpu.memory_space<vmem>>
        %dma_start3A_137 = arith.constant 0 : i32
        %dma_start3A_138 = arith.constant 0 : i32
        %dma_start3A_139 = tpu.memref_slice %arg2[%dma_start3A_137, %dma_start3A_138] : memref<100352x32xbf16, #tpu.memory_space<hbm>> -> memref<100352x32xbf16, #tpu.memory_space<hbm>>
        tpu.enqueue_indirect_dma source(%dma_start3A_139 : memref<100352x32xbf16, #tpu.memory_space<hbm>>) target(%dma_start3A_133 : memref<512x32xbf16, #tpu.memory_space<vmem>>) offsets(%dma_start3A_136 : memref<512xi32, #tpu.memory_space<vmem>>) semaphore(%arg13 : memref<!tpu.dma_semaphore, #tpu.memory_space<semaphore_mem>>)
        %dma_wait3A_140 = arith.constant 0 : i32
        %dma_wait3A_141 = arith.constant 0 : i32
        %dma_wait3A_142 = arith.constant 0 : i32
        %dma_wait3A_143 = tpu.memref_slice %arg9[%dma_wait3A_140, %dma_wait3A_141, %dma_wait3A_142] : memref<2x512x32xbf16, #tpu.memory_space<vmem>> -> memref<1x512x32xbf16, #tpu.memory_space<vmem>>
        %dma_wait3A_144 = tpu.memref_squeeze %dma_wait3A_143 : memref<1x512x32xbf16, #tpu.memory_space<vmem>> -> memref<512x32xbf16, #tpu.memory_space<vmem>>
        %dma_wait3A_145 = arith.constant 0 : i32
        %dma_wait3A_146 = arith.constant 0 : i32
        %dma_wait3A_147 = tpu.memref_slice %arg9[%dma_wait3A_140, %dma_wait3A_145, %dma_wait3A_146] : memref<2x512x32xbf16, #tpu.memory_space<vmem>> -> memref<1x512x32xbf16, #tpu.memory_space<vmem>>
        %dma_wait3A_148 = tpu.memref_squeeze %dma_wait3A_147 : memref<1x512x32xbf16, #tpu.memory_space<vmem>> -> memref<512x32xbf16, #tpu.memory_space<vmem>>
        tpu.wait_dma2 semaphore(%arg13 : memref<!tpu.dma_semaphore, #tpu.memory_space<semaphore_mem>>) src(%arg5 : memref<512x32xbf16, #tpu.memory_space<hbm>>) dst(%dma_wait3A_148 : memref<512x32xbf16, #tpu.memory_space<vmem>>)
        %ge3A = arith.constant 1 : i32
        %ge3A_149 = arith.cmpi sge, %add3A_108, %ge3A : i32
        %convert_element_type3A_150 = arith.extui %ge3A_149 : i1 to i32
        %cond3A_151 = arith.constant 0 : i32
        %cond3A_152 = arith.cmpi ne, %convert_element_type3A_150, %cond3A_151 : i32
        scf.if %cond3A_152 {
          %dma_wait3A_241 = arith.constant 1 : i32
          %dma_wait3A_242 = arith.constant 0 : i32
          %dma_wait3A_243 = arith.constant 0 : i32
          %dma_wait3A_244 = tpu.memref_slice %arg9[%dma_wait3A_241, %dma_wait3A_242, %dma_wait3A_243] : memref<2x512x32xbf16, #tpu.memory_space<vmem>> -> memref<1x512x32xbf16, #tpu.memory_space<vmem>>
          %dma_wait3A_245 = tpu.memref_squeeze %dma_wait3A_244 : memref<1x512x32xbf16, #tpu.memory_space<vmem>> -> memref<512x32xbf16, #tpu.memory_space<vmem>>
          %dma_wait3A_246 = arith.constant 0 : i32
          %dma_wait3A_247 = arith.constant 0 : i32
          %dma_wait3A_248 = tpu.memref_slice %arg9[%dma_wait3A_241, %dma_wait3A_246, %dma_wait3A_247] : memref<2x512x32xbf16, #tpu.memory_space<vmem>> -> memref<1x512x32xbf16, #tpu.memory_space<vmem>>
          %dma_wait3A_249 = tpu.memref_squeeze %dma_wait3A_248 : memref<1x512x32xbf16, #tpu.memory_space<vmem>> -> memref<512x32xbf16, #tpu.memory_space<vmem>>
          tpu.wait_dma2 semaphore(%arg14 : memref<!tpu.dma_semaphore, #tpu.memory_space<semaphore_mem>>) src(%arg5 : memref<512x32xbf16, #tpu.memory_space<hbm>>) dst(%dma_wait3A_249 : memref<512x32xbf16, #tpu.memory_space<vmem>>)
        } else {
        }
        %add3A_153 = arith.constant 1 : i32
        %add3A_154 = arith.addi %add3A_108, %add3A_153 : i32
        %lt3A = arith.constant 98 : i32
        %lt3A_155 = arith.cmpi slt, %add3A_154, %lt3A : i32
        %convert_element_type3A_156 = arith.extui %lt3A_155 : i1 to i32
        %cond3A_157 = arith.constant 0 : i32
        %cond3A_158 = arith.cmpi ne, %convert_element_type3A_156, %cond3A_157 : i32
        scf.if %cond3A_158 {
          %add3A_241 = arith.constant 1 : i32
          %add3A_242 = arith.addi %add3A_108, %add3A_241 : i32
          %add3A_243 = arith.addi %mul3A_54, %add3A_242 : i32
          %dma_start3A_244 = arith.constant 1 : i32
          %dma_start3A_245 = arith.constant 0 : i32
          %dma_start3A_246 = arith.constant 0 : i32
          %dma_start3A_247 = tpu.memref_slice %arg8[%dma_start3A_244, %dma_start3A_245, %dma_start3A_246] : memref<2x2x512xi32, #tpu.memory_space<vmem>> -> memref<1x2x512xi32, #tpu.memory_space<vmem>>
          %dma_start3A_248 = tpu.memref_squeeze %dma_start3A_247 : memref<1x2x512xi32, #tpu.memory_space<vmem>> -> memref<2x512xi32, #tpu.memory_space<vmem>>
          %dma_start3A_249 = arith.constant 0 : i32
          %dma_start3A_250 = arith.constant 0 : i32
          %dma_start3A_251 = tpu.memref_slice %arg4[%add3A_243, %dma_start3A_249, %dma_start3A_250] : memref<3136x2x512xi32, #tpu.memory_space<hbm>> -> memref<1x2x512xi32, #tpu.memory_space<hbm>>
          %dma_start3A_252 = tpu.memref_squeeze %dma_start3A_251 : memref<1x2x512xi32, #tpu.memory_space<hbm>> -> memref<2x512xi32, #tpu.memory_space<hbm>>
          %dma_start3A_253 = arith.constant 0 : i32
          %dma_start3A_254 = arith.constant 0 : i32
          %dma_start3A_255 = tpu.memref_slice %arg8[%dma_start3A_244, %dma_start3A_253, %dma_start3A_254] : memref<2x2x512xi32, #tpu.memory_space<vmem>> -> memref<1x2x512xi32, #tpu.memory_space<vmem>>
          %dma_start3A_256 = tpu.memref_squeeze %dma_start3A_255 : memref<1x2x512xi32, #tpu.memory_space<vmem>> -> memref<2x512xi32, #tpu.memory_space<vmem>>
          %dma_start3A_257 = arith.constant 0 : i32
          %dma_start3A_258 = arith.constant 0 : i32
          %dma_start3A_259 = tpu.memref_slice %arg4[%add3A_243, %dma_start3A_257, %dma_start3A_258] : memref<3136x2x512xi32, #tpu.memory_space<hbm>> -> memref<1x2x512xi32, #tpu.memory_space<hbm>>
          %dma_start3A_260 = tpu.memref_squeeze %dma_start3A_259 : memref<1x2x512xi32, #tpu.memory_space<hbm>> -> memref<2x512xi32, #tpu.memory_space<hbm>>
          tpu.enqueue_dma source(%dma_start3A_260 : memref<2x512xi32, #tpu.memory_space<hbm>>) target(%dma_start3A_256 : memref<2x512xi32, #tpu.memory_space<vmem>>) target_semaphore(%arg12 : memref<!tpu.dma_semaphore, #tpu.memory_space<semaphore_mem>>)
        } else {
        }
        %dma_start3A_159 = arith.constant 0 : i32
        %dma_start3A_160 = arith.constant 0 : i32
        %dma_start3A_161 = arith.constant 1 : i32
        %dma_start3A_162 = arith.constant 0 : i32
        %dma_start3A_163 = arith.constant 0 : i32
        %dma_start3A_164 = tpu.memref_slice %arg9[%dma_start3A_159, %dma_start3A_162, %dma_start3A_163] : memref<2x512x32xbf16, #tpu.memory_space<vmem>> -> memref<1x512x32xbf16, #tpu.memory_space<vmem>>
        %dma_start3A_165 = tpu.memref_squeeze %dma_start3A_164 : memref<1x512x32xbf16, #tpu.memory_space<vmem>> -> memref<512x32xbf16, #tpu.memory_space<vmem>>
        %dma_start3A_166 = arith.constant 0 : i32
        %dma_start3A_167 = tpu.memref_slice %arg8[%dma_start3A_160, %dma_start3A_161, %dma_start3A_166] : memref<2x2x512xi32, #tpu.memory_space<vmem>> -> memref<1x1x512xi32, #tpu.memory_space<vmem>>
        %dma_start3A_168 = tpu.memref_squeeze %dma_start3A_167 : memref<1x1x512xi32, #tpu.memory_space<vmem>> -> memref<512xi32, #tpu.memory_space<vmem>>
        %dma_start3A_169 = arith.constant 0 : i32
        %dma_start3A_170 = arith.constant 0 : i32
        %dma_start3A_171 = tpu.memref_slice %arg11[%dma_start3A_169, %dma_start3A_170] : memref<100352x32xbf16, #tpu.memory_space<vmem_shared>> -> memref<100352x32xbf16, #tpu.memory_space<vmem_shared>>
        tpu.enqueue_indirect_dma source(%dma_start3A_165 : memref<512x32xbf16, #tpu.memory_space<vmem>>) target(%dma_start3A_171 : memref<100352x32xbf16, #tpu.memory_space<vmem_shared>>) offsets(%dma_start3A_168 : memref<512xi32, #tpu.memory_space<vmem>>) semaphore(%arg14 : memref<!tpu.dma_semaphore, #tpu.memory_space<semaphore_mem>>) {add = true}
        %mul3A_172 = arith.constant 2 : i32
        %mul3A_173 = arith.muli %scan3A_104, %mul3A_172 : i32
        %add3A_174 = arith.constant 1 : i32
        %add3A_175 = arith.addi %mul3A_173, %add3A_174 : i32
        %dma_wait3A_176 = arith.constant 0 : i32
        %dma_wait3A_177 = arith.constant 1 : i32
        %dma_wait3A_178 = arith.constant 0 : i32
        %dma_wait3A_179 = arith.constant 0 : i32
        %dma_wait3A_180 = tpu.memref_slice %arg8[%dma_wait3A_177, %dma_wait3A_178, %dma_wait3A_179] : memref<2x2x512xi32, #tpu.memory_space<vmem>> -> memref<1x2x512xi32, #tpu.memory_space<vmem>>
        %dma_wait3A_181 = tpu.memref_squeeze %dma_wait3A_180 : memref<1x2x512xi32, #tpu.memory_space<vmem>> -> memref<2x512xi32, #tpu.memory_space<vmem>>
        %dma_wait3A_182 = arith.constant 0 : i32
        %dma_wait3A_183 = arith.constant 0 : i32
        %dma_wait3A_184 = tpu.memref_slice %arg4[%dma_wait3A_176, %dma_wait3A_182, %dma_wait3A_183] : memref<3136x2x512xi32, #tpu.memory_space<hbm>> -> memref<1x2x512xi32, #tpu.memory_space<hbm>>
        %dma_wait3A_185 = tpu.memref_squeeze %dma_wait3A_184 : memref<1x2x512xi32, #tpu.memory_space<hbm>> -> memref<2x512xi32, #tpu.memory_space<hbm>>
        %dma_wait3A_186 = arith.constant 0 : i32
        %dma_wait3A_187 = arith.constant 0 : i32
        %dma_wait3A_188 = tpu.memref_slice %arg8[%dma_wait3A_177, %dma_wait3A_186, %dma_wait3A_187] : memref<2x2x512xi32, #tpu.memory_space<vmem>> -> memref<1x2x512xi32, #tpu.memory_space<vmem>>
        %dma_wait3A_189 = tpu.memref_squeeze %dma_wait3A_188 : memref<1x2x512xi32, #tpu.memory_space<vmem>> -> memref<2x512xi32, #tpu.memory_space<vmem>>
        %dma_wait3A_190 = arith.constant 0 : i32
        %dma_wait3A_191 = arith.constant 0 : i32
        %dma_wait3A_192 = tpu.memref_slice %arg4[%dma_wait3A_176, %dma_wait3A_190, %dma_wait3A_191] : memref<3136x2x512xi32, #tpu.memory_space<hbm>> -> memref<1x2x512xi32, #tpu.memory_space<hbm>>
        %dma_wait3A_193 = tpu.memref_squeeze %dma_wait3A_192 : memref<1x2x512xi32, #tpu.memory_space<hbm>> -> memref<2x512xi32, #tpu.memory_space<hbm>>
        tpu.wait_dma2 semaphore(%arg12 : memref<!tpu.dma_semaphore, #tpu.memory_space<semaphore_mem>>) src(%dma_wait3A_193 : memref<2x512xi32, #tpu.memory_space<hbm>>) dst(%dma_wait3A_189 : memref<2x512xi32, #tpu.memory_space<vmem>>)
        %dma_start3A_194 = arith.constant 1 : i32
        %dma_start3A_195 = arith.constant 0 : i32
        %dma_start3A_196 = arith.constant 1 : i32
        %dma_start3A_197 = arith.constant 0 : i32
        %dma_start3A_198 = arith.constant 0 : i32
        %dma_start3A_199 = tpu.memref_slice %arg9[%dma_start3A_196, %dma_start3A_197, %dma_start3A_198] : memref<2x512x32xbf16, #tpu.memory_space<vmem>> -> memref<1x512x32xbf16, #tpu.memory_space<vmem>>
        %dma_start3A_200 = tpu.memref_squeeze %dma_start3A_199 : memref<1x512x32xbf16, #tpu.memory_space<vmem>> -> memref<512x32xbf16, #tpu.memory_space<vmem>>
        %dma_start3A_201 = arith.constant 0 : i32
        %dma_start3A_202 = tpu.memref_slice %arg8[%dma_start3A_194, %dma_start3A_195, %dma_start3A_201] : memref<2x2x512xi32, #tpu.memory_space<vmem>> -> memref<1x1x512xi32, #tpu.memory_space<vmem>>
        %dma_start3A_203 = tpu.memref_squeeze %dma_start3A_202 : memref<1x1x512xi32, #tpu.memory_space<vmem>> -> memref<512xi32, #tpu.memory_space<vmem>>
        %dma_start3A_204 = arith.constant 0 : i32
        %dma_start3A_205 = arith.constant 0 : i32
        %dma_start3A_206 = tpu.memref_slice %arg2[%dma_start3A_204, %dma_start3A_205] : memref<100352x32xbf16, #tpu.memory_space<hbm>> -> memref<100352x32xbf16, #tpu.memory_space<hbm>>
        tpu.enqueue_indirect_dma source(%dma_start3A_206 : memref<100352x32xbf16, #tpu.memory_space<hbm>>) target(%dma_start3A_200 : memref<512x32xbf16, #tpu.memory_space<vmem>>) offsets(%dma_start3A_203 : memref<512xi32, #tpu.memory_space<vmem>>) semaphore(%arg13 : memref<!tpu.dma_semaphore, #tpu.memory_space<semaphore_mem>>)
        %dma_wait3A_207 = arith.constant 1 : i32
        %dma_wait3A_208 = arith.constant 0 : i32
        %dma_wait3A_209 = arith.constant 0 : i32
        %dma_wait3A_210 = tpu.memref_slice %arg9[%dma_wait3A_207, %dma_wait3A_208, %dma_wait3A_209] : memref<2x512x32xbf16, #tpu.memory_space<vmem>> -> memref<1x512x32xbf16, #tpu.memory_space<vmem>>
        %dma_wait3A_211 = tpu.memref_squeeze %dma_wait3A_210 : memref<1x512x32xbf16, #tpu.memory_space<vmem>> -> memref<512x32xbf16, #tpu.memory_space<vmem>>
        %dma_wait3A_212 = arith.constant 0 : i32
        %dma_wait3A_213 = arith.constant 0 : i32
        %dma_wait3A_214 = tpu.memref_slice %arg9[%dma_wait3A_207, %dma_wait3A_212, %dma_wait3A_213] : memref<2x512x32xbf16, #tpu.memory_space<vmem>> -> memref<1x512x32xbf16, #tpu.memory_space<vmem>>
        %dma_wait3A_215 = tpu.memref_squeeze %dma_wait3A_214 : memref<1x512x32xbf16, #tpu.memory_space<vmem>> -> memref<512x32xbf16, #tpu.memory_space<vmem>>
        tpu.wait_dma2 semaphore(%arg13 : memref<!tpu.dma_semaphore, #tpu.memory_space<semaphore_mem>>) src(%arg5 : memref<512x32xbf16, #tpu.memory_space<hbm>>) dst(%dma_wait3A_215 : memref<512x32xbf16, #tpu.memory_space<vmem>>)
        %ge3A_216 = arith.constant 1 : i32
        %ge3A_217 = arith.cmpi sge, %add3A_175, %ge3A_216 : i32
        %convert_element_type3A_218 = arith.extui %ge3A_217 : i1 to i32
        %cond3A_219 = arith.constant 0 : i32
        %cond3A_220 = arith.cmpi ne, %convert_element_type3A_218, %cond3A_219 : i32
        scf.if %cond3A_220 {
          %dma_wait3A_241 = arith.constant 0 : i32
          %dma_wait3A_242 = arith.constant 0 : i32
          %dma_wait3A_243 = arith.constant 0 : i32
          %dma_wait3A_244 = tpu.memref_slice %arg9[%dma_wait3A_241, %dma_wait3A_242, %dma_wait3A_243] : memref<2x512x32xbf16, #tpu.memory_space<vmem>> -> memref<1x512x32xbf16, #tpu.memory_space<vmem>>
          %dma_wait3A_245 = tpu.memref_squeeze %dma_wait3A_244 : memref<1x512x32xbf16, #tpu.memory_space<vmem>> -> memref<512x32xbf16, #tpu.memory_space<vmem>>
          %dma_wait3A_246 = arith.constant 0 : i32
          %dma_wait3A_247 = arith.constant 0 : i32
          %dma_wait3A_248 = tpu.memref_slice %arg9[%dma_wait3A_241, %dma_wait3A_246, %dma_wait3A_247] : memref<2x512x32xbf16, #tpu.memory_space<vmem>> -> memref<1x512x32xbf16, #tpu.memory_space<vmem>>
          %dma_wait3A_249 = tpu.memref_squeeze %dma_wait3A_248 : memref<1x512x32xbf16, #tpu.memory_space<vmem>> -> memref<512x32xbf16, #tpu.memory_space<vmem>>
          tpu.wait_dma2 semaphore(%arg14 : memref<!tpu.dma_semaphore, #tpu.memory_space<semaphore_mem>>) src(%arg5 : memref<512x32xbf16, #tpu.memory_space<hbm>>) dst(%dma_wait3A_249 : memref<512x32xbf16, #tpu.memory_space<vmem>>)
        } else {
        }
        %add3A_221 = arith.constant 1 : i32
        %add3A_222 = arith.addi %add3A_175, %add3A_221 : i32
        %lt3A_223 = arith.constant 98 : i32
        %lt3A_224 = arith.cmpi slt, %add3A_222, %lt3A_223 : i32
        %convert_element_type3A_225 = arith.extui %lt3A_224 : i1 to i32
        %cond3A_226 = arith.constant 0 : i32
        %cond3A_227 = arith.cmpi ne, %convert_element_type3A_225, %cond3A_226 : i32
        scf.if %cond3A_227 {
          %add3A_241 = arith.constant 1 : i32
          %add3A_242 = arith.addi %add3A_175, %add3A_241 : i32
          %add3A_243 = arith.addi %mul3A_54, %add3A_242 : i32
          %dma_start3A_244 = arith.constant 0 : i32
          %dma_start3A_245 = arith.constant 0 : i32
          %dma_start3A_246 = arith.constant 0 : i32
          %dma_start3A_247 = tpu.memref_slice %arg8[%dma_start3A_244, %dma_start3A_245, %dma_start3A_246] : memref<2x2x512xi32, #tpu.memory_space<vmem>> -> memref<1x2x512xi32, #tpu.memory_space<vmem>>
          %dma_start3A_248 = tpu.memref_squeeze %dma_start3A_247 : memref<1x2x512xi32, #tpu.memory_space<vmem>> -> memref<2x512xi32, #tpu.memory_space<vmem>>
          %dma_start3A_249 = arith.constant 0 : i32
          %dma_start3A_250 = arith.constant 0 : i32
          %dma_start3A_251 = tpu.memref_slice %arg4[%add3A_243, %dma_start3A_249, %dma_start3A_250] : memref<3136x2x512xi32, #tpu.memory_space<hbm>> -> memref<1x2x512xi32, #tpu.memory_space<hbm>>
          %dma_start3A_252 = tpu.memref_squeeze %dma_start3A_251 : memref<1x2x512xi32, #tpu.memory_space<hbm>> -> memref<2x512xi32, #tpu.memory_space<hbm>>
          %dma_start3A_253 = arith.constant 0 : i32
          %dma_start3A_254 = arith.constant 0 : i32
          %dma_start3A_255 = tpu.memref_slice %arg8[%dma_start3A_244, %dma_start3A_253, %dma_start3A_254] : memref<2x2x512xi32, #tpu.memory_space<vmem>> -> memref<1x2x512xi32, #tpu.memory_space<vmem>>
          %dma_start3A_256 = tpu.memref_squeeze %dma_start3A_255 : memref<1x2x512xi32, #tpu.memory_space<vmem>> -> memref<2x512xi32, #tpu.memory_space<vmem>>
          %dma_start3A_257 = arith.constant 0 : i32
          %dma_start3A_258 = arith.constant 0 : i32
          %dma_start3A_259 = tpu.memref_slice %arg4[%add3A_243, %dma_start3A_257, %dma_start3A_258] : memref<3136x2x512xi32, #tpu.memory_space<hbm>> -> memref<1x2x512xi32, #tpu.memory_space<hbm>>
          %dma_start3A_260 = tpu.memref_squeeze %dma_start3A_259 : memref<1x2x512xi32, #tpu.memory_space<hbm>> -> memref<2x512xi32, #tpu.memory_space<hbm>>
          tpu.enqueue_dma source(%dma_start3A_260 : memref<2x512xi32, #tpu.memory_space<hbm>>) target(%dma_start3A_256 : memref<2x512xi32, #tpu.memory_space<vmem>>) target_semaphore(%arg12 : memref<!tpu.dma_semaphore, #tpu.memory_space<semaphore_mem>>)
        } else {
        }
        %dma_start3A_228 = arith.constant 1 : i32
        %dma_start3A_229 = arith.constant 1 : i32
        %dma_start3A_230 = arith.constant 1 : i32
        %dma_start3A_231 = arith.constant 0 : i32
        %dma_start3A_232 = arith.constant 0 : i32
        %dma_start3A_233 = tpu.memref_slice %arg9[%dma_start3A_228, %dma_start3A_231, %dma_start3A_232] : memref<2x512x32xbf16, #tpu.memory_space<vmem>> -> memref<1x512x32xbf16, #tpu.memory_space<vmem>>
        %dma_start3A_234 = tpu.memref_squeeze %dma_start3A_233 : memref<1x512x32xbf16, #tpu.memory_space<vmem>> -> memref<512x32xbf16, #tpu.memory_space<vmem>>
        %dma_start3A_235 = arith.constant 0 : i32
        %dma_start3A_236 = tpu.memref_slice %arg8[%dma_start3A_229, %dma_start3A_230, %dma_start3A_235] : memref<2x2x512xi32, #tpu.memory_space<vmem>> -> memref<1x1x512xi32, #tpu.memory_space<vmem>>
        %dma_start3A_237 = tpu.memref_squeeze %dma_start3A_236 : memref<1x1x512xi32, #tpu.memory_space<vmem>> -> memref<512xi32, #tpu.memory_space<vmem>>
        %dma_start3A_238 = arith.constant 0 : i32
        %dma_start3A_239 = arith.constant 0 : i32
        %dma_start3A_240 = tpu.memref_slice %arg11[%dma_start3A_238, %dma_start3A_239] : memref<100352x32xbf16, #tpu.memory_space<vmem_shared>> -> memref<100352x32xbf16, #tpu.memory_space<vmem_shared>>
        tpu.enqueue_indirect_dma source(%dma_start3A_234 : memref<512x32xbf16, #tpu.memory_space<vmem>>) target(%dma_start3A_240 : memref<100352x32xbf16, #tpu.memory_space<vmem_shared>>) offsets(%dma_start3A_237 : memref<512xi32, #tpu.memory_space<vmem>>) semaphore(%arg14 : memref<!tpu.dma_semaphore, #tpu.memory_space<semaphore_mem>>) {add = true}
      }
      %scan3A_95 = arith.constant 49 : i32
      %dma_wait3A = arith.constant 1 : i32
      %dma_wait3A_96 = arith.constant 0 : i32
      %dma_wait3A_97 = arith.constant 0 : i32
      %dma_wait3A_98 = tpu.memref_slice %arg9[%dma_wait3A, %dma_wait3A_96, %dma_wait3A_97] : memref<2x512x32xbf16, #tpu.memory_space<vmem>> -> memref<1x512x32xbf16, #tpu.memory_space<vmem>>
      %dma_wait3A_99 = tpu.memref_squeeze %dma_wait3A_98 : memref<1x512x32xbf16, #tpu.memory_space<vmem>> -> memref<512x32xbf16, #tpu.memory_space<vmem>>
      %dma_wait3A_100 = arith.constant 0 : i32
      %dma_wait3A_101 = arith.constant 0 : i32
      %dma_wait3A_102 = tpu.memref_slice %arg9[%dma_wait3A, %dma_wait3A_100, %dma_wait3A_101] : memref<2x512x32xbf16, #tpu.memory_space<vmem>> -> memref<1x512x32xbf16, #tpu.memory_space<vmem>>
      %dma_wait3A_103 = tpu.memref_squeeze %dma_wait3A_102 : memref<1x512x32xbf16, #tpu.memory_space<vmem>> -> memref<512x32xbf16, #tpu.memory_space<vmem>>
      tpu.wait_dma2 semaphore(%arg14 : memref<!tpu.dma_semaphore, #tpu.memory_space<semaphore_mem>>) src(%arg5 : memref<512x32xbf16, #tpu.memory_space<hbm>>) dst(%dma_wait3A_103 : memref<512x32xbf16, #tpu.memory_space<vmem>>)
    } else {
    }
    %eq3A_57 = arith.constant 1 : i32
    %eq3A_58 = arith.cmpi eq, %arg0, %eq3A_57 : i32
    %convert_element_type3A_59 = arith.extui %eq3A_58 : i1 to i32
    %cond3A_60 = arith.constant 0 : i32
    %cond3A_61 = arith.cmpi ne, %convert_element_type3A_59, %cond3A_60 : i32
    scf.if %cond3A_61 {
      %add3A_73 = arith.constant 0 : i32
      %add3A_74 = arith.addi %mul3A_54, %add3A_73 : i32
      %dma_start3A = arith.constant 0 : i32
      %dma_start3A_75 = arith.constant 0 : i32
      %dma_start3A_76 = arith.constant 0 : i32
      %dma_start3A_77 = tpu.memref_slice %arg8[%dma_start3A, %dma_start3A_75, %dma_start3A_76] : memref<2x2x512xi32, #tpu.memory_space<vmem>> -> memref<1x2x512xi32, #tpu.memory_space<vmem>>
      %dma_start3A_78 = tpu.memref_squeeze %dma_start3A_77 : memref<1x2x512xi32, #tpu.memory_space<vmem>> -> memref<2x512xi32, #tpu.memory_space<vmem>>
      %dma_start3A_79 = arith.constant 0 : i32
      %dma_start3A_80 = arith.constant 0 : i32
      %dma_start3A_81 = tpu.memref_slice %arg4[%add3A_74, %dma_start3A_79, %dma_start3A_80] : memref<3136x2x512xi32, #tpu.memory_space<hbm>> -> memref<1x2x512xi32, #tpu.memory_space<hbm>>
      %dma_start3A_82 = tpu.memref_squeeze %dma_start3A_81 : memref<1x2x512xi32, #tpu.memory_space<hbm>> -> memref<2x512xi32, #tpu.memory_space<hbm>>
      %dma_start3A_83 = arith.constant 0 : i32
      %dma_start3A_84 = arith.constant 0 : i32
      %dma_start3A_85 = tpu.memref_slice %arg8[%dma_start3A, %dma_start3A_83, %dma_start3A_84] : memref<2x2x512xi32, #tpu.memory_space<vmem>> -> memref<1x2x512xi32, #tpu.memory_space<vmem>>
      %dma_start3A_86 = tpu.memref_squeeze %dma_start3A_85 : memref<1x2x512xi32, #tpu.memory_space<vmem>> -> memref<2x512xi32, #tpu.memory_space<vmem>>
      %dma_start3A_87 = arith.constant 0 : i32
      %dma_start3A_88 = arith.constant 0 : i32
      %dma_start3A_89 = tpu.memref_slice %arg4[%add3A_74, %dma_start3A_87, %dma_start3A_88] : memref<3136x2x512xi32, #tpu.memory_space<hbm>> -> memref<1x2x512xi32, #tpu.memory_space<hbm>>
      %dma_start3A_90 = tpu.memref_squeeze %dma_start3A_89 : memref<1x2x512xi32, #tpu.memory_space<hbm>> -> memref<2x512xi32, #tpu.memory_space<hbm>>
      tpu.enqueue_dma source(%dma_start3A_90 : memref<2x512xi32, #tpu.memory_space<hbm>>) target(%dma_start3A_86 : memref<2x512xi32, #tpu.memory_space<vmem>>) target_semaphore(%arg12 : memref<!tpu.dma_semaphore, #tpu.memory_space<semaphore_mem>>)
      %scan3A = arith.constant 0 : i32
      %scan3A_91 = arith.constant 0 : i32
      %scan3A_92 = arith.constant 49 : i32
      %scan3A_93 = arith.addi %scan3A_91, %scan3A_92 : i32
      %scan3A_94 = arith.constant 1 : i32
      scf.for %scan3A_104 = %scan3A_91 to %scan3A_93 step %scan3A_94  : i32 {
        %mul3A_105 = arith.constant 2 : i32
        %mul3A_106 = arith.muli %scan3A_104, %mul3A_105 : i32
        %add3A_107 = arith.constant 0 : i32
        %add3A_108 = arith.addi %mul3A_106, %add3A_107 : i32
        %dma_wait3A_109 = arith.constant 0 : i32
        %dma_wait3A_110 = arith.constant 0 : i32
        %dma_wait3A_111 = arith.constant 0 : i32
        %dma_wait3A_112 = arith.constant 0 : i32
        %dma_wait3A_113 = tpu.memref_slice %arg8[%dma_wait3A_110, %dma_wait3A_111, %dma_wait3A_112] : memref<2x2x512xi32, #tpu.memory_space<vmem>> -> memref<1x2x512xi32, #tpu.memory_space<vmem>>
        %dma_wait3A_114 = tpu.memref_squeeze %dma_wait3A_113 : memref<1x2x512xi32, #tpu.memory_space<vmem>> -> memref<2x512xi32, #tpu.memory_space<vmem>>
        %dma_wait3A_115 = arith.constant 0 : i32
        %dma_wait3A_116 = arith.constant 0 : i32
        %dma_wait3A_117 = tpu.memref_slice %arg4[%dma_wait3A_109, %dma_wait3A_115, %dma_wait3A_116] : memref<3136x2x512xi32, #tpu.memory_space<hbm>> -> memref<1x2x512xi32, #tpu.memory_space<hbm>>
        %dma_wait3A_118 = tpu.memref_squeeze %dma_wait3A_117 : memref<1x2x512xi32, #tpu.memory_space<hbm>> -> memref<2x512xi32, #tpu.memory_space<hbm>>
        %dma_wait3A_119 = arith.constant 0 : i32
        %dma_wait3A_120 = arith.constant 0 : i32
        %dma_wait3A_121 = tpu.memref_slice %arg8[%dma_wait3A_110, %dma_wait3A_119, %dma_wait3A_120] : memref<2x2x512xi32, #tpu.memory_space<vmem>> -> memref<1x2x512xi32, #tpu.memory_space<vmem>>
        %dma_wait3A_122 = tpu.memref_squeeze %dma_wait3A_121 : memref<1x2x512xi32, #tpu.memory_space<vmem>> -> memref<2x512xi32, #tpu.memory_space<vmem>>
        %dma_wait3A_123 = arith.constant 0 : i32
        %dma_wait3A_124 = arith.constant 0 : i32
        %dma_wait3A_125 = tpu.memref_slice %arg4[%dma_wait3A_109, %dma_wait3A_123, %dma_wait3A_124] : memref<3136x2x512xi32, #tpu.memory_space<hbm>> -> memref<1x2x512xi32, #tpu.memory_space<hbm>>
        %dma_wait3A_126 = tpu.memref_squeeze %dma_wait3A_125 : memref<1x2x512xi32, #tpu.memory_space<hbm>> -> memref<2x512xi32, #tpu.memory_space<hbm>>
        tpu.wait_dma2 semaphore(%arg12 : memref<!tpu.dma_semaphore, #tpu.memory_space<semaphore_mem>>) src(%dma_wait3A_126 : memref<2x512xi32, #tpu.memory_space<hbm>>) dst(%dma_wait3A_122 : memref<2x512xi32, #tpu.memory_space<vmem>>)
        %dma_start3A_127 = arith.constant 0 : i32
        %dma_start3A_128 = arith.constant 0 : i32
        %dma_start3A_129 = arith.constant 0 : i32
        %dma_start3A_130 = arith.constant 0 : i32
        %dma_start3A_131 = arith.constant 0 : i32
        %dma_start3A_132 = tpu.memref_slice %arg9[%dma_start3A_129, %dma_start3A_130, %dma_start3A_131] : memref<2x512x32xbf16, #tpu.memory_space<vmem>> -> memref<1x512x32xbf16, #tpu.memory_space<vmem>>
        %dma_start3A_133 = tpu.memref_squeeze %dma_start3A_132 : memref<1x512x32xbf16, #tpu.memory_space<vmem>> -> memref<512x32xbf16, #tpu.memory_space<vmem>>
        %dma_start3A_134 = arith.constant 0 : i32
        %dma_start3A_135 = tpu.memref_slice %arg8[%dma_start3A_127, %dma_start3A_128, %dma_start3A_134] : memref<2x2x512xi32, #tpu.memory_space<vmem>> -> memref<1x1x512xi32, #tpu.memory_space<vmem>>
        %dma_start3A_136 = tpu.memref_squeeze %dma_start3A_135 : memref<1x1x512xi32, #tpu.memory_space<vmem>> -> memref<512xi32, #tpu.memory_space<vmem>>
        %dma_start3A_137 = arith.constant 0 : i32
        %dma_start3A_138 = arith.constant 0 : i32
        %dma_start3A_139 = tpu.memref_slice %arg3[%dma_start3A_137, %dma_start3A_138] : memref<100352x32xbf16, #tpu.memory_space<hbm>> -> memref<100352x32xbf16, #tpu.memory_space<hbm>>
        tpu.enqueue_indirect_dma source(%dma_start3A_139 : memref<100352x32xbf16, #tpu.memory_space<hbm>>) target(%dma_start3A_133 : memref<512x32xbf16, #tpu.memory_space<vmem>>) offsets(%dma_start3A_136 : memref<512xi32, #tpu.memory_space<vmem>>) semaphore(%arg13 : memref<!tpu.dma_semaphore, #tpu.memory_space<semaphore_mem>>)
        %dma_wait3A_140 = arith.constant 0 : i32
        %dma_wait3A_141 = arith.constant 0 : i32
        %dma_wait3A_142 = arith.constant 0 : i32
        %dma_wait3A_143 = tpu.memref_slice %arg9[%dma_wait3A_140, %dma_wait3A_141, %dma_wait3A_142] : memref<2x512x32xbf16, #tpu.memory_space<vmem>> -> memref<1x512x32xbf16, #tpu.memory_space<vmem>>
        %dma_wait3A_144 = tpu.memref_squeeze %dma_wait3A_143 : memref<1x512x32xbf16, #tpu.memory_space<vmem>> -> memref<512x32xbf16, #tpu.memory_space<vmem>>
        %dma_wait3A_145 = arith.constant 0 : i32
        %dma_wait3A_146 = arith.constant 0 : i32
        %dma_wait3A_147 = tpu.memref_slice %arg9[%dma_wait3A_140, %dma_wait3A_145, %dma_wait3A_146] : memref<2x512x32xbf16, #tpu.memory_space<vmem>> -> memref<1x512x32xbf16, #tpu.memory_space<vmem>>
        %dma_wait3A_148 = tpu.memref_squeeze %dma_wait3A_147 : memref<1x512x32xbf16, #tpu.memory_space<vmem>> -> memref<512x32xbf16, #tpu.memory_space<vmem>>
        tpu.wait_dma2 semaphore(%arg13 : memref<!tpu.dma_semaphore, #tpu.memory_space<semaphore_mem>>) src(%arg5 : memref<512x32xbf16, #tpu.memory_space<hbm>>) dst(%dma_wait3A_148 : memref<512x32xbf16, #tpu.memory_space<vmem>>)
        %ge3A = arith.constant 1 : i32
        %ge3A_149 = arith.cmpi sge, %add3A_108, %ge3A : i32
        %convert_element_type3A_150 = arith.extui %ge3A_149 : i1 to i32
        %cond3A_151 = arith.constant 0 : i32
        %cond3A_152 = arith.cmpi ne, %convert_element_type3A_150, %cond3A_151 : i32
        scf.if %cond3A_152 {
          %dma_wait3A_241 = arith.constant 1 : i32
          %dma_wait3A_242 = arith.constant 0 : i32
          %dma_wait3A_243 = arith.constant 0 : i32
          %dma_wait3A_244 = tpu.memref_slice %arg9[%dma_wait3A_241, %dma_wait3A_242, %dma_wait3A_243] : memref<2x512x32xbf16, #tpu.memory_space<vmem>> -> memref<1x512x32xbf16, #tpu.memory_space<vmem>>
          %dma_wait3A_245 = tpu.memref_squeeze %dma_wait3A_244 : memref<1x512x32xbf16, #tpu.memory_space<vmem>> -> memref<512x32xbf16, #tpu.memory_space<vmem>>
          %dma_wait3A_246 = arith.constant 0 : i32
          %dma_wait3A_247 = arith.constant 0 : i32
          %dma_wait3A_248 = tpu.memref_slice %arg9[%dma_wait3A_241, %dma_wait3A_246, %dma_wait3A_247] : memref<2x512x32xbf16, #tpu.memory_space<vmem>> -> memref<1x512x32xbf16, #tpu.memory_space<vmem>>
          %dma_wait3A_249 = tpu.memref_squeeze %dma_wait3A_248 : memref<1x512x32xbf16, #tpu.memory_space<vmem>> -> memref<512x32xbf16, #tpu.memory_space<vmem>>
          tpu.wait_dma2 semaphore(%arg14 : memref<!tpu.dma_semaphore, #tpu.memory_space<semaphore_mem>>) src(%arg5 : memref<512x32xbf16, #tpu.memory_space<hbm>>) dst(%dma_wait3A_249 : memref<512x32xbf16, #tpu.memory_space<vmem>>)
        } else {
        }
        %add3A_153 = arith.constant 1 : i32
        %add3A_154 = arith.addi %add3A_108, %add3A_153 : i32
        %lt3A = arith.constant 98 : i32
        %lt3A_155 = arith.cmpi slt, %add3A_154, %lt3A : i32
        %convert_element_type3A_156 = arith.extui %lt3A_155 : i1 to i32
        %cond3A_157 = arith.constant 0 : i32
        %cond3A_158 = arith.cmpi ne, %convert_element_type3A_156, %cond3A_157 : i32
        scf.if %cond3A_158 {
          %add3A_241 = arith.constant 1 : i32
          %add3A_242 = arith.addi %add3A_108, %add3A_241 : i32
          %add3A_243 = arith.addi %mul3A_54, %add3A_242 : i32
          %dma_start3A_244 = arith.constant 1 : i32
          %dma_start3A_245 = arith.constant 0 : i32
          %dma_start3A_246 = arith.constant 0 : i32
          %dma_start3A_247 = tpu.memref_slice %arg8[%dma_start3A_244, %dma_start3A_245, %dma_start3A_246] : memref<2x2x512xi32, #tpu.memory_space<vmem>> -> memref<1x2x512xi32, #tpu.memory_space<vmem>>
          %dma_start3A_248 = tpu.memref_squeeze %dma_start3A_247 : memref<1x2x512xi32, #tpu.memory_space<vmem>> -> memref<2x512xi32, #tpu.memory_space<vmem>>
          %dma_start3A_249 = arith.constant 0 : i32
          %dma_start3A_250 = arith.constant 0 : i32
          %dma_start3A_251 = tpu.memref_slice %arg4[%add3A_243, %dma_start3A_249, %dma_start3A_250] : memref<3136x2x512xi32, #tpu.memory_space<hbm>> -> memref<1x2x512xi32, #tpu.memory_space<hbm>>
          %dma_start3A_252 = tpu.memref_squeeze %dma_start3A_251 : memref<1x2x512xi32, #tpu.memory_space<hbm>> -> memref<2x512xi32, #tpu.memory_space<hbm>>
          %dma_start3A_253 = arith.constant 0 : i32
          %dma_start3A_254 = arith.constant 0 : i32
          %dma_start3A_255 = tpu.memref_slice %arg8[%dma_start3A_244, %dma_start3A_253, %dma_start3A_254] : memref<2x2x512xi32, #tpu.memory_space<vmem>> -> memref<1x2x512xi32, #tpu.memory_space<vmem>>
          %dma_start3A_256 = tpu.memref_squeeze %dma_start3A_255 : memref<1x2x512xi32, #tpu.memory_space<vmem>> -> memref<2x512xi32, #tpu.memory_space<vmem>>
          %dma_start3A_257 = arith.constant 0 : i32
          %dma_start3A_258 = arith.constant 0 : i32
          %dma_start3A_259 = tpu.memref_slice %arg4[%add3A_243, %dma_start3A_257, %dma_start3A_258] : memref<3136x2x512xi32, #tpu.memory_space<hbm>> -> memref<1x2x512xi32, #tpu.memory_space<hbm>>
          %dma_start3A_260 = tpu.memref_squeeze %dma_start3A_259 : memref<1x2x512xi32, #tpu.memory_space<hbm>> -> memref<2x512xi32, #tpu.memory_space<hbm>>
          tpu.enqueue_dma source(%dma_start3A_260 : memref<2x512xi32, #tpu.memory_space<hbm>>) target(%dma_start3A_256 : memref<2x512xi32, #tpu.memory_space<vmem>>) target_semaphore(%arg12 : memref<!tpu.dma_semaphore, #tpu.memory_space<semaphore_mem>>)
        } else {
        }
        %dma_start3A_159 = arith.constant 0 : i32
        %dma_start3A_160 = arith.constant 0 : i32
        %dma_start3A_161 = arith.constant 1 : i32
        %dma_start3A_162 = arith.constant 0 : i32
        %dma_start3A_163 = arith.constant 0 : i32
        %dma_start3A_164 = tpu.memref_slice %arg9[%dma_start3A_159, %dma_start3A_162, %dma_start3A_163] : memref<2x512x32xbf16, #tpu.memory_space<vmem>> -> memref<1x512x32xbf16, #tpu.memory_space<vmem>>
        %dma_start3A_165 = tpu.memref_squeeze %dma_start3A_164 : memref<1x512x32xbf16, #tpu.memory_space<vmem>> -> memref<512x32xbf16, #tpu.memory_space<vmem>>
        %dma_start3A_166 = arith.constant 0 : i32
        %dma_start3A_167 = tpu.memref_slice %arg8[%dma_start3A_160, %dma_start3A_161, %dma_start3A_166] : memref<2x2x512xi32, #tpu.memory_space<vmem>> -> memref<1x1x512xi32, #tpu.memory_space<vmem>>
        %dma_start3A_168 = tpu.memref_squeeze %dma_start3A_167 : memref<1x1x512xi32, #tpu.memory_space<vmem>> -> memref<512xi32, #tpu.memory_space<vmem>>
        %dma_start3A_169 = arith.constant 0 : i32
        %dma_start3A_170 = arith.constant 0 : i32
        %dma_start3A_171 = tpu.memref_slice %arg11[%dma_start3A_169, %dma_start3A_170] : memref<100352x32xbf16, #tpu.memory_space<vmem_shared>> -> memref<100352x32xbf16, #tpu.memory_space<vmem_shared>>
        tpu.enqueue_indirect_dma source(%dma_start3A_165 : memref<512x32xbf16, #tpu.memory_space<vmem>>) target(%dma_start3A_171 : memref<100352x32xbf16, #tpu.memory_space<vmem_shared>>) offsets(%dma_start3A_168 : memref<512xi32, #tpu.memory_space<vmem>>) semaphore(%arg14 : memref<!tpu.dma_semaphore, #tpu.memory_space<semaphore_mem>>) {add = true}
        %mul3A_172 = arith.constant 2 : i32
        %mul3A_173 = arith.muli %scan3A_104, %mul3A_172 : i32
        %add3A_174 = arith.constant 1 : i32
        %add3A_175 = arith.addi %mul3A_173, %add3A_174 : i32
        %dma_wait3A_176 = arith.constant 0 : i32
        %dma_wait3A_177 = arith.constant 1 : i32
        %dma_wait3A_178 = arith.constant 0 : i32
        %dma_wait3A_179 = arith.constant 0 : i32
        %dma_wait3A_180 = tpu.memref_slice %arg8[%dma_wait3A_177, %dma_wait3A_178, %dma_wait3A_179] : memref<2x2x512xi32, #tpu.memory_space<vmem>> -> memref<1x2x512xi32, #tpu.memory_space<vmem>>
        %dma_wait3A_181 = tpu.memref_squeeze %dma_wait3A_180 : memref<1x2x512xi32, #tpu.memory_space<vmem>> -> memref<2x512xi32, #tpu.memory_space<vmem>>
        %dma_wait3A_182 = arith.constant 0 : i32
        %dma_wait3A_183 = arith.constant 0 : i32
        %dma_wait3A_184 = tpu.memref_slice %arg4[%dma_wait3A_176, %dma_wait3A_182, %dma_wait3A_183] : memref<3136x2x512xi32, #tpu.memory_space<hbm>> -> memref<1x2x512xi32, #tpu.memory_space<hbm>>
        %dma_wait3A_185 = tpu.memref_squeeze %dma_wait3A_184 : memref<1x2x512xi32, #tpu.memory_space<hbm>> -> memref<2x512xi32, #tpu.memory_space<hbm>>
        %dma_wait3A_186 = arith.constant 0 : i32
        %dma_wait3A_187 = arith.constant 0 : i32
        %dma_wait3A_188 = tpu.memref_slice %arg8[%dma_wait3A_177, %dma_wait3A_186, %dma_wait3A_187] : memref<2x2x512xi32, #tpu.memory_space<vmem>> -> memref<1x2x512xi32, #tpu.memory_space<vmem>>
        %dma_wait3A_189 = tpu.memref_squeeze %dma_wait3A_188 : memref<1x2x512xi32, #tpu.memory_space<vmem>> -> memref<2x512xi32, #tpu.memory_space<vmem>>
        %dma_wait3A_190 = arith.constant 0 : i32
        %dma_wait3A_191 = arith.constant 0 : i32
        %dma_wait3A_192 = tpu.memref_slice %arg4[%dma_wait3A_176, %dma_wait3A_190, %dma_wait3A_191] : memref<3136x2x512xi32, #tpu.memory_space<hbm>> -> memref<1x2x512xi32, #tpu.memory_space<hbm>>
        %dma_wait3A_193 = tpu.memref_squeeze %dma_wait3A_192 : memref<1x2x512xi32, #tpu.memory_space<hbm>> -> memref<2x512xi32, #tpu.memory_space<hbm>>
        tpu.wait_dma2 semaphore(%arg12 : memref<!tpu.dma_semaphore, #tpu.memory_space<semaphore_mem>>) src(%dma_wait3A_193 : memref<2x512xi32, #tpu.memory_space<hbm>>) dst(%dma_wait3A_189 : memref<2x512xi32, #tpu.memory_space<vmem>>)
        %dma_start3A_194 = arith.constant 1 : i32
        %dma_start3A_195 = arith.constant 0 : i32
        %dma_start3A_196 = arith.constant 1 : i32
        %dma_start3A_197 = arith.constant 0 : i32
        %dma_start3A_198 = arith.constant 0 : i32
        %dma_start3A_199 = tpu.memref_slice %arg9[%dma_start3A_196, %dma_start3A_197, %dma_start3A_198] : memref<2x512x32xbf16, #tpu.memory_space<vmem>> -> memref<1x512x32xbf16, #tpu.memory_space<vmem>>
        %dma_start3A_200 = tpu.memref_squeeze %dma_start3A_199 : memref<1x512x32xbf16, #tpu.memory_space<vmem>> -> memref<512x32xbf16, #tpu.memory_space<vmem>>
        %dma_start3A_201 = arith.constant 0 : i32
        %dma_start3A_202 = tpu.memref_slice %arg8[%dma_start3A_194, %dma_start3A_195, %dma_start3A_201] : memref<2x2x512xi32, #tpu.memory_space<vmem>> -> memref<1x1x512xi32, #tpu.memory_space<vmem>>
        %dma_start3A_203 = tpu.memref_squeeze %dma_start3A_202 : memref<1x1x512xi32, #tpu.memory_space<vmem>> -> memref<512xi32, #tpu.memory_space<vmem>>
        %dma_start3A_204 = arith.constant 0 : i32
        %dma_start3A_205 = arith.constant 0 : i32
        %dma_start3A_206 = tpu.memref_slice %arg3[%dma_start3A_204, %dma_start3A_205] : memref<100352x32xbf16, #tpu.memory_space<hbm>> -> memref<100352x32xbf16, #tpu.memory_space<hbm>>
        tpu.enqueue_indirect_dma source(%dma_start3A_206 : memref<100352x32xbf16, #tpu.memory_space<hbm>>) target(%dma_start3A_200 : memref<512x32xbf16, #tpu.memory_space<vmem>>) offsets(%dma_start3A_203 : memref<512xi32, #tpu.memory_space<vmem>>) semaphore(%arg13 : memref<!tpu.dma_semaphore, #tpu.memory_space<semaphore_mem>>)
        %dma_wait3A_207 = arith.constant 1 : i32
        %dma_wait3A_208 = arith.constant 0 : i32
        %dma_wait3A_209 = arith.constant 0 : i32
        %dma_wait3A_210 = tpu.memref_slice %arg9[%dma_wait3A_207, %dma_wait3A_208, %dma_wait3A_209] : memref<2x512x32xbf16, #tpu.memory_space<vmem>> -> memref<1x512x32xbf16, #tpu.memory_space<vmem>>
        %dma_wait3A_211 = tpu.memref_squeeze %dma_wait3A_210 : memref<1x512x32xbf16, #tpu.memory_space<vmem>> -> memref<512x32xbf16, #tpu.memory_space<vmem>>
        %dma_wait3A_212 = arith.constant 0 : i32
        %dma_wait3A_213 = arith.constant 0 : i32
        %dma_wait3A_214 = tpu.memref_slice %arg9[%dma_wait3A_207, %dma_wait3A_212, %dma_wait3A_213] : memref<2x512x32xbf16, #tpu.memory_space<vmem>> -> memref<1x512x32xbf16, #tpu.memory_space<vmem>>
        %dma_wait3A_215 = tpu.memref_squeeze %dma_wait3A_214 : memref<1x512x32xbf16, #tpu.memory_space<vmem>> -> memref<512x32xbf16, #tpu.memory_space<vmem>>
        tpu.wait_dma2 semaphore(%arg13 : memref<!tpu.dma_semaphore, #tpu.memory_space<semaphore_mem>>) src(%arg5 : memref<512x32xbf16, #tpu.memory_space<hbm>>) dst(%dma_wait3A_215 : memref<512x32xbf16, #tpu.memory_space<vmem>>)
        %ge3A_216 = arith.constant 1 : i32
        %ge3A_217 = arith.cmpi sge, %add3A_175, %ge3A_216 : i32
        %convert_element_type3A_218 = arith.extui %ge3A_217 : i1 to i32
        %cond3A_219 = arith.constant 0 : i32
        %cond3A_220 = arith.cmpi ne, %convert_element_type3A_218, %cond3A_219 : i32
        scf.if %cond3A_220 {
          %dma_wait3A_241 = arith.constant 0 : i32
          %dma_wait3A_242 = arith.constant 0 : i32
          %dma_wait3A_243 = arith.constant 0 : i32
          %dma_wait3A_244 = tpu.memref_slice %arg9[%dma_wait3A_241, %dma_wait3A_242, %dma_wait3A_243] : memref<2x512x32xbf16, #tpu.memory_space<vmem>> -> memref<1x512x32xbf16, #tpu.memory_space<vmem>>
          %dma_wait3A_245 = tpu.memref_squeeze %dma_wait3A_244 : memref<1x512x32xbf16, #tpu.memory_space<vmem>> -> memref<512x32xbf16, #tpu.memory_space<vmem>>
          %dma_wait3A_246 = arith.constant 0 : i32
          %dma_wait3A_247 = arith.constant 0 : i32
          %dma_wait3A_248 = tpu.memref_slice %arg9[%dma_wait3A_241, %dma_wait3A_246, %dma_wait3A_247] : memref<2x512x32xbf16, #tpu.memory_space<vmem>> -> memref<1x512x32xbf16, #tpu.memory_space<vmem>>
          %dma_wait3A_249 = tpu.memref_squeeze %dma_wait3A_248 : memref<1x512x32xbf16, #tpu.memory_space<vmem>> -> memref<512x32xbf16, #tpu.memory_space<vmem>>
          tpu.wait_dma2 semaphore(%arg14 : memref<!tpu.dma_semaphore, #tpu.memory_space<semaphore_mem>>) src(%arg5 : memref<512x32xbf16, #tpu.memory_space<hbm>>) dst(%dma_wait3A_249 : memref<512x32xbf16, #tpu.memory_space<vmem>>)
        } else {
        }
        %add3A_221 = arith.constant 1 : i32
        %add3A_222 = arith.addi %add3A_175, %add3A_221 : i32
        %lt3A_223 = arith.constant 98 : i32
        %lt3A_224 = arith.cmpi slt, %add3A_222, %lt3A_223 : i32
        %convert_element_type3A_225 = arith.extui %lt3A_224 : i1 to i32
        %cond3A_226 = arith.constant 0 : i32
        %cond3A_227 = arith.cmpi ne, %convert_element_type3A_225, %cond3A_226 : i32
        scf.if %cond3A_227 {
          %add3A_241 = arith.constant 1 : i32
          %add3A_242 = arith.addi %add3A_175, %add3A_241 : i32
          %add3A_243 = arith.addi %mul3A_54, %add3A_242 : i32
          %dma_start3A_244 = arith.constant 0 : i32
          %dma_start3A_245 = arith.constant 0 : i32
          %dma_start3A_246 = arith.constant 0 : i32
          %dma_start3A_247 = tpu.memref_slice %arg8[%dma_start3A_244, %dma_start3A_245, %dma_start3A_246] : memref<2x2x512xi32, #tpu.memory_space<vmem>> -> memref<1x2x512xi32, #tpu.memory_space<vmem>>
          %dma_start3A_248 = tpu.memref_squeeze %dma_start3A_247 : memref<1x2x512xi32, #tpu.memory_space<vmem>> -> memref<2x512xi32, #tpu.memory_space<vmem>>
          %dma_start3A_249 = arith.constant 0 : i32
          %dma_start3A_250 = arith.constant 0 : i32
          %dma_start3A_251 = tpu.memref_slice %arg4[%add3A_243, %dma_start3A_249, %dma_start3A_250] : memref<3136x2x512xi32, #tpu.memory_space<hbm>> -> memref<1x2x512xi32, #tpu.memory_space<hbm>>
          %dma_start3A_252 = tpu.memref_squeeze %dma_start3A_251 : memref<1x2x512xi32, #tpu.memory_space<hbm>> -> memref<2x512xi32, #tpu.memory_space<hbm>>
          %dma_start3A_253 = arith.constant 0 : i32
          %dma_start3A_254 = arith.constant 0 : i32
          %dma_start3A_255 = tpu.memref_slice %arg8[%dma_start3A_244, %dma_start3A_253, %dma_start3A_254] : memref<2x2x512xi32, #tpu.memory_space<vmem>> -> memref<1x2x512xi32, #tpu.memory_space<vmem>>
          %dma_start3A_256 = tpu.memref_squeeze %dma_start3A_255 : memref<1x2x512xi32, #tpu.memory_space<vmem>> -> memref<2x512xi32, #tpu.memory_space<vmem>>
          %dma_start3A_257 = arith.constant 0 : i32
          %dma_start3A_258 = arith.constant 0 : i32
          %dma_start3A_259 = tpu.memref_slice %arg4[%add3A_243, %dma_start3A_257, %dma_start3A_258] : memref<3136x2x512xi32, #tpu.memory_space<hbm>> -> memref<1x2x512xi32, #tpu.memory_space<hbm>>
          %dma_start3A_260 = tpu.memref_squeeze %dma_start3A_259 : memref<1x2x512xi32, #tpu.memory_space<hbm>> -> memref<2x512xi32, #tpu.memory_space<hbm>>
          tpu.enqueue_dma source(%dma_start3A_260 : memref<2x512xi32, #tpu.memory_space<hbm>>) target(%dma_start3A_256 : memref<2x512xi32, #tpu.memory_space<vmem>>) target_semaphore(%arg12 : memref<!tpu.dma_semaphore, #tpu.memory_space<semaphore_mem>>)
        } else {
        }
        %dma_start3A_228 = arith.constant 1 : i32
        %dma_start3A_229 = arith.constant 1 : i32
        %dma_start3A_230 = arith.constant 1 : i32
        %dma_start3A_231 = arith.constant 0 : i32
        %dma_start3A_232 = arith.constant 0 : i32
        %dma_start3A_233 = tpu.memref_slice %arg9[%dma_start3A_228, %dma_start3A_231, %dma_start3A_232] : memref<2x512x32xbf16, #tpu.memory_space<vmem>> -> memref<1x512x32xbf16, #tpu.memory_space<vmem>>
        %dma_start3A_234 = tpu.memref_squeeze %dma_start3A_233 : memref<1x512x32xbf16, #tpu.memory_space<vmem>> -> memref<512x32xbf16, #tpu.memory_space<vmem>>
        %dma_start3A_235 = arith.constant 0 : i32
        %dma_start3A_236 = tpu.memref_slice %arg8[%dma_start3A_229, %dma_start3A_230, %dma_start3A_235] : memref<2x2x512xi32, #tpu.memory_space<vmem>> -> memref<1x1x512xi32, #tpu.memory_space<vmem>>
        %dma_start3A_237 = tpu.memref_squeeze %dma_start3A_236 : memref<1x1x512xi32, #tpu.memory_space<vmem>> -> memref<512xi32, #tpu.memory_space<vmem>>
        %dma_start3A_238 = arith.constant 0 : i32
        %dma_start3A_239 = arith.constant 0 : i32
        %dma_start3A_240 = tpu.memref_slice %arg11[%dma_start3A_238, %dma_start3A_239] : memref<100352x32xbf16, #tpu.memory_space<vmem_shared>> -> memref<100352x32xbf16, #tpu.memory_space<vmem_shared>>
        tpu.enqueue_indirect_dma source(%dma_start3A_234 : memref<512x32xbf16, #tpu.memory_space<vmem>>) target(%dma_start3A_240 : memref<100352x32xbf16, #tpu.memory_space<vmem_shared>>) offsets(%dma_start3A_237 : memref<512xi32, #tpu.memory_space<vmem>>) semaphore(%arg14 : memref<!tpu.dma_semaphore, #tpu.memory_space<semaphore_mem>>) {add = true}
      }
      %scan3A_95 = arith.constant 49 : i32
      %dma_wait3A = arith.constant 1 : i32
      %dma_wait3A_96 = arith.constant 0 : i32
      %dma_wait3A_97 = arith.constant 0 : i32
      %dma_wait3A_98 = tpu.memref_slice %arg9[%dma_wait3A, %dma_wait3A_96, %dma_wait3A_97] : memref<2x512x32xbf16, #tpu.memory_space<vmem>> -> memref<1x512x32xbf16, #tpu.memory_space<vmem>>
      %dma_wait3A_99 = tpu.memref_squeeze %dma_wait3A_98 : memref<1x512x32xbf16, #tpu.memory_space<vmem>> -> memref<512x32xbf16, #tpu.memory_space<vmem>>
      %dma_wait3A_100 = arith.constant 0 : i32
      %dma_wait3A_101 = arith.constant 0 : i32
      %dma_wait3A_102 = tpu.memref_slice %arg9[%dma_wait3A, %dma_wait3A_100, %dma_wait3A_101] : memref<2x512x32xbf16, #tpu.memory_space<vmem>> -> memref<1x512x32xbf16, #tpu.memory_space<vmem>>
      %dma_wait3A_103 = tpu.memref_squeeze %dma_wait3A_102 : memref<1x512x32xbf16, #tpu.memory_space<vmem>> -> memref<512x32xbf16, #tpu.memory_space<vmem>>
      tpu.wait_dma2 semaphore(%arg14 : memref<!tpu.dma_semaphore, #tpu.memory_space<semaphore_mem>>) src(%arg5 : memref<512x32xbf16, #tpu.memory_space<hbm>>) dst(%dma_wait3A_103 : memref<512x32xbf16, #tpu.memory_space<vmem>>)
    } else {
    }
    %barrier3A_62 = arith.constant 0 : index
    tpu.barrier barrier_id(%barrier3A_62)
    %eq3A_63 = arith.constant 0 : i32
    %eq3A_64 = arith.cmpi eq, %arg0, %eq3A_63 : i32
    %convert_element_type3A_65 = arith.extui %eq3A_64 : i1 to i32
    %cond3A_66 = arith.constant 0 : i32
    %cond3A_67 = arith.cmpi ne, %convert_element_type3A_65, %cond3A_66 : i32
    scf.if %cond3A_67 {
      %mul3A_73 = arith.constant 6272 : i32
      %mul3A_74 = arith.muli %arg1, %mul3A_73 : i32
      %mul3A_75 = arith.constant 6272 : i32
      %mul3A_76 = arith.muli %arg1, %mul3A_75 : i32
      "tpu.region"() ({
        %run_scoped3A = tpu.sem_alloc : memref<!tpu.dma_semaphore, #tpu.memory_space<semaphore_mem>>
        %dma_start3A = arith.constant 0 : i32
        %dma_start3A_77 = tpu.memref_slice %arg6[%mul3A_76, %dma_start3A] : memref<100352x32xbf16, #tpu.memory_space<hbm>> -> memref<6272x32xbf16, #tpu.memory_space<hbm>>
        %dma_start3A_78 = arith.constant 0 : i32
        %dma_start3A_79 = tpu.memref_slice %arg11[%mul3A_74, %dma_start3A_78] : memref<100352x32xbf16, #tpu.memory_space<vmem_shared>> -> memref<6272x32xbf16, #tpu.memory_space<vmem_shared>>
        tpu.enqueue_dma source(%dma_start3A_79 : memref<6272x32xbf16, #tpu.memory_space<vmem_shared>>) target(%dma_start3A_77 : memref<6272x32xbf16, #tpu.memory_space<hbm>>) target_semaphore(%run_scoped3A : memref<!tpu.dma_semaphore, #tpu.memory_space<semaphore_mem>>)
        %dma_wait3A = arith.constant 0 : i32
        %dma_wait3A_80 = tpu.memref_slice %arg6[%mul3A_76, %dma_wait3A] : memref<100352x32xbf16, #tpu.memory_space<hbm>> -> memref<6272x32xbf16, #tpu.memory_space<hbm>>
        %dma_wait3A_81 = arith.constant 0 : i32
        %dma_wait3A_82 = tpu.memref_slice %arg11[%mul3A_74, %dma_wait3A_81] : memref<100352x32xbf16, #tpu.memory_space<vmem_shared>> -> memref<6272x32xbf16, #tpu.memory_space<vmem_shared>>
        tpu.wait_dma2 semaphore(%run_scoped3A : memref<!tpu.dma_semaphore, #tpu.memory_space<semaphore_mem>>) src(%dma_wait3A_82 : memref<6272x32xbf16, #tpu.memory_space<vmem_shared>>) dst(%dma_wait3A_80 : memref<6272x32xbf16, #tpu.memory_space<hbm>>)
        tpu.yield
      }) : () -> ()
    } else {
    }
    %eq3A_68 = arith.constant 1 : i32
    %eq3A_69 = arith.cmpi eq, %arg0, %eq3A_68 : i32
    %convert_element_type3A_70 = arith.extui %eq3A_69 : i1 to i32
    %cond3A_71 = arith.constant 0 : i32
    %cond3A_72 = arith.cmpi ne, %convert_element_type3A_70, %cond3A_71 : i32
    scf.if %cond3A_72 {
      %mul3A_73 = arith.constant 6272 : i32
      %mul3A_74 = arith.muli %arg1, %mul3A_73 : i32
      %mul3A_75 = arith.constant 6272 : i32
      %mul3A_76 = arith.muli %arg1, %mul3A_75 : i32
      "tpu.region"() ({
        %run_scoped3A = tpu.sem_alloc : memref<!tpu.dma_semaphore, #tpu.memory_space<semaphore_mem>>
        %dma_start3A = arith.constant 0 : i32
        %dma_start3A_77 = tpu.memref_slice %arg7[%mul3A_76, %dma_start3A] : memref<100352x32xbf16, #tpu.memory_space<hbm>> -> memref<6272x32xbf16, #tpu.memory_space<hbm>>
        %dma_start3A_78 = arith.constant 0 : i32
        %dma_start3A_79 = tpu.memref_slice %arg11[%mul3A_74, %dma_start3A_78] : memref<100352x32xbf16, #tpu.memory_space<vmem_shared>> -> memref<6272x32xbf16, #tpu.memory_space<vmem_shared>>
        tpu.enqueue_dma source(%dma_start3A_79 : memref<6272x32xbf16, #tpu.memory_space<vmem_shared>>) target(%dma_start3A_77 : memref<6272x32xbf16, #tpu.memory_space<hbm>>) target_semaphore(%run_scoped3A : memref<!tpu.dma_semaphore, #tpu.memory_space<semaphore_mem>>)
        %dma_wait3A = arith.constant 0 : i32
        %dma_wait3A_80 = tpu.memref_slice %arg7[%mul3A_76, %dma_wait3A] : memref<100352x32xbf16, #tpu.memory_space<hbm>> -> memref<6272x32xbf16, #tpu.memory_space<hbm>>
        %dma_wait3A_81 = arith.constant 0 : i32
        %dma_wait3A_82 = tpu.memref_slice %arg11[%mul3A_74, %dma_wait3A_81] : memref<100352x32xbf16, #tpu.memory_space<vmem_shared>> -> memref<6272x32xbf16, #tpu.memory_space<vmem_shared>>
        tpu.wait_dma2 semaphore(%run_scoped3A : memref<!tpu.dma_semaphore, #tpu.memory_space<semaphore_mem>>) src(%dma_wait3A_82 : memref<6272x32xbf16, #tpu.memory_space<vmem_shared>>) dst(%dma_wait3A_80 : memref<6272x32xbf16, #tpu.memory_space<hbm>>)
        tpu.yield
      }) : () -> ()
    } else {
    }
    return
  }
}

#map = affine_map<(d0, d1) -> (0, 0)>
#map1 = affine_map<(d0, d1) -> (0, 0, 0)>
module attributes {stable_mosaic.version = 14 : i64} {
  func.func @segsum(%arg0: i32, %arg1: i32, %arg2: memref<100352x16xf32, #tpu.memory_space<hbm>>, %arg3: memref<100352x16xf32, #tpu.memory_space<hbm>>, %arg4: memref<3136x2x512xi32, #tpu.memory_space<hbm>>, %arg5: memref<512x16xf32, #tpu.memory_space<hbm>>, %arg6: memref<100352x16xf32, #tpu.memory_space<hbm>>, %arg7: memref<100352x16xf32, #tpu.memory_space<hbm>>, %arg8: memref<2x2x512xi32, #tpu.memory_space<vmem>>, %arg9: memref<2x512x16xf32, #tpu.memory_space<vmem>>, %arg10: memref<512x16xf32, #tpu.memory_space<vmem>>, %arg11: memref<100352x16xf32, #tpu.memory_space<vmem_shared>>, %arg12: memref<!tpu.dma_semaphore, #tpu.memory_space<semaphore_mem>>, %arg13: memref<!tpu.dma_semaphore, #tpu.memory_space<semaphore_mem>>, %arg14: memref<!tpu.dma_semaphore, #tpu.memory_space<semaphore_mem>>) attributes {dimension_semantics = [#tpu.dimension_semantics<core_parallel>, #tpu.dimension_semantics<subcore_parallel>], iteration_bounds = array<i64: 2, 16>, scalar_prefetch = 0 : i64, scratch_operands = 7 : i64, tpu.core_type = #tpu.core_type<sc_vector_subcore>, window_params = [{transform_indices = #map}, {transform_indices = #map}, {transform_indices = #map1}, {transform_indices = #map}, {transform_indices = #map}, {transform_indices = #map}]} {
    "tpu.region"() ({
      %run_scoped3A = tpu.sem_alloc : memref<!tpu.dma_semaphore, #tpu.memory_space<semaphore_mem>>
      tpu.enqueue_dma source(%arg5 : memref<512x16xf32, #tpu.memory_space<hbm>>) target(%arg10 : memref<512x16xf32, #tpu.memory_space<vmem>>) target_semaphore(%run_scoped3A : memref<!tpu.dma_semaphore, #tpu.memory_space<semaphore_mem>>)
      tpu.wait_dma2 semaphore(%run_scoped3A : memref<!tpu.dma_semaphore, #tpu.memory_space<semaphore_mem>>) src(%arg5 : memref<512x16xf32, #tpu.memory_space<hbm>>) dst(%arg10 : memref<512x16xf32, #tpu.memory_space<vmem>>)
      tpu.yield
    }) : () -> ()
    %mul3A = arith.constant 6272 : i32
    %mul3A_0 = arith.muli %arg1, %mul3A : i32
    %add3A = arith.constant 0 : i32
    %add3A_1 = arith.addi %mul3A_0, %add3A : i32
    "tpu.region"() ({
      %run_scoped3A = tpu.sem_alloc : memref<!tpu.dma_semaphore, #tpu.memory_space<semaphore_mem>>
      %dma_start3A = arith.constant 0 : i32
      %dma_start3A_73 = tpu.memref_slice %arg11[%add3A_1, %dma_start3A] : memref<100352x16xf32, #tpu.memory_space<vmem_shared>> -> memref<512x16xf32, #tpu.memory_space<vmem_shared>>
      %dma_start3A_74 = arith.constant 0 : i32
      %dma_start3A_75 = tpu.memref_slice %arg11[%add3A_1, %dma_start3A_74] : memref<100352x16xf32, #tpu.memory_space<vmem_shared>> -> memref<512x16xf32, #tpu.memory_space<vmem_shared>>
      tpu.enqueue_dma source(%arg10 : memref<512x16xf32, #tpu.memory_space<vmem>>) target(%dma_start3A_75 : memref<512x16xf32, #tpu.memory_space<vmem_shared>>) target_semaphore(%run_scoped3A : memref<!tpu.dma_semaphore, #tpu.memory_space<semaphore_mem>>)
      %dma_wait3A = arith.constant 0 : i32
      %dma_wait3A_76 = tpu.memref_slice %arg11[%add3A_1, %dma_wait3A] : memref<100352x16xf32, #tpu.memory_space<vmem_shared>> -> memref<512x16xf32, #tpu.memory_space<vmem_shared>>
      %dma_wait3A_77 = arith.constant 0 : i32
      %dma_wait3A_78 = tpu.memref_slice %arg11[%add3A_1, %dma_wait3A_77] : memref<100352x16xf32, #tpu.memory_space<vmem_shared>> -> memref<512x16xf32, #tpu.memory_space<vmem_shared>>
      tpu.wait_dma2 semaphore(%run_scoped3A : memref<!tpu.dma_semaphore, #tpu.memory_space<semaphore_mem>>) src(%arg10 : memref<512x16xf32, #tpu.memory_space<vmem>>) dst(%dma_wait3A_78 : memref<512x16xf32, #tpu.memory_space<vmem_shared>>)
      tpu.yield
    }) : () -> ()
    %mul3A_2 = arith.constant 6272 : i32
    %mul3A_3 = arith.muli %arg1, %mul3A_2 : i32
    %add3A_4 = arith.constant 512 : i32
    %add3A_5 = arith.addi %mul3A_3, %add3A_4 : i32
    "tpu.region"() ({
      %run_scoped3A = tpu.sem_alloc : memref<!tpu.dma_semaphore, #tpu.memory_space<semaphore_mem>>
      %dma_start3A = arith.constant 0 : i32
      %dma_start3A_73 = tpu.memref_slice %arg11[%add3A_5, %dma_start3A] : memref<100352x16xf32, #tpu.memory_space<vmem_shared>> -> memref<512x16xf32, #tpu.memory_space<vmem_shared>>
      %dma_start3A_74 = arith.constant 0 : i32
      %dma_start3A_75 = tpu.memref_slice %arg11[%add3A_5, %dma_start3A_74] : memref<100352x16xf32, #tpu.memory_space<vmem_shared>> -> memref<512x16xf32, #tpu.memory_space<vmem_shared>>
      tpu.enqueue_dma source(%arg10 : memref<512x16xf32, #tpu.memory_space<vmem>>) target(%dma_start3A_75 : memref<512x16xf32, #tpu.memory_space<vmem_shared>>) target_semaphore(%run_scoped3A : memref<!tpu.dma_semaphore, #tpu.memory_space<semaphore_mem>>)
      %dma_wait3A = arith.constant 0 : i32
      %dma_wait3A_76 = tpu.memref_slice %arg11[%add3A_5, %dma_wait3A] : memref<100352x16xf32, #tpu.memory_space<vmem_shared>> -> memref<512x16xf32, #tpu.memory_space<vmem_shared>>
      %dma_wait3A_77 = arith.constant 0 : i32
      %dma_wait3A_78 = tpu.memref_slice %arg11[%add3A_5, %dma_wait3A_77] : memref<100352x16xf32, #tpu.memory_space<vmem_shared>> -> memref<512x16xf32, #tpu.memory_space<vmem_shared>>
      tpu.wait_dma2 semaphore(%run_scoped3A : memref<!tpu.dma_semaphore, #tpu.memory_space<semaphore_mem>>) src(%arg10 : memref<512x16xf32, #tpu.memory_space<vmem>>) dst(%dma_wait3A_78 : memref<512x16xf32, #tpu.memory_space<vmem_shared>>)
      tpu.yield
    }) : () -> ()
    %mul3A_6 = arith.constant 6272 : i32
    %mul3A_7 = arith.muli %arg1, %mul3A_6 : i32
    %add3A_8 = arith.constant 1024 : i32
    %add3A_9 = arith.addi %mul3A_7, %add3A_8 : i32
    "tpu.region"() ({
      %run_scoped3A = tpu.sem_alloc : memref<!tpu.dma_semaphore, #tpu.memory_space<semaphore_mem>>
      %dma_start3A = arith.constant 0 : i32
      %dma_start3A_73 = tpu.memref_slice %arg11[%add3A_9, %dma_start3A] : memref<100352x16xf32, #tpu.memory_space<vmem_shared>> -> memref<512x16xf32, #tpu.memory_space<vmem_shared>>
      %dma_start3A_74 = arith.constant 0 : i32
      %dma_start3A_75 = tpu.memref_slice %arg11[%add3A_9, %dma_start3A_74] : memref<100352x16xf32, #tpu.memory_space<vmem_shared>> -> memref<512x16xf32, #tpu.memory_space<vmem_shared>>
      tpu.enqueue_dma source(%arg10 : memref<512x16xf32, #tpu.memory_space<vmem>>) target(%dma_start3A_75 : memref<512x16xf32, #tpu.memory_space<vmem_shared>>) target_semaphore(%run_scoped3A : memref<!tpu.dma_semaphore, #tpu.memory_space<semaphore_mem>>)
      %dma_wait3A = arith.constant 0 : i32
      %dma_wait3A_76 = tpu.memref_slice %arg11[%add3A_9, %dma_wait3A] : memref<100352x16xf32, #tpu.memory_space<vmem_shared>> -> memref<512x16xf32, #tpu.memory_space<vmem_shared>>
      %dma_wait3A_77 = arith.constant 0 : i32
      %dma_wait3A_78 = tpu.memref_slice %arg11[%add3A_9, %dma_wait3A_77] : memref<100352x16xf32, #tpu.memory_space<vmem_shared>> -> memref<512x16xf32, #tpu.memory_space<vmem_shared>>
      tpu.wait_dma2 semaphore(%run_scoped3A : memref<!tpu.dma_semaphore, #tpu.memory_space<semaphore_mem>>) src(%arg10 : memref<512x16xf32, #tpu.memory_space<vmem>>) dst(%dma_wait3A_78 : memref<512x16xf32, #tpu.memory_space<vmem_shared>>)
      tpu.yield
    }) : () -> ()
    %mul3A_10 = arith.constant 6272 : i32
    %mul3A_11 = arith.muli %arg1, %mul3A_10 : i32
    %add3A_12 = arith.constant 1536 : i32
    %add3A_13 = arith.addi %mul3A_11, %add3A_12 : i32
    "tpu.region"() ({
      %run_scoped3A = tpu.sem_alloc : memref<!tpu.dma_semaphore, #tpu.memory_space<semaphore_mem>>
      %dma_start3A = arith.constant 0 : i32
      %dma_start3A_73 = tpu.memref_slice %arg11[%add3A_13, %dma_start3A] : memref<100352x16xf32, #tpu.memory_space<vmem_shared>> -> memref<512x16xf32, #tpu.memory_space<vmem_shared>>
      %dma_start3A_74 = arith.constant 0 : i32
      %dma_start3A_75 = tpu.memref_slice %arg11[%add3A_13, %dma_start3A_74] : memref<100352x16xf32, #tpu.memory_space<vmem_shared>> -> memref<512x16xf32, #tpu.memory_space<vmem_shared>>
      tpu.enqueue_dma source(%arg10 : memref<512x16xf32, #tpu.memory_space<vmem>>) target(%dma_start3A_75 : memref<512x16xf32, #tpu.memory_space<vmem_shared>>) target_semaphore(%run_scoped3A : memref<!tpu.dma_semaphore, #tpu.memory_space<semaphore_mem>>)
      %dma_wait3A = arith.constant 0 : i32
      %dma_wait3A_76 = tpu.memref_slice %arg11[%add3A_13, %dma_wait3A] : memref<100352x16xf32, #tpu.memory_space<vmem_shared>> -> memref<512x16xf32, #tpu.memory_space<vmem_shared>>
      %dma_wait3A_77 = arith.constant 0 : i32
      %dma_wait3A_78 = tpu.memref_slice %arg11[%add3A_13, %dma_wait3A_77] : memref<100352x16xf32, #tpu.memory_space<vmem_shared>> -> memref<512x16xf32, #tpu.memory_space<vmem_shared>>
      tpu.wait_dma2 semaphore(%run_scoped3A : memref<!tpu.dma_semaphore, #tpu.memory_space<semaphore_mem>>) src(%arg10 : memref<512x16xf32, #tpu.memory_space<vmem>>) dst(%dma_wait3A_78 : memref<512x16xf32, #tpu.memory_space<vmem_shared>>)
      tpu.yield
    }) : () -> ()
    %mul3A_14 = arith.constant 6272 : i32
    %mul3A_15 = arith.muli %arg1, %mul3A_14 : i32
    %add3A_16 = arith.constant 2048 : i32
    %add3A_17 = arith.addi %mul3A_15, %add3A_16 : i32
    "tpu.region"() ({
      %run_scoped3A = tpu.sem_alloc : memref<!tpu.dma_semaphore, #tpu.memory_space<semaphore_mem>>
      %dma_start3A = arith.constant 0 : i32
      %dma_start3A_73 = tpu.memref_slice %arg11[%add3A_17, %dma_start3A] : memref<100352x16xf32, #tpu.memory_space<vmem_shared>> -> memref<512x16xf32, #tpu.memory_space<vmem_shared>>
      %dma_start3A_74 = arith.constant 0 : i32
      %dma_start3A_75 = tpu.memref_slice %arg11[%add3A_17, %dma_start3A_74] : memref<100352x16xf32, #tpu.memory_space<vmem_shared>> -> memref<512x16xf32, #tpu.memory_space<vmem_shared>>
      tpu.enqueue_dma source(%arg10 : memref<512x16xf32, #tpu.memory_space<vmem>>) target(%dma_start3A_75 : memref<512x16xf32, #tpu.memory_space<vmem_shared>>) target_semaphore(%run_scoped3A : memref<!tpu.dma_semaphore, #tpu.memory_space<semaphore_mem>>)
      %dma_wait3A = arith.constant 0 : i32
      %dma_wait3A_76 = tpu.memref_slice %arg11[%add3A_17, %dma_wait3A] : memref<100352x16xf32, #tpu.memory_space<vmem_shared>> -> memref<512x16xf32, #tpu.memory_space<vmem_shared>>
      %dma_wait3A_77 = arith.constant 0 : i32
      %dma_wait3A_78 = tpu.memref_slice %arg11[%add3A_17, %dma_wait3A_77] : memref<100352x16xf32, #tpu.memory_space<vmem_shared>> -> memref<512x16xf32, #tpu.memory_space<vmem_shared>>
      tpu.wait_dma2 semaphore(%run_scoped3A : memref<!tpu.dma_semaphore, #tpu.memory_space<semaphore_mem>>) src(%arg10 : memref<512x16xf32, #tpu.memory_space<vmem>>) dst(%dma_wait3A_78 : memref<512x16xf32, #tpu.memory_space<vmem_shared>>)
      tpu.yield
    }) : () -> ()
    %mul3A_18 = arith.constant 6272 : i32
    %mul3A_19 = arith.muli %arg1, %mul3A_18 : i32
    %add3A_20 = arith.constant 2560 : i32
    %add3A_21 = arith.addi %mul3A_19, %add3A_20 : i32
    "tpu.region"() ({
      %run_scoped3A = tpu.sem_alloc : memref<!tpu.dma_semaphore, #tpu.memory_space<semaphore_mem>>
      %dma_start3A = arith.constant 0 : i32
      %dma_start3A_73 = tpu.memref_slice %arg11[%add3A_21, %dma_start3A] : memref<100352x16xf32, #tpu.memory_space<vmem_shared>> -> memref<512x16xf32, #tpu.memory_space<vmem_shared>>
      %dma_start3A_74 = arith.constant 0 : i32
      %dma_start3A_75 = tpu.memref_slice %arg11[%add3A_21, %dma_start3A_74] : memref<100352x16xf32, #tpu.memory_space<vmem_shared>> -> memref<512x16xf32, #tpu.memory_space<vmem_shared>>
      tpu.enqueue_dma source(%arg10 : memref<512x16xf32, #tpu.memory_space<vmem>>) target(%dma_start3A_75 : memref<512x16xf32, #tpu.memory_space<vmem_shared>>) target_semaphore(%run_scoped3A : memref<!tpu.dma_semaphore, #tpu.memory_space<semaphore_mem>>)
      %dma_wait3A = arith.constant 0 : i32
      %dma_wait3A_76 = tpu.memref_slice %arg11[%add3A_21, %dma_wait3A] : memref<100352x16xf32, #tpu.memory_space<vmem_shared>> -> memref<512x16xf32, #tpu.memory_space<vmem_shared>>
      %dma_wait3A_77 = arith.constant 0 : i32
      %dma_wait3A_78 = tpu.memref_slice %arg11[%add3A_21, %dma_wait3A_77] : memref<100352x16xf32, #tpu.memory_space<vmem_shared>> -> memref<512x16xf32, #tpu.memory_space<vmem_shared>>
      tpu.wait_dma2 semaphore(%run_scoped3A : memref<!tpu.dma_semaphore, #tpu.memory_space<semaphore_mem>>) src(%arg10 : memref<512x16xf32, #tpu.memory_space<vmem>>) dst(%dma_wait3A_78 : memref<512x16xf32, #tpu.memory_space<vmem_shared>>)
      tpu.yield
    }) : () -> ()
    %mul3A_22 = arith.constant 6272 : i32
    %mul3A_23 = arith.muli %arg1, %mul3A_22 : i32
    %add3A_24 = arith.constant 3072 : i32
    %add3A_25 = arith.addi %mul3A_23, %add3A_24 : i32
    "tpu.region"() ({
      %run_scoped3A = tpu.sem_alloc : memref<!tpu.dma_semaphore, #tpu.memory_space<semaphore_mem>>
      %dma_start3A = arith.constant 0 : i32
      %dma_start3A_73 = tpu.memref_slice %arg11[%add3A_25, %dma_start3A] : memref<100352x16xf32, #tpu.memory_space<vmem_shared>> -> memref<512x16xf32, #tpu.memory_space<vmem_shared>>
      %dma_start3A_74 = arith.constant 0 : i32
      %dma_start3A_75 = tpu.memref_slice %arg11[%add3A_25, %dma_start3A_74] : memref<100352x16xf32, #tpu.memory_space<vmem_shared>> -> memref<512x16xf32, #tpu.memory_space<vmem_shared>>
      tpu.enqueue_dma source(%arg10 : memref<512x16xf32, #tpu.memory_space<vmem>>) target(%dma_start3A_75 : memref<512x16xf32, #tpu.memory_space<vmem_shared>>) target_semaphore(%run_scoped3A : memref<!tpu.dma_semaphore, #tpu.memory_space<semaphore_mem>>)
      %dma_wait3A = arith.constant 0 : i32
      %dma_wait3A_76 = tpu.memref_slice %arg11[%add3A_25, %dma_wait3A] : memref<100352x16xf32, #tpu.memory_space<vmem_shared>> -> memref<512x16xf32, #tpu.memory_space<vmem_shared>>
      %dma_wait3A_77 = arith.constant 0 : i32
      %dma_wait3A_78 = tpu.memref_slice %arg11[%add3A_25, %dma_wait3A_77] : memref<100352x16xf32, #tpu.memory_space<vmem_shared>> -> memref<512x16xf32, #tpu.memory_space<vmem_shared>>
      tpu.wait_dma2 semaphore(%run_scoped3A : memref<!tpu.dma_semaphore, #tpu.memory_space<semaphore_mem>>) src(%arg10 : memref<512x16xf32, #tpu.memory_space<vmem>>) dst(%dma_wait3A_78 : memref<512x16xf32, #tpu.memory_space<vmem_shared>>)
      tpu.yield
    }) : () -> ()
    %mul3A_26 = arith.constant 6272 : i32
    %mul3A_27 = arith.muli %arg1, %mul3A_26 : i32
    %add3A_28 = arith.constant 3584 : i32
    %add3A_29 = arith.addi %mul3A_27, %add3A_28 : i32
    "tpu.region"() ({
      %run_scoped3A = tpu.sem_alloc : memref<!tpu.dma_semaphore, #tpu.memory_space<semaphore_mem>>
      %dma_start3A = arith.constant 0 : i32
      %dma_start3A_73 = tpu.memref_slice %arg11[%add3A_29, %dma_start3A] : memref<100352x16xf32, #tpu.memory_space<vmem_shared>> -> memref<512x16xf32, #tpu.memory_space<vmem_shared>>
      %dma_start3A_74 = arith.constant 0 : i32
      %dma_start3A_75 = tpu.memref_slice %arg11[%add3A_29, %dma_start3A_74] : memref<100352x16xf32, #tpu.memory_space<vmem_shared>> -> memref<512x16xf32, #tpu.memory_space<vmem_shared>>
      tpu.enqueue_dma source(%arg10 : memref<512x16xf32, #tpu.memory_space<vmem>>) target(%dma_start3A_75 : memref<512x16xf32, #tpu.memory_space<vmem_shared>>) target_semaphore(%run_scoped3A : memref<!tpu.dma_semaphore, #tpu.memory_space<semaphore_mem>>)
      %dma_wait3A = arith.constant 0 : i32
      %dma_wait3A_76 = tpu.memref_slice %arg11[%add3A_29, %dma_wait3A] : memref<100352x16xf32, #tpu.memory_space<vmem_shared>> -> memref<512x16xf32, #tpu.memory_space<vmem_shared>>
      %dma_wait3A_77 = arith.constant 0 : i32
      %dma_wait3A_78 = tpu.memref_slice %arg11[%add3A_29, %dma_wait3A_77] : memref<100352x16xf32, #tpu.memory_space<vmem_shared>> -> memref<512x16xf32, #tpu.memory_space<vmem_shared>>
      tpu.wait_dma2 semaphore(%run_scoped3A : memref<!tpu.dma_semaphore, #tpu.memory_space<semaphore_mem>>) src(%arg10 : memref<512x16xf32, #tpu.memory_space<vmem>>) dst(%dma_wait3A_78 : memref<512x16xf32, #tpu.memory_space<vmem_shared>>)
      tpu.yield
    }) : () -> ()
    %mul3A_30 = arith.constant 6272 : i32
    %mul3A_31 = arith.muli %arg1, %mul3A_30 : i32
    %add3A_32 = arith.constant 4096 : i32
    %add3A_33 = arith.addi %mul3A_31, %add3A_32 : i32
    "tpu.region"() ({
      %run_scoped3A = tpu.sem_alloc : memref<!tpu.dma_semaphore, #tpu.memory_space<semaphore_mem>>
      %dma_start3A = arith.constant 0 : i32
      %dma_start3A_73 = tpu.memref_slice %arg11[%add3A_33, %dma_start3A] : memref<100352x16xf32, #tpu.memory_space<vmem_shared>> -> memref<512x16xf32, #tpu.memory_space<vmem_shared>>
      %dma_start3A_74 = arith.constant 0 : i32
      %dma_start3A_75 = tpu.memref_slice %arg11[%add3A_33, %dma_start3A_74] : memref<100352x16xf32, #tpu.memory_space<vmem_shared>> -> memref<512x16xf32, #tpu.memory_space<vmem_shared>>
      tpu.enqueue_dma source(%arg10 : memref<512x16xf32, #tpu.memory_space<vmem>>) target(%dma_start3A_75 : memref<512x16xf32, #tpu.memory_space<vmem_shared>>) target_semaphore(%run_scoped3A : memref<!tpu.dma_semaphore, #tpu.memory_space<semaphore_mem>>)
      %dma_wait3A = arith.constant 0 : i32
      %dma_wait3A_76 = tpu.memref_slice %arg11[%add3A_33, %dma_wait3A] : memref<100352x16xf32, #tpu.memory_space<vmem_shared>> -> memref<512x16xf32, #tpu.memory_space<vmem_shared>>
      %dma_wait3A_77 = arith.constant 0 : i32
      %dma_wait3A_78 = tpu.memref_slice %arg11[%add3A_33, %dma_wait3A_77] : memref<100352x16xf32, #tpu.memory_space<vmem_shared>> -> memref<512x16xf32, #tpu.memory_space<vmem_shared>>
      tpu.wait_dma2 semaphore(%run_scoped3A : memref<!tpu.dma_semaphore, #tpu.memory_space<semaphore_mem>>) src(%arg10 : memref<512x16xf32, #tpu.memory_space<vmem>>) dst(%dma_wait3A_78 : memref<512x16xf32, #tpu.memory_space<vmem_shared>>)
      tpu.yield
    }) : () -> ()
    %mul3A_34 = arith.constant 6272 : i32
    %mul3A_35 = arith.muli %arg1, %mul3A_34 : i32
    %add3A_36 = arith.constant 4608 : i32
    %add3A_37 = arith.addi %mul3A_35, %add3A_36 : i32
    "tpu.region"() ({
      %run_scoped3A = tpu.sem_alloc : memref<!tpu.dma_semaphore, #tpu.memory_space<semaphore_mem>>
      %dma_start3A = arith.constant 0 : i32
      %dma_start3A_73 = tpu.memref_slice %arg11[%add3A_37, %dma_start3A] : memref<100352x16xf32, #tpu.memory_space<vmem_shared>> -> memref<512x16xf32, #tpu.memory_space<vmem_shared>>
      %dma_start3A_74 = arith.constant 0 : i32
      %dma_start3A_75 = tpu.memref_slice %arg11[%add3A_37, %dma_start3A_74] : memref<100352x16xf32, #tpu.memory_space<vmem_shared>> -> memref<512x16xf32, #tpu.memory_space<vmem_shared>>
      tpu.enqueue_dma source(%arg10 : memref<512x16xf32, #tpu.memory_space<vmem>>) target(%dma_start3A_75 : memref<512x16xf32, #tpu.memory_space<vmem_shared>>) target_semaphore(%run_scoped3A : memref<!tpu.dma_semaphore, #tpu.memory_space<semaphore_mem>>)
      %dma_wait3A = arith.constant 0 : i32
      %dma_wait3A_76 = tpu.memref_slice %arg11[%add3A_37, %dma_wait3A] : memref<100352x16xf32, #tpu.memory_space<vmem_shared>> -> memref<512x16xf32, #tpu.memory_space<vmem_shared>>
      %dma_wait3A_77 = arith.constant 0 : i32
      %dma_wait3A_78 = tpu.memref_slice %arg11[%add3A_37, %dma_wait3A_77] : memref<100352x16xf32, #tpu.memory_space<vmem_shared>> -> memref<512x16xf32, #tpu.memory_space<vmem_shared>>
      tpu.wait_dma2 semaphore(%run_scoped3A : memref<!tpu.dma_semaphore, #tpu.memory_space<semaphore_mem>>) src(%arg10 : memref<512x16xf32, #tpu.memory_space<vmem>>) dst(%dma_wait3A_78 : memref<512x16xf32, #tpu.memory_space<vmem_shared>>)
      tpu.yield
    }) : () -> ()
    %mul3A_38 = arith.constant 6272 : i32
    %mul3A_39 = arith.muli %arg1, %mul3A_38 : i32
    %add3A_40 = arith.constant 5120 : i32
    %add3A_41 = arith.addi %mul3A_39, %add3A_40 : i32
    "tpu.region"() ({
      %run_scoped3A = tpu.sem_alloc : memref<!tpu.dma_semaphore, #tpu.memory_space<semaphore_mem>>
      %dma_start3A = arith.constant 0 : i32
      %dma_start3A_73 = tpu.memref_slice %arg11[%add3A_41, %dma_start3A] : memref<100352x16xf32, #tpu.memory_space<vmem_shared>> -> memref<512x16xf32, #tpu.memory_space<vmem_shared>>
      %dma_start3A_74 = arith.constant 0 : i32
      %dma_start3A_75 = tpu.memref_slice %arg11[%add3A_41, %dma_start3A_74] : memref<100352x16xf32, #tpu.memory_space<vmem_shared>> -> memref<512x16xf32, #tpu.memory_space<vmem_shared>>
      tpu.enqueue_dma source(%arg10 : memref<512x16xf32, #tpu.memory_space<vmem>>) target(%dma_start3A_75 : memref<512x16xf32, #tpu.memory_space<vmem_shared>>) target_semaphore(%run_scoped3A : memref<!tpu.dma_semaphore, #tpu.memory_space<semaphore_mem>>)
      %dma_wait3A = arith.constant 0 : i32
      %dma_wait3A_76 = tpu.memref_slice %arg11[%add3A_41, %dma_wait3A] : memref<100352x16xf32, #tpu.memory_space<vmem_shared>> -> memref<512x16xf32, #tpu.memory_space<vmem_shared>>
      %dma_wait3A_77 = arith.constant 0 : i32
      %dma_wait3A_78 = tpu.memref_slice %arg11[%add3A_41, %dma_wait3A_77] : memref<100352x16xf32, #tpu.memory_space<vmem_shared>> -> memref<512x16xf32, #tpu.memory_space<vmem_shared>>
      tpu.wait_dma2 semaphore(%run_scoped3A : memref<!tpu.dma_semaphore, #tpu.memory_space<semaphore_mem>>) src(%arg10 : memref<512x16xf32, #tpu.memory_space<vmem>>) dst(%dma_wait3A_78 : memref<512x16xf32, #tpu.memory_space<vmem_shared>>)
      tpu.yield
    }) : () -> ()
    %mul3A_42 = arith.constant 6272 : i32
    %mul3A_43 = arith.muli %arg1, %mul3A_42 : i32
    %add3A_44 = arith.constant 5632 : i32
    %add3A_45 = arith.addi %mul3A_43, %add3A_44 : i32
    "tpu.region"() ({
      %run_scoped3A = tpu.sem_alloc : memref<!tpu.dma_semaphore, #tpu.memory_space<semaphore_mem>>
      %dma_start3A = arith.constant 0 : i32
      %dma_start3A_73 = tpu.memref_slice %arg11[%add3A_45, %dma_start3A] : memref<100352x16xf32, #tpu.memory_space<vmem_shared>> -> memref<512x16xf32, #tpu.memory_space<vmem_shared>>
      %dma_start3A_74 = arith.constant 0 : i32
      %dma_start3A_75 = tpu.memref_slice %arg11[%add3A_45, %dma_start3A_74] : memref<100352x16xf32, #tpu.memory_space<vmem_shared>> -> memref<512x16xf32, #tpu.memory_space<vmem_shared>>
      tpu.enqueue_dma source(%arg10 : memref<512x16xf32, #tpu.memory_space<vmem>>) target(%dma_start3A_75 : memref<512x16xf32, #tpu.memory_space<vmem_shared>>) target_semaphore(%run_scoped3A : memref<!tpu.dma_semaphore, #tpu.memory_space<semaphore_mem>>)
      %dma_wait3A = arith.constant 0 : i32
      %dma_wait3A_76 = tpu.memref_slice %arg11[%add3A_45, %dma_wait3A] : memref<100352x16xf32, #tpu.memory_space<vmem_shared>> -> memref<512x16xf32, #tpu.memory_space<vmem_shared>>
      %dma_wait3A_77 = arith.constant 0 : i32
      %dma_wait3A_78 = tpu.memref_slice %arg11[%add3A_45, %dma_wait3A_77] : memref<100352x16xf32, #tpu.memory_space<vmem_shared>> -> memref<512x16xf32, #tpu.memory_space<vmem_shared>>
      tpu.wait_dma2 semaphore(%run_scoped3A : memref<!tpu.dma_semaphore, #tpu.memory_space<semaphore_mem>>) src(%arg10 : memref<512x16xf32, #tpu.memory_space<vmem>>) dst(%dma_wait3A_78 : memref<512x16xf32, #tpu.memory_space<vmem_shared>>)
      tpu.yield
    }) : () -> ()
    %mul3A_46 = arith.constant 6272 : i32
    %mul3A_47 = arith.muli %arg1, %mul3A_46 : i32
    %add3A_48 = arith.constant 6144 : i32
    %add3A_49 = arith.addi %mul3A_47, %add3A_48 : i32
    "tpu.region"() ({
      %run_scoped3A = tpu.sem_alloc : memref<!tpu.dma_semaphore, #tpu.memory_space<semaphore_mem>>
      %dma_start3A = arith.constant 0 : i32
      %dma_start3A_73 = arith.constant 0 : i32
      %dma_start3A_74 = tpu.memref_slice %arg10[%dma_start3A, %dma_start3A_73] : memref<512x16xf32, #tpu.memory_space<vmem>> -> memref<128x16xf32, #tpu.memory_space<vmem>>
      %dma_start3A_75 = arith.constant 0 : i32
      %dma_start3A_76 = tpu.memref_slice %arg11[%add3A_49, %dma_start3A_75] : memref<100352x16xf32, #tpu.memory_space<vmem_shared>> -> memref<128x16xf32, #tpu.memory_space<vmem_shared>>
      %dma_start3A_77 = arith.constant 0 : i32
      %dma_start3A_78 = tpu.memref_slice %arg11[%add3A_49, %dma_start3A_77] : memref<100352x16xf32, #tpu.memory_space<vmem_shared>> -> memref<128x16xf32, #tpu.memory_space<vmem_shared>>
      %dma_start3A_79 = arith.constant 0 : i32
      %dma_start3A_80 = arith.constant 0 : i32
      %dma_start3A_81 = tpu.memref_slice %arg10[%dma_start3A_79, %dma_start3A_80] : memref<512x16xf32, #tpu.memory_space<vmem>> -> memref<128x16xf32, #tpu.memory_space<vmem>>
      tpu.enqueue_dma source(%dma_start3A_81 : memref<128x16xf32, #tpu.memory_space<vmem>>) target(%dma_start3A_78 : memref<128x16xf32, #tpu.memory_space<vmem_shared>>) target_semaphore(%run_scoped3A : memref<!tpu.dma_semaphore, #tpu.memory_space<semaphore_mem>>)
      %dma_wait3A = arith.constant 0 : i32
      %dma_wait3A_82 = arith.constant 0 : i32
      %dma_wait3A_83 = tpu.memref_slice %arg10[%dma_wait3A, %dma_wait3A_82] : memref<512x16xf32, #tpu.memory_space<vmem>> -> memref<128x16xf32, #tpu.memory_space<vmem>>
      %dma_wait3A_84 = arith.constant 0 : i32
      %dma_wait3A_85 = tpu.memref_slice %arg11[%add3A_49, %dma_wait3A_84] : memref<100352x16xf32, #tpu.memory_space<vmem_shared>> -> memref<128x16xf32, #tpu.memory_space<vmem_shared>>
      %dma_wait3A_86 = arith.constant 0 : i32
      %dma_wait3A_87 = tpu.memref_slice %arg11[%add3A_49, %dma_wait3A_86] : memref<100352x16xf32, #tpu.memory_space<vmem_shared>> -> memref<128x16xf32, #tpu.memory_space<vmem_shared>>
      %dma_wait3A_88 = arith.constant 0 : i32
      %dma_wait3A_89 = arith.constant 0 : i32
      %dma_wait3A_90 = tpu.memref_slice %arg10[%dma_wait3A_88, %dma_wait3A_89] : memref<512x16xf32, #tpu.memory_space<vmem>> -> memref<128x16xf32, #tpu.memory_space<vmem>>
      tpu.wait_dma2 semaphore(%run_scoped3A : memref<!tpu.dma_semaphore, #tpu.memory_space<semaphore_mem>>) src(%dma_wait3A_90 : memref<128x16xf32, #tpu.memory_space<vmem>>) dst(%dma_wait3A_87 : memref<128x16xf32, #tpu.memory_space<vmem_shared>>)
      tpu.yield
    }) : () -> ()
    %barrier3A = arith.constant 0 : index
    tpu.barrier barrier_id(%barrier3A)
    %mul3A_50 = arith.constant 16 : i32
    %mul3A_51 = arith.muli %arg0, %mul3A_50 : i32
    %add3A_52 = arith.addi %mul3A_51, %arg1 : i32
    %mul3A_53 = arith.constant 98 : i32
    %mul3A_54 = arith.muli %add3A_52, %mul3A_53 : i32
    %eq3A = arith.constant 0 : i32
    %eq3A_55 = arith.cmpi eq, %arg0, %eq3A : i32
    %convert_element_type3A = arith.extui %eq3A_55 : i1 to i32
    %cond3A = arith.constant 0 : i32
    %cond3A_56 = arith.cmpi ne, %convert_element_type3A, %cond3A : i32
    scf.if %cond3A_56 {
      %add3A_73 = arith.constant 0 : i32
      %add3A_74 = arith.addi %mul3A_54, %add3A_73 : i32
      %dma_start3A = arith.constant 0 : i32
      %dma_start3A_75 = arith.constant 0 : i32
      %dma_start3A_76 = arith.constant 0 : i32
      %dma_start3A_77 = tpu.memref_slice %arg8[%dma_start3A, %dma_start3A_75, %dma_start3A_76] : memref<2x2x512xi32, #tpu.memory_space<vmem>> -> memref<1x2x512xi32, #tpu.memory_space<vmem>>
      %dma_start3A_78 = tpu.memref_squeeze %dma_start3A_77 : memref<1x2x512xi32, #tpu.memory_space<vmem>> -> memref<2x512xi32, #tpu.memory_space<vmem>>
      %dma_start3A_79 = arith.constant 0 : i32
      %dma_start3A_80 = arith.constant 0 : i32
      %dma_start3A_81 = tpu.memref_slice %arg4[%add3A_74, %dma_start3A_79, %dma_start3A_80] : memref<3136x2x512xi32, #tpu.memory_space<hbm>> -> memref<1x2x512xi32, #tpu.memory_space<hbm>>
      %dma_start3A_82 = tpu.memref_squeeze %dma_start3A_81 : memref<1x2x512xi32, #tpu.memory_space<hbm>> -> memref<2x512xi32, #tpu.memory_space<hbm>>
      %dma_start3A_83 = arith.constant 0 : i32
      %dma_start3A_84 = arith.constant 0 : i32
      %dma_start3A_85 = tpu.memref_slice %arg8[%dma_start3A, %dma_start3A_83, %dma_start3A_84] : memref<2x2x512xi32, #tpu.memory_space<vmem>> -> memref<1x2x512xi32, #tpu.memory_space<vmem>>
      %dma_start3A_86 = tpu.memref_squeeze %dma_start3A_85 : memref<1x2x512xi32, #tpu.memory_space<vmem>> -> memref<2x512xi32, #tpu.memory_space<vmem>>
      %dma_start3A_87 = arith.constant 0 : i32
      %dma_start3A_88 = arith.constant 0 : i32
      %dma_start3A_89 = tpu.memref_slice %arg4[%add3A_74, %dma_start3A_87, %dma_start3A_88] : memref<3136x2x512xi32, #tpu.memory_space<hbm>> -> memref<1x2x512xi32, #tpu.memory_space<hbm>>
      %dma_start3A_90 = tpu.memref_squeeze %dma_start3A_89 : memref<1x2x512xi32, #tpu.memory_space<hbm>> -> memref<2x512xi32, #tpu.memory_space<hbm>>
      tpu.enqueue_dma source(%dma_start3A_90 : memref<2x512xi32, #tpu.memory_space<hbm>>) target(%dma_start3A_86 : memref<2x512xi32, #tpu.memory_space<vmem>>) target_semaphore(%arg12 : memref<!tpu.dma_semaphore, #tpu.memory_space<semaphore_mem>>)
      %scan3A = arith.constant 0 : i32
      %scan3A_91 = arith.constant 0 : i32
      %scan3A_92 = arith.constant 49 : i32
      %scan3A_93 = arith.addi %scan3A_91, %scan3A_92 : i32
      %scan3A_94 = arith.constant 1 : i32
      scf.for %scan3A_104 = %scan3A_91 to %scan3A_93 step %scan3A_94  : i32 {
        %mul3A_105 = arith.constant 2 : i32
        %mul3A_106 = arith.muli %scan3A_104, %mul3A_105 : i32
        %add3A_107 = arith.constant 0 : i32
        %add3A_108 = arith.addi %mul3A_106, %add3A_107 : i32
        %dma_wait3A_109 = arith.constant 0 : i32
        %dma_wait3A_110 = arith.constant 0 : i32
        %dma_wait3A_111 = arith.constant 0 : i32
        %dma_wait3A_112 = arith.constant 0 : i32
        %dma_wait3A_113 = tpu.memref_slice %arg8[%dma_wait3A_110, %dma_wait3A_111, %dma_wait3A_112] : memref<2x2x512xi32, #tpu.memory_space<vmem>> -> memref<1x2x512xi32, #tpu.memory_space<vmem>>
        %dma_wait3A_114 = tpu.memref_squeeze %dma_wait3A_113 : memref<1x2x512xi32, #tpu.memory_space<vmem>> -> memref<2x512xi32, #tpu.memory_space<vmem>>
        %dma_wait3A_115 = arith.constant 0 : i32
        %dma_wait3A_116 = arith.constant 0 : i32
        %dma_wait3A_117 = tpu.memref_slice %arg4[%dma_wait3A_109, %dma_wait3A_115, %dma_wait3A_116] : memref<3136x2x512xi32, #tpu.memory_space<hbm>> -> memref<1x2x512xi32, #tpu.memory_space<hbm>>
        %dma_wait3A_118 = tpu.memref_squeeze %dma_wait3A_117 : memref<1x2x512xi32, #tpu.memory_space<hbm>> -> memref<2x512xi32, #tpu.memory_space<hbm>>
        %dma_wait3A_119 = arith.constant 0 : i32
        %dma_wait3A_120 = arith.constant 0 : i32
        %dma_wait3A_121 = tpu.memref_slice %arg8[%dma_wait3A_110, %dma_wait3A_119, %dma_wait3A_120] : memref<2x2x512xi32, #tpu.memory_space<vmem>> -> memref<1x2x512xi32, #tpu.memory_space<vmem>>
        %dma_wait3A_122 = tpu.memref_squeeze %dma_wait3A_121 : memref<1x2x512xi32, #tpu.memory_space<vmem>> -> memref<2x512xi32, #tpu.memory_space<vmem>>
        %dma_wait3A_123 = arith.constant 0 : i32
        %dma_wait3A_124 = arith.constant 0 : i32
        %dma_wait3A_125 = tpu.memref_slice %arg4[%dma_wait3A_109, %dma_wait3A_123, %dma_wait3A_124] : memref<3136x2x512xi32, #tpu.memory_space<hbm>> -> memref<1x2x512xi32, #tpu.memory_space<hbm>>
        %dma_wait3A_126 = tpu.memref_squeeze %dma_wait3A_125 : memref<1x2x512xi32, #tpu.memory_space<hbm>> -> memref<2x512xi32, #tpu.memory_space<hbm>>
        tpu.wait_dma2 semaphore(%arg12 : memref<!tpu.dma_semaphore, #tpu.memory_space<semaphore_mem>>) src(%dma_wait3A_126 : memref<2x512xi32, #tpu.memory_space<hbm>>) dst(%dma_wait3A_122 : memref<2x512xi32, #tpu.memory_space<vmem>>)
        %dma_start3A_127 = arith.constant 0 : i32
        %dma_start3A_128 = arith.constant 0 : i32
        %dma_start3A_129 = arith.constant 0 : i32
        %dma_start3A_130 = arith.constant 0 : i32
        %dma_start3A_131 = arith.constant 0 : i32
        %dma_start3A_132 = tpu.memref_slice %arg9[%dma_start3A_129, %dma_start3A_130, %dma_start3A_131] : memref<2x512x16xf32, #tpu.memory_space<vmem>> -> memref<1x512x16xf32, #tpu.memory_space<vmem>>
        %dma_start3A_133 = tpu.memref_squeeze %dma_start3A_132 : memref<1x512x16xf32, #tpu.memory_space<vmem>> -> memref<512x16xf32, #tpu.memory_space<vmem>>
        %dma_start3A_134 = arith.constant 0 : i32
        %dma_start3A_135 = tpu.memref_slice %arg8[%dma_start3A_127, %dma_start3A_128, %dma_start3A_134] : memref<2x2x512xi32, #tpu.memory_space<vmem>> -> memref<1x1x512xi32, #tpu.memory_space<vmem>>
        %dma_start3A_136 = tpu.memref_squeeze %dma_start3A_135 : memref<1x1x512xi32, #tpu.memory_space<vmem>> -> memref<512xi32, #tpu.memory_space<vmem>>
        %dma_start3A_137 = arith.constant 0 : i32
        %dma_start3A_138 = arith.constant 0 : i32
        %dma_start3A_139 = tpu.memref_slice %arg2[%dma_start3A_137, %dma_start3A_138] : memref<100352x16xf32, #tpu.memory_space<hbm>> -> memref<100352x16xf32, #tpu.memory_space<hbm>>
        tpu.enqueue_indirect_dma source(%dma_start3A_139 : memref<100352x16xf32, #tpu.memory_space<hbm>>) target(%dma_start3A_133 : memref<512x16xf32, #tpu.memory_space<vmem>>) offsets(%dma_start3A_136 : memref<512xi32, #tpu.memory_space<vmem>>) semaphore(%arg13 : memref<!tpu.dma_semaphore, #tpu.memory_space<semaphore_mem>>)
        %dma_wait3A_140 = arith.constant 0 : i32
        %dma_wait3A_141 = arith.constant 0 : i32
        %dma_wait3A_142 = arith.constant 0 : i32
        %dma_wait3A_143 = tpu.memref_slice %arg9[%dma_wait3A_140, %dma_wait3A_141, %dma_wait3A_142] : memref<2x512x16xf32, #tpu.memory_space<vmem>> -> memref<1x512x16xf32, #tpu.memory_space<vmem>>
        %dma_wait3A_144 = tpu.memref_squeeze %dma_wait3A_143 : memref<1x512x16xf32, #tpu.memory_space<vmem>> -> memref<512x16xf32, #tpu.memory_space<vmem>>
        %dma_wait3A_145 = arith.constant 0 : i32
        %dma_wait3A_146 = arith.constant 0 : i32
        %dma_wait3A_147 = tpu.memref_slice %arg9[%dma_wait3A_140, %dma_wait3A_145, %dma_wait3A_146] : memref<2x512x16xf32, #tpu.memory_space<vmem>> -> memref<1x512x16xf32, #tpu.memory_space<vmem>>
        %dma_wait3A_148 = tpu.memref_squeeze %dma_wait3A_147 : memref<1x512x16xf32, #tpu.memory_space<vmem>> -> memref<512x16xf32, #tpu.memory_space<vmem>>
        tpu.wait_dma2 semaphore(%arg13 : memref<!tpu.dma_semaphore, #tpu.memory_space<semaphore_mem>>) src(%arg5 : memref<512x16xf32, #tpu.memory_space<hbm>>) dst(%dma_wait3A_148 : memref<512x16xf32, #tpu.memory_space<vmem>>)
        %ge3A = arith.constant 1 : i32
        %ge3A_149 = arith.cmpi sge, %add3A_108, %ge3A : i32
        %convert_element_type3A_150 = arith.extui %ge3A_149 : i1 to i32
        %cond3A_151 = arith.constant 0 : i32
        %cond3A_152 = arith.cmpi ne, %convert_element_type3A_150, %cond3A_151 : i32
        scf.if %cond3A_152 {
          %dma_wait3A_241 = arith.constant 1 : i32
          %dma_wait3A_242 = arith.constant 0 : i32
          %dma_wait3A_243 = arith.constant 0 : i32
          %dma_wait3A_244 = tpu.memref_slice %arg9[%dma_wait3A_241, %dma_wait3A_242, %dma_wait3A_243] : memref<2x512x16xf32, #tpu.memory_space<vmem>> -> memref<1x512x16xf32, #tpu.memory_space<vmem>>
          %dma_wait3A_245 = tpu.memref_squeeze %dma_wait3A_244 : memref<1x512x16xf32, #tpu.memory_space<vmem>> -> memref<512x16xf32, #tpu.memory_space<vmem>>
          %dma_wait3A_246 = arith.constant 0 : i32
          %dma_wait3A_247 = arith.constant 0 : i32
          %dma_wait3A_248 = tpu.memref_slice %arg9[%dma_wait3A_241, %dma_wait3A_246, %dma_wait3A_247] : memref<2x512x16xf32, #tpu.memory_space<vmem>> -> memref<1x512x16xf32, #tpu.memory_space<vmem>>
          %dma_wait3A_249 = tpu.memref_squeeze %dma_wait3A_248 : memref<1x512x16xf32, #tpu.memory_space<vmem>> -> memref<512x16xf32, #tpu.memory_space<vmem>>
          tpu.wait_dma2 semaphore(%arg14 : memref<!tpu.dma_semaphore, #tpu.memory_space<semaphore_mem>>) src(%arg5 : memref<512x16xf32, #tpu.memory_space<hbm>>) dst(%dma_wait3A_249 : memref<512x16xf32, #tpu.memory_space<vmem>>)
        } else {
        }
        %add3A_153 = arith.constant 1 : i32
        %add3A_154 = arith.addi %add3A_108, %add3A_153 : i32
        %lt3A = arith.constant 98 : i32
        %lt3A_155 = arith.cmpi slt, %add3A_154, %lt3A : i32
        %convert_element_type3A_156 = arith.extui %lt3A_155 : i1 to i32
        %cond3A_157 = arith.constant 0 : i32
        %cond3A_158 = arith.cmpi ne, %convert_element_type3A_156, %cond3A_157 : i32
        scf.if %cond3A_158 {
          %add3A_241 = arith.constant 1 : i32
          %add3A_242 = arith.addi %add3A_108, %add3A_241 : i32
          %add3A_243 = arith.addi %mul3A_54, %add3A_242 : i32
          %dma_start3A_244 = arith.constant 1 : i32
          %dma_start3A_245 = arith.constant 0 : i32
          %dma_start3A_246 = arith.constant 0 : i32
          %dma_start3A_247 = tpu.memref_slice %arg8[%dma_start3A_244, %dma_start3A_245, %dma_start3A_246] : memref<2x2x512xi32, #tpu.memory_space<vmem>> -> memref<1x2x512xi32, #tpu.memory_space<vmem>>
          %dma_start3A_248 = tpu.memref_squeeze %dma_start3A_247 : memref<1x2x512xi32, #tpu.memory_space<vmem>> -> memref<2x512xi32, #tpu.memory_space<vmem>>
          %dma_start3A_249 = arith.constant 0 : i32
          %dma_start3A_250 = arith.constant 0 : i32
          %dma_start3A_251 = tpu.memref_slice %arg4[%add3A_243, %dma_start3A_249, %dma_start3A_250] : memref<3136x2x512xi32, #tpu.memory_space<hbm>> -> memref<1x2x512xi32, #tpu.memory_space<hbm>>
          %dma_start3A_252 = tpu.memref_squeeze %dma_start3A_251 : memref<1x2x512xi32, #tpu.memory_space<hbm>> -> memref<2x512xi32, #tpu.memory_space<hbm>>
          %dma_start3A_253 = arith.constant 0 : i32
          %dma_start3A_254 = arith.constant 0 : i32
          %dma_start3A_255 = tpu.memref_slice %arg8[%dma_start3A_244, %dma_start3A_253, %dma_start3A_254] : memref<2x2x512xi32, #tpu.memory_space<vmem>> -> memref<1x2x512xi32, #tpu.memory_space<vmem>>
          %dma_start3A_256 = tpu.memref_squeeze %dma_start3A_255 : memref<1x2x512xi32, #tpu.memory_space<vmem>> -> memref<2x512xi32, #tpu.memory_space<vmem>>
          %dma_start3A_257 = arith.constant 0 : i32
          %dma_start3A_258 = arith.constant 0 : i32
          %dma_start3A_259 = tpu.memref_slice %arg4[%add3A_243, %dma_start3A_257, %dma_start3A_258] : memref<3136x2x512xi32, #tpu.memory_space<hbm>> -> memref<1x2x512xi32, #tpu.memory_space<hbm>>
          %dma_start3A_260 = tpu.memref_squeeze %dma_start3A_259 : memref<1x2x512xi32, #tpu.memory_space<hbm>> -> memref<2x512xi32, #tpu.memory_space<hbm>>
          tpu.enqueue_dma source(%dma_start3A_260 : memref<2x512xi32, #tpu.memory_space<hbm>>) target(%dma_start3A_256 : memref<2x512xi32, #tpu.memory_space<vmem>>) target_semaphore(%arg12 : memref<!tpu.dma_semaphore, #tpu.memory_space<semaphore_mem>>)
        } else {
        }
        %dma_start3A_159 = arith.constant 0 : i32
        %dma_start3A_160 = arith.constant 0 : i32
        %dma_start3A_161 = arith.constant 1 : i32
        %dma_start3A_162 = arith.constant 0 : i32
        %dma_start3A_163 = arith.constant 0 : i32
        %dma_start3A_164 = tpu.memref_slice %arg9[%dma_start3A_159, %dma_start3A_162, %dma_start3A_163] : memref<2x512x16xf32, #tpu.memory_space<vmem>> -> memref<1x512x16xf32, #tpu.memory_space<vmem>>
        %dma_start3A_165 = tpu.memref_squeeze %dma_start3A_164 : memref<1x512x16xf32, #tpu.memory_space<vmem>> -> memref<512x16xf32, #tpu.memory_space<vmem>>
        %dma_start3A_166 = arith.constant 0 : i32
        %dma_start3A_167 = tpu.memref_slice %arg8[%dma_start3A_160, %dma_start3A_161, %dma_start3A_166] : memref<2x2x512xi32, #tpu.memory_space<vmem>> -> memref<1x1x512xi32, #tpu.memory_space<vmem>>
        %dma_start3A_168 = tpu.memref_squeeze %dma_start3A_167 : memref<1x1x512xi32, #tpu.memory_space<vmem>> -> memref<512xi32, #tpu.memory_space<vmem>>
        %dma_start3A_169 = arith.constant 0 : i32
        %dma_start3A_170 = arith.constant 0 : i32
        %dma_start3A_171 = tpu.memref_slice %arg11[%dma_start3A_169, %dma_start3A_170] : memref<100352x16xf32, #tpu.memory_space<vmem_shared>> -> memref<100352x16xf32, #tpu.memory_space<vmem_shared>>
        tpu.enqueue_indirect_dma source(%dma_start3A_165 : memref<512x16xf32, #tpu.memory_space<vmem>>) target(%dma_start3A_171 : memref<100352x16xf32, #tpu.memory_space<vmem_shared>>) offsets(%dma_start3A_168 : memref<512xi32, #tpu.memory_space<vmem>>) semaphore(%arg14 : memref<!tpu.dma_semaphore, #tpu.memory_space<semaphore_mem>>) {add = true}
        %mul3A_172 = arith.constant 2 : i32
        %mul3A_173 = arith.muli %scan3A_104, %mul3A_172 : i32
        %add3A_174 = arith.constant 1 : i32
        %add3A_175 = arith.addi %mul3A_173, %add3A_174 : i32
        %dma_wait3A_176 = arith.constant 0 : i32
        %dma_wait3A_177 = arith.constant 1 : i32
        %dma_wait3A_178 = arith.constant 0 : i32
        %dma_wait3A_179 = arith.constant 0 : i32
        %dma_wait3A_180 = tpu.memref_slice %arg8[%dma_wait3A_177, %dma_wait3A_178, %dma_wait3A_179] : memref<2x2x512xi32, #tpu.memory_space<vmem>> -> memref<1x2x512xi32, #tpu.memory_space<vmem>>
        %dma_wait3A_181 = tpu.memref_squeeze %dma_wait3A_180 : memref<1x2x512xi32, #tpu.memory_space<vmem>> -> memref<2x512xi32, #tpu.memory_space<vmem>>
        %dma_wait3A_182 = arith.constant 0 : i32
        %dma_wait3A_183 = arith.constant 0 : i32
        %dma_wait3A_184 = tpu.memref_slice %arg4[%dma_wait3A_176, %dma_wait3A_182, %dma_wait3A_183] : memref<3136x2x512xi32, #tpu.memory_space<hbm>> -> memref<1x2x512xi32, #tpu.memory_space<hbm>>
        %dma_wait3A_185 = tpu.memref_squeeze %dma_wait3A_184 : memref<1x2x512xi32, #tpu.memory_space<hbm>> -> memref<2x512xi32, #tpu.memory_space<hbm>>
        %dma_wait3A_186 = arith.constant 0 : i32
        %dma_wait3A_187 = arith.constant 0 : i32
        %dma_wait3A_188 = tpu.memref_slice %arg8[%dma_wait3A_177, %dma_wait3A_186, %dma_wait3A_187] : memref<2x2x512xi32, #tpu.memory_space<vmem>> -> memref<1x2x512xi32, #tpu.memory_space<vmem>>
        %dma_wait3A_189 = tpu.memref_squeeze %dma_wait3A_188 : memref<1x2x512xi32, #tpu.memory_space<vmem>> -> memref<2x512xi32, #tpu.memory_space<vmem>>
        %dma_wait3A_190 = arith.constant 0 : i32
        %dma_wait3A_191 = arith.constant 0 : i32
        %dma_wait3A_192 = tpu.memref_slice %arg4[%dma_wait3A_176, %dma_wait3A_190, %dma_wait3A_191] : memref<3136x2x512xi32, #tpu.memory_space<hbm>> -> memref<1x2x512xi32, #tpu.memory_space<hbm>>
        %dma_wait3A_193 = tpu.memref_squeeze %dma_wait3A_192 : memref<1x2x512xi32, #tpu.memory_space<hbm>> -> memref<2x512xi32, #tpu.memory_space<hbm>>
        tpu.wait_dma2 semaphore(%arg12 : memref<!tpu.dma_semaphore, #tpu.memory_space<semaphore_mem>>) src(%dma_wait3A_193 : memref<2x512xi32, #tpu.memory_space<hbm>>) dst(%dma_wait3A_189 : memref<2x512xi32, #tpu.memory_space<vmem>>)
        %dma_start3A_194 = arith.constant 1 : i32
        %dma_start3A_195 = arith.constant 0 : i32
        %dma_start3A_196 = arith.constant 1 : i32
        %dma_start3A_197 = arith.constant 0 : i32
        %dma_start3A_198 = arith.constant 0 : i32
        %dma_start3A_199 = tpu.memref_slice %arg9[%dma_start3A_196, %dma_start3A_197, %dma_start3A_198] : memref<2x512x16xf32, #tpu.memory_space<vmem>> -> memref<1x512x16xf32, #tpu.memory_space<vmem>>
        %dma_start3A_200 = tpu.memref_squeeze %dma_start3A_199 : memref<1x512x16xf32, #tpu.memory_space<vmem>> -> memref<512x16xf32, #tpu.memory_space<vmem>>
        %dma_start3A_201 = arith.constant 0 : i32
        %dma_start3A_202 = tpu.memref_slice %arg8[%dma_start3A_194, %dma_start3A_195, %dma_start3A_201] : memref<2x2x512xi32, #tpu.memory_space<vmem>> -> memref<1x1x512xi32, #tpu.memory_space<vmem>>
        %dma_start3A_203 = tpu.memref_squeeze %dma_start3A_202 : memref<1x1x512xi32, #tpu.memory_space<vmem>> -> memref<512xi32, #tpu.memory_space<vmem>>
        %dma_start3A_204 = arith.constant 0 : i32
        %dma_start3A_205 = arith.constant 0 : i32
        %dma_start3A_206 = tpu.memref_slice %arg2[%dma_start3A_204, %dma_start3A_205] : memref<100352x16xf32, #tpu.memory_space<hbm>> -> memref<100352x16xf32, #tpu.memory_space<hbm>>
        tpu.enqueue_indirect_dma source(%dma_start3A_206 : memref<100352x16xf32, #tpu.memory_space<hbm>>) target(%dma_start3A_200 : memref<512x16xf32, #tpu.memory_space<vmem>>) offsets(%dma_start3A_203 : memref<512xi32, #tpu.memory_space<vmem>>) semaphore(%arg13 : memref<!tpu.dma_semaphore, #tpu.memory_space<semaphore_mem>>)
        %dma_wait3A_207 = arith.constant 1 : i32
        %dma_wait3A_208 = arith.constant 0 : i32
        %dma_wait3A_209 = arith.constant 0 : i32
        %dma_wait3A_210 = tpu.memref_slice %arg9[%dma_wait3A_207, %dma_wait3A_208, %dma_wait3A_209] : memref<2x512x16xf32, #tpu.memory_space<vmem>> -> memref<1x512x16xf32, #tpu.memory_space<vmem>>
        %dma_wait3A_211 = tpu.memref_squeeze %dma_wait3A_210 : memref<1x512x16xf32, #tpu.memory_space<vmem>> -> memref<512x16xf32, #tpu.memory_space<vmem>>
        %dma_wait3A_212 = arith.constant 0 : i32
        %dma_wait3A_213 = arith.constant 0 : i32
        %dma_wait3A_214 = tpu.memref_slice %arg9[%dma_wait3A_207, %dma_wait3A_212, %dma_wait3A_213] : memref<2x512x16xf32, #tpu.memory_space<vmem>> -> memref<1x512x16xf32, #tpu.memory_space<vmem>>
        %dma_wait3A_215 = tpu.memref_squeeze %dma_wait3A_214 : memref<1x512x16xf32, #tpu.memory_space<vmem>> -> memref<512x16xf32, #tpu.memory_space<vmem>>
        tpu.wait_dma2 semaphore(%arg13 : memref<!tpu.dma_semaphore, #tpu.memory_space<semaphore_mem>>) src(%arg5 : memref<512x16xf32, #tpu.memory_space<hbm>>) dst(%dma_wait3A_215 : memref<512x16xf32, #tpu.memory_space<vmem>>)
        %ge3A_216 = arith.constant 1 : i32
        %ge3A_217 = arith.cmpi sge, %add3A_175, %ge3A_216 : i32
        %convert_element_type3A_218 = arith.extui %ge3A_217 : i1 to i32
        %cond3A_219 = arith.constant 0 : i32
        %cond3A_220 = arith.cmpi ne, %convert_element_type3A_218, %cond3A_219 : i32
        scf.if %cond3A_220 {
          %dma_wait3A_241 = arith.constant 0 : i32
          %dma_wait3A_242 = arith.constant 0 : i32
          %dma_wait3A_243 = arith.constant 0 : i32
          %dma_wait3A_244 = tpu.memref_slice %arg9[%dma_wait3A_241, %dma_wait3A_242, %dma_wait3A_243] : memref<2x512x16xf32, #tpu.memory_space<vmem>> -> memref<1x512x16xf32, #tpu.memory_space<vmem>>
          %dma_wait3A_245 = tpu.memref_squeeze %dma_wait3A_244 : memref<1x512x16xf32, #tpu.memory_space<vmem>> -> memref<512x16xf32, #tpu.memory_space<vmem>>
          %dma_wait3A_246 = arith.constant 0 : i32
          %dma_wait3A_247 = arith.constant 0 : i32
          %dma_wait3A_248 = tpu.memref_slice %arg9[%dma_wait3A_241, %dma_wait3A_246, %dma_wait3A_247] : memref<2x512x16xf32, #tpu.memory_space<vmem>> -> memref<1x512x16xf32, #tpu.memory_space<vmem>>
          %dma_wait3A_249 = tpu.memref_squeeze %dma_wait3A_248 : memref<1x512x16xf32, #tpu.memory_space<vmem>> -> memref<512x16xf32, #tpu.memory_space<vmem>>
          tpu.wait_dma2 semaphore(%arg14 : memref<!tpu.dma_semaphore, #tpu.memory_space<semaphore_mem>>) src(%arg5 : memref<512x16xf32, #tpu.memory_space<hbm>>) dst(%dma_wait3A_249 : memref<512x16xf32, #tpu.memory_space<vmem>>)
        } else {
        }
        %add3A_221 = arith.constant 1 : i32
        %add3A_222 = arith.addi %add3A_175, %add3A_221 : i32
        %lt3A_223 = arith.constant 98 : i32
        %lt3A_224 = arith.cmpi slt, %add3A_222, %lt3A_223 : i32
        %convert_element_type3A_225 = arith.extui %lt3A_224 : i1 to i32
        %cond3A_226 = arith.constant 0 : i32
        %cond3A_227 = arith.cmpi ne, %convert_element_type3A_225, %cond3A_226 : i32
        scf.if %cond3A_227 {
          %add3A_241 = arith.constant 1 : i32
          %add3A_242 = arith.addi %add3A_175, %add3A_241 : i32
          %add3A_243 = arith.addi %mul3A_54, %add3A_242 : i32
          %dma_start3A_244 = arith.constant 0 : i32
          %dma_start3A_245 = arith.constant 0 : i32
          %dma_start3A_246 = arith.constant 0 : i32
          %dma_start3A_247 = tpu.memref_slice %arg8[%dma_start3A_244, %dma_start3A_245, %dma_start3A_246] : memref<2x2x512xi32, #tpu.memory_space<vmem>> -> memref<1x2x512xi32, #tpu.memory_space<vmem>>
          %dma_start3A_248 = tpu.memref_squeeze %dma_start3A_247 : memref<1x2x512xi32, #tpu.memory_space<vmem>> -> memref<2x512xi32, #tpu.memory_space<vmem>>
          %dma_start3A_249 = arith.constant 0 : i32
          %dma_start3A_250 = arith.constant 0 : i32
          %dma_start3A_251 = tpu.memref_slice %arg4[%add3A_243, %dma_start3A_249, %dma_start3A_250] : memref<3136x2x512xi32, #tpu.memory_space<hbm>> -> memref<1x2x512xi32, #tpu.memory_space<hbm>>
          %dma_start3A_252 = tpu.memref_squeeze %dma_start3A_251 : memref<1x2x512xi32, #tpu.memory_space<hbm>> -> memref<2x512xi32, #tpu.memory_space<hbm>>
          %dma_start3A_253 = arith.constant 0 : i32
          %dma_start3A_254 = arith.constant 0 : i32
          %dma_start3A_255 = tpu.memref_slice %arg8[%dma_start3A_244, %dma_start3A_253, %dma_start3A_254] : memref<2x2x512xi32, #tpu.memory_space<vmem>> -> memref<1x2x512xi32, #tpu.memory_space<vmem>>
          %dma_start3A_256 = tpu.memref_squeeze %dma_start3A_255 : memref<1x2x512xi32, #tpu.memory_space<vmem>> -> memref<2x512xi32, #tpu.memory_space<vmem>>
          %dma_start3A_257 = arith.constant 0 : i32
          %dma_start3A_258 = arith.constant 0 : i32
          %dma_start3A_259 = tpu.memref_slice %arg4[%add3A_243, %dma_start3A_257, %dma_start3A_258] : memref<3136x2x512xi32, #tpu.memory_space<hbm>> -> memref<1x2x512xi32, #tpu.memory_space<hbm>>
          %dma_start3A_260 = tpu.memref_squeeze %dma_start3A_259 : memref<1x2x512xi32, #tpu.memory_space<hbm>> -> memref<2x512xi32, #tpu.memory_space<hbm>>
          tpu.enqueue_dma source(%dma_start3A_260 : memref<2x512xi32, #tpu.memory_space<hbm>>) target(%dma_start3A_256 : memref<2x512xi32, #tpu.memory_space<vmem>>) target_semaphore(%arg12 : memref<!tpu.dma_semaphore, #tpu.memory_space<semaphore_mem>>)
        } else {
        }
        %dma_start3A_228 = arith.constant 1 : i32
        %dma_start3A_229 = arith.constant 1 : i32
        %dma_start3A_230 = arith.constant 1 : i32
        %dma_start3A_231 = arith.constant 0 : i32
        %dma_start3A_232 = arith.constant 0 : i32
        %dma_start3A_233 = tpu.memref_slice %arg9[%dma_start3A_228, %dma_start3A_231, %dma_start3A_232] : memref<2x512x16xf32, #tpu.memory_space<vmem>> -> memref<1x512x16xf32, #tpu.memory_space<vmem>>
        %dma_start3A_234 = tpu.memref_squeeze %dma_start3A_233 : memref<1x512x16xf32, #tpu.memory_space<vmem>> -> memref<512x16xf32, #tpu.memory_space<vmem>>
        %dma_start3A_235 = arith.constant 0 : i32
        %dma_start3A_236 = tpu.memref_slice %arg8[%dma_start3A_229, %dma_start3A_230, %dma_start3A_235] : memref<2x2x512xi32, #tpu.memory_space<vmem>> -> memref<1x1x512xi32, #tpu.memory_space<vmem>>
        %dma_start3A_237 = tpu.memref_squeeze %dma_start3A_236 : memref<1x1x512xi32, #tpu.memory_space<vmem>> -> memref<512xi32, #tpu.memory_space<vmem>>
        %dma_start3A_238 = arith.constant 0 : i32
        %dma_start3A_239 = arith.constant 0 : i32
        %dma_start3A_240 = tpu.memref_slice %arg11[%dma_start3A_238, %dma_start3A_239] : memref<100352x16xf32, #tpu.memory_space<vmem_shared>> -> memref<100352x16xf32, #tpu.memory_space<vmem_shared>>
        tpu.enqueue_indirect_dma source(%dma_start3A_234 : memref<512x16xf32, #tpu.memory_space<vmem>>) target(%dma_start3A_240 : memref<100352x16xf32, #tpu.memory_space<vmem_shared>>) offsets(%dma_start3A_237 : memref<512xi32, #tpu.memory_space<vmem>>) semaphore(%arg14 : memref<!tpu.dma_semaphore, #tpu.memory_space<semaphore_mem>>) {add = true}
      }
      %scan3A_95 = arith.constant 49 : i32
      %dma_wait3A = arith.constant 1 : i32
      %dma_wait3A_96 = arith.constant 0 : i32
      %dma_wait3A_97 = arith.constant 0 : i32
      %dma_wait3A_98 = tpu.memref_slice %arg9[%dma_wait3A, %dma_wait3A_96, %dma_wait3A_97] : memref<2x512x16xf32, #tpu.memory_space<vmem>> -> memref<1x512x16xf32, #tpu.memory_space<vmem>>
      %dma_wait3A_99 = tpu.memref_squeeze %dma_wait3A_98 : memref<1x512x16xf32, #tpu.memory_space<vmem>> -> memref<512x16xf32, #tpu.memory_space<vmem>>
      %dma_wait3A_100 = arith.constant 0 : i32
      %dma_wait3A_101 = arith.constant 0 : i32
      %dma_wait3A_102 = tpu.memref_slice %arg9[%dma_wait3A, %dma_wait3A_100, %dma_wait3A_101] : memref<2x512x16xf32, #tpu.memory_space<vmem>> -> memref<1x512x16xf32, #tpu.memory_space<vmem>>
      %dma_wait3A_103 = tpu.memref_squeeze %dma_wait3A_102 : memref<1x512x16xf32, #tpu.memory_space<vmem>> -> memref<512x16xf32, #tpu.memory_space<vmem>>
      tpu.wait_dma2 semaphore(%arg14 : memref<!tpu.dma_semaphore, #tpu.memory_space<semaphore_mem>>) src(%arg5 : memref<512x16xf32, #tpu.memory_space<hbm>>) dst(%dma_wait3A_103 : memref<512x16xf32, #tpu.memory_space<vmem>>)
    } else {
    }
    %eq3A_57 = arith.constant 1 : i32
    %eq3A_58 = arith.cmpi eq, %arg0, %eq3A_57 : i32
    %convert_element_type3A_59 = arith.extui %eq3A_58 : i1 to i32
    %cond3A_60 = arith.constant 0 : i32
    %cond3A_61 = arith.cmpi ne, %convert_element_type3A_59, %cond3A_60 : i32
    scf.if %cond3A_61 {
      %add3A_73 = arith.constant 0 : i32
      %add3A_74 = arith.addi %mul3A_54, %add3A_73 : i32
      %dma_start3A = arith.constant 0 : i32
      %dma_start3A_75 = arith.constant 0 : i32
      %dma_start3A_76 = arith.constant 0 : i32
      %dma_start3A_77 = tpu.memref_slice %arg8[%dma_start3A, %dma_start3A_75, %dma_start3A_76] : memref<2x2x512xi32, #tpu.memory_space<vmem>> -> memref<1x2x512xi32, #tpu.memory_space<vmem>>
      %dma_start3A_78 = tpu.memref_squeeze %dma_start3A_77 : memref<1x2x512xi32, #tpu.memory_space<vmem>> -> memref<2x512xi32, #tpu.memory_space<vmem>>
      %dma_start3A_79 = arith.constant 0 : i32
      %dma_start3A_80 = arith.constant 0 : i32
      %dma_start3A_81 = tpu.memref_slice %arg4[%add3A_74, %dma_start3A_79, %dma_start3A_80] : memref<3136x2x512xi32, #tpu.memory_space<hbm>> -> memref<1x2x512xi32, #tpu.memory_space<hbm>>
      %dma_start3A_82 = tpu.memref_squeeze %dma_start3A_81 : memref<1x2x512xi32, #tpu.memory_space<hbm>> -> memref<2x512xi32, #tpu.memory_space<hbm>>
      %dma_start3A_83 = arith.constant 0 : i32
      %dma_start3A_84 = arith.constant 0 : i32
      %dma_start3A_85 = tpu.memref_slice %arg8[%dma_start3A, %dma_start3A_83, %dma_start3A_84] : memref<2x2x512xi32, #tpu.memory_space<vmem>> -> memref<1x2x512xi32, #tpu.memory_space<vmem>>
      %dma_start3A_86 = tpu.memref_squeeze %dma_start3A_85 : memref<1x2x512xi32, #tpu.memory_space<vmem>> -> memref<2x512xi32, #tpu.memory_space<vmem>>
      %dma_start3A_87 = arith.constant 0 : i32
      %dma_start3A_88 = arith.constant 0 : i32
      %dma_start3A_89 = tpu.memref_slice %arg4[%add3A_74, %dma_start3A_87, %dma_start3A_88] : memref<3136x2x512xi32, #tpu.memory_space<hbm>> -> memref<1x2x512xi32, #tpu.memory_space<hbm>>
      %dma_start3A_90 = tpu.memref_squeeze %dma_start3A_89 : memref<1x2x512xi32, #tpu.memory_space<hbm>> -> memref<2x512xi32, #tpu.memory_space<hbm>>
      tpu.enqueue_dma source(%dma_start3A_90 : memref<2x512xi32, #tpu.memory_space<hbm>>) target(%dma_start3A_86 : memref<2x512xi32, #tpu.memory_space<vmem>>) target_semaphore(%arg12 : memref<!tpu.dma_semaphore, #tpu.memory_space<semaphore_mem>>)
      %scan3A = arith.constant 0 : i32
      %scan3A_91 = arith.constant 0 : i32
      %scan3A_92 = arith.constant 49 : i32
      %scan3A_93 = arith.addi %scan3A_91, %scan3A_92 : i32
      %scan3A_94 = arith.constant 1 : i32
      scf.for %scan3A_104 = %scan3A_91 to %scan3A_93 step %scan3A_94  : i32 {
        %mul3A_105 = arith.constant 2 : i32
        %mul3A_106 = arith.muli %scan3A_104, %mul3A_105 : i32
        %add3A_107 = arith.constant 0 : i32
        %add3A_108 = arith.addi %mul3A_106, %add3A_107 : i32
        %dma_wait3A_109 = arith.constant 0 : i32
        %dma_wait3A_110 = arith.constant 0 : i32
        %dma_wait3A_111 = arith.constant 0 : i32
        %dma_wait3A_112 = arith.constant 0 : i32
        %dma_wait3A_113 = tpu.memref_slice %arg8[%dma_wait3A_110, %dma_wait3A_111, %dma_wait3A_112] : memref<2x2x512xi32, #tpu.memory_space<vmem>> -> memref<1x2x512xi32, #tpu.memory_space<vmem>>
        %dma_wait3A_114 = tpu.memref_squeeze %dma_wait3A_113 : memref<1x2x512xi32, #tpu.memory_space<vmem>> -> memref<2x512xi32, #tpu.memory_space<vmem>>
        %dma_wait3A_115 = arith.constant 0 : i32
        %dma_wait3A_116 = arith.constant 0 : i32
        %dma_wait3A_117 = tpu.memref_slice %arg4[%dma_wait3A_109, %dma_wait3A_115, %dma_wait3A_116] : memref<3136x2x512xi32, #tpu.memory_space<hbm>> -> memref<1x2x512xi32, #tpu.memory_space<hbm>>
        %dma_wait3A_118 = tpu.memref_squeeze %dma_wait3A_117 : memref<1x2x512xi32, #tpu.memory_space<hbm>> -> memref<2x512xi32, #tpu.memory_space<hbm>>
        %dma_wait3A_119 = arith.constant 0 : i32
        %dma_wait3A_120 = arith.constant 0 : i32
        %dma_wait3A_121 = tpu.memref_slice %arg8[%dma_wait3A_110, %dma_wait3A_119, %dma_wait3A_120] : memref<2x2x512xi32, #tpu.memory_space<vmem>> -> memref<1x2x512xi32, #tpu.memory_space<vmem>>
        %dma_wait3A_122 = tpu.memref_squeeze %dma_wait3A_121 : memref<1x2x512xi32, #tpu.memory_space<vmem>> -> memref<2x512xi32, #tpu.memory_space<vmem>>
        %dma_wait3A_123 = arith.constant 0 : i32
        %dma_wait3A_124 = arith.constant 0 : i32
        %dma_wait3A_125 = tpu.memref_slice %arg4[%dma_wait3A_109, %dma_wait3A_123, %dma_wait3A_124] : memref<3136x2x512xi32, #tpu.memory_space<hbm>> -> memref<1x2x512xi32, #tpu.memory_space<hbm>>
        %dma_wait3A_126 = tpu.memref_squeeze %dma_wait3A_125 : memref<1x2x512xi32, #tpu.memory_space<hbm>> -> memref<2x512xi32, #tpu.memory_space<hbm>>
        tpu.wait_dma2 semaphore(%arg12 : memref<!tpu.dma_semaphore, #tpu.memory_space<semaphore_mem>>) src(%dma_wait3A_126 : memref<2x512xi32, #tpu.memory_space<hbm>>) dst(%dma_wait3A_122 : memref<2x512xi32, #tpu.memory_space<vmem>>)
        %dma_start3A_127 = arith.constant 0 : i32
        %dma_start3A_128 = arith.constant 0 : i32
        %dma_start3A_129 = arith.constant 0 : i32
        %dma_start3A_130 = arith.constant 0 : i32
        %dma_start3A_131 = arith.constant 0 : i32
        %dma_start3A_132 = tpu.memref_slice %arg9[%dma_start3A_129, %dma_start3A_130, %dma_start3A_131] : memref<2x512x16xf32, #tpu.memory_space<vmem>> -> memref<1x512x16xf32, #tpu.memory_space<vmem>>
        %dma_start3A_133 = tpu.memref_squeeze %dma_start3A_132 : memref<1x512x16xf32, #tpu.memory_space<vmem>> -> memref<512x16xf32, #tpu.memory_space<vmem>>
        %dma_start3A_134 = arith.constant 0 : i32
        %dma_start3A_135 = tpu.memref_slice %arg8[%dma_start3A_127, %dma_start3A_128, %dma_start3A_134] : memref<2x2x512xi32, #tpu.memory_space<vmem>> -> memref<1x1x512xi32, #tpu.memory_space<vmem>>
        %dma_start3A_136 = tpu.memref_squeeze %dma_start3A_135 : memref<1x1x512xi32, #tpu.memory_space<vmem>> -> memref<512xi32, #tpu.memory_space<vmem>>
        %dma_start3A_137 = arith.constant 0 : i32
        %dma_start3A_138 = arith.constant 0 : i32
        %dma_start3A_139 = tpu.memref_slice %arg3[%dma_start3A_137, %dma_start3A_138] : memref<100352x16xf32, #tpu.memory_space<hbm>> -> memref<100352x16xf32, #tpu.memory_space<hbm>>
        tpu.enqueue_indirect_dma source(%dma_start3A_139 : memref<100352x16xf32, #tpu.memory_space<hbm>>) target(%dma_start3A_133 : memref<512x16xf32, #tpu.memory_space<vmem>>) offsets(%dma_start3A_136 : memref<512xi32, #tpu.memory_space<vmem>>) semaphore(%arg13 : memref<!tpu.dma_semaphore, #tpu.memory_space<semaphore_mem>>)
        %dma_wait3A_140 = arith.constant 0 : i32
        %dma_wait3A_141 = arith.constant 0 : i32
        %dma_wait3A_142 = arith.constant 0 : i32
        %dma_wait3A_143 = tpu.memref_slice %arg9[%dma_wait3A_140, %dma_wait3A_141, %dma_wait3A_142] : memref<2x512x16xf32, #tpu.memory_space<vmem>> -> memref<1x512x16xf32, #tpu.memory_space<vmem>>
        %dma_wait3A_144 = tpu.memref_squeeze %dma_wait3A_143 : memref<1x512x16xf32, #tpu.memory_space<vmem>> -> memref<512x16xf32, #tpu.memory_space<vmem>>
        %dma_wait3A_145 = arith.constant 0 : i32
        %dma_wait3A_146 = arith.constant 0 : i32
        %dma_wait3A_147 = tpu.memref_slice %arg9[%dma_wait3A_140, %dma_wait3A_145, %dma_wait3A_146] : memref<2x512x16xf32, #tpu.memory_space<vmem>> -> memref<1x512x16xf32, #tpu.memory_space<vmem>>
        %dma_wait3A_148 = tpu.memref_squeeze %dma_wait3A_147 : memref<1x512x16xf32, #tpu.memory_space<vmem>> -> memref<512x16xf32, #tpu.memory_space<vmem>>
        tpu.wait_dma2 semaphore(%arg13 : memref<!tpu.dma_semaphore, #tpu.memory_space<semaphore_mem>>) src(%arg5 : memref<512x16xf32, #tpu.memory_space<hbm>>) dst(%dma_wait3A_148 : memref<512x16xf32, #tpu.memory_space<vmem>>)
        %ge3A = arith.constant 1 : i32
        %ge3A_149 = arith.cmpi sge, %add3A_108, %ge3A : i32
        %convert_element_type3A_150 = arith.extui %ge3A_149 : i1 to i32
        %cond3A_151 = arith.constant 0 : i32
        %cond3A_152 = arith.cmpi ne, %convert_element_type3A_150, %cond3A_151 : i32
        scf.if %cond3A_152 {
          %dma_wait3A_241 = arith.constant 1 : i32
          %dma_wait3A_242 = arith.constant 0 : i32
          %dma_wait3A_243 = arith.constant 0 : i32
          %dma_wait3A_244 = tpu.memref_slice %arg9[%dma_wait3A_241, %dma_wait3A_242, %dma_wait3A_243] : memref<2x512x16xf32, #tpu.memory_space<vmem>> -> memref<1x512x16xf32, #tpu.memory_space<vmem>>
          %dma_wait3A_245 = tpu.memref_squeeze %dma_wait3A_244 : memref<1x512x16xf32, #tpu.memory_space<vmem>> -> memref<512x16xf32, #tpu.memory_space<vmem>>
          %dma_wait3A_246 = arith.constant 0 : i32
          %dma_wait3A_247 = arith.constant 0 : i32
          %dma_wait3A_248 = tpu.memref_slice %arg9[%dma_wait3A_241, %dma_wait3A_246, %dma_wait3A_247] : memref<2x512x16xf32, #tpu.memory_space<vmem>> -> memref<1x512x16xf32, #tpu.memory_space<vmem>>
          %dma_wait3A_249 = tpu.memref_squeeze %dma_wait3A_248 : memref<1x512x16xf32, #tpu.memory_space<vmem>> -> memref<512x16xf32, #tpu.memory_space<vmem>>
          tpu.wait_dma2 semaphore(%arg14 : memref<!tpu.dma_semaphore, #tpu.memory_space<semaphore_mem>>) src(%arg5 : memref<512x16xf32, #tpu.memory_space<hbm>>) dst(%dma_wait3A_249 : memref<512x16xf32, #tpu.memory_space<vmem>>)
        } else {
        }
        %add3A_153 = arith.constant 1 : i32
        %add3A_154 = arith.addi %add3A_108, %add3A_153 : i32
        %lt3A = arith.constant 98 : i32
        %lt3A_155 = arith.cmpi slt, %add3A_154, %lt3A : i32
        %convert_element_type3A_156 = arith.extui %lt3A_155 : i1 to i32
        %cond3A_157 = arith.constant 0 : i32
        %cond3A_158 = arith.cmpi ne, %convert_element_type3A_156, %cond3A_157 : i32
        scf.if %cond3A_158 {
          %add3A_241 = arith.constant 1 : i32
          %add3A_242 = arith.addi %add3A_108, %add3A_241 : i32
          %add3A_243 = arith.addi %mul3A_54, %add3A_242 : i32
          %dma_start3A_244 = arith.constant 1 : i32
          %dma_start3A_245 = arith.constant 0 : i32
          %dma_start3A_246 = arith.constant 0 : i32
          %dma_start3A_247 = tpu.memref_slice %arg8[%dma_start3A_244, %dma_start3A_245, %dma_start3A_246] : memref<2x2x512xi32, #tpu.memory_space<vmem>> -> memref<1x2x512xi32, #tpu.memory_space<vmem>>
          %dma_start3A_248 = tpu.memref_squeeze %dma_start3A_247 : memref<1x2x512xi32, #tpu.memory_space<vmem>> -> memref<2x512xi32, #tpu.memory_space<vmem>>
          %dma_start3A_249 = arith.constant 0 : i32
          %dma_start3A_250 = arith.constant 0 : i32
          %dma_start3A_251 = tpu.memref_slice %arg4[%add3A_243, %dma_start3A_249, %dma_start3A_250] : memref<3136x2x512xi32, #tpu.memory_space<hbm>> -> memref<1x2x512xi32, #tpu.memory_space<hbm>>
          %dma_start3A_252 = tpu.memref_squeeze %dma_start3A_251 : memref<1x2x512xi32, #tpu.memory_space<hbm>> -> memref<2x512xi32, #tpu.memory_space<hbm>>
          %dma_start3A_253 = arith.constant 0 : i32
          %dma_start3A_254 = arith.constant 0 : i32
          %dma_start3A_255 = tpu.memref_slice %arg8[%dma_start3A_244, %dma_start3A_253, %dma_start3A_254] : memref<2x2x512xi32, #tpu.memory_space<vmem>> -> memref<1x2x512xi32, #tpu.memory_space<vmem>>
          %dma_start3A_256 = tpu.memref_squeeze %dma_start3A_255 : memref<1x2x512xi32, #tpu.memory_space<vmem>> -> memref<2x512xi32, #tpu.memory_space<vmem>>
          %dma_start3A_257 = arith.constant 0 : i32
          %dma_start3A_258 = arith.constant 0 : i32
          %dma_start3A_259 = tpu.memref_slice %arg4[%add3A_243, %dma_start3A_257, %dma_start3A_258] : memref<3136x2x512xi32, #tpu.memory_space<hbm>> -> memref<1x2x512xi32, #tpu.memory_space<hbm>>
          %dma_start3A_260 = tpu.memref_squeeze %dma_start3A_259 : memref<1x2x512xi32, #tpu.memory_space<hbm>> -> memref<2x512xi32, #tpu.memory_space<hbm>>
          tpu.enqueue_dma source(%dma_start3A_260 : memref<2x512xi32, #tpu.memory_space<hbm>>) target(%dma_start3A_256 : memref<2x512xi32, #tpu.memory_space<vmem>>) target_semaphore(%arg12 : memref<!tpu.dma_semaphore, #tpu.memory_space<semaphore_mem>>)
        } else {
        }
        %dma_start3A_159 = arith.constant 0 : i32
        %dma_start3A_160 = arith.constant 0 : i32
        %dma_start3A_161 = arith.constant 1 : i32
        %dma_start3A_162 = arith.constant 0 : i32
        %dma_start3A_163 = arith.constant 0 : i32
        %dma_start3A_164 = tpu.memref_slice %arg9[%dma_start3A_159, %dma_start3A_162, %dma_start3A_163] : memref<2x512x16xf32, #tpu.memory_space<vmem>> -> memref<1x512x16xf32, #tpu.memory_space<vmem>>
        %dma_start3A_165 = tpu.memref_squeeze %dma_start3A_164 : memref<1x512x16xf32, #tpu.memory_space<vmem>> -> memref<512x16xf32, #tpu.memory_space<vmem>>
        %dma_start3A_166 = arith.constant 0 : i32
        %dma_start3A_167 = tpu.memref_slice %arg8[%dma_start3A_160, %dma_start3A_161, %dma_start3A_166] : memref<2x2x512xi32, #tpu.memory_space<vmem>> -> memref<1x1x512xi32, #tpu.memory_space<vmem>>
        %dma_start3A_168 = tpu.memref_squeeze %dma_start3A_167 : memref<1x1x512xi32, #tpu.memory_space<vmem>> -> memref<512xi32, #tpu.memory_space<vmem>>
        %dma_start3A_169 = arith.constant 0 : i32
        %dma_start3A_170 = arith.constant 0 : i32
        %dma_start3A_171 = tpu.memref_slice %arg11[%dma_start3A_169, %dma_start3A_170] : memref<100352x16xf32, #tpu.memory_space<vmem_shared>> -> memref<100352x16xf32, #tpu.memory_space<vmem_shared>>
        tpu.enqueue_indirect_dma source(%dma_start3A_165 : memref<512x16xf32, #tpu.memory_space<vmem>>) target(%dma_start3A_171 : memref<100352x16xf32, #tpu.memory_space<vmem_shared>>) offsets(%dma_start3A_168 : memref<512xi32, #tpu.memory_space<vmem>>) semaphore(%arg14 : memref<!tpu.dma_semaphore, #tpu.memory_space<semaphore_mem>>) {add = true}
        %mul3A_172 = arith.constant 2 : i32
        %mul3A_173 = arith.muli %scan3A_104, %mul3A_172 : i32
        %add3A_174 = arith.constant 1 : i32
        %add3A_175 = arith.addi %mul3A_173, %add3A_174 : i32
        %dma_wait3A_176 = arith.constant 0 : i32
        %dma_wait3A_177 = arith.constant 1 : i32
        %dma_wait3A_178 = arith.constant 0 : i32
        %dma_wait3A_179 = arith.constant 0 : i32
        %dma_wait3A_180 = tpu.memref_slice %arg8[%dma_wait3A_177, %dma_wait3A_178, %dma_wait3A_179] : memref<2x2x512xi32, #tpu.memory_space<vmem>> -> memref<1x2x512xi32, #tpu.memory_space<vmem>>
        %dma_wait3A_181 = tpu.memref_squeeze %dma_wait3A_180 : memref<1x2x512xi32, #tpu.memory_space<vmem>> -> memref<2x512xi32, #tpu.memory_space<vmem>>
        %dma_wait3A_182 = arith.constant 0 : i32
        %dma_wait3A_183 = arith.constant 0 : i32
        %dma_wait3A_184 = tpu.memref_slice %arg4[%dma_wait3A_176, %dma_wait3A_182, %dma_wait3A_183] : memref<3136x2x512xi32, #tpu.memory_space<hbm>> -> memref<1x2x512xi32, #tpu.memory_space<hbm>>
        %dma_wait3A_185 = tpu.memref_squeeze %dma_wait3A_184 : memref<1x2x512xi32, #tpu.memory_space<hbm>> -> memref<2x512xi32, #tpu.memory_space<hbm>>
        %dma_wait3A_186 = arith.constant 0 : i32
        %dma_wait3A_187 = arith.constant 0 : i32
        %dma_wait3A_188 = tpu.memref_slice %arg8[%dma_wait3A_177, %dma_wait3A_186, %dma_wait3A_187] : memref<2x2x512xi32, #tpu.memory_space<vmem>> -> memref<1x2x512xi32, #tpu.memory_space<vmem>>
        %dma_wait3A_189 = tpu.memref_squeeze %dma_wait3A_188 : memref<1x2x512xi32, #tpu.memory_space<vmem>> -> memref<2x512xi32, #tpu.memory_space<vmem>>
        %dma_wait3A_190 = arith.constant 0 : i32
        %dma_wait3A_191 = arith.constant 0 : i32
        %dma_wait3A_192 = tpu.memref_slice %arg4[%dma_wait3A_176, %dma_wait3A_190, %dma_wait3A_191] : memref<3136x2x512xi32, #tpu.memory_space<hbm>> -> memref<1x2x512xi32, #tpu.memory_space<hbm>>
        %dma_wait3A_193 = tpu.memref_squeeze %dma_wait3A_192 : memref<1x2x512xi32, #tpu.memory_space<hbm>> -> memref<2x512xi32, #tpu.memory_space<hbm>>
        tpu.wait_dma2 semaphore(%arg12 : memref<!tpu.dma_semaphore, #tpu.memory_space<semaphore_mem>>) src(%dma_wait3A_193 : memref<2x512xi32, #tpu.memory_space<hbm>>) dst(%dma_wait3A_189 : memref<2x512xi32, #tpu.memory_space<vmem>>)
        %dma_start3A_194 = arith.constant 1 : i32
        %dma_start3A_195 = arith.constant 0 : i32
        %dma_start3A_196 = arith.constant 1 : i32
        %dma_start3A_197 = arith.constant 0 : i32
        %dma_start3A_198 = arith.constant 0 : i32
        %dma_start3A_199 = tpu.memref_slice %arg9[%dma_start3A_196, %dma_start3A_197, %dma_start3A_198] : memref<2x512x16xf32, #tpu.memory_space<vmem>> -> memref<1x512x16xf32, #tpu.memory_space<vmem>>
        %dma_start3A_200 = tpu.memref_squeeze %dma_start3A_199 : memref<1x512x16xf32, #tpu.memory_space<vmem>> -> memref<512x16xf32, #tpu.memory_space<vmem>>
        %dma_start3A_201 = arith.constant 0 : i32
        %dma_start3A_202 = tpu.memref_slice %arg8[%dma_start3A_194, %dma_start3A_195, %dma_start3A_201] : memref<2x2x512xi32, #tpu.memory_space<vmem>> -> memref<1x1x512xi32, #tpu.memory_space<vmem>>
        %dma_start3A_203 = tpu.memref_squeeze %dma_start3A_202 : memref<1x1x512xi32, #tpu.memory_space<vmem>> -> memref<512xi32, #tpu.memory_space<vmem>>
        %dma_start3A_204 = arith.constant 0 : i32
        %dma_start3A_205 = arith.constant 0 : i32
        %dma_start3A_206 = tpu.memref_slice %arg3[%dma_start3A_204, %dma_start3A_205] : memref<100352x16xf32, #tpu.memory_space<hbm>> -> memref<100352x16xf32, #tpu.memory_space<hbm>>
        tpu.enqueue_indirect_dma source(%dma_start3A_206 : memref<100352x16xf32, #tpu.memory_space<hbm>>) target(%dma_start3A_200 : memref<512x16xf32, #tpu.memory_space<vmem>>) offsets(%dma_start3A_203 : memref<512xi32, #tpu.memory_space<vmem>>) semaphore(%arg13 : memref<!tpu.dma_semaphore, #tpu.memory_space<semaphore_mem>>)
        %dma_wait3A_207 = arith.constant 1 : i32
        %dma_wait3A_208 = arith.constant 0 : i32
        %dma_wait3A_209 = arith.constant 0 : i32
        %dma_wait3A_210 = tpu.memref_slice %arg9[%dma_wait3A_207, %dma_wait3A_208, %dma_wait3A_209] : memref<2x512x16xf32, #tpu.memory_space<vmem>> -> memref<1x512x16xf32, #tpu.memory_space<vmem>>
        %dma_wait3A_211 = tpu.memref_squeeze %dma_wait3A_210 : memref<1x512x16xf32, #tpu.memory_space<vmem>> -> memref<512x16xf32, #tpu.memory_space<vmem>>
        %dma_wait3A_212 = arith.constant 0 : i32
        %dma_wait3A_213 = arith.constant 0 : i32
        %dma_wait3A_214 = tpu.memref_slice %arg9[%dma_wait3A_207, %dma_wait3A_212, %dma_wait3A_213] : memref<2x512x16xf32, #tpu.memory_space<vmem>> -> memref<1x512x16xf32, #tpu.memory_space<vmem>>
        %dma_wait3A_215 = tpu.memref_squeeze %dma_wait3A_214 : memref<1x512x16xf32, #tpu.memory_space<vmem>> -> memref<512x16xf32, #tpu.memory_space<vmem>>
        tpu.wait_dma2 semaphore(%arg13 : memref<!tpu.dma_semaphore, #tpu.memory_space<semaphore_mem>>) src(%arg5 : memref<512x16xf32, #tpu.memory_space<hbm>>) dst(%dma_wait3A_215 : memref<512x16xf32, #tpu.memory_space<vmem>>)
        %ge3A_216 = arith.constant 1 : i32
        %ge3A_217 = arith.cmpi sge, %add3A_175, %ge3A_216 : i32
        %convert_element_type3A_218 = arith.extui %ge3A_217 : i1 to i32
        %cond3A_219 = arith.constant 0 : i32
        %cond3A_220 = arith.cmpi ne, %convert_element_type3A_218, %cond3A_219 : i32
        scf.if %cond3A_220 {
          %dma_wait3A_241 = arith.constant 0 : i32
          %dma_wait3A_242 = arith.constant 0 : i32
          %dma_wait3A_243 = arith.constant 0 : i32
          %dma_wait3A_244 = tpu.memref_slice %arg9[%dma_wait3A_241, %dma_wait3A_242, %dma_wait3A_243] : memref<2x512x16xf32, #tpu.memory_space<vmem>> -> memref<1x512x16xf32, #tpu.memory_space<vmem>>
          %dma_wait3A_245 = tpu.memref_squeeze %dma_wait3A_244 : memref<1x512x16xf32, #tpu.memory_space<vmem>> -> memref<512x16xf32, #tpu.memory_space<vmem>>
          %dma_wait3A_246 = arith.constant 0 : i32
          %dma_wait3A_247 = arith.constant 0 : i32
          %dma_wait3A_248 = tpu.memref_slice %arg9[%dma_wait3A_241, %dma_wait3A_246, %dma_wait3A_247] : memref<2x512x16xf32, #tpu.memory_space<vmem>> -> memref<1x512x16xf32, #tpu.memory_space<vmem>>
          %dma_wait3A_249 = tpu.memref_squeeze %dma_wait3A_248 : memref<1x512x16xf32, #tpu.memory_space<vmem>> -> memref<512x16xf32, #tpu.memory_space<vmem>>
          tpu.wait_dma2 semaphore(%arg14 : memref<!tpu.dma_semaphore, #tpu.memory_space<semaphore_mem>>) src(%arg5 : memref<512x16xf32, #tpu.memory_space<hbm>>) dst(%dma_wait3A_249 : memref<512x16xf32, #tpu.memory_space<vmem>>)
        } else {
        }
        %add3A_221 = arith.constant 1 : i32
        %add3A_222 = arith.addi %add3A_175, %add3A_221 : i32
        %lt3A_223 = arith.constant 98 : i32
        %lt3A_224 = arith.cmpi slt, %add3A_222, %lt3A_223 : i32
        %convert_element_type3A_225 = arith.extui %lt3A_224 : i1 to i32
        %cond3A_226 = arith.constant 0 : i32
        %cond3A_227 = arith.cmpi ne, %convert_element_type3A_225, %cond3A_226 : i32
        scf.if %cond3A_227 {
          %add3A_241 = arith.constant 1 : i32
          %add3A_242 = arith.addi %add3A_175, %add3A_241 : i32
          %add3A_243 = arith.addi %mul3A_54, %add3A_242 : i32
          %dma_start3A_244 = arith.constant 0 : i32
          %dma_start3A_245 = arith.constant 0 : i32
          %dma_start3A_246 = arith.constant 0 : i32
          %dma_start3A_247 = tpu.memref_slice %arg8[%dma_start3A_244, %dma_start3A_245, %dma_start3A_246] : memref<2x2x512xi32, #tpu.memory_space<vmem>> -> memref<1x2x512xi32, #tpu.memory_space<vmem>>
          %dma_start3A_248 = tpu.memref_squeeze %dma_start3A_247 : memref<1x2x512xi32, #tpu.memory_space<vmem>> -> memref<2x512xi32, #tpu.memory_space<vmem>>
          %dma_start3A_249 = arith.constant 0 : i32
          %dma_start3A_250 = arith.constant 0 : i32
          %dma_start3A_251 = tpu.memref_slice %arg4[%add3A_243, %dma_start3A_249, %dma_start3A_250] : memref<3136x2x512xi32, #tpu.memory_space<hbm>> -> memref<1x2x512xi32, #tpu.memory_space<hbm>>
          %dma_start3A_252 = tpu.memref_squeeze %dma_start3A_251 : memref<1x2x512xi32, #tpu.memory_space<hbm>> -> memref<2x512xi32, #tpu.memory_space<hbm>>
          %dma_start3A_253 = arith.constant 0 : i32
          %dma_start3A_254 = arith.constant 0 : i32
          %dma_start3A_255 = tpu.memref_slice %arg8[%dma_start3A_244, %dma_start3A_253, %dma_start3A_254] : memref<2x2x512xi32, #tpu.memory_space<vmem>> -> memref<1x2x512xi32, #tpu.memory_space<vmem>>
          %dma_start3A_256 = tpu.memref_squeeze %dma_start3A_255 : memref<1x2x512xi32, #tpu.memory_space<vmem>> -> memref<2x512xi32, #tpu.memory_space<vmem>>
          %dma_start3A_257 = arith.constant 0 : i32
          %dma_start3A_258 = arith.constant 0 : i32
          %dma_start3A_259 = tpu.memref_slice %arg4[%add3A_243, %dma_start3A_257, %dma_start3A_258] : memref<3136x2x512xi32, #tpu.memory_space<hbm>> -> memref<1x2x512xi32, #tpu.memory_space<hbm>>
          %dma_start3A_260 = tpu.memref_squeeze %dma_start3A_259 : memref<1x2x512xi32, #tpu.memory_space<hbm>> -> memref<2x512xi32, #tpu.memory_space<hbm>>
          tpu.enqueue_dma source(%dma_start3A_260 : memref<2x512xi32, #tpu.memory_space<hbm>>) target(%dma_start3A_256 : memref<2x512xi32, #tpu.memory_space<vmem>>) target_semaphore(%arg12 : memref<!tpu.dma_semaphore, #tpu.memory_space<semaphore_mem>>)
        } else {
        }
        %dma_start3A_228 = arith.constant 1 : i32
        %dma_start3A_229 = arith.constant 1 : i32
        %dma_start3A_230 = arith.constant 1 : i32
        %dma_start3A_231 = arith.constant 0 : i32
        %dma_start3A_232 = arith.constant 0 : i32
        %dma_start3A_233 = tpu.memref_slice %arg9[%dma_start3A_228, %dma_start3A_231, %dma_start3A_232] : memref<2x512x16xf32, #tpu.memory_space<vmem>> -> memref<1x512x16xf32, #tpu.memory_space<vmem>>
        %dma_start3A_234 = tpu.memref_squeeze %dma_start3A_233 : memref<1x512x16xf32, #tpu.memory_space<vmem>> -> memref<512x16xf32, #tpu.memory_space<vmem>>
        %dma_start3A_235 = arith.constant 0 : i32
        %dma_start3A_236 = tpu.memref_slice %arg8[%dma_start3A_229, %dma_start3A_230, %dma_start3A_235] : memref<2x2x512xi32, #tpu.memory_space<vmem>> -> memref<1x1x512xi32, #tpu.memory_space<vmem>>
        %dma_start3A_237 = tpu.memref_squeeze %dma_start3A_236 : memref<1x1x512xi32, #tpu.memory_space<vmem>> -> memref<512xi32, #tpu.memory_space<vmem>>
        %dma_start3A_238 = arith.constant 0 : i32
        %dma_start3A_239 = arith.constant 0 : i32
        %dma_start3A_240 = tpu.memref_slice %arg11[%dma_start3A_238, %dma_start3A_239] : memref<100352x16xf32, #tpu.memory_space<vmem_shared>> -> memref<100352x16xf32, #tpu.memory_space<vmem_shared>>
        tpu.enqueue_indirect_dma source(%dma_start3A_234 : memref<512x16xf32, #tpu.memory_space<vmem>>) target(%dma_start3A_240 : memref<100352x16xf32, #tpu.memory_space<vmem_shared>>) offsets(%dma_start3A_237 : memref<512xi32, #tpu.memory_space<vmem>>) semaphore(%arg14 : memref<!tpu.dma_semaphore, #tpu.memory_space<semaphore_mem>>) {add = true}
      }
      %scan3A_95 = arith.constant 49 : i32
      %dma_wait3A = arith.constant 1 : i32
      %dma_wait3A_96 = arith.constant 0 : i32
      %dma_wait3A_97 = arith.constant 0 : i32
      %dma_wait3A_98 = tpu.memref_slice %arg9[%dma_wait3A, %dma_wait3A_96, %dma_wait3A_97] : memref<2x512x16xf32, #tpu.memory_space<vmem>> -> memref<1x512x16xf32, #tpu.memory_space<vmem>>
      %dma_wait3A_99 = tpu.memref_squeeze %dma_wait3A_98 : memref<1x512x16xf32, #tpu.memory_space<vmem>> -> memref<512x16xf32, #tpu.memory_space<vmem>>
      %dma_wait3A_100 = arith.constant 0 : i32
      %dma_wait3A_101 = arith.constant 0 : i32
      %dma_wait3A_102 = tpu.memref_slice %arg9[%dma_wait3A, %dma_wait3A_100, %dma_wait3A_101] : memref<2x512x16xf32, #tpu.memory_space<vmem>> -> memref<1x512x16xf32, #tpu.memory_space<vmem>>
      %dma_wait3A_103 = tpu.memref_squeeze %dma_wait3A_102 : memref<1x512x16xf32, #tpu.memory_space<vmem>> -> memref<512x16xf32, #tpu.memory_space<vmem>>
      tpu.wait_dma2 semaphore(%arg14 : memref<!tpu.dma_semaphore, #tpu.memory_space<semaphore_mem>>) src(%arg5 : memref<512x16xf32, #tpu.memory_space<hbm>>) dst(%dma_wait3A_103 : memref<512x16xf32, #tpu.memory_space<vmem>>)
    } else {
    }
    %barrier3A_62 = arith.constant 0 : index
    tpu.barrier barrier_id(%barrier3A_62)
    %eq3A_63 = arith.constant 0 : i32
    %eq3A_64 = arith.cmpi eq, %arg0, %eq3A_63 : i32
    %convert_element_type3A_65 = arith.extui %eq3A_64 : i1 to i32
    %cond3A_66 = arith.constant 0 : i32
    %cond3A_67 = arith.cmpi ne, %convert_element_type3A_65, %cond3A_66 : i32
    scf.if %cond3A_67 {
      %mul3A_73 = arith.constant 6272 : i32
      %mul3A_74 = arith.muli %arg1, %mul3A_73 : i32
      %mul3A_75 = arith.constant 6272 : i32
      %mul3A_76 = arith.muli %arg1, %mul3A_75 : i32
      "tpu.region"() ({
        %run_scoped3A = tpu.sem_alloc : memref<!tpu.dma_semaphore, #tpu.memory_space<semaphore_mem>>
        %dma_start3A = arith.constant 0 : i32
        %dma_start3A_77 = tpu.memref_slice %arg6[%mul3A_76, %dma_start3A] : memref<100352x16xf32, #tpu.memory_space<hbm>> -> memref<6272x16xf32, #tpu.memory_space<hbm>>
        %dma_start3A_78 = arith.constant 0 : i32
        %dma_start3A_79 = tpu.memref_slice %arg11[%mul3A_74, %dma_start3A_78] : memref<100352x16xf32, #tpu.memory_space<vmem_shared>> -> memref<6272x16xf32, #tpu.memory_space<vmem_shared>>
        tpu.enqueue_dma source(%dma_start3A_79 : memref<6272x16xf32, #tpu.memory_space<vmem_shared>>) target(%dma_start3A_77 : memref<6272x16xf32, #tpu.memory_space<hbm>>) target_semaphore(%run_scoped3A : memref<!tpu.dma_semaphore, #tpu.memory_space<semaphore_mem>>)
        %dma_wait3A = arith.constant 0 : i32
        %dma_wait3A_80 = tpu.memref_slice %arg6[%mul3A_76, %dma_wait3A] : memref<100352x16xf32, #tpu.memory_space<hbm>> -> memref<6272x16xf32, #tpu.memory_space<hbm>>
        %dma_wait3A_81 = arith.constant 0 : i32
        %dma_wait3A_82 = tpu.memref_slice %arg11[%mul3A_74, %dma_wait3A_81] : memref<100352x16xf32, #tpu.memory_space<vmem_shared>> -> memref<6272x16xf32, #tpu.memory_space<vmem_shared>>
        tpu.wait_dma2 semaphore(%run_scoped3A : memref<!tpu.dma_semaphore, #tpu.memory_space<semaphore_mem>>) src(%dma_wait3A_82 : memref<6272x16xf32, #tpu.memory_space<vmem_shared>>) dst(%dma_wait3A_80 : memref<6272x16xf32, #tpu.memory_space<hbm>>)
        tpu.yield
      }) : () -> ()
    } else {
    }
    %eq3A_68 = arith.constant 1 : i32
    %eq3A_69 = arith.cmpi eq, %arg0, %eq3A_68 : i32
    %convert_element_type3A_70 = arith.extui %eq3A_69 : i1 to i32
    %cond3A_71 = arith.constant 0 : i32
    %cond3A_72 = arith.cmpi ne, %convert_element_type3A_70, %cond3A_71 : i32
    scf.if %cond3A_72 {
      %mul3A_73 = arith.constant 6272 : i32
      %mul3A_74 = arith.muli %arg1, %mul3A_73 : i32
      %mul3A_75 = arith.constant 6272 : i32
      %mul3A_76 = arith.muli %arg1, %mul3A_75 : i32
      "tpu.region"() ({
        %run_scoped3A = tpu.sem_alloc : memref<!tpu.dma_semaphore, #tpu.memory_space<semaphore_mem>>
        %dma_start3A = arith.constant 0 : i32
        %dma_start3A_77 = tpu.memref_slice %arg7[%mul3A_76, %dma_start3A] : memref<100352x16xf32, #tpu.memory_space<hbm>> -> memref<6272x16xf32, #tpu.memory_space<hbm>>
        %dma_start3A_78 = arith.constant 0 : i32
        %dma_start3A_79 = tpu.memref_slice %arg11[%mul3A_74, %dma_start3A_78] : memref<100352x16xf32, #tpu.memory_space<vmem_shared>> -> memref<6272x16xf32, #tpu.memory_space<vmem_shared>>
        tpu.enqueue_dma source(%dma_start3A_79 : memref<6272x16xf32, #tpu.memory_space<vmem_shared>>) target(%dma_start3A_77 : memref<6272x16xf32, #tpu.memory_space<hbm>>) target_semaphore(%run_scoped3A : memref<!tpu.dma_semaphore, #tpu.memory_space<semaphore_mem>>)
        %dma_wait3A = arith.constant 0 : i32
        %dma_wait3A_80 = tpu.memref_slice %arg7[%mul3A_76, %dma_wait3A] : memref<100352x16xf32, #tpu.memory_space<hbm>> -> memref<6272x16xf32, #tpu.memory_space<hbm>>
        %dma_wait3A_81 = arith.constant 0 : i32
        %dma_wait3A_82 = tpu.memref_slice %arg11[%mul3A_74, %dma_wait3A_81] : memref<100352x16xf32, #tpu.memory_space<vmem_shared>> -> memref<6272x16xf32, #tpu.memory_space<vmem_shared>>
        tpu.wait_dma2 semaphore(%run_scoped3A : memref<!tpu.dma_semaphore, #tpu.memory_space<semaphore_mem>>) src(%dma_wait3A_82 : memref<6272x16xf32, #tpu.memory_space<vmem_shared>>) dst(%dma_wait3A_80 : memref<6272x16xf32, #tpu.memory_space<hbm>>)
        tpu.yield
      }) : () -> ()
    } else {
    }
    return
  }
}

module attributes {stable_mosaic.version = 14 : i64} {
  func.func @_pack_body(%arg0: i32, %arg1: memref<2x16384xi32, #tpu.memory_space<vmem>>, %arg2: memref<32x2x512xi32, #tpu.memory_space<vmem>>) attributes {dimension_semantics = [#tpu.dimension_semantics<arbitrary>], iteration_bounds = array<i64: 98>, scalar_prefetch = 0 : i64, scratch_operands = 0 : i64, tpu.core_type = #tpu.core_type<tc>, window_params = [{transform_indices = @transform_0, window_bounds = array<i64: 2, 16384>}, {transform_indices = @transform_1, window_bounds = array<i64: 32, 2, 512>}]} {
    %get3A = arith.constant 0 : index
    %get3A_0 = arith.constant 0 : index
    %get3A_1 = vector.load %arg1[%get3A, %get3A_0] : memref<2x16384xi32, #tpu.memory_space<vmem>>, vector<2x16384xi32>
    %iota3A = tpu.iota {dimensions = array<i32: 0>} : vector<32x512xi32>
    %iota3A_2 = tpu.iota {dimensions = array<i32: 1>} : vector<32x512xi32>
    %mul3A = arith.constant 16384 : i32
    %mul3A_3 = arith.muli %arg0, %mul3A : i32
    %mul3A_4 = arith.constant 512 : i32
    %mul3A_5 = vector.broadcast %mul3A_4 : i32 to vector<32x512xi32>
    %mul3A_6 = arith.muli %iota3A, %mul3A_5 : vector<32x512xi32>
    %add3A = vector.broadcast %mul3A_3 : i32 to vector<32x512xi32>
    %add3A_7 = arith.addi %add3A, %mul3A_6 : vector<32x512xi32>
    %add3A_8 = arith.addi %add3A_7, %iota3A_2 : vector<32x512xi32>
    %lt3A = arith.constant 1600000 : i32
    %lt3A_9 = vector.broadcast %lt3A : i32 to vector<32x512xi32>
    %lt3A_10 = arith.cmpi slt, %add3A_8, %lt3A_9 : vector<32x512xi32>
    %rem3A = arith.constant 256 : i32
    %rem3A_11 = vector.broadcast %rem3A : i32 to vector<32x512xi32>
    %rem3A_12 = arith.remsi %add3A_8, %rem3A_11 : vector<32x512xi32>
    %add3A_13 = arith.constant 100000 : i32
    %add3A_14 = vector.broadcast %add3A_13 : i32 to vector<32x512xi32>
    %add3A_15 = arith.addi %add3A_14, %rem3A_12 : vector<32x512xi32>
    %slice3A = vector.extract_strided_slice %get3A_1 {offsets = [0, 0], sizes = [1, 16384], strides = [1, 1]} : vector<2x16384xi32> to vector<1x16384xi32>
    %squeeze3A = vector.shape_cast %slice3A : vector<1x16384xi32> to vector<16384xi32>
    %reshape3A = vector.shape_cast %squeeze3A : vector<16384xi32> to vector<32x512xi32>
    %select_n3A = arith.select %lt3A_10, %reshape3A, %add3A_15 : vector<32x512xi1>, vector<32x512xi32>
    %slice3A_16 = vector.extract_strided_slice %get3A_1 {offsets = [1, 0], sizes = [1, 16384], strides = [1, 1]} : vector<2x16384xi32> to vector<1x16384xi32>
    %squeeze3A_17 = vector.shape_cast %slice3A_16 : vector<1x16384xi32> to vector<16384xi32>
    %reshape3A_18 = vector.shape_cast %squeeze3A_17 : vector<16384xi32> to vector<32x512xi32>
    %select_n3A_19 = arith.select %lt3A_10, %reshape3A_18, %add3A_15 : vector<32x512xi1>, vector<32x512xi32>
    %broadcast_in_dim3A = vector.shape_cast %select_n3A : vector<32x512xi32> to vector<32x1x512xi32>
    %broadcast_in_dim3A_20 = vector.shape_cast %select_n3A_19 : vector<32x512xi32> to vector<32x1x512xi32>
    %concatenate3A = tpu.concatenate %broadcast_in_dim3A, %broadcast_in_dim3A_20 in 1 : vector<32x1x512xi32>, vector<32x1x512xi32> -> vector<32x2x512xi32>
    %swap3A = arith.constant 0 : index
    %swap3A_21 = arith.constant 0 : index
    %swap3A_22 = arith.constant 0 : index
    %swap3A_23 = vector.load %arg2[%swap3A, %swap3A_21, %swap3A_22] : memref<32x2x512xi32, #tpu.memory_space<vmem>>, vector<32x2x512xi32>
    tpu.vector_store %arg2[%swap3A, %swap3A_21, %swap3A_22], %concatenate3A {strides = array<i32>} : memref<32x2x512xi32, #tpu.memory_space<vmem>>, vector<32x2x512xi32>,
    return
  }
  func.func @transform_0(%arg0: i32) -> (i32, i32) {
    %c0_i32 = arith.constant 0 : i32
    %c0_i32_0 = arith.constant 0 : i32
    return %c0_i32, %arg0 : i32, i32
  }
  func.func @transform_1(%arg0: i32) -> (i32, i32, i32) {
    %c0_i32 = arith.constant 0 : i32
    %c0_i32_0 = arith.constant 0 : i32
    %c0_i32_1 = arith.constant 0 : i32
    return %arg0, %c0_i32, %c0_i32_0 : i32, i32, i32
  }
}

module attributes {stable_mosaic.version = 14 : i64} {
  func.func @_tc1_body(%arg0: i32, %arg1: memref<1024x32xbf16, #tpu.memory_space<vmem>>, %arg2: memref<1024x32xbf16, #tpu.memory_space<vmem>>, %arg3: memref<1024x8xf32, #tpu.memory_space<vmem>>, %arg4: memref<1024x8xf32, #tpu.memory_space<vmem>>, %arg5: memref<1024x38xf32, #tpu.memory_space<vmem>>, %arg6: memref<40x64xf32, #tpu.memory_space<vmem>>, %arg7: memref<38x64xf32, #tpu.memory_space<vmem>>, %arg8: memref<1x64xf32, #tpu.memory_space<vmem>>, %arg9: memref<64x32xf32, #tpu.memory_space<vmem>>, %arg10: memref<1024x64xf32, #tpu.memory_space<vmem>>, %arg11: memref<1024x32xbf16, #tpu.memory_space<vmem>>) attributes {dimension_semantics = [#tpu.dimension_semantics<arbitrary>], iteration_bounds = array<i64: 98>, scalar_prefetch = 0 : i64, scratch_operands = 0 : i64, tpu.core_type = #tpu.core_type<tc>, window_params = [{transform_indices = @transform_0, window_bounds = array<i64: 1024, 32>}, {transform_indices = @transform_1, window_bounds = array<i64: 1024, 32>}, {transform_indices = @transform_2, window_bounds = array<i64: 1024, 8>}, {transform_indices = @transform_3, window_bounds = array<i64: 1024, 8>}, {transform_indices = @transform_4, window_bounds = array<i64: 1024, 38>}, {pipeline_mode = #tpu.pipeline_mode<synchronous>, transform_indices = @transform_5, window_bounds = array<i64: 40, 64>}, {pipeline_mode = #tpu.pipeline_mode<synchronous>, transform_indices = @transform_6, window_bounds = array<i64: 38, 64>}, {pipeline_mode = #tpu.pipeline_mode<synchronous>, transform_indices = @transform_7, window_bounds = array<i64: 1, 64>}, {pipeline_mode = #tpu.pipeline_mode<synchronous>, transform_indices = @transform_8, window_bounds = array<i64: 64, 32>}, {transform_indices = @transform_9, window_bounds = array<i64: 1024, 64>}, {transform_indices = @transform_10, window_bounds = array<i64: 1024, 32>}]} {
    %get3A = arith.constant 0 : index
    %get3A_0 = arith.constant 0 : index
    %get3A_1 = vector.load %arg6[%get3A, %get3A_0] : memref<40x64xf32, #tpu.memory_space<vmem>>, vector<40x64xf32>
    %get3A_2 = arith.constant 0 : index
    %get3A_3 = arith.constant 0 : index
    %get3A_4 = vector.load %arg1[%get3A_2, %get3A_3] : memref<1024x32xbf16, #tpu.memory_space<vmem>>, vector<1024x32xbf16>
    %convert_element_type3A = arith.extf %get3A_4 : vector<1024x32xbf16> to vector<1024x32xf32>
    %get3A_5 = arith.constant 0 : index
    %get3A_6 = arith.constant 0 : index
    %get3A_7 = vector.load %arg2[%get3A_5, %get3A_6] : memref<1024x32xbf16, #tpu.memory_space<vmem>>, vector<1024x32xbf16>
    %convert_element_type3A_8 = arith.extf %get3A_7 : vector<1024x32xbf16> to vector<1024x32xf32>
    %add3A = arith.addf %convert_element_type3A, %convert_element_type3A_8 : vector<1024x32xf32>
    %slice3A = vector.extract_strided_slice %get3A_1 {offsets = [0, 0], sizes = [32, 64], strides = [1, 1]} : vector<40x64xf32> to vector<32x64xf32>
    %dot_general3A = arith.constant dense<0.000000e+00> : vector<1024x64xf32>
    %dot_general3A_9 = tpu.matmul %add3A, %slice3A, %dot_general3A {dimension_numbers = #tpu.dot_dimension_numbers<[1], [0], [0], [1], [0, 0, 1, 1], [], []>, transpose_lhs_hint = false} : vector<1024x32xf32>, vector<32x64xf32>, vector<1024x64xf32> -> vector<1024x64xf32>
    %get3A_10 = arith.constant 0 : index
    %get3A_11 = arith.constant 0 : index
    %get3A_12 = vector.load %arg3[%get3A_10, %get3A_11] : memref<1024x8xf32, #tpu.memory_space<vmem>>, vector<1024x8xf32>
    %get3A_13 = arith.constant 0 : index
    %get3A_14 = arith.constant 0 : index
    %get3A_15 = vector.load %arg4[%get3A_13, %get3A_14] : memref<1024x8xf32, #tpu.memory_space<vmem>>, vector<1024x8xf32>
    %add3A_16 = arith.addf %get3A_12, %get3A_15 : vector<1024x8xf32>
    %slice3A_17 = vector.extract_strided_slice %get3A_1 {offsets = [32, 0], sizes = [8, 64], strides = [1, 1]} : vector<40x64xf32> to vector<8x64xf32>
    %dot_general3A_18 = arith.constant dense<0.000000e+00> : vector<1024x64xf32>
    %dot_general3A_19 = tpu.matmul %add3A_16, %slice3A_17, %dot_general3A_18 {dimension_numbers = #tpu.dot_dimension_numbers<[1], [0], [0], [1], [0, 0, 1, 1], [], []>, transpose_lhs_hint = false} : vector<1024x8xf32>, vector<8x64xf32>, vector<1024x64xf32> -> vector<1024x64xf32>
    %add3A_20 = arith.addf %dot_general3A_9, %dot_general3A_19 : vector<1024x64xf32>
    %get3A_21 = arith.constant 0 : index
    %get3A_22 = arith.constant 0 : index
    %get3A_23 = vector.load %arg5[%get3A_21, %get3A_22] : memref<1024x38xf32, #tpu.memory_space<vmem>>, vector<1024x38xf32>
    %get3A_24 = arith.constant 0 : index
    %get3A_25 = arith.constant 0 : index
    %get3A_26 = vector.load %arg7[%get3A_24, %get3A_25] : memref<38x64xf32, #tpu.memory_space<vmem>>, vector<38x64xf32>
    %dot_general3A_27 = arith.constant dense<0.000000e+00> : vector<1024x64xf32>
    %dot_general3A_28 = tpu.matmul %get3A_23, %get3A_26, %dot_general3A_27 {dimension_numbers = #tpu.dot_dimension_numbers<[1], [0], [0], [1], [0, 0, 1, 1], [], []>, transpose_lhs_hint = false} : vector<1024x38xf32>, vector<38x64xf32>, vector<1024x64xf32> -> vector<1024x64xf32>
    %add3A_29 = arith.addf %add3A_20, %dot_general3A_28 : vector<1024x64xf32>
    %get3A_30 = arith.constant 0 : index
    %get3A_31 = arith.constant 0 : index
    %get3A_32 = vector.load %arg8[%get3A_30, %get3A_31] : memref<1x64xf32, #tpu.memory_space<vmem>>, vector<1x64xf32>
    %add3A_33 = vector.broadcast %get3A_32 : vector<1x64xf32> to vector<1024x64xf32>
    %add3A_34 = arith.addf %add3A_29, %add3A_33 : vector<1024x64xf32>
    %tanh3A = math.tanh %add3A_34 : vector<1024x64xf32>
    %swap3A = arith.constant 0 : index
    %swap3A_35 = arith.constant 0 : index
    %swap3A_36 = vector.load %arg10[%swap3A, %swap3A_35] : memref<1024x64xf32, #tpu.memory_space<vmem>>, vector<1024x64xf32>
    tpu.vector_store %arg10[%swap3A, %swap3A_35], %tanh3A {strides = array<i32>} : memref<1024x64xf32, #tpu.memory_space<vmem>>, vector<1024x64xf32>,
    %get3A_37 = arith.constant 0 : index
    %get3A_38 = arith.constant 0 : index
    %get3A_39 = vector.load %arg9[%get3A_37, %get3A_38] : memref<64x32xf32, #tpu.memory_space<vmem>>, vector<64x32xf32>
    %dot_general3A_40 = arith.constant dense<0.000000e+00> : vector<1024x32xf32>
    %dot_general3A_41 = tpu.matmul %tanh3A, %get3A_39, %dot_general3A_40 {dimension_numbers = #tpu.dot_dimension_numbers<[1], [0], [0], [1], [0, 0, 1, 1], [], []>, transpose_lhs_hint = false} : vector<1024x64xf32>, vector<64x32xf32>, vector<1024x32xf32> -> vector<1024x32xf32>
    %convert_element_type3A_42 = arith.truncf %dot_general3A_41 : vector<1024x32xf32> to vector<1024x32xbf16>
    %swap3A_43 = arith.constant 0 : index
    %swap3A_44 = arith.constant 0 : index
    %swap3A_45 = vector.load %arg11[%swap3A_43, %swap3A_44] : memref<1024x32xbf16, #tpu.memory_space<vmem>>, vector<1024x32xbf16>
    tpu.vector_store %arg11[%swap3A_43, %swap3A_44], %convert_element_type3A_42 {strides = array<i32>} : memref<1024x32xbf16, #tpu.memory_space<vmem>>, vector<1024x32xbf16>,
    return
  }
  func.func @transform_0(%arg0: i32) -> (i32, i32) {
    %c0_i32 = arith.constant 0 : i32
    %c0_i32_0 = arith.constant 0 : i32
    return %arg0, %c0_i32 : i32, i32
  }
  func.func @transform_1(%arg0: i32) -> (i32, i32) {
    %c0_i32 = arith.constant 0 : i32
    %c0_i32_0 = arith.constant 0 : i32
    return %arg0, %c0_i32 : i32, i32
  }
  func.func @transform_2(%arg0: i32) -> (i32, i32) {
    %c0_i32 = arith.constant 0 : i32
    %c0_i32_0 = arith.constant 0 : i32
    return %arg0, %c0_i32 : i32, i32
  }
  func.func @transform_3(%arg0: i32) -> (i32, i32) {
    %c0_i32 = arith.constant 0 : i32
    %c0_i32_0 = arith.constant 0 : i32
    return %arg0, %c0_i32 : i32, i32
  }
  func.func @transform_4(%arg0: i32) -> (i32, i32) {
    %c0_i32 = arith.constant 0 : i32
    %c0_i32_0 = arith.constant 0 : i32
    return %arg0, %c0_i32 : i32, i32
  }
  func.func @transform_5(%arg0: i32) -> (i32, i32) {
    %c0_i32 = arith.constant 0 : i32
    %c0_i32_0 = arith.constant 0 : i32
    %c0_i32_1 = arith.constant 0 : i32
    return %c0_i32, %c0_i32_0 : i32, i32
  }
  func.func @transform_6(%arg0: i32) -> (i32, i32) {
    %c0_i32 = arith.constant 0 : i32
    %c0_i32_0 = arith.constant 0 : i32
    %c0_i32_1 = arith.constant 0 : i32
    return %c0_i32, %c0_i32_0 : i32, i32
  }
  func.func @transform_7(%arg0: i32) -> (i32, i32) {
    %c0_i32 = arith.constant 0 : i32
    %c0_i32_0 = arith.constant 0 : i32
    %c0_i32_1 = arith.constant 0 : i32
    return %c0_i32, %c0_i32_0 : i32, i32
  }
  func.func @transform_8(%arg0: i32) -> (i32, i32) {
    %c0_i32 = arith.constant 0 : i32
    %c0_i32_0 = arith.constant 0 : i32
    %c0_i32_1 = arith.constant 0 : i32
    return %c0_i32, %c0_i32_0 : i32, i32
  }
  func.func @transform_9(%arg0: i32) -> (i32, i32) {
    %c0_i32 = arith.constant 0 : i32
    %c0_i32_0 = arith.constant 0 : i32
    return %arg0, %c0_i32 : i32, i32
  }
  func.func @transform_10(%arg0: i32) -> (i32, i32) {
    %c0_i32 = arith.constant 0 : i32
    %c0_i32_0 = arith.constant 0 : i32
    return %arg0, %c0_i32 : i32, i32
  }
}

module attributes {stable_mosaic.version = 14 : i64} {
  func.func @_tc2_body(%arg0: i32, %arg1: memref<1024x32xbf16, #tpu.memory_space<vmem>>, %arg2: memref<1024x32xbf16, #tpu.memory_space<vmem>>, %arg3: memref<1024x64xf32, #tpu.memory_space<vmem>>, %arg4: memref<64x32xf32, #tpu.memory_space<vmem>>, %arg5: memref<1x32xf32, #tpu.memory_space<vmem>>, %arg6: memref<32x16xf32, #tpu.memory_space<vmem>>, %arg7: memref<1024x32xf32, #tpu.memory_space<vmem>>, %arg8: memref<1024x16xf32, #tpu.memory_space<vmem>>) attributes {dimension_semantics = [#tpu.dimension_semantics<arbitrary>], iteration_bounds = array<i64: 98>, scalar_prefetch = 0 : i64, scratch_operands = 0 : i64, tpu.core_type = #tpu.core_type<tc>, window_params = [{transform_indices = @transform_0, window_bounds = array<i64: 1024, 32>}, {transform_indices = @transform_1, window_bounds = array<i64: 1024, 32>}, {transform_indices = @transform_2, window_bounds = array<i64: 1024, 64>}, {pipeline_mode = #tpu.pipeline_mode<synchronous>, transform_indices = @transform_3, window_bounds = array<i64: 64, 32>}, {pipeline_mode = #tpu.pipeline_mode<synchronous>, transform_indices = @transform_4, window_bounds = array<i64: 1, 32>}, {pipeline_mode = #tpu.pipeline_mode<synchronous>, transform_indices = @transform_5, window_bounds = array<i64: 32, 16>}, {transform_indices = @transform_6, window_bounds = array<i64: 1024, 32>}, {transform_indices = @transform_7, window_bounds = array<i64: 1024, 16>}]} {
    %get3A = arith.constant 0 : index
    %get3A_0 = arith.constant 0 : index
    %get3A_1 = vector.load %arg1[%get3A, %get3A_0] : memref<1024x32xbf16, #tpu.memory_space<vmem>>, vector<1024x32xbf16>
    %convert_element_type3A = arith.extf %get3A_1 : vector<1024x32xbf16> to vector<1024x32xf32>
    %get3A_2 = arith.constant 0 : index
    %get3A_3 = arith.constant 0 : index
    %get3A_4 = vector.load %arg2[%get3A_2, %get3A_3] : memref<1024x32xbf16, #tpu.memory_space<vmem>>, vector<1024x32xbf16>
    %convert_element_type3A_5 = arith.extf %get3A_4 : vector<1024x32xbf16> to vector<1024x32xf32>
    %add3A = arith.addf %convert_element_type3A, %convert_element_type3A_5 : vector<1024x32xf32>
    %get3A_6 = arith.constant 0 : index
    %get3A_7 = arith.constant 0 : index
    %get3A_8 = vector.load %arg3[%get3A_6, %get3A_7] : memref<1024x64xf32, #tpu.memory_space<vmem>>, vector<1024x64xf32>
    %get3A_9 = arith.constant 0 : index
    %get3A_10 = arith.constant 0 : index
    %get3A_11 = vector.load %arg4[%get3A_9, %get3A_10] : memref<64x32xf32, #tpu.memory_space<vmem>>, vector<64x32xf32>
    %dot_general3A = arith.constant dense<0.000000e+00> : vector<1024x32xf32>
    %dot_general3A_12 = tpu.matmul %get3A_8, %get3A_11, %dot_general3A {dimension_numbers = #tpu.dot_dimension_numbers<[1], [0], [0], [1], [0, 0, 1, 1], [], []>, transpose_lhs_hint = false} : vector<1024x64xf32>, vector<64x32xf32>, vector<1024x32xf32> -> vector<1024x32xf32>
    %add3A_13 = arith.addf %add3A, %dot_general3A_12 : vector<1024x32xf32>
    %get3A_14 = arith.constant 0 : index
    %get3A_15 = arith.constant 0 : index
    %get3A_16 = vector.load %arg5[%get3A_14, %get3A_15] : memref<1x32xf32, #tpu.memory_space<vmem>>, vector<1x32xf32>
    %add3A_17 = vector.broadcast %get3A_16 : vector<1x32xf32> to vector<1024x32xf32>
    %add3A_18 = arith.addf %add3A_13, %add3A_17 : vector<1024x32xf32>
    %tanh3A = math.tanh %add3A_18 : vector<1024x32xf32>
    %swap3A = arith.constant 0 : index
    %swap3A_19 = arith.constant 0 : index
    %swap3A_20 = vector.load %arg7[%swap3A, %swap3A_19] : memref<1024x32xf32, #tpu.memory_space<vmem>>, vector<1024x32xf32>
    tpu.vector_store %arg7[%swap3A, %swap3A_19], %tanh3A {strides = array<i32>} : memref<1024x32xf32, #tpu.memory_space<vmem>>, vector<1024x32xf32>,
    %get3A_21 = arith.constant 0 : index
    %get3A_22 = arith.constant 0 : index
    %get3A_23 = vector.load %arg6[%get3A_21, %get3A_22] : memref<32x16xf32, #tpu.memory_space<vmem>>, vector<32x16xf32>
    %dot_general3A_24 = arith.constant dense<0.000000e+00> : vector<1024x16xf32>
    %dot_general3A_25 = tpu.matmul %tanh3A, %get3A_23, %dot_general3A_24 {dimension_numbers = #tpu.dot_dimension_numbers<[1], [0], [0], [1], [0, 0, 1, 1], [], []>, transpose_lhs_hint = false} : vector<1024x32xf32>, vector<32x16xf32>, vector<1024x16xf32> -> vector<1024x16xf32>
    %swap3A_26 = arith.constant 0 : index
    %swap3A_27 = arith.constant 0 : index
    %swap3A_28 = vector.load %arg8[%swap3A_26, %swap3A_27] : memref<1024x16xf32, #tpu.memory_space<vmem>>, vector<1024x16xf32>
    tpu.vector_store %arg8[%swap3A_26, %swap3A_27], %dot_general3A_25 {strides = array<i32>} : memref<1024x16xf32, #tpu.memory_space<vmem>>, vector<1024x16xf32>,
    return
  }
  func.func @transform_0(%arg0: i32) -> (i32, i32) {
    %c0_i32 = arith.constant 0 : i32
    %c0_i32_0 = arith.constant 0 : i32
    return %arg0, %c0_i32 : i32, i32
  }
  func.func @transform_1(%arg0: i32) -> (i32, i32) {
    %c0_i32 = arith.constant 0 : i32
    %c0_i32_0 = arith.constant 0 : i32
    return %arg0, %c0_i32 : i32, i32
  }
  func.func @transform_2(%arg0: i32) -> (i32, i32) {
    %c0_i32 = arith.constant 0 : i32
    %c0_i32_0 = arith.constant 0 : i32
    return %arg0, %c0_i32 : i32, i32
  }
  func.func @transform_3(%arg0: i32) -> (i32, i32) {
    %c0_i32 = arith.constant 0 : i32
    %c0_i32_0 = arith.constant 0 : i32
    %c0_i32_1 = arith.constant 0 : i32
    return %c0_i32, %c0_i32_0 : i32, i32
  }
  func.func @transform_4(%arg0: i32) -> (i32, i32) {
    %c0_i32 = arith.constant 0 : i32
    %c0_i32_0 = arith.constant 0 : i32
    %c0_i32_1 = arith.constant 0 : i32
    return %c0_i32, %c0_i32_0 : i32, i32
  }
  func.func @transform_5(%arg0: i32) -> (i32, i32) {
    %c0_i32 = arith.constant 0 : i32
    %c0_i32_0 = arith.constant 0 : i32
    %c0_i32_1 = arith.constant 0 : i32
    return %c0_i32, %c0_i32_0 : i32, i32
  }
  func.func @transform_6(%arg0: i32) -> (i32, i32) {
    %c0_i32 = arith.constant 0 : i32
    %c0_i32_0 = arith.constant 0 : i32
    return %arg0, %c0_i32 : i32, i32
  }
  func.func @transform_7(%arg0: i32) -> (i32, i32) {
    %c0_i32 = arith.constant 0 : i32
    %c0_i32_0 = arith.constant 0 : i32
    return %arg0, %c0_i32 : i32, i32
  }
}

module attributes {stable_mosaic.version = 14 : i64} {
  func.func @_tc3_body(%arg0: i32, %arg1: memref<1024x16xf32, #tpu.memory_space<vmem>>, %arg2: memref<1024x16xf32, #tpu.memory_space<vmem>>, %arg3: memref<1024x32xf32, #tpu.memory_space<vmem>>, %arg4: memref<32x16xf32, #tpu.memory_space<vmem>>, %arg5: memref<1x16xf32, #tpu.memory_space<vmem>>, %arg6: memref<1024x1xi32, #tpu.memory_space<vmem>>, %arg7: memref<64x16xf32, #tpu.memory_space<vmem>>, %arg8: memref<64x16xf32, #tpu.memory_space<vmem>>, %arg9: memref<64x16xf32, #tpu.memory_space<vmem>>) attributes {dimension_semantics = [#tpu.dimension_semantics<arbitrary>], iteration_bounds = array<i64: 98>, scalar_prefetch = 0 : i64, scratch_operands = 2 : i64, tpu.core_type = #tpu.core_type<tc>, window_params = [{transform_indices = @transform_0, window_bounds = array<i64: 1024, 16>}, {transform_indices = @transform_1, window_bounds = array<i64: 1024, 16>}, {transform_indices = @transform_2, window_bounds = array<i64: 1024, 32>}, {pipeline_mode = #tpu.pipeline_mode<synchronous>, transform_indices = @transform_3, window_bounds = array<i64: 32, 16>}, {pipeline_mode = #tpu.pipeline_mode<synchronous>, transform_indices = @transform_4, window_bounds = array<i64: 1, 16>}, {transform_indices = @transform_5, window_bounds = array<i64: 1024, 1>}, {pipeline_mode = #tpu.pipeline_mode<synchronous>, transform_indices = @transform_6, window_bounds = array<i64: 64, 16>}]} {
    %eq3A = arith.constant 0 : i32
    %eq3A_0 = arith.cmpi eq, %arg0, %eq3A : i32
    %convert_element_type3A = arith.extui %eq3A_0 : i1 to i32
    %cond3A = arith.constant 0 : i32
    %cond3A_1 = arith.cmpi ne, %convert_element_type3A, %cond3A : i32
    scf.if %cond3A_1 {
      %broadcast_in_dim3A_58 = arith.constant 0.000000e+00 : f32
      %broadcast_in_dim3A_59 = vector.broadcast %broadcast_in_dim3A_58 : f32 to vector<64x16xf32>
      %swap3A_60 = arith.constant 0 : index
      %swap3A_61 = arith.constant 0 : index
      %swap3A_62 = vector.load %arg8[%swap3A_60, %swap3A_61] : memref<64x16xf32, #tpu.memory_space<vmem>>, vector<64x16xf32>
      tpu.vector_store %arg8[%swap3A_60, %swap3A_61], %broadcast_in_dim3A_59 {strides = array<i32>} : memref<64x16xf32, #tpu.memory_space<vmem>>, vector<64x16xf32>,
      %broadcast_in_dim3A_63 = arith.constant 0.000000e+00 : f32
      %broadcast_in_dim3A_64 = vector.broadcast %broadcast_in_dim3A_63 : f32 to vector<64x16xf32>
      %swap3A_65 = arith.constant 0 : index
      %swap3A_66 = arith.constant 0 : index
      %swap3A_67 = vector.load %arg9[%swap3A_65, %swap3A_66] : memref<64x16xf32, #tpu.memory_space<vmem>>, vector<64x16xf32>
      tpu.vector_store %arg9[%swap3A_65, %swap3A_66], %broadcast_in_dim3A_64 {strides = array<i32>} : memref<64x16xf32, #tpu.memory_space<vmem>>, vector<64x16xf32>,
    } else {
    }
    %get3A = arith.constant 0 : index
    %get3A_2 = arith.constant 0 : index
    %get3A_3 = vector.load %arg1[%get3A, %get3A_2] : memref<1024x16xf32, #tpu.memory_space<vmem>>, vector<1024x16xf32>
    %get3A_4 = arith.constant 0 : index
    %get3A_5 = arith.constant 0 : index
    %get3A_6 = vector.load %arg2[%get3A_4, %get3A_5] : memref<1024x16xf32, #tpu.memory_space<vmem>>, vector<1024x16xf32>
    %add3A = arith.addf %get3A_3, %get3A_6 : vector<1024x16xf32>
    %get3A_7 = arith.constant 0 : index
    %get3A_8 = arith.constant 0 : index
    %get3A_9 = vector.load %arg3[%get3A_7, %get3A_8] : memref<1024x32xf32, #tpu.memory_space<vmem>>, vector<1024x32xf32>
    %get3A_10 = arith.constant 0 : index
    %get3A_11 = arith.constant 0 : index
    %get3A_12 = vector.load %arg4[%get3A_10, %get3A_11] : memref<32x16xf32, #tpu.memory_space<vmem>>, vector<32x16xf32>
    %dot_general3A = arith.constant dense<0.000000e+00> : vector<1024x16xf32>
    %dot_general3A_13 = tpu.matmul %get3A_9, %get3A_12, %dot_general3A {dimension_numbers = #tpu.dot_dimension_numbers<[1], [0], [0], [1], [0, 0, 1, 1], [], []>, transpose_lhs_hint = false} : vector<1024x32xf32>, vector<32x16xf32>, vector<1024x16xf32> -> vector<1024x16xf32>
    %add3A_14 = arith.addf %add3A, %dot_general3A_13 : vector<1024x16xf32>
    %get3A_15 = arith.constant 0 : index
    %get3A_16 = arith.constant 0 : index
    %get3A_17 = vector.load %arg5[%get3A_15, %get3A_16] : memref<1x16xf32, #tpu.memory_space<vmem>>, vector<1x16xf32>
    %add3A_18 = vector.broadcast %get3A_17 : vector<1x16xf32> to vector<1024x16xf32>
    %add3A_19 = arith.addf %add3A_14, %add3A_18 : vector<1024x16xf32>
    %get3A_20 = arith.constant 0 : index
    %get3A_21 = arith.constant 0 : index
    %get3A_22 = vector.load %arg6[%get3A_20, %get3A_21] : memref<1024x1xi32, #tpu.memory_space<vmem>>, vector<1024x1xi32>
    %lt3A = arith.constant 64 : i32
    %lt3A_23 = vector.broadcast %lt3A : i32 to vector<1024x1xi32>
    %lt3A_24 = arith.cmpi slt, %get3A_22, %lt3A_23 : vector<1024x1xi32>
    %jit3A = arith.constant 0.000000e+00 : f32
    %broadcast_in_dim3A = vector.shape_cast %lt3A_24 : vector<1024x1xi1> to vector<1024x1xi1>
    %broadcast_in_dim3A_25 = vector.broadcast %broadcast_in_dim3A : vector<1024x1xi1> to vector<1024x16xi1>
    %broadcast_in_dim3A_26 = vector.broadcast %jit3A : f32 to vector<1024x16xf32>
    %select_n3A = arith.select %broadcast_in_dim3A_25, %add3A_19, %broadcast_in_dim3A_26 : vector<1024x16xi1>, vector<1024x16xf32>
    %get3A_27 = arith.constant 0 : index
    %get3A_28 = arith.constant 0 : index
    %get3A_29 = vector.load %arg6[%get3A_27, %get3A_28] : memref<1024x1xi32, #tpu.memory_space<vmem>>, vector<1024x1xi32>
    %iota3A = tpu.iota {dimensions = array<i32: 1>} : vector<1024x64xi32>
    %eq3A_30 = vector.broadcast %get3A_29 : vector<1024x1xi32> to vector<1024x64xi32>
    %eq3A_31 = arith.cmpi eq, %eq3A_30, %iota3A : vector<1024x64xi32>
    %convert_element_type3A_32 = arith.extui %eq3A_31 : vector<1024x64xi1> to vector<1024x64xi32>
    %convert_element_type3A_33 = arith.sitofp %convert_element_type3A_32 : vector<1024x64xi32> to vector<1024x64xf32>
    %get3A_34 = arith.constant 0 : index
    %get3A_35 = arith.constant 0 : index
    %get3A_36 = vector.load %arg8[%get3A_34, %get3A_35] : memref<64x16xf32, #tpu.memory_space<vmem>>, vector<64x16xf32>
    %dot_general3A_37 = arith.constant dense<0.000000e+00> : vector<64x16xf32>
    %dot_general3A_38 = tpu.matmul %convert_element_type3A_33, %select_n3A, %dot_general3A_37 {dimension_numbers = #tpu.dot_dimension_numbers<[0], [0], [1], [1], [0, 1, 1, 1], [], []>, transpose_lhs_hint = false} : vector<1024x64xf32>, vector<1024x16xf32>, vector<64x16xf32> -> vector<64x16xf32>
    %add3A_39 = arith.addf %get3A_36, %dot_general3A_38 : vector<64x16xf32>
    %swap3A = arith.constant 0 : index
    %swap3A_40 = arith.constant 0 : index
    %swap3A_41 = vector.load %arg8[%swap3A, %swap3A_40] : memref<64x16xf32, #tpu.memory_space<vmem>>, vector<64x16xf32>
    tpu.vector_store %arg8[%swap3A, %swap3A_40], %add3A_39 {strides = array<i32>} : memref<64x16xf32, #tpu.memory_space<vmem>>, vector<64x16xf32>,
    %get3A_42 = arith.constant 0 : index
    %get3A_43 = arith.constant 0 : index
    %get3A_44 = vector.load %arg9[%get3A_42, %get3A_43] : memref<64x16xf32, #tpu.memory_space<vmem>>, vector<64x16xf32>
    %broadcast_in_dim3A_45 = arith.constant 1.000000e+00 : f32
    %broadcast_in_dim3A_46 = vector.broadcast %broadcast_in_dim3A_45 : f32 to vector<1024x16xf32>
    %dot_general3A_47 = arith.constant dense<0.000000e+00> : vector<64x16xf32>
    %dot_general3A_48 = tpu.matmul %convert_element_type3A_33, %broadcast_in_dim3A_46, %dot_general3A_47 {dimension_numbers = #tpu.dot_dimension_numbers<[0], [0], [1], [1], [0, 1, 1, 1], [], []>, transpose_lhs_hint = false} : vector<1024x64xf32>, vector<1024x16xf32>, vector<64x16xf32> -> vector<64x16xf32>
    %add3A_49 = arith.addf %get3A_44, %dot_general3A_48 : vector<64x16xf32>
    %swap3A_50 = arith.constant 0 : index
    %swap3A_51 = arith.constant 0 : index
    %swap3A_52 = vector.load %arg9[%swap3A_50, %swap3A_51] : memref<64x16xf32, #tpu.memory_space<vmem>>, vector<64x16xf32>
    tpu.vector_store %arg9[%swap3A_50, %swap3A_51], %add3A_49 {strides = array<i32>} : memref<64x16xf32, #tpu.memory_space<vmem>>, vector<64x16xf32>,
    %eq3A_53 = arith.constant 97 : i32
    %eq3A_54 = arith.cmpi eq, %arg0, %eq3A_53 : i32
    %convert_element_type3A_55 = arith.extui %eq3A_54 : i1 to i32
    %cond3A_56 = arith.constant 0 : i32
    %cond3A_57 = arith.cmpi ne, %convert_element_type3A_55, %cond3A_56 : i32
    scf.if %cond3A_57 {
      %get3A_58 = arith.constant 0 : index
      %get3A_59 = arith.constant 0 : index
      %get3A_60 = vector.load %arg8[%get3A_58, %get3A_59] : memref<64x16xf32, #tpu.memory_space<vmem>>, vector<64x16xf32>
      %get3A_61 = arith.constant 0 : index
      %get3A_62 = arith.constant 0 : index
      %get3A_63 = vector.load %arg9[%get3A_61, %get3A_62] : memref<64x16xf32, #tpu.memory_space<vmem>>, vector<64x16xf32>
      %max3A = arith.constant 1.000000e+00 : f32
      %max3A_64 = vector.broadcast %max3A : f32 to vector<64x16xf32>
      %max3A_65 = arith.maximumf %get3A_63, %max3A_64 : vector<64x16xf32>
      %div3A = arith.divf %get3A_60, %max3A_65 : vector<64x16xf32>
      %tanh3A = math.tanh %div3A : vector<64x16xf32>
      %swap3A_66 = arith.constant 0 : index
      %swap3A_67 = arith.constant 0 : index
      %swap3A_68 = vector.load %arg7[%swap3A_66, %swap3A_67] : memref<64x16xf32, #tpu.memory_space<vmem>>, vector<64x16xf32>
      tpu.vector_store %arg7[%swap3A_66, %swap3A_67], %tanh3A {strides = array<i32>} : memref<64x16xf32, #tpu.memory_space<vmem>>, vector<64x16xf32>,
    } else {
    }
    return
  }
  func.func @transform_0(%arg0: i32) -> (i32, i32) {
    %c0_i32 = arith.constant 0 : i32
    %c0_i32_0 = arith.constant 0 : i32
    return %arg0, %c0_i32 : i32, i32
  }
  func.func @transform_1(%arg0: i32) -> (i32, i32) {
    %c0_i32 = arith.constant 0 : i32
    %c0_i32_0 = arith.constant 0 : i32
    return %arg0, %c0_i32 : i32, i32
  }
  func.func @transform_2(%arg0: i32) -> (i32, i32) {
    %c0_i32 = arith.constant 0 : i32
    %c0_i32_0 = arith.constant 0 : i32
    return %arg0, %c0_i32 : i32, i32
  }
  func.func @transform_3(%arg0: i32) -> (i32, i32) {
    %c0_i32 = arith.constant 0 : i32
    %c0_i32_0 = arith.constant 0 : i32
    %c0_i32_1 = arith.constant 0 : i32
    return %c0_i32, %c0_i32_0 : i32, i32
  }
  func.func @transform_4(%arg0: i32) -> (i32, i32) {
    %c0_i32 = arith.constant 0 : i32
    %c0_i32_0 = arith.constant 0 : i32
    %c0_i32_1 = arith.constant 0 : i32
    return %c0_i32, %c0_i32_0 : i32, i32
  }
  func.func @transform_5(%arg0: i32) -> (i32, i32) {
    %c0_i32 = arith.constant 0 : i32
    %c0_i32_0 = arith.constant 0 : i32
    return %arg0, %c0_i32 : i32, i32
  }
  func.func @transform_6(%arg0: i32) -> (i32, i32) {
    %c0_i32 = arith.constant 0 : i32
    %c0_i32_0 = arith.constant 0 : i32
    %c0_i32_1 = arith.constant 0 : i32
    return %c0_i32, %c0_i32_0 : i32, i32
  }
}

</mosaic_0001>

<sc_bundles>
// kernel: kernel.10.cloned.1.call-start
scs
__scs_entry_jumppad:
0x0: {  	(pc) =	sbr.rel $0x88, $3  }
0x1: {  	(tag) =	ssettag $0x0;
	lr =	simm.s32 $0x1  }
0x2: {  	[smem:$0x3F95] =	sst lr;
	_ =	strace $0xD0000000  }
0x3: {  	_ = 	snop  }
0x4: {  	_ = 	snop  }
0x5: {  	_ = 	snop  }
0x6: {  	_ = 	snop  }
0x7: {  	_ = 	snop  }
__scs_overlays_trampoline_lowered:
0x8: {  	[smem:$0x3FA4] =	sst s0  }
0x9: {  	[smem:$0x3FA5] =	sst s1  }
0xa: {  	[smem:$0x3FA6] =	sst s2  }
0xb: {  	[smem:$0x3FA7] =	sst s3  }
0xc: {  	[smem:$0x3FA8] =	sst s4  }
0xd: {  	[smem:$0x3FA9] =	sst s5  }
0xe: {  	[smem:$0x3FAA] =	sst s6  }
0xf: {  	[smem:$0x3FAB] =	sst s7  }
0x10: {  	[smem:$0x3FAC] =	sst s8  }
0x11: {  	[smem:$0x3FAD] =	sst s9;
	s0 =	simm.s32 @!p0 $0x0  }
0x12: {  	s1 =	sld [smem:$0x3F93];
	s0 =	simm.s32 @p0 $0x1  }
0x13: {  	[smem:$0x3FAE] =	sst s0;
	s0 =	simm.s32 @!p1 $0x0  }
0x14: {  	s2 =	sld [smem:$0x3F92];
	s0 =	simm.s32 @p1 $0x1  }
0x15: {  	[smem:$0x3FAF] =	sst s0;
	s0 =	simm.s32 @!p2 $0x0  }
0x16: {  	s3 =	sld [smem:$0x3FDB];
	s0 =	simm.s32 @p2 $0x1  }
0x17: {  	s4 =	simm.s32 $0x1BF5;
	[smem:$0x3FB1] =	sst s0  }
0x18: {  	s0 =	sld [smem:$0x3F94];
	_ =	swait.ge [sflag:s4], $0x0  }
0x19: {  	s7 =	sld [smem:$0x3F95]  }
0x1a: {  	s8 =	sadd.s32 $0xFFFFE003, lr  }
0x1b: {  	s9 =	sadd.s32 $0xFFFFFEF7, lr;
	s5 =	simm.s32 $0xFFFFFFFF;
	p2 =	slt.u32 s8, $0xFFFFF086  }
0x1c: {  	p1 =	slt.u32 s9, $0xF7A;
	s5 =	simm.s32 @!p2 $0x0  }
0x1d: {  	s5 =	simm.s32 @p1 $0x1;
	p0 =	seq.s32 s7, s2  }
0x1e: {  	s7 =	smul.u32 @!p0 $0xF7A, s2;
	p2 =	seq.s32 @!p0 s5, $0x0  }
0x1f: {  	s9 =	smul.u32 $0xF7A, s1;
	s8 =	simm.s32 @!p0 $0x1BF5;
	p2 =	por !p2, p0  }
0x20: {  	[sflag:s8] =	ssyncset.s32 @!p0 $0xFFFFF086;
	s6 =	sadd.s32 @!p0 s3, s7;
	s7 =	simm.s32 @!p0 $0x108  }
0x21: {  	s3 =	sadd.s32 s3, s9;
	s6 =	sadd.s32 @!p0 $0x88, s6;
	s7 =	simm.s32 @p2 $0x1082  }
0x22: {  	[simem:s7], [sflag:s8] =	dma.local @!p0 [hbm:s6], $0xF7A  }
0x23: {  	s9 =	sor.u32 $0xD0000000, s2;
	s6 =	simm.s32 $0x108;
	_ =	swait.ge @!p0 [sflag:s8], $0x0  }
0x24: {  	s3 =	sadd.s32 $0x88, s3;
	s6 =	simm.s32 @!p1 $0x1082;
	[sflag:s4] =	ssyncset.s32 $0xFFFFF086  }
0x25: {  	[simem:s6], [sflag:s4] =	dma.local [hbm:s3], $0xF7A  }
0x26: {  	[smem:$0x3F95] =	sst s1;
	(tag) =	ssettag s2;
	_ =	strace s9  }
0x27: {  	s1 =	sld [smem:$0x3FA5]  }
0x28: {  	s2 =	sld [smem:$0x3FA6]  }
0x29: {  	s4 =	sld [smem:$0x3FA8]  }
0x2a: {  	p0 =	seq.s32 s5, $0x0;
	s5 =	sld [smem:$0x3FA9]  }
0x2b: {  	s6 =	sld [smem:$0x3FAA]  }
0x2c: {  	s7 =	sld [smem:$0x3FAB]  }
0x2d: {  	s3 =	simm.s32 $0x108;
	s8 =	sld [smem:$0x3FAC]  }
0x2e: {  	s3 =	simm.s32 @!p0 $0x1082;
	s9 =	sld [smem:$0x3FAD]  }
0x2f: {  	lr =	sadd.s32 s0, s3;
	s0 =	sld [smem:$0x3FA4]  }
0x30: {  	s3 =	sld [smem:$0x3FA7]  }
0x31: {  	[smem:$0x3FB0] =	sst s10  }
0x32: {  	s10 =	sld [smem:$0x3FAE];
	_ =	sdelay $0x3  }
0x33: {  	p0 =	seq.s32 s10, $0x1;
	s10 =	sld [smem:$0x3FB0];
	_ =	sdelay $0x3  }
0x34: {  	[smem:$0x3FB0] =	sst s10  }
0x35: {  	s10 =	sld [smem:$0x3FAF];
	_ =	sdelay $0x3  }
0x36: {  	p1 =	seq.s32 s10, $0x1;
	s10 =	sld [smem:$0x3FB0];
	_ =	sdelay $0x3  }
0x37: {  	[smem:$0x3FB0] =	sst s10  }
0x38: {  	s10 =	sld [smem:$0x3FB1]  }
0x39: {  	_ = 	snop;
	(pc) =	sbr.ind lr, $3  }
0x3a: {  	_ = 	snop  }
0x3b: {  	_ = 	snop  }
0x3c: {  	p2 =	seq.s32 s10, $0x1;
	s10 =	sld [smem:$0x3FB0]  }
0x3d: {  	_ =	shalt  }
0x3e: {  	_ =	shalt  }
0x3f: {  	_ =	shalt  }
0x40: {  	_ =	shalt  }
0x41: {  	_ =	shalt  }
0x42: {  	_ =	shalt  }
0x43: {  	_ =	shalt  }
0x44: {  	_ =	shalt  }
0x45: {  	_ =	shalt  }
0x46: {  	_ =	shalt  }
0x47: {  	_ =	shalt  }
0x48: {  	_ =	shalt  }
0x49: {  	_ =	shalt  }
0x4a: {  	_ =	shalt  }
0x4b: {  	_ =	shalt  }
0x4c: {  	_ =	shalt  }
0x4d: {  	_ =	shalt  }
0x4e: {  	_ =	shalt  }
0x4f: {  	_ =	shalt  }
0x50: {  	_ =	shalt  }
0x51: {  	_ =	shalt  }
0x52: {  	_ =	shalt  }
0x53: {  	_ =	shalt  }
0x54: {  	_ =	shalt  }
0x55: {  	_ =	shalt  }
0x56: {  	_ =	shalt  }
0x57: {  	_ =	shalt  }
0x58: {  	_ =	shalt  }
0x59: {  	_ =	shalt  }
0x5a: {  	_ =	shalt  }
0x5b: {  	_ =	shalt  }
0x5c: {  	_ =	shalt  }
0x5d: {  	_ =	shalt  }
0x5e: {  	_ =	shalt  }
0x5f: {  	_ =	shalt  }
0x60: {  	_ =	shalt  }
0x61: {  	_ =	shalt  }
0x62: {  	_ =	shalt  }
0x63: {  	_ =	shalt  }
0x64: {  	_ =	shalt  }
0x65: {  	_ =	shalt  }
0x66: {  	_ =	shalt  }
0x67: {  	_ =	shalt  }
0x68: {  	_ =	shalt  }
0x69: {  	_ =	shalt  }
0x6a: {  	_ =	shalt  }
0x6b: {  	_ =	shalt  }
0x6c: {  	_ =	shalt  }
0x6d: {  	_ =	shalt  }
0x6e: {  	_ =	shalt  }
0x6f: {  	_ =	shalt  }
0x70: {  	_ =	shalt  }
0x71: {  	_ =	shalt  }
0x72: {  	_ =	shalt  }
0x73: {  	_ =	shalt  }
0x74: {  	_ =	shalt  }
0x75: {  	_ =	shalt  }
0x76: {  	_ =	shalt  }
0x77: {  	_ =	shalt  }
0x78: {  	_ =	shalt  }
0x79: {  	_ =	shalt  }
0x7a: {  	_ =	shalt  }
0x7b: {  	_ =	shalt  }
0x7c: {  	_ =	shalt  }
0x7d: {  	_ =	shalt  }
0x7e: {  	_ =	shalt  }
0x7f: {  	_ =	shalt  }
0x80: {  	_ =	shalt  }
0x81: {  	_ =	shalt  }
0x82: {  	_ =	shalt  }
0x83: {  	_ =	shalt  }
0x84: {  	_ =	shalt  }
0x85: {  	_ =	shalt  }
0x86: {  	_ =	shalt  }
0x87: {  	_ =	shalt  }
.Lfunc_end0:
.L_simem_size_0:
called_computation_lowered:
.L_overlay_start_0:
0x88: {  	s2 =	sld [smem:$0x3FD9]  }
0x89: {  	s3 =	sld [smem:$0x3FFE];
	_ =	sdelay $0x1  }
0x8a: {  	s1 =	srdreg.scid  }
0x8b: {  	s0 =	sand.u32 $0x1, s1  }
0x8c: {  	s17 =	sshll.u32 s0, $0xA;
	s2 =	sadd.s32 s3, s2  }
0x8d: {  	s2 =	sadd.s32 s2, s17  }
0x8e: {  	[smem:$0x3FBC] =	sst s2  }
0x8f: {  	_ = 	snop  }
0x90: {  	(tm) =	ssettm $0x1  }
0x91: {  	s18 =	sld [smem:$0x3FFB];
	_ =	sdelay $0x3  }
0x92: {  	_ =	strace s18  }
0x93: {  	s2 =	sld [smem:$0x3FFC];
	_ =	sdelay $0x3  }
0x94: {  	_ =	strace s2  }
0x95: {  	s2 =	sld [smem:$0x3FFD];
	_ =	sdelay $0x3  }
0x96: {  	_ =	strace s2  }
0x97: {  	_ =	strace $0x8FFFFFFF  }
0x98: {  	s19 =	sld [smem:$0x3FDB];
	_ =	sdelay $0x1  }
0x99: {  	s20 =	simm.s32 $_scs_section_size  }
0x9a: {  	s4 =	simm.s32 $_size__tile_overlayer_lowered;
	s5 =	simm.s32 $_tile_overlayer_lowered  }
0x9b: {  	s6 =	simm.s32 $0x1BFF;
	s21 =	sshll.u32 s5, $0x1;
	s3 =	sadd.s32 s20, s19  }
0x9c: {  	s22 =	simm.s32 $0x0;
	s4 =	sshll.u32 s4, $0x1;
	s5 =	sadd.s32 s21, s3  }
0x9d: {  	[timem:s22], [sflag:s6] =	dma.local [hbm:s5], s4  }
0x9e: {  	_ =	swait.ge [sflag:s6], s4  }
0x9f: {  	s4 =	ssub.s32 $0x0, s4;
	[sflag:s6] =	ssyncset.done $0x0  }
0xa0: {  	[sflag:s6] =	ssyncadd.s32 s4;
	_ =	sdelay $0x1  }
0xa1: {  	s23 =	simm.s32 $0x1B8B  }
0xa2: {  	_ =	swait.ge [sflag:s23], $0x1  }
0xa3: {  	[sflag:s23] =	ssyncset.done $0x0  }
0xa4: {  	[sflag:s23] =	ssyncadd.s32 $0xFFFFFFFF  }
0xa5: {  	s4 =	sld [smem:$0x0]  }
0xa6: {  	s5 =	sand.u32 $0xFFFFFFFE, s1  }
0xa7: {  	p0 =	sne.s32 s1, s5  }
0xa8: {  	s5 =	sshll.u32 @p0 s5, $0xE  }
0xa9: {  	s5 =	sadd.s32 @p0 $0x11B8D, s5;
	s6 =	sshll.u32 @p0 s4, $0x11  }
0xaa: {  	s5 =	sor.u32 @p0 s6, s5  }
0xab: {  	[sflag:s5] =	ssyncadd.remote.s32 @p0 $0x1;
	_ =	sdelay $0x1  }
0xac: {  	s5 =	simm.s32 @p0 $0x1B8D  }
0xad: {  	_ =	swait.eq @p0 [sflag:s5], $0x1  }
0xae: {  	[sflag:s5] =	ssyncadd.s32 @p0 $0xFFFFFFFF  }
0xaf: {  	s6 =	sshll.u32 @!p0 s1, $0xE  }
0xb0: {  	s6 =	sor.u32 @!p0 $0x4000, s6;
	s5 =	simm.s32 @!p0 $0x1B8D  }
0xb1: {  	s4 =	sshll.u32 @!p0 s4, $0x11;
	s6 =	sadd.s32 @!p0 $0x11B8D, s6;
	_ =	swait.eq @!p0 [sflag:s5], $0x1  }
0xb2: {  	s4 =	sor.u32 @!p0 s4, s6;
	[sflag:s5] =	ssyncadd.s32 @!p0 $0xFFFFFFFF  }
0xb3: {  	s25 =	simm.s32 $0x1B8E;
	s24 =	sld [smem:$0x3FFE];
	[sflag:s4] =	ssyncadd.remote.s32 @!p0 $0x1  }
0xb4: {  	s26 =	simm.s32 $execute0_lowered;
	[smem:$0x3FD2] =	sst s25  }
0xb5: {  	s5 =	sshll.u32 s26, $0x1;
	_ =	strace $0x80000049;
	[dreg:$0x1] =	wrdreg $0xFFFFFFFF  }
0xb6: {  	s28 =	simm.s32 $_size_execute0_lowered;
	s3 =	sadd.s32 s3, s5;
	[dreg:$0x0] =	wrdreg $0x0  }
0xb7: {  	s5 =	sshll.u32 s28, $0x1;
	[dreg:$0x2] =	wrdreg s3  }
0xb8: {  	[dreg:$0x3] =	wrdreg s5  }
0xb9: {  	[dreg:$0x4] =	wrdreg $0xC0  }
0xba: {  	_ =	task [dreg:s22], $0x5FFFF  }
0xbb: {  	[dreg:$0x1] =	wrdreg $0xFFFFFFFF  }
0xbc: {  	[dreg:$0x0] =	wrdreg $0x60  }
0xbd: {  	[dreg:$0x2] =	wrdreg s24  }
0xbe: {  	[dreg:$0x3] =	wrdreg $0x68000  }
0xbf: {  	[dreg:$0x4] =	wrdreg $0x9  }
0xc0: {  	_ =	task.clear_ibuf [dreg:s22], $0x5FFFF;
	_ =	strace $0x90000049  }
0xc1: {  	s29 =	simm.s32 $0x9;
	_ =	strace $0x8000004B  }
0xc2: {  	_ =	swait.ge [sflag:s29], $0x1  }
0xc3: {  	[sflag:s29] =	ssyncadd.s32 $0xFFFFFFFF  }
0xc4: {  	_ =	strace $0x9000004B  }
0xc5: {  	_ =	sfence  }
0xc6: {  	s30 =	sld [smem:$0x0];
	_ =	sdelay $0x2  }
0xc7: {  	s31 =	sshll.u32 s1, $0xD;
	s1 =	sshrl.u32 s1, $0x2  }
0xc8: {  	s4 =	sand.u32 $0x4000, s31;
	s1 =	sadd.s32 s1, s30  }
0xc9: {  	s0 =	sor.u32 s4, s0;
	s1 =	sshll.u32 s1, $0x11  }
0xca: {  	s0 =	sor.u32 s1, s0  }
0xcb: {  	s0 =	sadd.s32 $0x8F2B, s0  }
0xcc: {  	[sflag:s0] =	ssyncadd.remote.s32 $0x1  }
0xcd: {  	_ =	sfence.sel $0xFFFF  }
0xce: {  	[dreg:$0x0] =	wrdreg $0xFFFFFFFF;
	(pc) =	sbr.abs _section_cstart, $3  }
0xcf: {  	[dreg:$0x1] =	wrdreg $0xFFFFFFFF  }
0xd0: {  	_ =	task.clear_ibuf [dreg:s22], $0x2FFFF;
	_ =	strace $0x9FFFFFFF  }
0xd1: {  	(tm) =	ssettm $0x7FFFFFFF  }
tec
execute0_lowered:
.L_overlay_start_1:
0x0: {  	(tag) =	ssettag $0x1  }
0x1: {  	s0 =	rddreg [dreg:$0x0]  }
0x2: {  	s1 =	rddreg [dreg:$0x1]  }
0x3: {  	s2 =	simm.s32 $0x0;
	s5 =	srdreg.scid;
	s12 =	stileid.u32  }
0x4: {  	s30 =	simm.s32 $0x4800;
	s31 =	simm.s32 $0x4;
	[smem:$0x7FF] =	sst s2  }
0x5: {  	s4 =	sadd.s32 $0x24FC00, s0;
	s3 =	sadd.s32 $0x67200, s0;
	s6 =	sadd.s32 $0x4EC00, s0  }
0x6: {  	s5 =	sand.u32 $0x1, s5;
	s17 =	smul.u32 $0x62000, s12;
	s7 =	sadd.s32 $0x2B1C00, s0  }
0x7: {  	s9 =	smul.u32 $0x31000, s12;
	_ =	strace $0x8000004A;
	[dreg:$0x3] =	wrdreg s6  }
0x8: {  	s0 =	sadd.s32 $0x280C00, s0;
	s25 =	smul.u32 $0x62, s12;
	[dreg:$0x4] =	wrdreg s7  }
0x9: {  	s18 =	ssub.s32 $0x2, s5;
	[dreg:$0x5] =	wrdreg s0;
	s24 =	sshll.u32 s5, $0x4  }
0xa: {  	s10 =	smul.u32 $0x620, s5;
	p0 =	sne.s32 s5, $0x0;
	s5 =	simm.s32 $0x3  }
0xb: {  	s19 =	sshrl.u32 s18, $0x1;
	s6 =	sshrl.u32 s17, $0x2;
	s7 =	sor.u32 s12, s24  }
0xc: {  	s20 =	sshrl.u32 s9, $0x1;
	s0 =	ssub.s32 s18, s19;
	s7 =	smul.u32 $0x3100, s7  }
0xd: {  	s6 =	sadd.s32 s6, s1;
	s8 =	sadd.s32 s20, s1;
	s18 =	smul.u32 $0x3100, s12  }
0xe: {  	s10 =	sadd.s32 s25, s10;
	s19 =	simm.s32 $0x400;
	s21 =	sadd.s32 $0x2000, s6  }
0xf: {  	s22 =	sadd.s32 $0x4000, s6;
	s23 =	sadd.s32 $0x6000, s6;
	s11 =	sadd.s32 $0x8000, s6  }
0x10: {  	s13 =	sadd.s32 $0xA000, s6;
	s14 =	sadd.s32 $0xC000, s6;
	[dreg:$0x6] =	wrdreg s21  }
0x11: {  	s15 =	sadd.s32 $0xE000, s6;
	s16 =	sadd.s32 $0x10000, s6;
	[dreg:$0x7] =	wrdreg s22  }
0x12: {  	s17 =	sadd.s32 $0x12000, s6;
	s10 =	sshll.u32 s10, $0x7;
	[dreg:$0x8] =	wrdreg s23  }
0x13: {  	s20 =	sadd.s32 $0x14000, s6;
	s24 =	smax.u32 s0, $0x1;
	[dreg:$0x9] =	wrdreg s11  }
0x14: {  	s0 =	simm.s32 $0x1;
	[dreg:$0xa] =	wrdreg s13;
	s7 =	sadd.s32 s3, s7  }
0x15: {  	s26 =	sadd.s32 s3, s18;
	s3 =	sadd.s32 s3, s10;
	s21 =	sadd.s32 $0x16000, s6  }
.Ltmp0:
0x16: {  	s22 =	sadd.s32 $0x18000, s6;
	s23 =	sshrl.u32 s9, $0x4;
	(pc) =	sbr.rel .LBB2_1-.Ltmp0, $4  }
0x17: {  	s6 =	simm.s32 $0x200;
	s18 =	simm.s32 $0x2800;
	s9 =	simm.s32 $0x600  }
0x18: {  	s10 =	simm.s32 $0x0;
	[dreg:$0xc] =	wrdreg s26;
	s25 =	sadd.s32 $0x200, s3  }
0x19: {  	s26 =	sadd.s32 $0x180, s3;
	s28 =	sadd.s32 $0x80, s7;
	[dreg:$0xb] =	wrdreg s7  }
0x1a: {  	s29 =	sadd.s32 $0x100, s7;
	s7 =	simm.s32 $0x800;
	s3 =	simm.s32 $0x2  }
.LBB2_8:
0x1b: {  	s11 =	rddreg [dreg:$0x5]  }
.LBB2_9:
0x1c: {  	[spmem:s1] =	stream.indirect.scatter.add.bf16 [tilespmem:s18], [sflag:$0x3], $0x10, s9, s6, $0xb8;
	[tilespmem:$0x1F000] =	vst v63  }
0x1d: {  	s11 =	sadd.s32 s11, s23;
	s12 =	stileid.u32;
	_ =	swait.ge [sflag:s5], $0x2000  }
0x1e: {  	s13 =	sshrl.u32 s8, $0x3;
	s10 =	sadd.s32 $0x1, s10;
	[sflag:s5] =	ssyncset.done $0x0  }
0x1f: {  	s12 =	sshll.u32 s12, $0x6;
	p1 =	sne.s32 s10, s24;
	[sflag:s5] =	ssyncadd.s32 $0xFFFFE000  }
.Ltmp1:
0x20: {  	s12 =	sor.u32 $0x1C04, s12;
	[bflag:$0x0] =	sbarrier.arrive $0xFFFF;
	(pc) =	sbr.rel @!p1 .LBB2_10-.Ltmp1, $4  }
0x21: {  	[hbm:s11], [sflag:s12] =	dma.local [spmem:s13], $0x3100  }
0x22: {  	_ =	swait.ge [sflag:s31], $0x3100  }
0x23: {  	[sflag:s31] =	ssyncset.done $0x0  }
0x24: {  	[sflag:s31] =	ssyncadd.s32 $0xFFFFCF00  }
.LBB2_1:
0x25: {  	s11 =	rddreg [dreg:$0x3]  }
0x26: {  	[tilespmem:s30], [sflag:$0x4] =	stream.linear.gather [hbm4b:s11+s2], $0x2000, $0x38;
	[tilespmem:$0x1F000] =	vst v63  }
0x27: {  	_ =	swait.ge [sflag:s31], $0x2000  }
0x28: {  	[sflag:s31] =	ssyncset.done $0x0  }
0x29: {  	[sflag:s31] =	ssyncadd.s32 $0xFFFFE000  }
0x2a: {  	[spmem:s8] =	stream.linear.scatter [tilespmem:s30], [sflag:$0x4], $0x2000, $0x38;
	[tilespmem:$0x1F000] =	vst v63  }
0x2b: {  	_ =	swait.ge [sflag:s31], $0x2000  }
0x2c: {  	[sflag:s31] =	ssyncset.done $0x0  }
0x2d: {  	s13 =	rddreg [dreg:$0x6];
	[sflag:s31] =	ssyncadd.s32 $0xFFFFE000  }
0x2e: {  	[spmem:s13] =	stream.linear.scatter [tilespmem:s30], [sflag:$0x4], $0x2000, $0x38;
	[tilespmem:$0x1F000] =	vst v63  }
0x2f: {  	_ =	swait.ge [sflag:s31], $0x2000  }
0x30: {  	[sflag:s31] =	ssyncset.done $0x0  }
0x31: {  	s12 =	rddreg [dreg:$0x7];
	[sflag:s31] =	ssyncadd.s32 $0xFFFFE000  }
0x32: {  	[spmem:s12] =	stream.linear.scatter [tilespmem:s30], [sflag:$0x4], $0x2000, $0x38;
	[tilespmem:$0x1F000] =	vst v63  }
0x33: {  	_ =	swait.ge [sflag:s31], $0x2000  }
0x34: {  	[sflag:s31] =	ssyncset.done $0x0  }
0x35: {  	s13 =	rddreg [dreg:$0x8];
	[sflag:s31] =	ssyncadd.s32 $0xFFFFE000  }
0x36: {  	[spmem:s13] =	stream.linear.scatter [tilespmem:s30], [sflag:$0x4], $0x2000, $0x38;
	[tilespmem:$0x1F000] =	vst v63  }
0x37: {  	_ =	swait.ge [sflag:s31], $0x2000  }
0x38: {  	[sflag:s31] =	ssyncset.done $0x0  }
0x39: {  	s12 =	rddreg [dreg:$0x9];
	[sflag:s31] =	ssyncadd.s32 $0xFFFFE000  }
0x3a: {  	[spmem:s12] =	stream.linear.scatter [tilespmem:s30], [sflag:$0x4], $0x2000, $0x38;
	[tilespmem:$0x1F000] =	vst v63  }
0x3b: {  	_ =	swait.ge [sflag:s31], $0x2000  }
0x3c: {  	[sflag:s31] =	ssyncset.done $0x0  }
0x3d: {  	s13 =	rddreg [dreg:$0xa];
	[sflag:s31] =	ssyncadd.s32 $0xFFFFE000  }
0x3e: {  	[spmem:s13] =	stream.linear.scatter [tilespmem:s30], [sflag:$0x4], $0x2000, $0x38;
	[tilespmem:$0x1F000] =	vst v63  }
0x3f: {  	_ =	swait.ge [sflag:s31], $0x2000  }
0x40: {  	[sflag:s31] =	ssyncset.done $0x0  }
0x41: {  	[sflag:s31] =	ssyncadd.s32 $0xFFFFE000  }
0x42: {  	[spmem:s14] =	stream.linear.scatter [tilespmem:s30], [sflag:$0x4], $0x2000, $0x38;
	[tilespmem:$0x1F000] =	vst v63  }
0x43: {  	_ =	swait.ge [sflag:s31], $0x2000  }
0x44: {  	[sflag:s31] =	ssyncset.done $0x0  }
0x45: {  	[sflag:s31] =	ssyncadd.s32 $0xFFFFE000  }
0x46: {  	[spmem:s15] =	stream.linear.scatter [tilespmem:s30], [sflag:$0x4], $0x2000, $0x38;
	[tilespmem:$0x1F000] =	vst v63  }
0x47: {  	_ =	swait.ge [sflag:s31], $0x2000  }
0x48: {  	[sflag:s31] =	ssyncset.done $0x0  }
0x49: {  	[sflag:s31] =	ssyncadd.s32 $0xFFFFE000  }
0x4a: {  	[spmem:s16] =	stream.linear.scatter [tilespmem:s30], [sflag:$0x4], $0x2000, $0x38;
	[tilespmem:$0x1F000] =	vst v63  }
0x4b: {  	_ =	swait.ge [sflag:s31], $0x2000  }
0x4c: {  	[sflag:s31] =	ssyncset.done $0x0  }
0x4d: {  	[sflag:s31] =	ssyncadd.s32 $0xFFFFE000  }
0x4e: {  	[spmem:s17] =	stream.linear.scatter [tilespmem:s30], [sflag:$0x4], $0x2000, $0x38;
	[tilespmem:$0x1F000] =	vst v63  }
0x4f: {  	_ =	swait.ge [sflag:s31], $0x2000  }
0x50: {  	[sflag:s31] =	ssyncset.done $0x0  }
0x51: {  	[sflag:s31] =	ssyncadd.s32 $0xFFFFE000  }
0x52: {  	[spmem:s20] =	stream.linear.scatter [tilespmem:s30], [sflag:$0x4], $0x2000, $0x38;
	[tilespmem:$0x1F000] =	vst v63  }
0x53: {  	_ =	swait.ge [sflag:s31], $0x2000  }
0x54: {  	[sflag:s31] =	ssyncset.done $0x0  }
0x55: {  	[sflag:s31] =	ssyncadd.s32 $0xFFFFE000  }
0x56: {  	[spmem:s21] =	stream.linear.scatter [tilespmem:s30], [sflag:$0x4], $0x2000, $0x38;
	[tilespmem:$0x1F000] =	vst v63  }
0x57: {  	_ =	swait.ge [sflag:s31], $0x2000  }
0x58: {  	[sflag:s31] =	ssyncset.done $0x0  }
0x59: {  	[sflag:s31] =	ssyncadd.s32 $0xFFFFE000  }
0x5a: {  	[spmem:s22] =	stream.linear.scatter [tilespmem:s30], [sflag:$0x4], $0x800, $0x38;
	[tilespmem:$0x1F000] =	vst v63  }
.Ltmp2:
0x5b: {  	_ =	swait.ge [sflag:s31], $0x800;
	(pc) =	sbr.rel @p0 .LBB2_6-.Ltmp2, $4  }
0x5c: {  	[sflag:s31] =	ssyncset.done $0x0  }
0x5d: {  	[sflag:s31] =	ssyncadd.s32 $0xFFFFF800  }
0x5e: {  	[bflag:$0x0] =	sbarrier.arrive $0xFFFF  }
0x5f: {  	s11 =	simm.s32 $0x0  }
0x60: {  	s12 =	rddreg [dreg:$0xc]  }
0x61: {  	[tilespmem:s11], [sflag:$0x1] =	stream.linear.gather [hbm4b:s12+s11], $0x400, $0x38;
	[tilespmem:$0x1F000] =	vst v63  }
0x62: {  	_ =	swait.ge [sflag:s0], $0x400  }
0x63: {  	[sflag:s0] =	ssyncset.done $0x0  }
0x64: {  	[sflag:s0] =	ssyncadd.s32 $0xFFFFFC00  }
0x65: {  	[tilespmem:s7], [sflag:$0x2] =	stream.indirect.gather [hbm4b:s4+s6], $0x10, s11, s6, $0xb8;
	[tilespmem:$0x1F000] =	vst v63  }
0x66: {  	_ =	swait.ge [sflag:s3], $0x2000  }
0x67: {  	[sflag:s3] =	ssyncset.done $0x0  }
0x68: {  	[sflag:s3] =	ssyncadd.s32 $0xFFFFE000  }
0x69: {  	[tilespmem:s19], [sflag:$0x1] =	stream.linear.gather [hbm4b:s28+s11], $0x400, $0x38;
	[tilespmem:$0x1F000] =	vst v63  }
0x6a: {  	_ = 	snop  }
0x6b: {  	[spmem:s1] =	stream.indirect.scatter.add.bf16 [tilespmem:s7], [sflag:$0x3], $0x10, s6, s6, $0xb8;
	[tilespmem:$0x1F000] =	vst v63  }
0x6c: {  	_ =	swait.ge [sflag:s0], $0x400  }
0x6d: {  	[sflag:s0] =	ssyncset.done $0x0  }
0x6e: {  	[sflag:s0] =	ssyncadd.s32 $0xFFFFFC00  }
0x6f: {  	[tilespmem:s18], [sflag:$0x2] =	stream.indirect.gather [hbm4b:s4+s6], $0x10, s19, s6, $0xb8;
	[tilespmem:$0x1F000] =	vst v63  }
0x70: {  	_ =	swait.ge [sflag:s3], $0x2000  }
0x71: {  	[sflag:s3] =	ssyncset.done $0x0  }
0x72: {  	[sflag:s3] =	ssyncadd.s32 $0xFFFFE000  }
0x73: {  	_ =	swait.ge [sflag:s5], $0x2000  }
0x74: {  	[sflag:s5] =	ssyncset.done $0x0  }
0x75: {  	[sflag:s5] =	ssyncadd.s32 $0xFFFFE000  }
0x76: {  	[tilespmem:s11], [sflag:$0x1] =	stream.linear.gather [hbm4b:s29+s11], $0x400, $0x38;
	[tilespmem:$0x1F000] =	vst v63  }
0x77: {  	_ = 	snop  }
0x78: {  	[spmem:s1] =	stream.indirect.scatter.add.bf16 [tilespmem:s18], [sflag:$0x3], $0x10, s9, s6, $0xb8;
	[tilespmem:$0x1F000] =	vst v63  }
.LBB2_3:
0x79: {  	_ =	swait.ge [sflag:s0], $0x400  }
0x7a: {  	[sflag:s0] =	ssyncset.done $0x0  }
0x7b: {  	[sflag:s0] =	ssyncadd.s32 $0xFFFFFC00  }
0x7c: {  	[tilespmem:s7], [sflag:$0x2] =	stream.indirect.gather [hbm4b:s4+s6], $0x10, s2, s6, $0xb8;
	[tilespmem:$0x1F000] =	vst v63  }
0x7d: {  	_ =	swait.ge [sflag:s3], $0x2000  }
0x7e: {  	[sflag:s3] =	ssyncset.done $0x0  }
0x7f: {  	[sflag:s3] =	ssyncadd.s32 $0xFFFFE000  }
0x80: {  	_ =	swait.ge [sflag:s5], $0x2000  }
0x81: {  	[sflag:s5] =	ssyncset.done $0x0  }
0x82: {  	s12 =	sadd.s32 s11, s26;
	[sflag:s5] =	ssyncadd.s32 $0xFFFFE000  }
0x83: {  	[tilespmem:s19], [sflag:$0x1] =	stream.linear.gather [hbm4b:s12+s2], $0x400, $0x38;
	[tilespmem:$0x1F000] =	vst v63  }
0x84: {  	_ = 	snop  }
0x85: {  	[spmem:s1] =	stream.indirect.scatter.add.bf16 [tilespmem:s7], [sflag:$0x3], $0x10, s6, s6, $0xb8;
	[tilespmem:$0x1F000] =	vst v63  }
0x86: {  	_ =	swait.ge [sflag:s0], $0x400  }
0x87: {  	[sflag:s0] =	ssyncset.done $0x0  }
0x88: {  	[sflag:s0] =	ssyncadd.s32 $0xFFFFFC00  }
0x89: {  	[tilespmem:s18], [sflag:$0x2] =	stream.indirect.gather [hbm4b:s4+s6], $0x10, s19, s6, $0xb8;
	[tilespmem:$0x1F000] =	vst v63  }
0x8a: {  	p1 =	seq.s32 s11, $0x2F00;
	_ =	swait.ge [sflag:s3], $0x2000  }
.Ltmp3:
0x8b: {  	[sflag:s3] =	ssyncset.done $0x0;
	(pc) =	sbr.rel @p1 .LBB2_4-.Ltmp3, $4  }
0x8c: {  	[sflag:s3] =	ssyncadd.s32 $0xFFFFE000  }
0x8d: {  	_ =	swait.ge [sflag:s5], $0x2000  }
0x8e: {  	[sflag:s5] =	ssyncset.done $0x0  }
0x8f: {  	[sflag:s5] =	ssyncadd.s32 $0xFFFFE000  }
.Ltmp4:
0x90: {  	(pc) =	sbr.rel .LBB2_3-.Ltmp4, $4  }
0x91: {  	s12 =	sadd.s32 s11, s25  }
0x92: {  	[tilespmem:s2], [sflag:$0x1] =	stream.linear.gather [hbm4b:s12+s2], $0x400, $0x38;
	[tilespmem:$0x1F000] =	vst v63  }
0x93: {  	s11 =	sadd.s32 $0x100, s11  }
0x94: {  	[spmem:s1] =	stream.indirect.scatter.add.bf16 [tilespmem:s18], [sflag:$0x3], $0x10, s9, s6, $0xb8;
	[tilespmem:$0x1F000] =	vst v63  }
.LBB2_6:
0x95: {  	s12 =	rddreg [dreg:$0xb]  }
0x96: {  	[tilespmem:s11], [sflag:$0x1] =	stream.linear.gather [hbm4b:s12+s11], $0x400, $0x38;
	[tilespmem:$0x1F000] =	vst v63  }
0x97: {  	_ =	swait.ge [sflag:s0], $0x400  }
0x98: {  	[sflag:s0] =	ssyncset.done $0x0  }
0x99: {  	[sflag:s0] =	ssyncadd.s32 $0xFFFFFC00  }
0x9a: {  	[tilespmem:s7], [sflag:$0x2] =	stream.indirect.gather [hbm4b:s4+s6], $0x10, s11, s6, $0xb8;
	[tilespmem:$0x1F000] =	vst v63  }
0x9b: {  	_ =	swait.ge [sflag:s3], $0x2000  }
0x9c: {  	[sflag:s3] =	ssyncset.done $0x0  }
0x9d: {  	[sflag:s3] =	ssyncadd.s32 $0xFFFFE000  }
0x9e: {  	[tilespmem:s19], [sflag:$0x1] =	stream.linear.gather [hbm4b:s28+s11], $0x400, $0x38;
	[tilespmem:$0x1F000] =	vst v63  }
0x9f: {  	_ = 	snop  }
0xa0: {  	[spmem:s1] =	stream.indirect.scatter.add.bf16 [tilespmem:s7], [sflag:$0x3], $0x10, s6, s6, $0xb8;
	[tilespmem:$0x1F000] =	vst v63  }
0xa1: {  	_ =	swait.ge [sflag:s0], $0x400  }
0xa2: {  	[sflag:s0] =	ssyncset.done $0x0  }
0xa3: {  	[sflag:s0] =	ssyncadd.s32 $0xFFFFFC00  }
0xa4: {  	[tilespmem:s18], [sflag:$0x2] =	stream.indirect.gather [hbm4b:s4+s6], $0x10, s19, s6, $0xb8;
	[tilespmem:$0x1F000] =	vst v63  }
0xa5: {  	_ =	swait.ge [sflag:s3], $0x2000  }
0xa6: {  	[sflag:s3] =	ssyncset.done $0x0  }
0xa7: {  	[sflag:s3] =	ssyncadd.s32 $0xFFFFE000  }
0xa8: {  	_ =	swait.ge [sflag:s5], $0x2000  }
0xa9: {  	[sflag:s5] =	ssyncset.done $0x0  }
0xaa: {  	[sflag:s5] =	ssyncadd.s32 $0xFFFFE000  }
0xab: {  	[tilespmem:s11], [sflag:$0x1] =	stream.linear.gather [hbm4b:s29+s11], $0x400, $0x38;
	[tilespmem:$0x1F000] =	vst v63  }
0xac: {  	_ = 	snop  }
0xad: {  	[spmem:s1] =	stream.indirect.scatter.add.bf16 [tilespmem:s18], [sflag:$0x3], $0x10, s9, s6, $0xb8;
	[tilespmem:$0x1F000] =	vst v63  }
.LBB2_7:
0xae: {  	_ =	swait.ge [sflag:s0], $0x400  }
0xaf: {  	[sflag:s0] =	ssyncset.done $0x0  }
0xb0: {  	[sflag:s0] =	ssyncadd.s32 $0xFFFFFC00  }
0xb1: {  	[tilespmem:s7], [sflag:$0x2] =	stream.indirect.gather [hbm4b:s4+s6], $0x10, s2, s6, $0xb8;
	[tilespmem:$0x1F000] =	vst v63  }
0xb2: {  	_ =	swait.ge [sflag:s3], $0x2000  }
0xb3: {  	[sflag:s3] =	ssyncset.done $0x0  }
0xb4: {  	[sflag:s3] =	ssyncadd.s32 $0xFFFFE000  }
0xb5: {  	_ =	swait.ge [sflag:s5], $0x2000  }
0xb6: {  	[sflag:s5] =	ssyncset.done $0x0  }
0xb7: {  	s12 =	sadd.s32 s11, s26;
	[sflag:s5] =	ssyncadd.s32 $0xFFFFE000  }
0xb8: {  	[tilespmem:s19], [sflag:$0x1] =	stream.linear.gather [hbm4b:s12+s2], $0x400, $0x38;
	[tilespmem:$0x1F000] =	vst v63  }
0xb9: {  	_ = 	snop  }
0xba: {  	[spmem:s1] =	stream.indirect.scatter.add.bf16 [tilespmem:s7], [sflag:$0x3], $0x10, s6, s6, $0xb8;
	[tilespmem:$0x1F000] =	vst v63  }
0xbb: {  	_ =	swait.ge [sflag:s0], $0x400  }
0xbc: {  	[sflag:s0] =	ssyncset.done $0x0  }
0xbd: {  	[sflag:s0] =	ssyncadd.s32 $0xFFFFFC00  }
0xbe: {  	[tilespmem:s18], [sflag:$0x2] =	stream.indirect.gather [hbm4b:s4+s6], $0x10, s19, s6, $0xb8;
	[tilespmem:$0x1F000] =	vst v63  }
0xbf: {  	p1 =	seq.s32 s11, $0x2F00;
	_ =	swait.ge [sflag:s3], $0x2000  }
.Ltmp5:
0xc0: {  	[sflag:s3] =	ssyncset.done $0x0;
	(pc) =	sbr.rel @p1 .LBB2_8-.Ltmp5, $4  }
0xc1: {  	[sflag:s3] =	ssyncadd.s32 $0xFFFFE000  }
0xc2: {  	_ =	swait.ge [sflag:s5], $0x2000  }
0xc3: {  	[sflag:s5] =	ssyncset.done $0x0  }
0xc4: {  	[sflag:s5] =	ssyncadd.s32 $0xFFFFE000  }
.Ltmp6:
0xc5: {  	(pc) =	sbr.rel .LBB2_7-.Ltmp6, $4  }
0xc6: {  	s12 =	sadd.s32 s11, s25  }
0xc7: {  	[tilespmem:s2], [sflag:$0x1] =	stream.linear.gather [hbm4b:s12+s2], $0x400, $0x38;
	[tilespmem:$0x1F000] =	vst v63  }
0xc8: {  	s11 =	sadd.s32 $0x100, s11  }
0xc9: {  	[spmem:s1] =	stream.indirect.scatter.add.bf16 [tilespmem:s18], [sflag:$0x3], $0x10, s9, s6, $0xb8;
	[tilespmem:$0x1F000] =	vst v63  }
.LBB2_4:
.Ltmp7:
0xca: {  	(pc) =	sbr.rel .LBB2_9-.Ltmp7, $2  }
0xcb: {  	_ =	sdelay $0x2  }
0xcc: {  	s11 =	rddreg [dreg:$0x4]  }
.LBB2_10:
0xcd: {  	_ =	sfence.sel $0x180000  }
0xce: {  	[bflag:$0x0] =	sbarrier.arrive $0xFFFF  }
0xcf: {  	_ =	strace $0x9000004A  }
0xd0: {  	s0 =	stileid.u32;
	[bflag:$0x2] =	sbarrier.arrive $0xFFFF  }
0xd1: {  	p0 =	sne.s32 s0, $0x0;
	s0 =	rddreg [dreg:$0x2]  }
0xd2: {  	s0 =	sadd.s32 @!p0 $0x100000, s0  }
0xd3: {  	[sflag:s0] =	ssyncadd.tile.s32 @!p0 $0x1;
	_ =	shalt  }
.Lfunc_end2:
_tile_overlayer_lowered:
.L_overlay_start_2:
0xd4: {  	(tag) =	ssettag $0x2  }
0xd5: {  	s0 =	rddreg [dreg:$0x0];
	s2 =	stileid.u32  }
0xd6: {  	s1 =	rddreg [dreg:$0x1];
	p0 =	sne.s32 s2, $0x0  }
0xd7: {  	s3 =	rddreg [dreg:$0x2];
	[bflag:$0x3] =	sbarrier.arrive $0xFFFF;
	s2 =	simm.s32 @!p0 $0x1C04  }
0xd8: {  	[timem:s3], [sflag:s2] =	dma.local @!p0 [hbm:s0], s1  }
0xd9: {  	s0 =	simm.s32 @!p0 $0x4  }
0xda: {  	_ =	swait.ge @!p0 [sflag:s0], s1  }
0xdb: {  	s1 =	ssub.s32 @!p0 $0x0, s1;
	[sflag:s0] =	ssyncset.done @!p0 $0x0  }
0xdc: {  	[sflag:s0] =	ssyncadd.s32 @!p0 s1  }
0xdd: {  	[bflag:$0x3] =	sbarrier.arrive $0xFFFF  }
0xde: {  	_ =	shalt  }

// kernel: kernel.13.cloned.1.call-start
scs
__scs_entry_jumppad:
0x0: {  	(pc) =	sbr.rel $0x88, $3  }
0x1: {  	(tag) =	ssettag $0x0;
	lr =	simm.s32 $0x1  }
0x2: {  	[smem:$0x3F95] =	sst lr;
	_ =	strace $0xD0000000  }
0x3: {  	_ = 	snop  }
0x4: {  	_ = 	snop  }
0x5: {  	_ = 	snop  }
0x6: {  	_ = 	snop  }
0x7: {  	_ = 	snop  }
__scs_overlays_trampoline_lowered:
0x8: {  	[smem:$0x3FA4] =	sst s0  }
0x9: {  	[smem:$0x3FA5] =	sst s1  }
0xa: {  	[smem:$0x3FA6] =	sst s2  }
0xb: {  	[smem:$0x3FA7] =	sst s3  }
0xc: {  	[smem:$0x3FA8] =	sst s4  }
0xd: {  	[smem:$0x3FA9] =	sst s5  }
0xe: {  	[smem:$0x3FAA] =	sst s6  }
0xf: {  	[smem:$0x3FAB] =	sst s7  }
0x10: {  	[smem:$0x3FAC] =	sst s8  }
0x11: {  	[smem:$0x3FAD] =	sst s9;
	s0 =	simm.s32 @!p0 $0x0  }
0x12: {  	s1 =	sld [smem:$0x3F93];
	s0 =	simm.s32 @p0 $0x1  }
0x13: {  	[smem:$0x3FAE] =	sst s0;
	s0 =	simm.s32 @!p1 $0x0  }
0x14: {  	s2 =	sld [smem:$0x3F92];
	s0 =	simm.s32 @p1 $0x1  }
0x15: {  	[smem:$0x3FAF] =	sst s0;
	s0 =	simm.s32 @!p2 $0x0  }
0x16: {  	s3 =	sld [smem:$0x3FDB];
	s0 =	simm.s32 @p2 $0x1  }
0x17: {  	s4 =	simm.s32 $0x1BF5;
	[smem:$0x3FB1] =	sst s0  }
0x18: {  	s0 =	sld [smem:$0x3F94];
	_ =	swait.ge [sflag:s4], $0x0  }
0x19: {  	s7 =	sld [smem:$0x3F95]  }
0x1a: {  	s8 =	sadd.s32 $0xFFFFE003, lr  }
0x1b: {  	s9 =	sadd.s32 $0xFFFFFEF7, lr;
	s5 =	simm.s32 $0xFFFFFFFF;
	p2 =	slt.u32 s8, $0xFFFFF086  }
0x1c: {  	p1 =	slt.u32 s9, $0xF7A;
	s5 =	simm.s32 @!p2 $0x0  }
0x1d: {  	s5 =	simm.s32 @p1 $0x1;
	p0 =	seq.s32 s7, s2  }
0x1e: {  	s7 =	smul.u32 @!p0 $0xF7A, s2;
	p2 =	seq.s32 @!p0 s5, $0x0  }
0x1f: {  	s9 =	smul.u32 $0xF7A, s1;
	s8 =	simm.s32 @!p0 $0x1BF5;
	p2 =	por !p2, p0  }
0x20: {  	[sflag:s8] =	ssyncset.s32 @!p0 $0xFFFFF086;
	s6 =	sadd.s32 @!p0 s3, s7;
	s7 =	simm.s32 @!p0 $0x108  }
0x21: {  	s3 =	sadd.s32 s3, s9;
	s6 =	sadd.s32 @!p0 $0x88, s6;
	s7 =	simm.s32 @p2 $0x1082  }
0x22: {  	[simem:s7], [sflag:s8] =	dma.local @!p0 [hbm:s6], $0xF7A  }
0x23: {  	s9 =	sor.u32 $0xD0000000, s2;
	s6 =	simm.s32 $0x108;
	_ =	swait.ge @!p0 [sflag:s8], $0x0  }
0x24: {  	s3 =	sadd.s32 $0x88, s3;
	s6 =	simm.s32 @!p1 $0x1082;
	[sflag:s4] =	ssyncset.s32 $0xFFFFF086  }
0x25: {  	[simem:s6], [sflag:s4] =	dma.local [hbm:s3], $0xF7A  }
0x26: {  	[smem:$0x3F95] =	sst s1;
	(tag) =	ssettag s2;
	_ =	strace s9  }
0x27: {  	s1 =	sld [smem:$0x3FA5]  }
0x28: {  	s2 =	sld [smem:$0x3FA6]  }
0x29: {  	s4 =	sld [smem:$0x3FA8]  }
0x2a: {  	p0 =	seq.s32 s5, $0x0;
	s5 =	sld [smem:$0x3FA9]  }
0x2b: {  	s6 =	sld [smem:$0x3FAA]  }
0x2c: {  	s7 =	sld [smem:$0x3FAB]  }
0x2d: {  	s3 =	simm.s32 $0x108;
	s8 =	sld [smem:$0x3FAC]  }
0x2e: {  	s3 =	simm.s32 @!p0 $0x1082;
	s9 =	sld [smem:$0x3FAD]  }
0x2f: {  	lr =	sadd.s32 s0, s3;
	s0 =	sld [smem:$0x3FA4]  }
0x30: {  	s3 =	sld [smem:$0x3FA7]  }
0x31: {  	[smem:$0x3FB0] =	sst s10  }
0x32: {  	s10 =	sld [smem:$0x3FAE];
	_ =	sdelay $0x3  }
0x33: {  	p0 =	seq.s32 s10, $0x1;
	s10 =	sld [smem:$0x3FB0];
	_ =	sdelay $0x3  }
0x34: {  	[smem:$0x3FB0] =	sst s10  }
0x35: {  	s10 =	sld [smem:$0x3FAF];
	_ =	sdelay $0x3  }
0x36: {  	p1 =	seq.s32 s10, $0x1;
	s10 =	sld [smem:$0x3FB0];
	_ =	sdelay $0x3  }
0x37: {  	[smem:$0x3FB0] =	sst s10  }
0x38: {  	s10 =	sld [smem:$0x3FB1]  }
0x39: {  	_ = 	snop;
	(pc) =	sbr.ind lr, $3  }
0x3a: {  	_ = 	snop  }
0x3b: {  	_ = 	snop  }
0x3c: {  	p2 =	seq.s32 s10, $0x1;
	s10 =	sld [smem:$0x3FB0]  }
0x3d: {  	_ =	shalt  }
0x3e: {  	_ =	shalt  }
0x3f: {  	_ =	shalt  }
0x40: {  	_ =	shalt  }
0x41: {  	_ =	shalt  }
0x42: {  	_ =	shalt  }
0x43: {  	_ =	shalt  }
0x44: {  	_ =	shalt  }
0x45: {  	_ =	shalt  }
0x46: {  	_ =	shalt  }
0x47: {  	_ =	shalt  }
0x48: {  	_ =	shalt  }
0x49: {  	_ =	shalt  }
0x4a: {  	_ =	shalt  }
0x4b: {  	_ =	shalt  }
0x4c: {  	_ =	shalt  }
0x4d: {  	_ =	shalt  }
0x4e: {  	_ =	shalt  }
0x4f: {  	_ =	shalt  }
0x50: {  	_ =	shalt  }
0x51: {  	_ =	shalt  }
0x52: {  	_ =	shalt  }
0x53: {  	_ =	shalt  }
0x54: {  	_ =	shalt  }
0x55: {  	_ =	shalt  }
0x56: {  	_ =	shalt  }
0x57: {  	_ =	shalt  }
0x58: {  	_ =	shalt  }
0x59: {  	_ =	shalt  }
0x5a: {  	_ =	shalt  }
0x5b: {  	_ =	shalt  }
0x5c: {  	_ =	shalt  }
0x5d: {  	_ =	shalt  }
0x5e: {  	_ =	shalt  }
0x5f: {  	_ =	shalt  }
0x60: {  	_ =	shalt  }
0x61: {  	_ =	shalt  }
0x62: {  	_ =	shalt  }
0x63: {  	_ =	shalt  }
0x64: {  	_ =	shalt  }
0x65: {  	_ =	shalt  }
0x66: {  	_ =	shalt  }
0x67: {  	_ =	shalt  }
0x68: {  	_ =	shalt  }
0x69: {  	_ =	shalt  }
0x6a: {  	_ =	shalt  }
0x6b: {  	_ =	shalt  }
0x6c: {  	_ =	shalt  }
0x6d: {  	_ =	shalt  }
0x6e: {  	_ =	shalt  }
0x6f: {  	_ =	shalt  }
0x70: {  	_ =	shalt  }
0x71: {  	_ =	shalt  }
0x72: {  	_ =	shalt  }
0x73: {  	_ =	shalt  }
0x74: {  	_ =	shalt  }
0x75: {  	_ =	shalt  }
0x76: {  	_ =	shalt  }
0x77: {  	_ =	shalt  }
0x78: {  	_ =	shalt  }
0x79: {  	_ =	shalt  }
0x7a: {  	_ =	shalt  }
0x7b: {  	_ =	shalt  }
0x7c: {  	_ =	shalt  }
0x7d: {  	_ =	shalt  }
0x7e: {  	_ =	shalt  }
0x7f: {  	_ =	shalt  }
0x80: {  	_ =	shalt  }
0x81: {  	_ =	shalt  }
0x82: {  	_ =	shalt  }
0x83: {  	_ =	shalt  }
0x84: {  	_ =	shalt  }
0x85: {  	_ =	shalt  }
0x86: {  	_ =	shalt  }
0x87: {  	_ =	shalt  }
.Lfunc_end0:
.L_simem_size_0:
called_computation.1_lowered:
.L_overlay_start_0:
0x88: {  	s2 =	sld [smem:$0x3FD9]  }
0x89: {  	s3 =	sld [smem:$0x3FFE];
	_ =	sdelay $0x1  }
0x8a: {  	s1 =	srdreg.scid  }
0x8b: {  	s0 =	sand.u32 $0x1, s1  }
0x8c: {  	s16 =	sshll.u32 s0, $0xA;
	s2 =	sadd.s32 s3, s2  }
0x8d: {  	s2 =	sadd.s32 s2, s16  }
0x8e: {  	[smem:$0x3FBC] =	sst s2  }
0x8f: {  	_ = 	snop  }
0x90: {  	(tm) =	ssettm $0x1  }
0x91: {  	s17 =	sld [smem:$0x3FFB];
	_ =	sdelay $0x3  }
0x92: {  	_ =	strace s17  }
0x93: {  	s2 =	sld [smem:$0x3FFC];
	_ =	sdelay $0x3  }
0x94: {  	_ =	strace s2  }
0x95: {  	s2 =	sld [smem:$0x3FFD];
	_ =	sdelay $0x3  }
0x96: {  	_ =	strace s2  }
0x97: {  	_ =	strace $0x8FFFFFFF  }
0x98: {  	s18 =	sld [smem:$0x3FDB];
	_ =	sdelay $0x1  }
0x99: {  	s19 =	simm.s32 $_scs_section_size  }
0x9a: {  	s4 =	simm.s32 $_size__tile_overlayer_lowered;
	s5 =	simm.s32 $_tile_overlayer_lowered  }
0x9b: {  	s22 =	simm.s32 $0x1BFF;
	s21 =	sshll.u32 s5, $0x1;
	s2 =	sadd.s32 s19, s18  }
0x9c: {  	s6 =	simm.s32 $0x0;
	s20 =	sshll.u32 s4, $0x1;
	s4 =	sadd.s32 s21, s2  }
0x9d: {  	[timem:s6], [sflag:s22] =	dma.local [hbm:s4], s20  }
0x9e: {  	_ =	swait.ge [sflag:s22], s20  }
0x9f: {  	s3 =	ssub.s32 $0x0, s20;
	[sflag:s22] =	ssyncset.done $0x0  }
0xa0: {  	[sflag:s22] =	ssyncadd.s32 s3;
	_ =	sdelay $0x1  }
0xa1: {  	s23 =	simm.s32 $0x1B8B  }
0xa2: {  	_ =	swait.ge [sflag:s23], $0x1  }
0xa3: {  	[sflag:s23] =	ssyncset.done $0x0  }
0xa4: {  	s25 =	simm.s32 $0x1B8E;
	s24 =	sld [smem:$0x3FFE];
	[sflag:s23] =	ssyncadd.s32 $0xFFFFFFFF  }
0xa5: {  	s26 =	simm.s32 $execute0_lowered;
	[smem:$0x3FD2] =	sst s25  }
0xa6: {  	s4 =	sshll.u32 s26, $0x1;
	_ =	strace $0x80000046;
	[dreg:$0x1] =	wrdreg $0xFFFFFFFF  }
0xa7: {  	s28 =	simm.s32 $_size_execute0_lowered;
	s2 =	sadd.s32 s2, s4;
	[dreg:$0x0] =	wrdreg $0x0  }
0xa8: {  	s4 =	sshll.u32 s28, $0x1;
	[dreg:$0x2] =	wrdreg s2  }
0xa9: {  	[dreg:$0x3] =	wrdreg s4  }
0xaa: {  	[dreg:$0x4] =	wrdreg $0xC0  }
0xab: {  	_ =	task [dreg:s6], $0x5FFFF  }
0xac: {  	[dreg:$0x1] =	wrdreg $0xFFFFFFFF  }
0xad: {  	[dreg:$0x0] =	wrdreg $0x60  }
0xae: {  	[dreg:$0x2] =	wrdreg s24  }
0xaf: {  	[dreg:$0x3] =	wrdreg $0x38000  }
0xb0: {  	[dreg:$0x4] =	wrdreg $0xA  }
0xb1: {  	_ =	task.clear_ibuf [dreg:s6], $0x5FFFF;
	_ =	strace $0x90000046  }
0xb2: {  	s29 =	simm.s32 $0xA;
	_ =	strace $0x80000048  }
0xb3: {  	_ =	swait.ge [sflag:s29], $0x1  }
0xb4: {  	[sflag:s29] =	ssyncadd.s32 $0xFFFFFFFF  }
0xb5: {  	_ =	strace $0x90000048  }
0xb6: {  	_ =	sfence  }
0xb7: {  	s30 =	sld [smem:$0x0];
	_ =	sdelay $0x2  }
0xb8: {  	s31 =	sshll.u32 s1, $0xD;
	s1 =	sshrl.u32 s1, $0x2  }
0xb9: {  	s3 =	sand.u32 $0x4000, s31;
	s1 =	sadd.s32 s1, s30  }
0xba: {  	s0 =	sor.u32 s3, s0;
	s1 =	sshll.u32 s1, $0x11  }
0xbb: {  	s0 =	sor.u32 s1, s0  }
0xbc: {  	s0 =	sadd.s32 $0x8F2B, s0  }
0xbd: {  	[sflag:s0] =	ssyncadd.remote.s32 $0x1  }
0xbe: {  	_ =	sfence.sel $0xFFFF  }
0xbf: {  	[dreg:$0x0] =	wrdreg $0xFFFFFFFF;
	(pc) =	sbr.abs _section_cstart, $3  }
0xc0: {  	[dreg:$0x1] =	wrdreg $0xFFFFFFFF  }
0xc1: {  	_ =	task.clear_ibuf [dreg:s6], $0x2FFFF;
	_ =	strace $0x9FFFFFFF  }
0xc2: {  	(tm) =	ssettm $0x7FFFFFFF  }
0xc3: {  	_ =	shalt  }
tec
execute0_lowered:
.L_overlay_start_1:
0x0: {  	(tag) =	ssettag $0x1  }
0x1: {  	s0 =	rddreg [dreg:$0x0]  }
0x2: {  	s1 =	rddreg [dreg:$0x1];
	s2 =	simm.s32 $0x0;
	s3 =	srdreg.scid  }
0x3: {  	s12 =	stileid.u32;
	s30 =	simm.s32 $0x2800;
	s31 =	simm.s32 $0x4  }
0x4: {  	[smem:$0x7FF] =	sst s2;
	s4 =	sadd.s32 $0x5200, s0;
	s5 =	sadd.s32 $0x67200, s0  }
0x5: {  	s3 =	sand.u32 $0x1, s3;
	s6 =	smul.u32 $0x31000, s12;
	s7 =	sadd.s32 $0x1DA00, s0  }
0x6: {  	s17 =	sadd.s32 $0x36400, s0;
	_ =	strace $0x80000047;
	[dreg:$0x3] =	wrdreg s7  }
0x7: {  	s9 =	smul.u32 $0xC400, s12;
	s0 =	sadd.s32 $0x1DC00, s0;
	[dreg:$0x4] =	wrdreg s17  }
0x8: {  	s25 =	smul.u32 $0x62, s12;
	s18 =	ssub.s32 $0x2, s3;
	[dreg:$0x5] =	wrdreg s0  }
0x9: {  	s24 =	sshll.u32 s3, $0x4;
	s10 =	smul.u32 $0x620, s3;
	p0 =	sne.s32 s3, $0x0  }
0xa: {  	s0 =	simm.s32 $0x1;
	s3 =	simm.s32 $0x2;
	s8 =	sshrl.u32 s18, $0x1  }
0xb: {  	s6 =	sshrl.u32 s6, $0x2;
	s7 =	sor.u32 s12, s24;
	s19 =	ssub.s32 s18, s8  }
0xc: {  	s6 =	sadd.s32 s6, s1;
	s8 =	sadd.s32 s9, s1;
	s7 =	smul.u32 $0x3100, s7  }
0xd: {  	s18 =	smul.u32 $0x3100, s12;
	s10 =	sadd.s32 s25, s10;
	s21 =	sadd.s32 $0x1000, s6  }
0xe: {  	s22 =	sadd.s32 $0x2000, s6;
	s23 =	sadd.s32 $0x3000, s6;
	s11 =	sadd.s32 $0x4000, s6  }
0xf: {  	s13 =	sadd.s32 $0x5000, s6;
	s14 =	sadd.s32 $0x6000, s6;
	[dreg:$0x6] =	wrdreg s21  }
0x10: {  	s15 =	sadd.s32 $0x7000, s6;
	s16 =	sadd.s32 $0x8000, s6;
	[dreg:$0x7] =	wrdreg s22  }
0x11: {  	s17 =	sadd.s32 $0x9000, s6;
	s10 =	sshll.u32 s10, $0x7;
	[dreg:$0x8] =	wrdreg s23  }
0x12: {  	s20 =	sadd.s32 $0xA000, s6;
	s24 =	smax.u32 s19, $0x1;
	[dreg:$0x9] =	wrdreg s11  }
0x13: {  	s19 =	simm.s32 $0x400;
	[dreg:$0xa] =	wrdreg s13;
	s7 =	sadd.s32 s5, s7  }
0x14: {  	s26 =	sadd.s32 s5, s18;
	s5 =	sadd.s32 s5, s10;
	s21 =	sadd.s32 $0xB000, s6  }
.Ltmp0:
0x15: {  	s22 =	sadd.s32 $0xC000, s6;
	s23 =	sshrl.u32 s9, $0x3;
	(pc) =	sbr.rel .LBB2_1-.Ltmp0, $4  }
0x16: {  	s6 =	simm.s32 $0x200;
	s18 =	simm.s32 $0x1800;
	s9 =	simm.s32 $0x600  }
0x17: {  	s10 =	simm.s32 $0x0;
	[dreg:$0xc] =	wrdreg s26;
	s25 =	sadd.s32 $0x200, s5  }
0x18: {  	s26 =	sadd.s32 $0x180, s5;
	s28 =	sadd.s32 $0x80, s7;
	[dreg:$0xb] =	wrdreg s7  }
0x19: {  	s29 =	sadd.s32 $0x100, s7;
	s7 =	simm.s32 $0x800;
	s5 =	simm.s32 $0x3  }
.LBB2_8:
0x1a: {  	s11 =	rddreg [dreg:$0x5]  }
.LBB2_9:
0x1b: {  	[spmem:s1] =	stream.indirect.scatter.add.f32 [tilespmem:s18], [sflag:$0x3], $0x8, s9, s6, $0xb8;
	[tilespmem:$0xFC00] =	vst v63  }
0x1c: {  	s11 =	sadd.s32 s11, s23;
	s12 =	stileid.u32;
	_ =	swait.ge [sflag:s5], $0x1000  }
0x1d: {  	s13 =	sshrl.u32 s8, $0x3;
	s10 =	sadd.s32 $0x1, s10;
	[sflag:s5] =	ssyncset.done $0x0  }
0x1e: {  	s12 =	sshll.u32 s12, $0x6;
	p1 =	sne.s32 s10, s24;
	[sflag:s5] =	ssyncadd.s32 $0xFFFFF000  }
.Ltmp1:
0x1f: {  	s12 =	sor.u32 $0x1C04, s12;
	[bflag:$0x0] =	sbarrier.arrive $0xFFFF;
	(pc) =	sbr.rel @!p1 .LBB2_10-.Ltmp1, $4  }
0x20: {  	[hbm:s11], [sflag:s12] =	dma.local [spmem:s13], $0x1880  }
0x21: {  	_ =	swait.ge [sflag:s31], $0x1880  }
0x22: {  	[sflag:s31] =	ssyncset.done $0x0  }
0x23: {  	[sflag:s31] =	ssyncadd.s32 $0xFFFFE780  }
.LBB2_1:
0x24: {  	s11 =	rddreg [dreg:$0x3]  }
0x25: {  	[tilespmem:s30], [sflag:$0x4] =	stream.linear.gather [hbm4b:s11+s2], $0x1000, $0x38;
	[tilespmem:$0xFC00] =	vst v63  }
0x26: {  	_ =	swait.ge [sflag:s31], $0x1000  }
0x27: {  	[sflag:s31] =	ssyncset.done $0x0  }
0x28: {  	[sflag:s31] =	ssyncadd.s32 $0xFFFFF000  }
0x29: {  	[spmem:s8] =	stream.linear.scatter [tilespmem:s30], [sflag:$0x4], $0x1000, $0x38;
	[tilespmem:$0xFC00] =	vst v63  }
0x2a: {  	_ =	swait.ge [sflag:s31], $0x1000  }
0x2b: {  	[sflag:s31] =	ssyncset.done $0x0  }
0x2c: {  	s13 =	rddreg [dreg:$0x6];
	[sflag:s31] =	ssyncadd.s32 $0xFFFFF000  }
0x2d: {  	[spmem:s13] =	stream.linear.scatter [tilespmem:s30], [sflag:$0x4], $0x1000, $0x38;
	[tilespmem:$0xFC00] =	vst v63  }
0x2e: {  	_ =	swait.ge [sflag:s31], $0x1000  }
0x2f: {  	[sflag:s31] =	ssyncset.done $0x0  }
0x30: {  	s12 =	rddreg [dreg:$0x7];
	[sflag:s31] =	ssyncadd.s32 $0xFFFFF000  }
0x31: {  	[spmem:s12] =	stream.linear.scatter [tilespmem:s30], [sflag:$0x4], $0x1000, $0x38;
	[tilespmem:$0xFC00] =	vst v63  }
0x32: {  	_ =	swait.ge [sflag:s31], $0x1000  }
0x33: {  	[sflag:s31] =	ssyncset.done $0x0  }
0x34: {  	s13 =	rddreg [dreg:$0x8];
	[sflag:s31] =	ssyncadd.s32 $0xFFFFF000  }
0x35: {  	[spmem:s13] =	stream.linear.scatter [tilespmem:s30], [sflag:$0x4], $0x1000, $0x38;
	[tilespmem:$0xFC00] =	vst v63  }
0x36: {  	_ =	swait.ge [sflag:s31], $0x1000  }
0x37: {  	[sflag:s31] =	ssyncset.done $0x0  }
0x38: {  	s12 =	rddreg [dreg:$0x9];
	[sflag:s31] =	ssyncadd.s32 $0xFFFFF000  }
0x39: {  	[spmem:s12] =	stream.linear.scatter [tilespmem:s30], [sflag:$0x4], $0x1000, $0x38;
	[tilespmem:$0xFC00] =	vst v63  }
0x3a: {  	_ =	swait.ge [sflag:s31], $0x1000  }
0x3b: {  	[sflag:s31] =	ssyncset.done $0x0  }
0x3c: {  	s13 =	rddreg [dreg:$0xa];
	[sflag:s31] =	ssyncadd.s32 $0xFFFFF000  }
0x3d: {  	[spmem:s13] =	stream.linear.scatter [tilespmem:s30], [sflag:$0x4], $0x1000, $0x38;
	[tilespmem:$0xFC00] =	vst v63  }
0x3e: {  	_ =	swait.ge [sflag:s31], $0x1000  }
0x3f: {  	[sflag:s31] =	ssyncset.done $0x0  }
0x40: {  	[sflag:s31] =	ssyncadd.s32 $0xFFFFF000  }
0x41: {  	[spmem:s14] =	stream.linear.scatter [tilespmem:s30], [sflag:$0x4], $0x1000, $0x38;
	[tilespmem:$0xFC00] =	vst v63  }
0x42: {  	_ =	swait.ge [sflag:s31], $0x1000  }
0x43: {  	[sflag:s31] =	ssyncset.done $0x0  }
0x44: {  	[sflag:s31] =	ssyncadd.s32 $0xFFFFF000  }
0x45: {  	[spmem:s15] =	stream.linear.scatter [tilespmem:s30], [sflag:$0x4], $0x1000, $0x38;
	[tilespmem:$0xFC00] =	vst v63  }
0x46: {  	_ =	swait.ge [sflag:s31], $0x1000  }
0x47: {  	[sflag:s31] =	ssyncset.done $0x0  }
0x48: {  	[sflag:s31] =	ssyncadd.s32 $0xFFFFF000  }
0x49: {  	[spmem:s16] =	stream.linear.scatter [tilespmem:s30], [sflag:$0x4], $0x1000, $0x38;
	[tilespmem:$0xFC00] =	vst v63  }
0x4a: {  	_ =	swait.ge [sflag:s31], $0x1000  }
0x4b: {  	[sflag:s31] =	ssyncset.done $0x0  }
0x4c: {  	[sflag:s31] =	ssyncadd.s32 $0xFFFFF000  }
0x4d: {  	[spmem:s17] =	stream.linear.scatter [tilespmem:s30], [sflag:$0x4], $0x1000, $0x38;
	[tilespmem:$0xFC00] =	vst v63  }
0x4e: {  	_ =	swait.ge [sflag:s31], $0x1000  }
0x4f: {  	[sflag:s31] =	ssyncset.done $0x0  }
0x50: {  	[sflag:s31] =	ssyncadd.s32 $0xFFFFF000  }
0x51: {  	[spmem:s20] =	stream.linear.scatter [tilespmem:s30], [sflag:$0x4], $0x1000, $0x38;
	[tilespmem:$0xFC00] =	vst v63  }
0x52: {  	_ =	swait.ge [sflag:s31], $0x1000  }
0x53: {  	[sflag:s31] =	ssyncset.done $0x0  }
0x54: {  	[sflag:s31] =	ssyncadd.s32 $0xFFFFF000  }
0x55: {  	[spmem:s21] =	stream.linear.scatter [tilespmem:s30], [sflag:$0x4], $0x1000, $0x38;
	[tilespmem:$0xFC00] =	vst v63  }
0x56: {  	_ =	swait.ge [sflag:s31], $0x1000  }
0x57: {  	[sflag:s31] =	ssyncset.done $0x0  }
0x58: {  	[sflag:s31] =	ssyncadd.s32 $0xFFFFF000  }
0x59: {  	[spmem:s22] =	stream.linear.scatter [tilespmem:s30], [sflag:$0x4], $0x400, $0x38;
	[tilespmem:$0xFC00] =	vst v63  }
.Ltmp2:
0x5a: {  	_ =	swait.ge [sflag:s31], $0x400;
	(pc) =	sbr.rel @p0 .LBB2_6-.Ltmp2, $4  }
0x5b: {  	[sflag:s31] =	ssyncset.done $0x0  }
0x5c: {  	[sflag:s31] =	ssyncadd.s32 $0xFFFFFC00  }
0x5d: {  	[bflag:$0x0] =	sbarrier.arrive $0xFFFF  }
0x5e: {  	s11 =	simm.s32 $0x0  }
0x5f: {  	s12 =	rddreg [dreg:$0xc]  }
0x60: {  	[tilespmem:s11], [sflag:$0x1] =	stream.linear.gather [hbm4b:s12+s11], $0x400, $0x38;
	[tilespmem:$0xFC00] =	vst v63  }
0x61: {  	_ =	swait.ge [sflag:s0], $0x400  }
0x62: {  	[sflag:s0] =	ssyncset.done $0x0  }
0x63: {  	[sflag:s0] =	ssyncadd.s32 $0xFFFFFC00  }
0x64: {  	[tilespmem:s7], [sflag:$0x2] =	stream.indirect.gather [hbm4b:s4+s6], $0x8, s11, s6, $0xb8;
	[tilespmem:$0xFC00] =	vst v63  }
0x65: {  	_ =	swait.ge [sflag:s3], $0x1000  }
0x66: {  	[sflag:s3] =	ssyncset.done $0x0  }
0x67: {  	[sflag:s3] =	ssyncadd.s32 $0xFFFFF000  }
0x68: {  	[tilespmem:s19], [sflag:$0x1] =	stream.linear.gather [hbm4b:s28+s11], $0x400, $0x38;
	[tilespmem:$0xFC00] =	vst v63  }
0x69: {  	_ = 	snop  }
0x6a: {  	[spmem:s1] =	stream.indirect.scatter.add.f32 [tilespmem:s7], [sflag:$0x3], $0x8, s6, s6, $0xb8;
	[tilespmem:$0xFC00] =	vst v63  }
0x6b: {  	_ =	swait.ge [sflag:s0], $0x400  }
0x6c: {  	[sflag:s0] =	ssyncset.done $0x0  }
0x6d: {  	[sflag:s0] =	ssyncadd.s32 $0xFFFFFC00  }
0x6e: {  	[tilespmem:s18], [sflag:$0x2] =	stream.indirect.gather [hbm4b:s4+s6], $0x8, s19, s6, $0xb8;
	[tilespmem:$0xFC00] =	vst v63  }
0x6f: {  	_ =	swait.ge [sflag:s3], $0x1000  }
0x70: {  	[sflag:s3] =	ssyncset.done $0x0  }
0x71: {  	[sflag:s3] =	ssyncadd.s32 $0xFFFFF000  }
0x72: {  	_ =	swait.ge [sflag:s5], $0x1000  }
0x73: {  	[sflag:s5] =	ssyncset.done $0x0  }
0x74: {  	[sflag:s5] =	ssyncadd.s32 $0xFFFFF000  }
0x75: {  	[tilespmem:s11], [sflag:$0x1] =	stream.linear.gather [hbm4b:s29+s11], $0x400, $0x38;
	[tilespmem:$0xFC00] =	vst v63  }
0x76: {  	_ = 	snop  }
0x77: {  	[spmem:s1] =	stream.indirect.scatter.add.f32 [tilespmem:s18], [sflag:$0x3], $0x8, s9, s6, $0xb8;
	[tilespmem:$0xFC00] =	vst v63  }
.LBB2_3:
0x78: {  	_ =	swait.ge [sflag:s0], $0x400  }
0x79: {  	[sflag:s0] =	ssyncset.done $0x0  }
0x7a: {  	[sflag:s0] =	ssyncadd.s32 $0xFFFFFC00  }
0x7b: {  	[tilespmem:s7], [sflag:$0x2] =	stream.indirect.gather [hbm4b:s4+s6], $0x8, s2, s6, $0xb8;
	[tilespmem:$0xFC00] =	vst v63  }
0x7c: {  	_ =	swait.ge [sflag:s3], $0x1000  }
0x7d: {  	[sflag:s3] =	ssyncset.done $0x0  }
0x7e: {  	[sflag:s3] =	ssyncadd.s32 $0xFFFFF000  }
0x7f: {  	_ =	swait.ge [sflag:s5], $0x1000  }
0x80: {  	[sflag:s5] =	ssyncset.done $0x0  }
0x81: {  	s12 =	sadd.s32 s11, s26;
	[sflag:s5] =	ssyncadd.s32 $0xFFFFF000  }
0x82: {  	[tilespmem:s19], [sflag:$0x1] =	stream.linear.gather [hbm4b:s12+s2], $0x400, $0x38;
	[tilespmem:$0xFC00] =	vst v63  }
0x83: {  	_ = 	snop  }
0x84: {  	[spmem:s1] =	stream.indirect.scatter.add.f32 [tilespmem:s7], [sflag:$0x3], $0x8, s6, s6, $0xb8;
	[tilespmem:$0xFC00] =	vst v63  }
0x85: {  	_ =	swait.ge [sflag:s0], $0x400  }
0x86: {  	[sflag:s0] =	ssyncset.done $0x0  }
0x87: {  	[sflag:s0] =	ssyncadd.s32 $0xFFFFFC00  }
0x88: {  	[tilespmem:s18], [sflag:$0x2] =	stream.indirect.gather [hbm4b:s4+s6], $0x8, s19, s6, $0xb8;
	[tilespmem:$0xFC00] =	vst v63  }
0x89: {  	p1 =	seq.s32 s11, $0x2F00;
	_ =	swait.ge [sflag:s3], $0x1000  }
.Ltmp3:
0x8a: {  	[sflag:s3] =	ssyncset.done $0x0;
	(pc) =	sbr.rel @p1 .LBB2_4-.Ltmp3, $4  }
0x8b: {  	[sflag:s3] =	ssyncadd.s32 $0xFFFFF000  }
0x8c: {  	_ =	swait.ge [sflag:s5], $0x1000  }
0x8d: {  	[sflag:s5] =	ssyncset.done $0x0  }
0x8e: {  	[sflag:s5] =	ssyncadd.s32 $0xFFFFF000  }
.Ltmp4:
0x8f: {  	(pc) =	sbr.rel .LBB2_3-.Ltmp4, $4  }
0x90: {  	s12 =	sadd.s32 s11, s25  }
0x91: {  	[tilespmem:s2], [sflag:$0x1] =	stream.linear.gather [hbm4b:s12+s2], $0x400, $0x38;
	[tilespmem:$0xFC00] =	vst v63  }
0x92: {  	s11 =	sadd.s32 $0x100, s11  }
0x93: {  	[spmem:s1] =	stream.indirect.scatter.add.f32 [tilespmem:s18], [sflag:$0x3], $0x8, s9, s6, $0xb8;
	[tilespmem:$0xFC00] =	vst v63  }
.LBB2_6:
0x94: {  	s12 =	rddreg [dreg:$0xb]  }
0x95: {  	[tilespmem:s11], [sflag:$0x1] =	stream.linear.gather [hbm4b:s12+s11], $0x400, $0x38;
	[tilespmem:$0xFC00] =	vst v63  }
0x96: {  	_ =	swait.ge [sflag:s0], $0x400  }
0x97: {  	[sflag:s0] =	ssyncset.done $0x0  }
0x98: {  	[sflag:s0] =	ssyncadd.s32 $0xFFFFFC00  }
0x99: {  	[tilespmem:s7], [sflag:$0x2] =	stream.indirect.gather [hbm4b:s4+s6], $0x8, s11, s6, $0xb8;
	[tilespmem:$0xFC00] =	vst v63  }
0x9a: {  	_ =	swait.ge [sflag:s3], $0x1000  }
0x9b: {  	[sflag:s3] =	ssyncset.done $0x0  }
0x9c: {  	[sflag:s3] =	ssyncadd.s32 $0xFFFFF000  }
0x9d: {  	[tilespmem:s19], [sflag:$0x1] =	stream.linear.gather [hbm4b:s28+s11], $0x400, $0x38;
	[tilespmem:$0xFC00] =	vst v63  }
0x9e: {  	_ = 	snop  }
0x9f: {  	[spmem:s1] =	stream.indirect.scatter.add.f32 [tilespmem:s7], [sflag:$0x3], $0x8, s6, s6, $0xb8;
	[tilespmem:$0xFC00] =	vst v63  }
0xa0: {  	_ =	swait.ge [sflag:s0], $0x400  }
0xa1: {  	[sflag:s0] =	ssyncset.done $0x0  }
0xa2: {  	[sflag:s0] =	ssyncadd.s32 $0xFFFFFC00  }
0xa3: {  	[tilespmem:s18], [sflag:$0x2] =	stream.indirect.gather [hbm4b:s4+s6], $0x8, s19, s6, $0xb8;
	[tilespmem:$0xFC00] =	vst v63  }
0xa4: {  	_ =	swait.ge [sflag:s3], $0x1000  }
0xa5: {  	[sflag:s3] =	ssyncset.done $0x0  }
0xa6: {  	[sflag:s3] =	ssyncadd.s32 $0xFFFFF000  }
0xa7: {  	_ =	swait.ge [sflag:s5], $0x1000  }
0xa8: {  	[sflag:s5] =	ssyncset.done $0x0  }
0xa9: {  	[sflag:s5] =	ssyncadd.s32 $0xFFFFF000  }
0xaa: {  	[tilespmem:s11], [sflag:$0x1] =	stream.linear.gather [hbm4b:s29+s11], $0x400, $0x38;
	[tilespmem:$0xFC00] =	vst v63  }
0xab: {  	_ = 	snop  }
0xac: {  	[spmem:s1] =	stream.indirect.scatter.add.f32 [tilespmem:s18], [sflag:$0x3], $0x8, s9, s6, $0xb8;
	[tilespmem:$0xFC00] =	vst v63  }
.LBB2_7:
0xad: {  	_ =	swait.ge [sflag:s0], $0x400  }
0xae: {  	[sflag:s0] =	ssyncset.done $0x0  }
0xaf: {  	[sflag:s0] =	ssyncadd.s32 $0xFFFFFC00  }
0xb0: {  	[tilespmem:s7], [sflag:$0x2] =	stream.indirect.gather [hbm4b:s4+s6], $0x8, s2, s6, $0xb8;
	[tilespmem:$0xFC00] =	vst v63  }
0xb1: {  	_ =	swait.ge [sflag:s3], $0x1000  }
0xb2: {  	[sflag:s3] =	ssyncset.done $0x0  }
0xb3: {  	[sflag:s3] =	ssyncadd.s32 $0xFFFFF000  }
0xb4: {  	_ =	swait.ge [sflag:s5], $0x1000  }
0xb5: {  	[sflag:s5] =	ssyncset.done $0x0  }
0xb6: {  	s12 =	sadd.s32 s11, s26;
	[sflag:s5] =	ssyncadd.s32 $0xFFFFF000  }
0xb7: {  	[tilespmem:s19], [sflag:$0x1] =	stream.linear.gather [hbm4b:s12+s2], $0x400, $0x38;
	[tilespmem:$0xFC00] =	vst v63  }
0xb8: {  	_ = 	snop  }
0xb9: {  	[spmem:s1] =	stream.indirect.scatter.add.f32 [tilespmem:s7], [sflag:$0x3], $0x8, s6, s6, $0xb8;
	[tilespmem:$0xFC00] =	vst v63  }
0xba: {  	_ =	swait.ge [sflag:s0], $0x400  }
0xbb: {  	[sflag:s0] =	ssyncset.done $0x0  }
0xbc: {  	[sflag:s0] =	ssyncadd.s32 $0xFFFFFC00  }
0xbd: {  	[tilespmem:s18], [sflag:$0x2] =	stream.indirect.gather [hbm4b:s4+s6], $0x8, s19, s6, $0xb8;
	[tilespmem:$0xFC00] =	vst v63  }
0xbe: {  	p1 =	seq.s32 s11, $0x2F00;
	_ =	swait.ge [sflag:s3], $0x1000  }
.Ltmp5:
0xbf: {  	[sflag:s3] =	ssyncset.done $0x0;
	(pc) =	sbr.rel @p1 .LBB2_8-.Ltmp5, $4  }
0xc0: {  	[sflag:s3] =	ssyncadd.s32 $0xFFFFF000  }
0xc1: {  	_ =	swait.ge [sflag:s5], $0x1000  }
0xc2: {  	[sflag:s5] =	ssyncset.done $0x0  }
0xc3: {  	[sflag:s5] =	ssyncadd.s32 $0xFFFFF000  }
.Ltmp6:
0xc4: {  	(pc) =	sbr.rel .LBB2_7-.Ltmp6, $4  }
0xc5: {  	s12 =	sadd.s32 s11, s25  }
0xc6: {  	[tilespmem:s2], [sflag:$0x1] =	stream.linear.gather [hbm4b:s12+s2], $0x400, $0x38;
	[tilespmem:$0xFC00] =	vst v63  }
0xc7: {  	s11 =	sadd.s32 $0x100, s11  }
0xc8: {  	[spmem:s1] =	stream.indirect.scatter.add.f32 [tilespmem:s18], [sflag:$0x3], $0x8, s9, s6, $0xb8;
	[tilespmem:$0xFC00] =	vst v63  }
.LBB2_4:
.Ltmp7:
0xc9: {  	(pc) =	sbr.rel .LBB2_9-.Ltmp7, $2  }
0xca: {  	_ =	sdelay $0x2  }
0xcb: {  	s11 =	rddreg [dreg:$0x4]  }
.LBB2_10:
0xcc: {  	_ =	sfence.sel $0x180000  }
0xcd: {  	[bflag:$0x0] =	sbarrier.arrive $0xFFFF  }
0xce: {  	_ =	strace $0x90000047  }
0xcf: {  	s0 =	stileid.u32;
	[bflag:$0x2] =	sbarrier.arrive $0xFFFF  }
0xd0: {  	p0 =	sne.s32 s0, $0x0;
	s0 =	rddreg [dreg:$0x2]  }
0xd1: {  	s0 =	sadd.s32 @!p0 $0x100000, s0  }
0xd2: {  	[sflag:s0] =	ssyncadd.tile.s32 @!p0 $0x1;
	_ =	shalt  }
.Lfunc_end2:
_tile_overlayer_lowered:
.L_overlay_start_2:
0xd3: {  	(tag) =	ssettag $0x2  }
0xd4: {  	s0 =	rddreg [dreg:$0x0];
	s2 =	stileid.u32  }
0xd5: {  	s1 =	rddreg [dreg:$0x1];
	p0 =	sne.s32 s2, $0x0  }
0xd6: {  	s3 =	rddreg [dreg:$0x2];
	[bflag:$0x3] =	sbarrier.arrive $0xFFFF;
	s2 =	simm.s32 @!p0 $0x1C04  }
0xd7: {  	[timem:s3], [sflag:s2] =	dma.local @!p0 [hbm:s0], s1  }
0xd8: {  	s0 =	simm.s32 @!p0 $0x4  }
0xd9: {  	_ =	swait.ge @!p0 [sflag:s0], s1  }
0xda: {  	s1 =	ssub.s32 @!p0 $0x0, s1;
	[sflag:s0] =	ssyncset.done @!p0 $0x0  }
0xdb: {  	[sflag:s0] =	ssyncadd.s32 @!p0 s1  }
0xdc: {  	[bflag:$0x3] =	sbarrier.arrive $0xFFFF  }
0xdd: {  	_ =	shalt  }

// kernel: kernel.16.cloned.1.call-start
scs
__scs_entry_jumppad:
0x0: {  	(pc) =	sbr.rel $0x88, $3  }
0x1: {  	(tag) =	ssettag $0x0;
	lr =	simm.s32 $0x1  }
0x2: {  	[smem:$0x3F95] =	sst lr;
	_ =	strace $0xD0000000  }
0x3: {  	_ = 	snop  }
0x4: {  	_ = 	snop  }
0x5: {  	_ = 	snop  }
0x6: {  	_ = 	snop  }
0x7: {  	_ = 	snop  }
__scs_overlays_trampoline_lowered:
0x8: {  	[smem:$0x3FA4] =	sst s0  }
0x9: {  	[smem:$0x3FA5] =	sst s1  }
0xa: {  	[smem:$0x3FA6] =	sst s2  }
0xb: {  	[smem:$0x3FA7] =	sst s3  }
0xc: {  	[smem:$0x3FA8] =	sst s4  }
0xd: {  	[smem:$0x3FA9] =	sst s5  }
0xe: {  	[smem:$0x3FAA] =	sst s6  }
0xf: {  	[smem:$0x3FAB] =	sst s7  }
0x10: {  	[smem:$0x3FAC] =	sst s8  }
0x11: {  	[smem:$0x3FAD] =	sst s9;
	s0 =	simm.s32 @!p0 $0x0  }
0x12: {  	s1 =	sld [smem:$0x3F93];
	s0 =	simm.s32 @p0 $0x1  }
0x13: {  	[smem:$0x3FAE] =	sst s0;
	s0 =	simm.s32 @!p1 $0x0  }
0x14: {  	s2 =	sld [smem:$0x3F92];
	s0 =	simm.s32 @p1 $0x1  }
0x15: {  	[smem:$0x3FAF] =	sst s0;
	s0 =	simm.s32 @!p2 $0x0  }
0x16: {  	s3 =	sld [smem:$0x3FDB];
	s0 =	simm.s32 @p2 $0x1  }
0x17: {  	s4 =	simm.s32 $0x1BF5;
	[smem:$0x3FB1] =	sst s0  }
0x18: {  	s0 =	sld [smem:$0x3F94];
	_ =	swait.ge [sflag:s4], $0x0  }
0x19: {  	s7 =	sld [smem:$0x3F95]  }
0x1a: {  	s8 =	sadd.s32 $0xFFFFE003, lr  }
0x1b: {  	s9 =	sadd.s32 $0xFFFFFEF7, lr;
	s5 =	simm.s32 $0xFFFFFFFF;
	p2 =	slt.u32 s8, $0xFFFFF086  }
0x1c: {  	p1 =	slt.u32 s9, $0xF7A;
	s5 =	simm.s32 @!p2 $0x0  }
0x1d: {  	s5 =	simm.s32 @p1 $0x1;
	p0 =	seq.s32 s7, s2  }
0x1e: {  	s7 =	smul.u32 @!p0 $0xF7A, s2;
	p2 =	seq.s32 @!p0 s5, $0x0  }
0x1f: {  	s9 =	smul.u32 $0xF7A, s1;
	s8 =	simm.s32 @!p0 $0x1BF5;
	p2 =	por !p2, p0  }
0x20: {  	[sflag:s8] =	ssyncset.s32 @!p0 $0xFFFFF086;
	s6 =	sadd.s32 @!p0 s3, s7;
	s7 =	simm.s32 @!p0 $0x108  }
0x21: {  	s3 =	sadd.s32 s3, s9;
	s6 =	sadd.s32 @!p0 $0x88, s6;
	s7 =	simm.s32 @p2 $0x1082  }
0x22: {  	[simem:s7], [sflag:s8] =	dma.local @!p0 [hbm:s6], $0xF7A  }
0x23: {  	s9 =	sor.u32 $0xD0000000, s2;
	s6 =	simm.s32 $0x108;
	_ =	swait.ge @!p0 [sflag:s8], $0x0  }
0x24: {  	s3 =	sadd.s32 $0x88, s3;
	s6 =	simm.s32 @!p1 $0x1082;
	[sflag:s4] =	ssyncset.s32 $0xFFFFF086  }
0x25: {  	[simem:s6], [sflag:s4] =	dma.local [hbm:s3], $0xF7A  }
0x26: {  	[smem:$0x3F95] =	sst s1;
	(tag) =	ssettag s2;
	_ =	strace s9  }
0x27: {  	s1 =	sld [smem:$0x3FA5]  }
0x28: {  	s2 =	sld [smem:$0x3FA6]  }
0x29: {  	s4 =	sld [smem:$0x3FA8]  }
0x2a: {  	p0 =	seq.s32 s5, $0x0;
	s5 =	sld [smem:$0x3FA9]  }
0x2b: {  	s6 =	sld [smem:$0x3FAA]  }
0x2c: {  	s7 =	sld [smem:$0x3FAB]  }
0x2d: {  	s3 =	simm.s32 $0x108;
	s8 =	sld [smem:$0x3FAC]  }
0x2e: {  	s3 =	simm.s32 @!p0 $0x1082;
	s9 =	sld [smem:$0x3FAD]  }
0x2f: {  	lr =	sadd.s32 s0, s3;
	s0 =	sld [smem:$0x3FA4]  }
0x30: {  	s3 =	sld [smem:$0x3FA7]  }
0x31: {  	[smem:$0x3FB0] =	sst s10  }
0x32: {  	s10 =	sld [smem:$0x3FAE];
	_ =	sdelay $0x3  }
0x33: {  	p0 =	seq.s32 s10, $0x1;
	s10 =	sld [smem:$0x3FB0];
	_ =	sdelay $0x3  }
0x34: {  	[smem:$0x3FB0] =	sst s10  }
0x35: {  	s10 =	sld [smem:$0x3FAF];
	_ =	sdelay $0x3  }
0x36: {  	p1 =	seq.s32 s10, $0x1;
	s10 =	sld [smem:$0x3FB0];
	_ =	sdelay $0x3  }
0x37: {  	[smem:$0x3FB0] =	sst s10  }
0x38: {  	s10 =	sld [smem:$0x3FB1]  }
0x39: {  	_ = 	snop;
	(pc) =	sbr.ind lr, $3  }
0x3a: {  	_ = 	snop  }
0x3b: {  	_ = 	snop  }
0x3c: {  	p2 =	seq.s32 s10, $0x1;
	s10 =	sld [smem:$0x3FB0]  }
0x3d: {  	_ =	shalt  }
0x3e: {  	_ =	shalt  }
0x3f: {  	_ =	shalt  }
0x40: {  	_ =	shalt  }
0x41: {  	_ =	shalt  }
0x42: {  	_ =	shalt  }
0x43: {  	_ =	shalt  }
0x44: {  	_ =	shalt  }
0x45: {  	_ =	shalt  }
0x46: {  	_ =	shalt  }
0x47: {  	_ =	shalt  }
0x48: {  	_ =	shalt  }
0x49: {  	_ =	shalt  }
0x4a: {  	_ =	shalt  }
0x4b: {  	_ =	shalt  }
0x4c: {  	_ =	shalt  }
0x4d: {  	_ =	shalt  }
0x4e: {  	_ =	shalt  }
0x4f: {  	_ =	shalt  }
0x50: {  	_ =	shalt  }
0x51: {  	_ =	shalt  }
0x52: {  	_ =	shalt  }
0x53: {  	_ =	shalt  }
0x54: {  	_ =	shalt  }
0x55: {  	_ =	shalt  }
0x56: {  	_ =	shalt  }
0x57: {  	_ =	shalt  }
0x58: {  	_ =	shalt  }
0x59: {  	_ =	shalt  }
0x5a: {  	_ =	shalt  }
0x5b: {  	_ =	shalt  }
0x5c: {  	_ =	shalt  }
0x5d: {  	_ =	shalt  }
0x5e: {  	_ =	shalt  }
0x5f: {  	_ =	shalt  }
0x60: {  	_ =	shalt  }
0x61: {  	_ =	shalt  }
0x62: {  	_ =	shalt  }
0x63: {  	_ =	shalt  }
0x64: {  	_ =	shalt  }
0x65: {  	_ =	shalt  }
0x66: {  	_ =	shalt  }
0x67: {  	_ =	shalt  }
0x68: {  	_ =	shalt  }
0x69: {  	_ =	shalt  }
0x6a: {  	_ =	shalt  }
0x6b: {  	_ =	shalt  }
0x6c: {  	_ =	shalt  }
0x6d: {  	_ =	shalt  }
0x6e: {  	_ =	shalt  }
0x6f: {  	_ =	shalt  }
0x70: {  	_ =	shalt  }
0x71: {  	_ =	shalt  }
0x72: {  	_ =	shalt  }
0x73: {  	_ =	shalt  }
0x74: {  	_ =	shalt  }
0x75: {  	_ =	shalt  }
0x76: {  	_ =	shalt  }
0x77: {  	_ =	shalt  }
0x78: {  	_ =	shalt  }
0x79: {  	_ =	shalt  }
0x7a: {  	_ =	shalt  }
0x7b: {  	_ =	shalt  }
0x7c: {  	_ =	shalt  }
0x7d: {  	_ =	shalt  }
0x7e: {  	_ =	shalt  }
0x7f: {  	_ =	shalt  }
0x80: {  	_ =	shalt  }
0x81: {  	_ =	shalt  }
0x82: {  	_ =	shalt  }
0x83: {  	_ =	shalt  }
0x84: {  	_ =	shalt  }
0x85: {  	_ =	shalt  }
0x86: {  	_ =	shalt  }
0x87: {  	_ =	shalt  }
.Lfunc_end0:
.L_simem_size_0:
called_computation.2_lowered:
.L_overlay_start_0:
0x88: {  	s2 =	sld [smem:$0x3FD9]  }
0x89: {  	s3 =	sld [smem:$0x3FFE];
	_ =	sdelay $0x1  }
0x8a: {  	s1 =	srdreg.scid  }
0x8b: {  	s0 =	sand.u32 $0x1, s1  }
0x8c: {  	s16 =	sshll.u32 s0, $0xA;
	s2 =	sadd.s32 s3, s2  }
0x8d: {  	s2 =	sadd.s32 s2, s16  }
0x8e: {  	[smem:$0x3FBC] =	sst s2  }
0x8f: {  	_ = 	snop  }
0x90: {  	(tm) =	ssettm $0x1  }
0x91: {  	s17 =	sld [smem:$0x3FFB];
	_ =	sdelay $0x3  }
0x92: {  	_ =	strace s17  }
0x93: {  	s2 =	sld [smem:$0x3FFC];
	_ =	sdelay $0x3  }
0x94: {  	_ =	strace s2  }
0x95: {  	s2 =	sld [smem:$0x3FFD];
	_ =	sdelay $0x3  }
0x96: {  	_ =	strace s2  }
0x97: {  	_ =	strace $0x8FFFFFFF  }
0x98: {  	s18 =	sld [smem:$0x3FDB];
	_ =	sdelay $0x1  }
0x99: {  	s19 =	simm.s32 $_scs_section_size  }
0x9a: {  	s4 =	simm.s32 $_size__tile_overlayer_lowered;
	s5 =	simm.s32 $_tile_overlayer_lowered  }
0x9b: {  	s22 =	simm.s32 $0x1BFF;
	s21 =	sshll.u32 s5, $0x1;
	s2 =	sadd.s32 s19, s18  }
0x9c: {  	s6 =	simm.s32 $0x0;
	s20 =	sshll.u32 s4, $0x1;
	s4 =	sadd.s32 s21, s2  }
0x9d: {  	[timem:s6], [sflag:s22] =	dma.local [hbm:s4], s20  }
0x9e: {  	_ =	swait.ge [sflag:s22], s20  }
0x9f: {  	s3 =	ssub.s32 $0x0, s20;
	[sflag:s22] =	ssyncset.done $0x0  }
0xa0: {  	[sflag:s22] =	ssyncadd.s32 s3;
	_ =	sdelay $0x1  }
0xa1: {  	s23 =	simm.s32 $0x1B8B  }
0xa2: {  	_ =	swait.ge [sflag:s23], $0x1  }
0xa3: {  	[sflag:s23] =	ssyncset.done $0x0  }
0xa4: {  	s25 =	simm.s32 $0x1B8E;
	s24 =	sld [smem:$0x3FFE];
	[sflag:s23] =	ssyncadd.s32 $0xFFFFFFFF  }
0xa5: {  	s26 =	simm.s32 $execute0_lowered;
	[smem:$0x3FD2] =	sst s25  }
0xa6: {  	s4 =	sshll.u32 s26, $0x1;
	_ =	strace $0x8000004C;
	[dreg:$0x1] =	wrdreg $0xFFFFFFFF  }
0xa7: {  	s28 =	simm.s32 $_size_execute0_lowered;
	s2 =	sadd.s32 s2, s4;
	[dreg:$0x0] =	wrdreg $0x0  }
0xa8: {  	s4 =	sshll.u32 s28, $0x1;
	[dreg:$0x2] =	wrdreg s2  }
0xa9: {  	[dreg:$0x3] =	wrdreg s4  }
0xaa: {  	[dreg:$0x4] =	wrdreg $0xC0  }
0xab: {  	_ =	task [dreg:s6], $0x5FFFF  }
0xac: {  	[dreg:$0x1] =	wrdreg $0xFFFFFFFF  }
0xad: {  	[dreg:$0x0] =	wrdreg $0x60  }
0xae: {  	[dreg:$0x2] =	wrdreg s24  }
0xaf: {  	[dreg:$0x3] =	wrdreg $0x68000  }
0xb0: {  	[dreg:$0x4] =	wrdreg $0x9  }
0xb1: {  	_ =	task.clear_ibuf [dreg:s6], $0x5FFFF;
	_ =	strace $0x9000004C  }
0xb2: {  	s29 =	simm.s32 $0x9;
	_ =	strace $0x8000004E  }
0xb3: {  	_ =	swait.ge [sflag:s29], $0x1  }
0xb4: {  	[sflag:s29] =	ssyncadd.s32 $0xFFFFFFFF  }
0xb5: {  	_ =	strace $0x9000004E  }
0xb6: {  	_ =	sfence  }
0xb7: {  	s30 =	sld [smem:$0x0];
	_ =	sdelay $0x2  }
0xb8: {  	s31 =	sshll.u32 s1, $0xD;
	s1 =	sshrl.u32 s1, $0x2  }
0xb9: {  	s3 =	sand.u32 $0x4000, s31;
	s1 =	sadd.s32 s1, s30  }
0xba: {  	s0 =	sor.u32 s3, s0;
	s1 =	sshll.u32 s1, $0x11  }
0xbb: {  	s0 =	sor.u32 s1, s0  }
0xbc: {  	s0 =	sadd.s32 $0x8F2B, s0  }
0xbd: {  	[sflag:s0] =	ssyncadd.remote.s32 $0x1  }
0xbe: {  	_ =	sfence.sel $0xFFFF  }
0xbf: {  	[dreg:$0x0] =	wrdreg $0xFFFFFFFF;
	(pc) =	sbr.abs _section_cstart, $3  }
0xc0: {  	[dreg:$0x1] =	wrdreg $0xFFFFFFFF  }
0xc1: {  	_ =	task.clear_ibuf [dreg:s6], $0x2FFFF;
	_ =	strace $0x9FFFFFFF  }
0xc2: {  	(tm) =	ssettm $0x7FFFFFFF  }
0xc3: {  	_ =	shalt  }
tec
execute0_lowered:
.L_overlay_start_1:
0x0: {  	(tag) =	ssettag $0x1  }
0x1: {  	s0 =	rddreg [dreg:$0x0]  }
0x2: {  	s1 =	rddreg [dreg:$0x1]  }
0x3: {  	s2 =	simm.s32 $0x0;
	s5 =	srdreg.scid;
	s12 =	stileid.u32  }
0x4: {  	s30 =	simm.s32 $0x4800;
	s31 =	simm.s32 $0x4;
	[smem:$0x7FF] =	sst s2  }
0x5: {  	s4 =	sadd.s32 $0x5200, s0;
	s3 =	sadd.s32 $0x67200, s0;
	s6 =	sadd.s32 $0x4EC00, s0  }
0x6: {  	s5 =	sand.u32 $0x1, s5;
	s17 =	smul.u32 $0x62000, s12;
	s7 =	sadd.s32 $0xFA200, s0  }
0x7: {  	s9 =	smul.u32 $0x31000, s12;
	_ =	strace $0x8000004D;
	[dreg:$0x3] =	wrdreg s6  }
0x8: {  	s0 =	sadd.s32 $0xC9200, s0;
	s25 =	smul.u32 $0x62, s12;
	[dreg:$0x4] =	wrdreg s7  }
0x9: {  	s18 =	ssub.s32 $0x2, s5;
	[dreg:$0x5] =	wrdreg s0;
	s24 =	sshll.u32 s5, $0x4  }
0xa: {  	s10 =	smul.u32 $0x620, s5;
	p0 =	sne.s32 s5, $0x0;
	s5 =	simm.s32 $0x3  }
0xb: {  	s19 =	sshrl.u32 s18, $0x1;
	s6 =	sshrl.u32 s17, $0x2;
	s7 =	sor.u32 s12, s24  }
0xc: {  	s20 =	sshrl.u32 s9, $0x1;
	s0 =	ssub.s32 s18, s19;
	s7 =	smul.u32 $0x3100, s7  }
0xd: {  	s6 =	sadd.s32 s6, s1;
	s8 =	sadd.s32 s20, s1;
	s18 =	smul.u32 $0x3100, s12  }
0xe: {  	s10 =	sadd.s32 s25, s10;
	s19 =	simm.s32 $0x400;
	s21 =	sadd.s32 $0x2000, s6  }
0xf: {  	s22 =	sadd.s32 $0x4000, s6;
	s23 =	sadd.s32 $0x6000, s6;
	s11 =	sadd.s32 $0x8000, s6  }
0x10: {  	s13 =	sadd.s32 $0xA000, s6;
	s14 =	sadd.s32 $0xC000, s6;
	[dreg:$0x6] =	wrdreg s21  }
0x11: {  	s15 =	sadd.s32 $0xE000, s6;
	s16 =	sadd.s32 $0x10000, s6;
	[dreg:$0x7] =	wrdreg s22  }
0x12: {  	s17 =	sadd.s32 $0x12000, s6;
	s10 =	sshll.u32 s10, $0x7;
	[dreg:$0x8] =	wrdreg s23  }
0x13: {  	s20 =	sadd.s32 $0x14000, s6;
	s24 =	smax.u32 s0, $0x1;
	[dreg:$0x9] =	wrdreg s11  }
0x14: {  	s0 =	simm.s32 $0x1;
	[dreg:$0xa] =	wrdreg s13;
	s7 =	sadd.s32 s3, s7  }
0x15: {  	s26 =	sadd.s32 s3, s18;
	s3 =	sadd.s32 s3, s10;
	s21 =	sadd.s32 $0x16000, s6  }
.Ltmp0:
0x16: {  	s22 =	sadd.s32 $0x18000, s6;
	s23 =	sshrl.u32 s9, $0x4;
	(pc) =	sbr.rel .LBB2_1-.Ltmp0, $4  }
0x17: {  	s6 =	simm.s32 $0x200;
	s18 =	simm.s32 $0x2800;
	s9 =	simm.s32 $0x600  }
0x18: {  	s10 =	simm.s32 $0x0;
	[dreg:$0xc] =	wrdreg s26;
	s25 =	sadd.s32 $0x200, s3  }
0x19: {  	s26 =	sadd.s32 $0x180, s3;
	s28 =	sadd.s32 $0x80, s7;
	[dreg:$0xb] =	wrdreg s7  }
0x1a: {  	s29 =	sadd.s32 $0x100, s7;
	s7 =	simm.s32 $0x800;
	s3 =	simm.s32 $0x2  }
.LBB2_8:
0x1b: {  	s11 =	rddreg [dreg:$0x5]  }
.LBB2_9:
0x1c: {  	[spmem:s1] =	stream.indirect.scatter.add.bf16 [tilespmem:s18], [sflag:$0x3], $0x10, s9, s6, $0xb8;
	[tilespmem:$0x1F000] =	vst v63  }
0x1d: {  	s11 =	sadd.s32 s11, s23;
	s12 =	stileid.u32;
	_ =	swait.ge [sflag:s5], $0x2000  }
0x1e: {  	s13 =	sshrl.u32 s8, $0x3;
	s10 =	sadd.s32 $0x1, s10;
	[sflag:s5] =	ssyncset.done $0x0  }
0x1f: {  	s12 =	sshll.u32 s12, $0x6;
	p1 =	sne.s32 s10, s24;
	[sflag:s5] =	ssyncadd.s32 $0xFFFFE000  }
.Ltmp1:
0x20: {  	s12 =	sor.u32 $0x1C04, s12;
	[bflag:$0x0] =	sbarrier.arrive $0xFFFF;
	(pc) =	sbr.rel @!p1 .LBB2_10-.Ltmp1, $4  }
0x21: {  	[hbm:s11], [sflag:s12] =	dma.local [spmem:s13], $0x3100  }
0x22: {  	_ =	swait.ge [sflag:s31], $0x3100  }
0x23: {  	[sflag:s31] =	ssyncset.done $0x0  }
0x24: {  	[sflag:s31] =	ssyncadd.s32 $0xFFFFCF00  }
.LBB2_1:
0x25: {  	s11 =	rddreg [dreg:$0x3]  }
0x26: {  	[tilespmem:s30], [sflag:$0x4] =	stream.linear.gather [hbm4b:s11+s2], $0x2000, $0x38;
	[tilespmem:$0x1F000] =	vst v63  }
0x27: {  	_ =	swait.ge [sflag:s31], $0x2000  }
0x28: {  	[sflag:s31] =	ssyncset.done $0x0  }
0x29: {  	[sflag:s31] =	ssyncadd.s32 $0xFFFFE000  }
0x2a: {  	[spmem:s8] =	stream.linear.scatter [tilespmem:s30], [sflag:$0x4], $0x2000, $0x38;
	[tilespmem:$0x1F000] =	vst v63  }
0x2b: {  	_ =	swait.ge [sflag:s31], $0x2000  }
0x2c: {  	[sflag:s31] =	ssyncset.done $0x0  }
0x2d: {  	s13 =	rddreg [dreg:$0x6];
	[sflag:s31] =	ssyncadd.s32 $0xFFFFE000  }
0x2e: {  	[spmem:s13] =	stream.linear.scatter [tilespmem:s30], [sflag:$0x4], $0x2000, $0x38;
	[tilespmem:$0x1F000] =	vst v63  }
0x2f: {  	_ =	swait.ge [sflag:s31], $0x2000  }
0x30: {  	[sflag:s31] =	ssyncset.done $0x0  }
0x31: {  	s12 =	rddreg [dreg:$0x7];
	[sflag:s31] =	ssyncadd.s32 $0xFFFFE000  }
0x32: {  	[spmem:s12] =	stream.linear.scatter [tilespmem:s30], [sflag:$0x4], $0x2000, $0x38;
	[tilespmem:$0x1F000] =	vst v63  }
0x33: {  	_ =	swait.ge [sflag:s31], $0x2000  }
0x34: {  	[sflag:s31] =	ssyncset.done $0x0  }
0x35: {  	s13 =	rddreg [dreg:$0x8];
	[sflag:s31] =	ssyncadd.s32 $0xFFFFE000  }
0x36: {  	[spmem:s13] =	stream.linear.scatter [tilespmem:s30], [sflag:$0x4], $0x2000, $0x38;
	[tilespmem:$0x1F000] =	vst v63  }
0x37: {  	_ =	swait.ge [sflag:s31], $0x2000  }
0x38: {  	[sflag:s31] =	ssyncset.done $0x0  }
0x39: {  	s12 =	rddreg [dreg:$0x9];
	[sflag:s31] =	ssyncadd.s32 $0xFFFFE000  }
0x3a: {  	[spmem:s12] =	stream.linear.scatter [tilespmem:s30], [sflag:$0x4], $0x2000, $0x38;
	[tilespmem:$0x1F000] =	vst v63  }
0x3b: {  	_ =	swait.ge [sflag:s31], $0x2000  }
0x3c: {  	[sflag:s31] =	ssyncset.done $0x0  }
0x3d: {  	s13 =	rddreg [dreg:$0xa];
	[sflag:s31] =	ssyncadd.s32 $0xFFFFE000  }
0x3e: {  	[spmem:s13] =	stream.linear.scatter [tilespmem:s30], [sflag:$0x4], $0x2000, $0x38;
	[tilespmem:$0x1F000] =	vst v63  }
0x3f: {  	_ =	swait.ge [sflag:s31], $0x2000  }
0x40: {  	[sflag:s31] =	ssyncset.done $0x0  }
0x41: {  	[sflag:s31] =	ssyncadd.s32 $0xFFFFE000  }
0x42: {  	[spmem:s14] =	stream.linear.scatter [tilespmem:s30], [sflag:$0x4], $0x2000, $0x38;
	[tilespmem:$0x1F000] =	vst v63  }
0x43: {  	_ =	swait.ge [sflag:s31], $0x2000  }
0x44: {  	[sflag:s31] =	ssyncset.done $0x0  }
0x45: {  	[sflag:s31] =	ssyncadd.s32 $0xFFFFE000  }
0x46: {  	[spmem:s15] =	stream.linear.scatter [tilespmem:s30], [sflag:$0x4], $0x2000, $0x38;
	[tilespmem:$0x1F000] =	vst v63  }
0x47: {  	_ =	swait.ge [sflag:s31], $0x2000  }
0x48: {  	[sflag:s31] =	ssyncset.done $0x0  }
0x49: {  	[sflag:s31] =	ssyncadd.s32 $0xFFFFE000  }
0x4a: {  	[spmem:s16] =	stream.linear.scatter [tilespmem:s30], [sflag:$0x4], $0x2000, $0x38;
	[tilespmem:$0x1F000] =	vst v63  }
0x4b: {  	_ =	swait.ge [sflag:s31], $0x2000  }
0x4c: {  	[sflag:s31] =	ssyncset.done $0x0  }
0x4d: {  	[sflag:s31] =	ssyncadd.s32 $0xFFFFE000  }
0x4e: {  	[spmem:s17] =	stream.linear.scatter [tilespmem:s30], [sflag:$0x4], $0x2000, $0x38;
	[tilespmem:$0x1F000] =	vst v63  }
0x4f: {  	_ =	swait.ge [sflag:s31], $0x2000  }
0x50: {  	[sflag:s31] =	ssyncset.done $0x0  }
0x51: {  	[sflag:s31] =	ssyncadd.s32 $0xFFFFE000  }
0x52: {  	[spmem:s20] =	stream.linear.scatter [tilespmem:s30], [sflag:$0x4], $0x2000, $0x38;
	[tilespmem:$0x1F000] =	vst v63  }
0x53: {  	_ =	swait.ge [sflag:s31], $0x2000  }
0x54: {  	[sflag:s31] =	ssyncset.done $0x0  }
0x55: {  	[sflag:s31] =	ssyncadd.s32 $0xFFFFE000  }
0x56: {  	[spmem:s21] =	stream.linear.scatter [tilespmem:s30], [sflag:$0x4], $0x2000, $0x38;
	[tilespmem:$0x1F000] =	vst v63  }
0x57: {  	_ =	swait.ge [sflag:s31], $0x2000  }
0x58: {  	[sflag:s31] =	ssyncset.done $0x0  }
0x59: {  	[sflag:s31] =	ssyncadd.s32 $0xFFFFE000  }
0x5a: {  	[spmem:s22] =	stream.linear.scatter [tilespmem:s30], [sflag:$0x4], $0x800, $0x38;
	[tilespmem:$0x1F000] =	vst v63  }
.Ltmp2:
0x5b: {  	_ =	swait.ge [sflag:s31], $0x800;
	(pc) =	sbr.rel @p0 .LBB2_6-.Ltmp2, $4  }
0x5c: {  	[sflag:s31] =	ssyncset.done $0x0  }
0x5d: {  	[sflag:s31] =	ssyncadd.s32 $0xFFFFF800  }
0x5e: {  	[bflag:$0x0] =	sbarrier.arrive $0xFFFF  }
0x5f: {  	s11 =	simm.s32 $0x0  }
0x60: {  	s12 =	rddreg [dreg:$0xc]  }
0x61: {  	[tilespmem:s11], [sflag:$0x1] =	stream.linear.gather [hbm4b:s12+s11], $0x400, $0x38;
	[tilespmem:$0x1F000] =	vst v63  }
0x62: {  	_ =	swait.ge [sflag:s0], $0x400  }
0x63: {  	[sflag:s0] =	ssyncset.done $0x0  }
0x64: {  	[sflag:s0] =	ssyncadd.s32 $0xFFFFFC00  }
0x65: {  	[tilespmem:s7], [sflag:$0x2] =	stream.indirect.gather [hbm4b:s4+s6], $0x10, s11, s6, $0xb8;
	[tilespmem:$0x1F000] =	vst v63  }
0x66: {  	_ =	swait.ge [sflag:s3], $0x2000  }
0x67: {  	[sflag:s3] =	ssyncset.done $0x0  }
0x68: {  	[sflag:s3] =	ssyncadd.s32 $0xFFFFE000  }
0x69: {  	[tilespmem:s19], [sflag:$0x1] =	stream.linear.gather [hbm4b:s28+s11], $0x400, $0x38;
	[tilespmem:$0x1F000] =	vst v63  }
0x6a: {  	_ = 	snop  }
0x6b: {  	[spmem:s1] =	stream.indirect.scatter.add.bf16 [tilespmem:s7], [sflag:$0x3], $0x10, s6, s6, $0xb8;
	[tilespmem:$0x1F000] =	vst v63  }
0x6c: {  	_ =	swait.ge [sflag:s0], $0x400  }
0x6d: {  	[sflag:s0] =	ssyncset.done $0x0  }
0x6e: {  	[sflag:s0] =	ssyncadd.s32 $0xFFFFFC00  }
0x6f: {  	[tilespmem:s18], [sflag:$0x2] =	stream.indirect.gather [hbm4b:s4+s6], $0x10, s19, s6, $0xb8;
	[tilespmem:$0x1F000] =	vst v63  }
0x70: {  	_ =	swait.ge [sflag:s3], $0x2000  }
0x71: {  	[sflag:s3] =	ssyncset.done $0x0  }
0x72: {  	[sflag:s3] =	ssyncadd.s32 $0xFFFFE000  }
0x73: {  	_ =	swait.ge [sflag:s5], $0x2000  }
0x74: {  	[sflag:s5] =	ssyncset.done $0x0  }
0x75: {  	[sflag:s5] =	ssyncadd.s32 $0xFFFFE000  }
0x76: {  	[tilespmem:s11], [sflag:$0x1] =	stream.linear.gather [hbm4b:s29+s11], $0x400, $0x38;
	[tilespmem:$0x1F000] =	vst v63  }
0x77: {  	_ = 	snop  }
0x78: {  	[spmem:s1] =	stream.indirect.scatter.add.bf16 [tilespmem:s18], [sflag:$0x3], $0x10, s9, s6, $0xb8;
	[tilespmem:$0x1F000] =	vst v63  }
.LBB2_3:
0x79: {  	_ =	swait.ge [sflag:s0], $0x400  }
0x7a: {  	[sflag:s0] =	ssyncset.done $0x0  }
0x7b: {  	[sflag:s0] =	ssyncadd.s32 $0xFFFFFC00  }
0x7c: {  	[tilespmem:s7], [sflag:$0x2] =	stream.indirect.gather [hbm4b:s4+s6], $0x10, s2, s6, $0xb8;
	[tilespmem:$0x1F000] =	vst v63  }
0x7d: {  	_ =	swait.ge [sflag:s3], $0x2000  }
0x7e: {  	[sflag:s3] =	ssyncset.done $0x0  }
0x7f: {  	[sflag:s3] =	ssyncadd.s32 $0xFFFFE000  }
0x80: {  	_ =	swait.ge [sflag:s5], $0x2000  }
0x81: {  	[sflag:s5] =	ssyncset.done $0x0  }
0x82: {  	s12 =	sadd.s32 s11, s26;
	[sflag:s5] =	ssyncadd.s32 $0xFFFFE000  }
0x83: {  	[tilespmem:s19], [sflag:$0x1] =	stream.linear.gather [hbm4b:s12+s2], $0x400, $0x38;
	[tilespmem:$0x1F000] =	vst v63  }
0x84: {  	_ = 	snop  }
0x85: {  	[spmem:s1] =	stream.indirect.scatter.add.bf16 [tilespmem:s7], [sflag:$0x3], $0x10, s6, s6, $0xb8;
	[tilespmem:$0x1F000] =	vst v63  }
0x86: {  	_ =	swait.ge [sflag:s0], $0x400  }
0x87: {  	[sflag:s0] =	ssyncset.done $0x0  }
0x88: {  	[sflag:s0] =	ssyncadd.s32 $0xFFFFFC00  }
0x89: {  	[tilespmem:s18], [sflag:$0x2] =	stream.indirect.gather [hbm4b:s4+s6], $0x10, s19, s6, $0xb8;
	[tilespmem:$0x1F000] =	vst v63  }
0x8a: {  	p1 =	seq.s32 s11, $0x2F00;
	_ =	swait.ge [sflag:s3], $0x2000  }
.Ltmp3:
0x8b: {  	[sflag:s3] =	ssyncset.done $0x0;
	(pc) =	sbr.rel @p1 .LBB2_4-.Ltmp3, $4  }
0x8c: {  	[sflag:s3] =	ssyncadd.s32 $0xFFFFE000  }
0x8d: {  	_ =	swait.ge [sflag:s5], $0x2000  }
0x8e: {  	[sflag:s5] =	ssyncset.done $0x0  }
0x8f: {  	[sflag:s5] =	ssyncadd.s32 $0xFFFFE000  }
.Ltmp4:
0x90: {  	(pc) =	sbr.rel .LBB2_3-.Ltmp4, $4  }
0x91: {  	s12 =	sadd.s32 s11, s25  }
0x92: {  	[tilespmem:s2], [sflag:$0x1] =	stream.linear.gather [hbm4b:s12+s2], $0x400, $0x38;
	[tilespmem:$0x1F000] =	vst v63  }
0x93: {  	s11 =	sadd.s32 $0x100, s11  }
0x94: {  	[spmem:s1] =	stream.indirect.scatter.add.bf16 [tilespmem:s18], [sflag:$0x3], $0x10, s9, s6, $0xb8;
	[tilespmem:$0x1F000] =	vst v63  }
.LBB2_6:
0x95: {  	s12 =	rddreg [dreg:$0xb]  }
0x96: {  	[tilespmem:s11], [sflag:$0x1] =	stream.linear.gather [hbm4b:s12+s11], $0x400, $0x38;
	[tilespmem:$0x1F000] =	vst v63  }
0x97: {  	_ =	swait.ge [sflag:s0], $0x400  }
0x98: {  	[sflag:s0] =	ssyncset.done $0x0  }
0x99: {  	[sflag:s0] =	ssyncadd.s32 $0xFFFFFC00  }
0x9a: {  	[tilespmem:s7], [sflag:$0x2] =	stream.indirect.gather [hbm4b:s4+s6], $0x10, s11, s6, $0xb8;
	[tilespmem:$0x1F000] =	vst v63  }
0x9b: {  	_ =	swait.ge [sflag:s3], $0x2000  }
0x9c: {  	[sflag:s3] =	ssyncset.done $0x0  }
0x9d: {  	[sflag:s3] =	ssyncadd.s32 $0xFFFFE000  }
0x9e: {  	[tilespmem:s19], [sflag:$0x1] =	stream.linear.gather [hbm4b:s28+s11], $0x400, $0x38;
	[tilespmem:$0x1F000] =	vst v63  }
0x9f: {  	_ = 	snop  }
0xa0: {  	[spmem:s1] =	stream.indirect.scatter.add.bf16 [tilespmem:s7], [sflag:$0x3], $0x10, s6, s6, $0xb8;
	[tilespmem:$0x1F000] =	vst v63  }
0xa1: {  	_ =	swait.ge [sflag:s0], $0x400  }
0xa2: {  	[sflag:s0] =	ssyncset.done $0x0  }
0xa3: {  	[sflag:s0] =	ssyncadd.s32 $0xFFFFFC00  }
0xa4: {  	[tilespmem:s18], [sflag:$0x2] =	stream.indirect.gather [hbm4b:s4+s6], $0x10, s19, s6, $0xb8;
	[tilespmem:$0x1F000] =	vst v63  }
0xa5: {  	_ =	swait.ge [sflag:s3], $0x2000  }
0xa6: {  	[sflag:s3] =	ssyncset.done $0x0  }
0xa7: {  	[sflag:s3] =	ssyncadd.s32 $0xFFFFE000  }
0xa8: {  	_ =	swait.ge [sflag:s5], $0x2000  }
0xa9: {  	[sflag:s5] =	ssyncset.done $0x0  }
0xaa: {  	[sflag:s5] =	ssyncadd.s32 $0xFFFFE000  }
0xab: {  	[tilespmem:s11], [sflag:$0x1] =	stream.linear.gather [hbm4b:s29+s11], $0x400, $0x38;
	[tilespmem:$0x1F000] =	vst v63  }
0xac: {  	_ = 	snop  }
0xad: {  	[spmem:s1] =	stream.indirect.scatter.add.bf16 [tilespmem:s18], [sflag:$0x3], $0x10, s9, s6, $0xb8;
	[tilespmem:$0x1F000] =	vst v63  }
.LBB2_7:
0xae: {  	_ =	swait.ge [sflag:s0], $0x400  }
0xaf: {  	[sflag:s0] =	ssyncset.done $0x0  }
0xb0: {  	[sflag:s0] =	ssyncadd.s32 $0xFFFFFC00  }
0xb1: {  	[tilespmem:s7], [sflag:$0x2] =	stream.indirect.gather [hbm4b:s4+s6], $0x10, s2, s6, $0xb8;
	[tilespmem:$0x1F000] =	vst v63  }
0xb2: {  	_ =	swait.ge [sflag:s3], $0x2000  }
0xb3: {  	[sflag:s3] =	ssyncset.done $0x0  }
0xb4: {  	[sflag:s3] =	ssyncadd.s32 $0xFFFFE000  }
0xb5: {  	_ =	swait.ge [sflag:s5], $0x2000  }
0xb6: {  	[sflag:s5] =	ssyncset.done $0x0  }
0xb7: {  	s12 =	sadd.s32 s11, s26;
	[sflag:s5] =	ssyncadd.s32 $0xFFFFE000  }
0xb8: {  	[tilespmem:s19], [sflag:$0x1] =	stream.linear.gather [hbm4b:s12+s2], $0x400, $0x38;
	[tilespmem:$0x1F000] =	vst v63  }
0xb9: {  	_ = 	snop  }
0xba: {  	[spmem:s1] =	stream.indirect.scatter.add.bf16 [tilespmem:s7], [sflag:$0x3], $0x10, s6, s6, $0xb8;
	[tilespmem:$0x1F000] =	vst v63  }
0xbb: {  	_ =	swait.ge [sflag:s0], $0x400  }
0xbc: {  	[sflag:s0] =	ssyncset.done $0x0  }
0xbd: {  	[sflag:s0] =	ssyncadd.s32 $0xFFFFFC00  }
0xbe: {  	[tilespmem:s18], [sflag:$0x2] =	stream.indirect.gather [hbm4b:s4+s6], $0x10, s19, s6, $0xb8;
	[tilespmem:$0x1F000] =	vst v63  }
0xbf: {  	p1 =	seq.s32 s11, $0x2F00;
	_ =	swait.ge [sflag:s3], $0x2000  }
.Ltmp5:
0xc0: {  	[sflag:s3] =	ssyncset.done $0x0;
	(pc) =	sbr.rel @p1 .LBB2_8-.Ltmp5, $4  }
0xc1: {  	[sflag:s3] =	ssyncadd.s32 $0xFFFFE000  }
0xc2: {  	_ =	swait.ge [sflag:s5], $0x2000  }
0xc3: {  	[sflag:s5] =	ssyncset.done $0x0  }
0xc4: {  	[sflag:s5] =	ssyncadd.s32 $0xFFFFE000  }
.Ltmp6:
0xc5: {  	(pc) =	sbr.rel .LBB2_7-.Ltmp6, $4  }
0xc6: {  	s12 =	sadd.s32 s11, s25  }
0xc7: {  	[tilespmem:s2], [sflag:$0x1] =	stream.linear.gather [hbm4b:s12+s2], $0x400, $0x38;
	[tilespmem:$0x1F000] =	vst v63  }
0xc8: {  	s11 =	sadd.s32 $0x100, s11  }
0xc9: {  	[spmem:s1] =	stream.indirect.scatter.add.bf16 [tilespmem:s18], [sflag:$0x3], $0x10, s9, s6, $0xb8;
	[tilespmem:$0x1F000] =	vst v63  }
.LBB2_4:
.Ltmp7:
0xca: {  	(pc) =	sbr.rel .LBB2_9-.Ltmp7, $2  }
0xcb: {  	_ =	sdelay $0x2  }
0xcc: {  	s11 =	rddreg [dreg:$0x4]  }
.LBB2_10:
0xcd: {  	_ =	sfence.sel $0x180000  }
0xce: {  	[bflag:$0x0] =	sbarrier.arrive $0xFFFF  }
0xcf: {  	_ =	strace $0x9000004D  }
0xd0: {  	s0 =	stileid.u32;
	[bflag:$0x2] =	sbarrier.arrive $0xFFFF  }
0xd1: {  	p0 =	sne.s32 s0, $0x0;
	s0 =	rddreg [dreg:$0x2]  }
0xd2: {  	s0 =	sadd.s32 @!p0 $0x100000, s0  }
0xd3: {  	[sflag:s0] =	ssyncadd.tile.s32 @!p0 $0x1;
	_ =	shalt  }
.Lfunc_end2:
_tile_overlayer_lowered:
.L_overlay_start_2:
0xd4: {  	(tag) =	ssettag $0x2  }
0xd5: {  	s0 =	rddreg [dreg:$0x0];
	s2 =	stileid.u32  }
0xd6: {  	s1 =	rddreg [dreg:$0x1];
	p0 =	sne.s32 s2, $0x0  }
0xd7: {  	s3 =	rddreg [dreg:$0x2];
	[bflag:$0x3] =	sbarrier.arrive $0xFFFF;
	s2 =	simm.s32 @!p0 $0x1C04  }
0xd8: {  	[timem:s3], [sflag:s2] =	dma.local @!p0 [hbm:s0], s1  }
0xd9: {  	s0 =	simm.s32 @!p0 $0x4  }
0xda: {  	_ =	swait.ge @!p0 [sflag:s0], s1  }
0xdb: {  	s1 =	ssub.s32 @!p0 $0x0, s1;
	[sflag:s0] =	ssyncset.done @!p0 $0x0  }
0xdc: {  	[sflag:s0] =	ssyncadd.s32 @!p0 s1  }
0xdd: {  	[bflag:$0x3] =	sbarrier.arrive $0xFFFF  }
0xde: {  	_ =	shalt  }

// kernel: kernel.19.cloned.1.call-start
scs
__scs_entry_jumppad:
0x0: {  	(pc) =	sbr.rel $0x88, $3  }
0x1: {  	(tag) =	ssettag $0x0;
	lr =	simm.s32 $0x1  }
0x2: {  	[smem:$0x3F95] =	sst lr;
	_ =	strace $0xD0000000  }
0x3: {  	_ = 	snop  }
0x4: {  	_ = 	snop  }
0x5: {  	_ = 	snop  }
0x6: {  	_ = 	snop  }
0x7: {  	_ = 	snop  }
__scs_overlays_trampoline_lowered:
0x8: {  	[smem:$0x3FA4] =	sst s0  }
0x9: {  	[smem:$0x3FA5] =	sst s1  }
0xa: {  	[smem:$0x3FA6] =	sst s2  }
0xb: {  	[smem:$0x3FA7] =	sst s3  }
0xc: {  	[smem:$0x3FA8] =	sst s4  }
0xd: {  	[smem:$0x3FA9] =	sst s5  }
0xe: {  	[smem:$0x3FAA] =	sst s6  }
0xf: {  	[smem:$0x3FAB] =	sst s7  }
0x10: {  	[smem:$0x3FAC] =	sst s8  }
0x11: {  	[smem:$0x3FAD] =	sst s9;
	s0 =	simm.s32 @!p0 $0x0  }
0x12: {  	s1 =	sld [smem:$0x3F93];
	s0 =	simm.s32 @p0 $0x1  }
0x13: {  	[smem:$0x3FAE] =	sst s0;
	s0 =	simm.s32 @!p1 $0x0  }
0x14: {  	s2 =	sld [smem:$0x3F92];
	s0 =	simm.s32 @p1 $0x1  }
0x15: {  	[smem:$0x3FAF] =	sst s0;
	s0 =	simm.s32 @!p2 $0x0  }
0x16: {  	s3 =	sld [smem:$0x3FDB];
	s0 =	simm.s32 @p2 $0x1  }
0x17: {  	s4 =	simm.s32 $0x1BF5;
	[smem:$0x3FB1] =	sst s0  }
0x18: {  	s0 =	sld [smem:$0x3F94];
	_ =	swait.ge [sflag:s4], $0x0  }
0x19: {  	s7 =	sld [smem:$0x3F95]  }
0x1a: {  	s8 =	sadd.s32 $0xFFFFE003, lr  }
0x1b: {  	s9 =	sadd.s32 $0xFFFFFEF7, lr;
	s5 =	simm.s32 $0xFFFFFFFF;
	p2 =	slt.u32 s8, $0xFFFFF086  }
0x1c: {  	p1 =	slt.u32 s9, $0xF7A;
	s5 =	simm.s32 @!p2 $0x0  }
0x1d: {  	s5 =	simm.s32 @p1 $0x1;
	p0 =	seq.s32 s7, s2  }
0x1e: {  	s7 =	smul.u32 @!p0 $0xF7A, s2;
	p2 =	seq.s32 @!p0 s5, $0x0  }
0x1f: {  	s9 =	smul.u32 $0xF7A, s1;
	s8 =	simm.s32 @!p0 $0x1BF5;
	p2 =	por !p2, p0  }
0x20: {  	[sflag:s8] =	ssyncset.s32 @!p0 $0xFFFFF086;
	s6 =	sadd.s32 @!p0 s3, s7;
	s7 =	simm.s32 @!p0 $0x108  }
0x21: {  	s3 =	sadd.s32 s3, s9;
	s6 =	sadd.s32 @!p0 $0x88, s6;
	s7 =	simm.s32 @p2 $0x1082  }
0x22: {  	[simem:s7], [sflag:s8] =	dma.local @!p0 [hbm:s6], $0xF7A  }
0x23: {  	s9 =	sor.u32 $0xD0000000, s2;
	s6 =	simm.s32 $0x108;
	_ =	swait.ge @!p0 [sflag:s8], $0x0  }
0x24: {  	s3 =	sadd.s32 $0x88, s3;
	s6 =	simm.s32 @!p1 $0x1082;
	[sflag:s4] =	ssyncset.s32 $0xFFFFF086  }
0x25: {  	[simem:s6], [sflag:s4] =	dma.local [hbm:s3], $0xF7A  }
0x26: {  	[smem:$0x3F95] =	sst s1;
	(tag) =	ssettag s2;
	_ =	strace s9  }
0x27: {  	s1 =	sld [smem:$0x3FA5]  }
0x28: {  	s2 =	sld [smem:$0x3FA6]  }
0x29: {  	s4 =	sld [smem:$0x3FA8]  }
0x2a: {  	p0 =	seq.s32 s5, $0x0;
	s5 =	sld [smem:$0x3FA9]  }
0x2b: {  	s6 =	sld [smem:$0x3FAA]  }
0x2c: {  	s7 =	sld [smem:$0x3FAB]  }
0x2d: {  	s3 =	simm.s32 $0x108;
	s8 =	sld [smem:$0x3FAC]  }
0x2e: {  	s3 =	simm.s32 @!p0 $0x1082;
	s9 =	sld [smem:$0x3FAD]  }
0x2f: {  	lr =	sadd.s32 s0, s3;
	s0 =	sld [smem:$0x3FA4]  }
0x30: {  	s3 =	sld [smem:$0x3FA7]  }
0x31: {  	[smem:$0x3FB0] =	sst s10  }
0x32: {  	s10 =	sld [smem:$0x3FAE];
	_ =	sdelay $0x3  }
0x33: {  	p0 =	seq.s32 s10, $0x1;
	s10 =	sld [smem:$0x3FB0];
	_ =	sdelay $0x3  }
0x34: {  	[smem:$0x3FB0] =	sst s10  }
0x35: {  	s10 =	sld [smem:$0x3FAF];
	_ =	sdelay $0x3  }
0x36: {  	p1 =	seq.s32 s10, $0x1;
	s10 =	sld [smem:$0x3FB0];
	_ =	sdelay $0x3  }
0x37: {  	[smem:$0x3FB0] =	sst s10  }
0x38: {  	s10 =	sld [smem:$0x3FB1]  }
0x39: {  	_ = 	snop;
	(pc) =	sbr.ind lr, $3  }
0x3a: {  	_ = 	snop  }
0x3b: {  	_ = 	snop  }
0x3c: {  	p2 =	seq.s32 s10, $0x1;
	s10 =	sld [smem:$0x3FB0]  }
0x3d: {  	_ =	shalt  }
0x3e: {  	_ =	shalt  }
0x3f: {  	_ =	shalt  }
0x40: {  	_ =	shalt  }
0x41: {  	_ =	shalt  }
0x42: {  	_ =	shalt  }
0x43: {  	_ =	shalt  }
0x44: {  	_ =	shalt  }
0x45: {  	_ =	shalt  }
0x46: {  	_ =	shalt  }
0x47: {  	_ =	shalt  }
0x48: {  	_ =	shalt  }
0x49: {  	_ =	shalt  }
0x4a: {  	_ =	shalt  }
0x4b: {  	_ =	shalt  }
0x4c: {  	_ =	shalt  }
0x4d: {  	_ =	shalt  }
0x4e: {  	_ =	shalt  }
0x4f: {  	_ =	shalt  }
0x50: {  	_ =	shalt  }
0x51: {  	_ =	shalt  }
0x52: {  	_ =	shalt  }
0x53: {  	_ =	shalt  }
0x54: {  	_ =	shalt  }
0x55: {  	_ =	shalt  }
0x56: {  	_ =	shalt  }
0x57: {  	_ =	shalt  }
0x58: {  	_ =	shalt  }
0x59: {  	_ =	shalt  }
0x5a: {  	_ =	shalt  }
0x5b: {  	_ =	shalt  }
0x5c: {  	_ =	shalt  }
0x5d: {  	_ =	shalt  }
0x5e: {  	_ =	shalt  }
0x5f: {  	_ =	shalt  }
0x60: {  	_ =	shalt  }
0x61: {  	_ =	shalt  }
0x62: {  	_ =	shalt  }
0x63: {  	_ =	shalt  }
0x64: {  	_ =	shalt  }
0x65: {  	_ =	shalt  }
0x66: {  	_ =	shalt  }
0x67: {  	_ =	shalt  }
0x68: {  	_ =	shalt  }
0x69: {  	_ =	shalt  }
0x6a: {  	_ =	shalt  }
0x6b: {  	_ =	shalt  }
0x6c: {  	_ =	shalt  }
0x6d: {  	_ =	shalt  }
0x6e: {  	_ =	shalt  }
0x6f: {  	_ =	shalt  }
0x70: {  	_ =	shalt  }
0x71: {  	_ =	shalt  }
0x72: {  	_ =	shalt  }
0x73: {  	_ =	shalt  }
0x74: {  	_ =	shalt  }
0x75: {  	_ =	shalt  }
0x76: {  	_ =	shalt  }
0x77: {  	_ =	shalt  }
0x78: {  	_ =	shalt  }
0x79: {  	_ =	shalt  }
0x7a: {  	_ =	shalt  }
0x7b: {  	_ =	shalt  }
0x7c: {  	_ =	shalt  }
0x7d: {  	_ =	shalt  }
0x7e: {  	_ =	shalt  }
0x7f: {  	_ =	shalt  }
0x80: {  	_ =	shalt  }
0x81: {  	_ =	shalt  }
0x82: {  	_ =	shalt  }
0x83: {  	_ =	shalt  }
0x84: {  	_ =	shalt  }
0x85: {  	_ =	shalt  }
0x86: {  	_ =	shalt  }
0x87: {  	_ =	shalt  }
.Lfunc_end0:
.L_simem_size_0:
called_computation.3_lowered:
.L_overlay_start_0:
0x88: {  	s2 =	sld [smem:$0x3FD9]  }
0x89: {  	s3 =	sld [smem:$0x3FFE];
	_ =	sdelay $0x1  }
0x8a: {  	s1 =	srdreg.scid  }
0x8b: {  	s0 =	sand.u32 $0x1, s1  }
0x8c: {  	s16 =	sshll.u32 s0, $0xA;
	s2 =	sadd.s32 s3, s2  }
0x8d: {  	s2 =	sadd.s32 s2, s16  }
0x8e: {  	[smem:$0x3FBC] =	sst s2  }
0x8f: {  	_ = 	snop  }
0x90: {  	(tm) =	ssettm $0x1  }
0x91: {  	s17 =	sld [smem:$0x3FFB];
	_ =	sdelay $0x3  }
0x92: {  	_ =	strace s17  }
0x93: {  	s2 =	sld [smem:$0x3FFC];
	_ =	sdelay $0x3  }
0x94: {  	_ =	strace s2  }
0x95: {  	s2 =	sld [smem:$0x3FFD];
	_ =	sdelay $0x3  }
0x96: {  	_ =	strace s2  }
0x97: {  	_ =	strace $0x8FFFFFFF  }
0x98: {  	s18 =	sld [smem:$0x3FDB];
	_ =	sdelay $0x1  }
0x99: {  	s19 =	simm.s32 $_scs_section_size  }
0x9a: {  	s4 =	simm.s32 $_size__tile_overlayer_lowered;
	s5 =	simm.s32 $_tile_overlayer_lowered  }
0x9b: {  	s22 =	simm.s32 $0x1BFF;
	s21 =	sshll.u32 s5, $0x1;
	s2 =	sadd.s32 s19, s18  }
0x9c: {  	s6 =	simm.s32 $0x0;
	s20 =	sshll.u32 s4, $0x1;
	s4 =	sadd.s32 s21, s2  }
0x9d: {  	[timem:s6], [sflag:s22] =	dma.local [hbm:s4], s20  }
0x9e: {  	_ =	swait.ge [sflag:s22], s20  }
0x9f: {  	s3 =	ssub.s32 $0x0, s20;
	[sflag:s22] =	ssyncset.done $0x0  }
0xa0: {  	[sflag:s22] =	ssyncadd.s32 s3;
	_ =	sdelay $0x1  }
0xa1: {  	s23 =	simm.s32 $0x1B8B  }
0xa2: {  	_ =	swait.ge [sflag:s23], $0x1  }
0xa3: {  	[sflag:s23] =	ssyncset.done $0x0  }
0xa4: {  	s25 =	simm.s32 $0x1B8E;
	s24 =	sld [smem:$0x3FFE];
	[sflag:s23] =	ssyncadd.s32 $0xFFFFFFFF  }
0xa5: {  	s26 =	simm.s32 $execute0_lowered;
	[smem:$0x3FD2] =	sst s25  }
0xa6: {  	s4 =	sshll.u32 s26, $0x1;
	_ =	strace $0x8000004F;
	[dreg:$0x1] =	wrdreg $0xFFFFFFFF  }
0xa7: {  	s28 =	simm.s32 $_size_execute0_lowered;
	s2 =	sadd.s32 s2, s4;
	[dreg:$0x0] =	wrdreg $0x0  }
0xa8: {  	s4 =	sshll.u32 s28, $0x1;
	[dreg:$0x2] =	wrdreg s2  }
0xa9: {  	[dreg:$0x3] =	wrdreg s4  }
0xaa: {  	[dreg:$0x4] =	wrdreg $0xC0  }
0xab: {  	_ =	task [dreg:s6], $0x5FFFF  }
0xac: {  	[dreg:$0x1] =	wrdreg $0xFFFFFFFF  }
0xad: {  	[dreg:$0x0] =	wrdreg $0x60  }
0xae: {  	[dreg:$0x2] =	wrdreg s24  }
0xaf: {  	[dreg:$0x3] =	wrdreg $0x68000  }
0xb0: {  	[dreg:$0x4] =	wrdreg $0x9  }
0xb1: {  	_ =	task.clear_ibuf [dreg:s6], $0x5FFFF;
	_ =	strace $0x9000004F  }
0xb2: {  	s29 =	simm.s32 $0x9;
	_ =	strace $0x80000051  }
0xb3: {  	_ =	swait.ge [sflag:s29], $0x1  }
0xb4: {  	[sflag:s29] =	ssyncadd.s32 $0xFFFFFFFF  }
0xb5: {  	_ =	strace $0x90000051  }
0xb6: {  	_ =	sfence  }
0xb7: {  	s30 =	sld [smem:$0x0];
	_ =	sdelay $0x2  }
0xb8: {  	s31 =	sshll.u32 s1, $0xD;
	s1 =	sshrl.u32 s1, $0x2  }
0xb9: {  	s3 =	sand.u32 $0x4000, s31;
	s1 =	sadd.s32 s1, s30  }
0xba: {  	s0 =	sor.u32 s3, s0;
	s1 =	sshll.u32 s1, $0x11  }
0xbb: {  	s0 =	sor.u32 s1, s0  }
0xbc: {  	s0 =	sadd.s32 $0x8F2B, s0  }
0xbd: {  	[sflag:s0] =	ssyncadd.remote.s32 $0x1  }
0xbe: {  	_ =	sfence.sel $0xFFFF  }
0xbf: {  	[dreg:$0x0] =	wrdreg $0xFFFFFFFF;
	(pc) =	sbr.abs _section_cstart, $3  }
0xc0: {  	[dreg:$0x1] =	wrdreg $0xFFFFFFFF  }
0xc1: {  	_ =	task.clear_ibuf [dreg:s6], $0x2FFFF;
	_ =	strace $0x9FFFFFFF  }
0xc2: {  	(tm) =	ssettm $0x7FFFFFFF  }
0xc3: {  	_ =	shalt  }
tec
execute0_lowered:
.L_overlay_start_1:
0x0: {  	(tag) =	ssettag $0x1  }
0x1: {  	s0 =	rddreg [dreg:$0x0]  }
0x2: {  	s1 =	rddreg [dreg:$0x1];
	s2 =	simm.s32 $0x0;
	s3 =	srdreg.scid  }
0x3: {  	s12 =	stileid.u32;
	s30 =	simm.s32 $0x4800;
	s31 =	simm.s32 $0x4  }
0x4: {  	[smem:$0x7FF] =	sst s2;
	s4 =	sadd.s32 $0x5200, s0;
	s5 =	sadd.s32 $0x67200, s0  }
0x5: {  	s3 =	sand.u32 $0x1, s3;
	s6 =	smul.u32 $0x62000, s12;
	s7 =	sadd.s32 $0x36200, s0  }
0x6: {  	s17 =	sadd.s32 $0xFA200, s0;
	_ =	strace $0x80000050;
	[dreg:$0x3] =	wrdreg s7  }
0x7: {  	s9 =	smul.u32 $0x18800, s12;
	s0 =	sadd.s32 $0xC9200, s0;
	[dreg:$0x4] =	wrdreg s17  }
0x8: {  	s25 =	smul.u32 $0x62, s12;
	s18 =	ssub.s32 $0x2, s3;
	[dreg:$0x5] =	wrdreg s0  }
0x9: {  	s24 =	sshll.u32 s3, $0x4;
	s10 =	smul.u32 $0x620, s3;
	p0 =	sne.s32 s3, $0x0  }
0xa: {  	s0 =	simm.s32 $0x1;
	s3 =	simm.s32 $0x2;
	s8 =	sshrl.u32 s18, $0x1  }
0xb: {  	s6 =	sshrl.u32 s6, $0x2;
	s7 =	sor.u32 s12, s24;
	s19 =	ssub.s32 s18, s8  }
0xc: {  	s6 =	sadd.s32 s6, s1;
	s8 =	sadd.s32 s9, s1;
	s7 =	smul.u32 $0x3100, s7  }
0xd: {  	s18 =	smul.u32 $0x3100, s12;
	s10 =	sadd.s32 s25, s10;
	s21 =	sadd.s32 $0x2000, s6  }
0xe: {  	s22 =	sadd.s32 $0x4000, s6;
	s23 =	sadd.s32 $0x6000, s6;
	s11 =	sadd.s32 $0x8000, s6  }
0xf: {  	s13 =	sadd.s32 $0xA000, s6;
	s14 =	sadd.s32 $0xC000, s6;
	[dreg:$0x6] =	wrdreg s21  }
0x10: {  	s15 =	sadd.s32 $0xE000, s6;
	s16 =	sadd.s32 $0x10000, s6;
	[dreg:$0x7] =	wrdreg s22  }
0x11: {  	s17 =	sadd.s32 $0x12000, s6;
	s10 =	sshll.u32 s10, $0x7;
	[dreg:$0x8] =	wrdreg s23  }
0x12: {  	s20 =	sadd.s32 $0x14000, s6;
	s24 =	smax.u32 s19, $0x1;
	[dreg:$0x9] =	wrdreg s11  }
0x13: {  	s19 =	simm.s32 $0x400;
	[dreg:$0xa] =	wrdreg s13;
	s7 =	sadd.s32 s5, s7  }
0x14: {  	s26 =	sadd.s32 s5, s18;
	s5 =	sadd.s32 s5, s10;
	s21 =	sadd.s32 $0x16000, s6  }
.Ltmp0:
0x15: {  	s22 =	sadd.s32 $0x18000, s6;
	s23 =	sshrl.u32 s9, $0x3;
	(pc) =	sbr.rel .LBB2_1-.Ltmp0, $4  }
0x16: {  	s6 =	simm.s32 $0x200;
	s18 =	simm.s32 $0x2800;
	s9 =	simm.s32 $0x600  }
0x17: {  	s10 =	simm.s32 $0x0;
	[dreg:$0xc] =	wrdreg s26;
	s25 =	sadd.s32 $0x200, s5  }
0x18: {  	s26 =	sadd.s32 $0x180, s5;
	s28 =	sadd.s32 $0x80, s7;
	[dreg:$0xb] =	wrdreg s7  }
0x19: {  	s29 =	sadd.s32 $0x100, s7;
	s7 =	simm.s32 $0x800;
	s5 =	simm.s32 $0x3  }
.LBB2_8:
0x1a: {  	s11 =	rddreg [dreg:$0x5]  }
.LBB2_9:
0x1b: {  	[spmem:s1] =	stream.indirect.scatter.add.f32 [tilespmem:s18], [sflag:$0x3], $0x10, s9, s6, $0xb8;
	[tilespmem:$0x1F000] =	vst v63  }
0x1c: {  	s11 =	sadd.s32 s11, s23;
	s12 =	stileid.u32;
	_ =	swait.ge [sflag:s5], $0x2000  }
0x1d: {  	s13 =	sshrl.u32 s8, $0x3;
	s10 =	sadd.s32 $0x1, s10;
	[sflag:s5] =	ssyncset.done $0x0  }
0x1e: {  	s12 =	sshll.u32 s12, $0x6;
	p1 =	sne.s32 s10, s24;
	[sflag:s5] =	ssyncadd.s32 $0xFFFFE000  }
.Ltmp1:
0x1f: {  	s12 =	sor.u32 $0x1C04, s12;
	[bflag:$0x0] =	sbarrier.arrive $0xFFFF;
	(pc) =	sbr.rel @!p1 .LBB2_10-.Ltmp1, $4  }
0x20: {  	[hbm:s11], [sflag:s12] =	dma.local [spmem:s13], $0x3100  }
0x21: {  	_ =	swait.ge [sflag:s31], $0x3100  }
0x22: {  	[sflag:s31] =	ssyncset.done $0x0  }
0x23: {  	[sflag:s31] =	ssyncadd.s32 $0xFFFFCF00  }
.LBB2_1:
0x24: {  	s11 =	rddreg [dreg:$0x3]  }
0x25: {  	[tilespmem:s30], [sflag:$0x4] =	stream.linear.gather [hbm4b:s11+s2], $0x2000, $0x38;
	[tilespmem:$0x1F000] =	vst v63  }
0x26: {  	_ =	swait.ge [sflag:s31], $0x2000  }
0x27: {  	[sflag:s31] =	ssyncset.done $0x0  }
0x28: {  	[sflag:s31] =	ssyncadd.s32 $0xFFFFE000  }
0x29: {  	[spmem:s8] =	stream.linear.scatter [tilespmem:s30], [sflag:$0x4], $0x2000, $0x38;
	[tilespmem:$0x1F000] =	vst v63  }
0x2a: {  	_ =	swait.ge [sflag:s31], $0x2000  }
0x2b: {  	[sflag:s31] =	ssyncset.done $0x0  }
0x2c: {  	s13 =	rddreg [dreg:$0x6];
	[sflag:s31] =	ssyncadd.s32 $0xFFFFE000  }
0x2d: {  	[spmem:s13] =	stream.linear.scatter [tilespmem:s30], [sflag:$0x4], $0x2000, $0x38;
	[tilespmem:$0x1F000] =	vst v63  }
0x2e: {  	_ =	swait.ge [sflag:s31], $0x2000  }
0x2f: {  	[sflag:s31] =	ssyncset.done $0x0  }
0x30: {  	s12 =	rddreg [dreg:$0x7];
	[sflag:s31] =	ssyncadd.s32 $0xFFFFE000  }
0x31: {  	[spmem:s12] =	stream.linear.scatter [tilespmem:s30], [sflag:$0x4], $0x2000, $0x38;
	[tilespmem:$0x1F000] =	vst v63  }
0x32: {  	_ =	swait.ge [sflag:s31], $0x2000  }
0x33: {  	[sflag:s31] =	ssyncset.done $0x0  }
0x34: {  	s13 =	rddreg [dreg:$0x8];
	[sflag:s31] =	ssyncadd.s32 $0xFFFFE000  }
0x35: {  	[spmem:s13] =	stream.linear.scatter [tilespmem:s30], [sflag:$0x4], $0x2000, $0x38;
	[tilespmem:$0x1F000] =	vst v63  }
0x36: {  	_ =	swait.ge [sflag:s31], $0x2000  }
0x37: {  	[sflag:s31] =	ssyncset.done $0x0  }
0x38: {  	s12 =	rddreg [dreg:$0x9];
	[sflag:s31] =	ssyncadd.s32 $0xFFFFE000  }
0x39: {  	[spmem:s12] =	stream.linear.scatter [tilespmem:s30], [sflag:$0x4], $0x2000, $0x38;
	[tilespmem:$0x1F000] =	vst v63  }
0x3a: {  	_ =	swait.ge [sflag:s31], $0x2000  }
0x3b: {  	[sflag:s31] =	ssyncset.done $0x0  }
0x3c: {  	s13 =	rddreg [dreg:$0xa];
	[sflag:s31] =	ssyncadd.s32 $0xFFFFE000  }
0x3d: {  	[spmem:s13] =	stream.linear.scatter [tilespmem:s30], [sflag:$0x4], $0x2000, $0x38;
	[tilespmem:$0x1F000] =	vst v63  }
0x3e: {  	_ =	swait.ge [sflag:s31], $0x2000  }
0x3f: {  	[sflag:s31] =	ssyncset.done $0x0  }
0x40: {  	[sflag:s31] =	ssyncadd.s32 $0xFFFFE000  }
0x41: {  	[spmem:s14] =	stream.linear.scatter [tilespmem:s30], [sflag:$0x4], $0x2000, $0x38;
	[tilespmem:$0x1F000] =	vst v63  }
0x42: {  	_ =	swait.ge [sflag:s31], $0x2000  }
0x43: {  	[sflag:s31] =	ssyncset.done $0x0  }
0x44: {  	[sflag:s31] =	ssyncadd.s32 $0xFFFFE000  }
0x45: {  	[spmem:s15] =	stream.linear.scatter [tilespmem:s30], [sflag:$0x4], $0x2000, $0x38;
	[tilespmem:$0x1F000] =	vst v63  }
0x46: {  	_ =	swait.ge [sflag:s31], $0x2000  }
0x47: {  	[sflag:s31] =	ssyncset.done $0x0  }
0x48: {  	[sflag:s31] =	ssyncadd.s32 $0xFFFFE000  }
0x49: {  	[spmem:s16] =	stream.linear.scatter [tilespmem:s30], [sflag:$0x4], $0x2000, $0x38;
	[tilespmem:$0x1F000] =	vst v63  }
0x4a: {  	_ =	swait.ge [sflag:s31], $0x2000  }
0x4b: {  	[sflag:s31] =	ssyncset.done $0x0  }
0x4c: {  	[sflag:s31] =	ssyncadd.s32 $0xFFFFE000  }
0x4d: {  	[spmem:s17] =	stream.linear.scatter [tilespmem:s30], [sflag:$0x4], $0x2000, $0x38;
	[tilespmem:$0x1F000] =	vst v63  }
0x4e: {  	_ =	swait.ge [sflag:s31], $0x2000  }
0x4f: {  	[sflag:s31] =	ssyncset.done $0x0  }
0x50: {  	[sflag:s31] =	ssyncadd.s32 $0xFFFFE000  }
0x51: {  	[spmem:s20] =	stream.linear.scatter [tilespmem:s30], [sflag:$0x4], $0x2000, $0x38;
	[tilespmem:$0x1F000] =	vst v63  }
0x52: {  	_ =	swait.ge [sflag:s31], $0x2000  }
0x53: {  	[sflag:s31] =	ssyncset.done $0x0  }
0x54: {  	[sflag:s31] =	ssyncadd.s32 $0xFFFFE000  }
0x55: {  	[spmem:s21] =	stream.linear.scatter [tilespmem:s30], [sflag:$0x4], $0x2000, $0x38;
	[tilespmem:$0x1F000] =	vst v63  }
0x56: {  	_ =	swait.ge [sflag:s31], $0x2000  }
0x57: {  	[sflag:s31] =	ssyncset.done $0x0  }
0x58: {  	[sflag:s31] =	ssyncadd.s32 $0xFFFFE000  }
0x59: {  	[spmem:s22] =	stream.linear.scatter [tilespmem:s30], [sflag:$0x4], $0x800, $0x38;
	[tilespmem:$0x1F000] =	vst v63  }
.Ltmp2:
0x5a: {  	_ =	swait.ge [sflag:s31], $0x800;
	(pc) =	sbr.rel @p0 .LBB2_6-.Ltmp2, $4  }
0x5b: {  	[sflag:s31] =	ssyncset.done $0x0  }
0x5c: {  	[sflag:s31] =	ssyncadd.s32 $0xFFFFF800  }
0x5d: {  	[bflag:$0x0] =	sbarrier.arrive $0xFFFF  }
0x5e: {  	s11 =	simm.s32 $0x0  }
0x5f: {  	s12 =	rddreg [dreg:$0xc]  }
0x60: {  	[tilespmem:s11], [sflag:$0x1] =	stream.linear.gather [hbm4b:s12+s11], $0x400, $0x38;
	[tilespmem:$0x1F000] =	vst v63  }
0x61: {  	_ =	swait.ge [sflag:s0], $0x400  }
0x62: {  	[sflag:s0] =	ssyncset.done $0x0  }
0x63: {  	[sflag:s0] =	ssyncadd.s32 $0xFFFFFC00  }
0x64: {  	[tilespmem:s7], [sflag:$0x2] =	stream.indirect.gather [hbm4b:s4+s6], $0x10, s11, s6, $0xb8;
	[tilespmem:$0x1F000] =	vst v63  }
0x65: {  	_ =	swait.ge [sflag:s3], $0x2000  }
0x66: {  	[sflag:s3] =	ssyncset.done $0x0  }
0x67: {  	[sflag:s3] =	ssyncadd.s32 $0xFFFFE000  }
0x68: {  	[tilespmem:s19], [sflag:$0x1] =	stream.linear.gather [hbm4b:s28+s11], $0x400, $0x38;
	[tilespmem:$0x1F000] =	vst v63  }
0x69: {  	_ = 	snop  }
0x6a: {  	[spmem:s1] =	stream.indirect.scatter.add.f32 [tilespmem:s7], [sflag:$0x3], $0x10, s6, s6, $0xb8;
	[tilespmem:$0x1F000] =	vst v63  }
0x6b: {  	_ =	swait.ge [sflag:s0], $0x400  }
0x6c: {  	[sflag:s0] =	ssyncset.done $0x0  }
0x6d: {  	[sflag:s0] =	ssyncadd.s32 $0xFFFFFC00  }
0x6e: {  	[tilespmem:s18], [sflag:$0x2] =	stream.indirect.gather [hbm4b:s4+s6], $0x10, s19, s6, $0xb8;
	[tilespmem:$0x1F000] =	vst v63  }
0x6f: {  	_ =	swait.ge [sflag:s3], $0x2000  }
0x70: {  	[sflag:s3] =	ssyncset.done $0x0  }
0x71: {  	[sflag:s3] =	ssyncadd.s32 $0xFFFFE000  }
0x72: {  	_ =	swait.ge [sflag:s5], $0x2000  }
0x73: {  	[sflag:s5] =	ssyncset.done $0x0  }
0x74: {  	[sflag:s5] =	ssyncadd.s32 $0xFFFFE000  }
0x75: {  	[tilespmem:s11], [sflag:$0x1] =	stream.linear.gather [hbm4b:s29+s11], $0x400, $0x38;
	[tilespmem:$0x1F000] =	vst v63  }
0x76: {  	_ = 	snop  }
0x77: {  	[spmem:s1] =	stream.indirect.scatter.add.f32 [tilespmem:s18], [sflag:$0x3], $0x10, s9, s6, $0xb8;
	[tilespmem:$0x1F000] =	vst v63  }
.LBB2_3:
0x78: {  	_ =	swait.ge [sflag:s0], $0x400  }
0x79: {  	[sflag:s0] =	ssyncset.done $0x0  }
0x7a: {  	[sflag:s0] =	ssyncadd.s32 $0xFFFFFC00  }
0x7b: {  	[tilespmem:s7], [sflag:$0x2] =	stream.indirect.gather [hbm4b:s4+s6], $0x10, s2, s6, $0xb8;
	[tilespmem:$0x1F000] =	vst v63  }
0x7c: {  	_ =	swait.ge [sflag:s3], $0x2000  }
0x7d: {  	[sflag:s3] =	ssyncset.done $0x0  }
0x7e: {  	[sflag:s3] =	ssyncadd.s32 $0xFFFFE000  }
0x7f: {  	_ =	swait.ge [sflag:s5], $0x2000  }
0x80: {  	[sflag:s5] =	ssyncset.done $0x0  }
0x81: {  	s12 =	sadd.s32 s11, s26;
	[sflag:s5] =	ssyncadd.s32 $0xFFFFE000  }
0x82: {  	[tilespmem:s19], [sflag:$0x1] =	stream.linear.gather [hbm4b:s12+s2], $0x400, $0x38;
	[tilespmem:$0x1F000] =	vst v63  }
0x83: {  	_ = 	snop  }
0x84: {  	[spmem:s1] =	stream.indirect.scatter.add.f32 [tilespmem:s7], [sflag:$0x3], $0x10, s6, s6, $0xb8;
	[tilespmem:$0x1F000] =	vst v63  }
0x85: {  	_ =	swait.ge [sflag:s0], $0x400  }
0x86: {  	[sflag:s0] =	ssyncset.done $0x0  }
0x87: {  	[sflag:s0] =	ssyncadd.s32 $0xFFFFFC00  }
0x88: {  	[tilespmem:s18], [sflag:$0x2] =	stream.indirect.gather [hbm4b:s4+s6], $0x10, s19, s6, $0xb8;
	[tilespmem:$0x1F000] =	vst v63  }
0x89: {  	p1 =	seq.s32 s11, $0x2F00;
	_ =	swait.ge [sflag:s3], $0x2000  }
.Ltmp3:
0x8a: {  	[sflag:s3] =	ssyncset.done $0x0;
	(pc) =	sbr.rel @p1 .LBB2_4-.Ltmp3, $4  }
0x8b: {  	[sflag:s3] =	ssyncadd.s32 $0xFFFFE000  }
0x8c: {  	_ =	swait.ge [sflag:s5], $0x2000  }
0x8d: {  	[sflag:s5] =	ssyncset.done $0x0  }
0x8e: {  	[sflag:s5] =	ssyncadd.s32 $0xFFFFE000  }
.Ltmp4:
0x8f: {  	(pc) =	sbr.rel .LBB2_3-.Ltmp4, $4  }
0x90: {  	s12 =	sadd.s32 s11, s25  }
0x91: {  	[tilespmem:s2], [sflag:$0x1] =	stream.linear.gather [hbm4b:s12+s2], $0x400, $0x38;
	[tilespmem:$0x1F000] =	vst v63  }
0x92: {  	s11 =	sadd.s32 $0x100, s11  }
0x93: {  	[spmem:s1] =	stream.indirect.scatter.add.f32 [tilespmem:s18], [sflag:$0x3], $0x10, s9, s6, $0xb8;
	[tilespmem:$0x1F000] =	vst v63  }
.LBB2_6:
0x94: {  	s12 =	rddreg [dreg:$0xb]  }
0x95: {  	[tilespmem:s11], [sflag:$0x1] =	stream.linear.gather [hbm4b:s12+s11], $0x400, $0x38;
	[tilespmem:$0x1F000] =	vst v63  }
0x96: {  	_ =	swait.ge [sflag:s0], $0x400  }
0x97: {  	[sflag:s0] =	ssyncset.done $0x0  }
0x98: {  	[sflag:s0] =	ssyncadd.s32 $0xFFFFFC00  }
0x99: {  	[tilespmem:s7], [sflag:$0x2] =	stream.indirect.gather [hbm4b:s4+s6], $0x10, s11, s6, $0xb8;
	[tilespmem:$0x1F000] =	vst v63  }
0x9a: {  	_ =	swait.ge [sflag:s3], $0x2000  }
0x9b: {  	[sflag:s3] =	ssyncset.done $0x0  }
0x9c: {  	[sflag:s3] =	ssyncadd.s32 $0xFFFFE000  }
0x9d: {  	[tilespmem:s19], [sflag:$0x1] =	stream.linear.gather [hbm4b:s28+s11], $0x400, $0x38;
	[tilespmem:$0x1F000] =	vst v63  }
0x9e: {  	_ = 	snop  }
0x9f: {  	[spmem:s1] =	stream.indirect.scatter.add.f32 [tilespmem:s7], [sflag:$0x3], $0x10, s6, s6, $0xb8;
	[tilespmem:$0x1F000] =	vst v63  }
0xa0: {  	_ =	swait.ge [sflag:s0], $0x400  }
0xa1: {  	[sflag:s0] =	ssyncset.done $0x0  }
0xa2: {  	[sflag:s0] =	ssyncadd.s32 $0xFFFFFC00  }
0xa3: {  	[tilespmem:s18], [sflag:$0x2] =	stream.indirect.gather [hbm4b:s4+s6], $0x10, s19, s6, $0xb8;
	[tilespmem:$0x1F000] =	vst v63  }
0xa4: {  	_ =	swait.ge [sflag:s3], $0x2000  }
0xa5: {  	[sflag:s3] =	ssyncset.done $0x0  }
0xa6: {  	[sflag:s3] =	ssyncadd.s32 $0xFFFFE000  }
0xa7: {  	_ =	swait.ge [sflag:s5], $0x2000  }
0xa8: {  	[sflag:s5] =	ssyncset.done $0x0  }
0xa9: {  	[sflag:s5] =	ssyncadd.s32 $0xFFFFE000  }
0xaa: {  	[tilespmem:s11], [sflag:$0x1] =	stream.linear.gather [hbm4b:s29+s11], $0x400, $0x38;
	[tilespmem:$0x1F000] =	vst v63  }
0xab: {  	_ = 	snop  }
0xac: {  	[spmem:s1] =	stream.indirect.scatter.add.f32 [tilespmem:s18], [sflag:$0x3], $0x10, s9, s6, $0xb8;
	[tilespmem:$0x1F000] =	vst v63  }
.LBB2_7:
0xad: {  	_ =	swait.ge [sflag:s0], $0x400  }
0xae: {  	[sflag:s0] =	ssyncset.done $0x0  }
0xaf: {  	[sflag:s0] =	ssyncadd.s32 $0xFFFFFC00  }
0xb0: {  	[tilespmem:s7], [sflag:$0x2] =	stream.indirect.gather [hbm4b:s4+s6], $0x10, s2, s6, $0xb8;
	[tilespmem:$0x1F000] =	vst v63  }
0xb1: {  	_ =	swait.ge [sflag:s3], $0x2000  }
0xb2: {  	[sflag:s3] =	ssyncset.done $0x0  }
0xb3: {  	[sflag:s3] =	ssyncadd.s32 $0xFFFFE000  }
0xb4: {  	_ =	swait.ge [sflag:s5], $0x2000  }
0xb5: {  	[sflag:s5] =	ssyncset.done $0x0  }
0xb6: {  	s12 =	sadd.s32 s11, s26;
	[sflag:s5] =	ssyncadd.s32 $0xFFFFE000  }
0xb7: {  	[tilespmem:s19], [sflag:$0x1] =	stream.linear.gather [hbm4b:s12+s2], $0x400, $0x38;
	[tilespmem:$0x1F000] =	vst v63  }
0xb8: {  	_ = 	snop  }
0xb9: {  	[spmem:s1] =	stream.indirect.scatter.add.f32 [tilespmem:s7], [sflag:$0x3], $0x10, s6, s6, $0xb8;
	[tilespmem:$0x1F000] =	vst v63  }
0xba: {  	_ =	swait.ge [sflag:s0], $0x400  }
0xbb: {  	[sflag:s0] =	ssyncset.done $0x0  }
0xbc: {  	[sflag:s0] =	ssyncadd.s32 $0xFFFFFC00  }
0xbd: {  	[tilespmem:s18], [sflag:$0x2] =	stream.indirect.gather [hbm4b:s4+s6], $0x10, s19, s6, $0xb8;
	[tilespmem:$0x1F000] =	vst v63  }
0xbe: {  	p1 =	seq.s32 s11, $0x2F00;
	_ =	swait.ge [sflag:s3], $0x2000  }
.Ltmp5:
0xbf: {  	[sflag:s3] =	ssyncset.done $0x0;
	(pc) =	sbr.rel @p1 .LBB2_8-.Ltmp5, $4  }
0xc0: {  	[sflag:s3] =	ssyncadd.s32 $0xFFFFE000  }
0xc1: {  	_ =	swait.ge [sflag:s5], $0x2000  }
0xc2: {  	[sflag:s5] =	ssyncset.done $0x0  }
0xc3: {  	[sflag:s5] =	ssyncadd.s32 $0xFFFFE000  }
.Ltmp6:
0xc4: {  	(pc) =	sbr.rel .LBB2_7-.Ltmp6, $4  }
0xc5: {  	s12 =	sadd.s32 s11, s25  }
0xc6: {  	[tilespmem:s2], [sflag:$0x1] =	stream.linear.gather [hbm4b:s12+s2], $0x400, $0x38;
	[tilespmem:$0x1F000] =	vst v63  }
0xc7: {  	s11 =	sadd.s32 $0x100, s11  }
0xc8: {  	[spmem:s1] =	stream.indirect.scatter.add.f32 [tilespmem:s18], [sflag:$0x3], $0x10, s9, s6, $0xb8;
	[tilespmem:$0x1F000] =	vst v63  }
.LBB2_4:
.Ltmp7:
0xc9: {  	(pc) =	sbr.rel .LBB2_9-.Ltmp7, $2  }
0xca: {  	_ =	sdelay $0x2  }
0xcb: {  	s11 =	rddreg [dreg:$0x4]  }
.LBB2_10:
0xcc: {  	_ =	sfence.sel $0x180000  }
0xcd: {  	[bflag:$0x0] =	sbarrier.arrive $0xFFFF  }
0xce: {  	_ =	strace $0x90000050  }
0xcf: {  	s0 =	stileid.u32;
	[bflag:$0x2] =	sbarrier.arrive $0xFFFF  }
0xd0: {  	p0 =	sne.s32 s0, $0x0;
	s0 =	rddreg [dreg:$0x2]  }
0xd1: {  	s0 =	sadd.s32 @!p0 $0x100000, s0  }
0xd2: {  	[sflag:s0] =	ssyncadd.tile.s32 @!p0 $0x1;
	_ =	shalt  }
.Lfunc_end2:
_tile_overlayer_lowered:
.L_overlay_start_2:
0xd3: {  	(tag) =	ssettag $0x2  }
0xd4: {  	s0 =	rddreg [dreg:$0x0];
	s2 =	stileid.u32  }
0xd5: {  	s1 =	rddreg [dreg:$0x1];
	p0 =	sne.s32 s2, $0x0  }
0xd6: {  	s3 =	rddreg [dreg:$0x2];
	[bflag:$0x3] =	sbarrier.arrive $0xFFFF;
	s2 =	simm.s32 @!p0 $0x1C04  }
0xd7: {  	[timem:s3], [sflag:s2] =	dma.local @!p0 [hbm:s0], s1  }
0xd8: {  	s0 =	simm.s32 @!p0 $0x4  }
0xd9: {  	_ =	swait.ge @!p0 [sflag:s0], s1  }
0xda: {  	s1 =	ssub.s32 @!p0 $0x0, s1;
	[sflag:s0] =	ssyncset.done @!p0 $0x0  }
0xdb: {  	[sflag:s0] =	ssyncadd.s32 @!p0 s1  }
0xdc: {  	[bflag:$0x3] =	sbarrier.arrive $0xFFFF  }
0xdd: {  	_ =	shalt  }

</sc_bundles>
